<compile_context>
chip_gen: v7x
topology: tpu7x:2x2x1
jax: 0.10.2.dev20260603
libtpu: 0.0.44.dev20260713+nightly
codegen_flags: <defaults>
</compile_context>

<pallas_src>
import jax
import jax.numpy as jnp
from jax import lax
from jax.experimental import pallas as pl
from jax.experimental.pallas import tpu as pltpu
from jax.experimental.pallas import tpu_sc as plsc

N = 10000
E = 320000
H = 128
DIN = 196
EF = 7
NLAYERS = 3
NC, NS = 2, 16
NW = NC * NS
K = 80
NCHUNK = E // K
JITERS = NCHUNK // NW
BE = 512
NBLK = E // BE

_mesh = plsc.VectorSubcoreMesh(
    core_axis_name="c", subcore_axis_name="s", num_cores=NC, num_subcores=NS)
_sc_params = pltpu.CompilerParams(needs_layout_passes=False)


def _gather_body(p_hbm, q_hbm, cx_hbm, cy_hbm, cz_hbm, src_hbm, dst_hbm,
                 t0_hbm, rx_hbm, ry_hbm, rz_hbm, d2_hbm,
                 cxv, cyv, czv, idxs, idxd, rows,
                 rxv, ryv, rzv, d2v, sem):
    wid = lax.axis_index("s") * NC + lax.axis_index("c")
    pltpu.sync_copy(cx_hbm, cxv)
    pltpu.sync_copy(cy_hbm, cyv)
    pltpu.sync_copy(cz_hbm, czv)

    def step(j, carry):
        base = (wid + NW * j) * K
        a = pltpu.async_copy(dst_hbm.at[pl.ds(base, K)], idxd, sem)
        b = pltpu.async_copy(src_hbm.at[pl.ds(base, K)], idxs, sem)
        a.wait()
        b.wait()
        g1 = pltpu.async_copy(p_hbm.at[idxd], rows, sem)
        for jj in range(K // 16):
            sl = pl.ds(jj * 16, 16)
            vd = idxd[sl]
            vs = idxs[sl]
            rx = plsc.load_gather(cxv, [vd]) - plsc.load_gather(cxv, [vs])
            ry = plsc.load_gather(cyv, [vd]) - plsc.load_gather(cyv, [vs])
            rz = plsc.load_gather(czv, [vd]) - plsc.load_gather(czv, [vs])
            rxv[sl] = rx
            ryv[sl] = ry
            rzv[sl] = rz
            d2v[sl] = rx * rx + ry * ry + rz * rz
        g1.wait()
        g2 = pltpu.async_copy(q_hbm.at[idxs], rows, sem, add=True)
        g2.wait()
        w1 = pltpu.async_copy(rows, t0_hbm.at[pl.ds(base, K)], sem)
        w3 = pltpu.async_copy(rxv, rx_hbm.at[pl.ds(base, K)], sem)
        w4 = pltpu.async_copy(ryv, ry_hbm.at[pl.ds(base, K)], sem)
        w5 = pltpu.async_copy(rzv, rz_hbm.at[pl.ds(base, K)], sem)
        w6 = pltpu.async_copy(d2v, d2_hbm.at[pl.ds(base, K)], sem)
        w1.wait()
        w3.wait()
        w4.wait()
        w5.wait()
        w6.wait()
        return carry

    lax.fori_loop(0, JITERS, step, 0)


_gather = pl.kernel(
    _gather_body,
    out_type=(jax.ShapeDtypeStruct((E, H), jnp.float32),
              jax.ShapeDtypeStruct((E,), jnp.float32),
              jax.ShapeDtypeStruct((E,), jnp.float32),
              jax.ShapeDtypeStruct((E,), jnp.float32),
              jax.ShapeDtypeStruct((E,), jnp.float32)),
    mesh=_mesh,
    scratch_types=[
        pltpu.VMEM((N,), jnp.float32),
        pltpu.VMEM((N,), jnp.float32),
        pltpu.VMEM((N,), jnp.float32),
        pltpu.VMEM((K,), jnp.int32),
        pltpu.VMEM((K,), jnp.int32),
        pltpu.VMEM((K, H), jnp.float32),
        pltpu.VMEM((K,), jnp.float32),
        pltpu.VMEM((K,), jnp.float32),
        pltpu.VMEM((K,), jnp.float32),
        pltpu.VMEM((K,), jnp.float32),
        pltpu.SemaphoreType.DMA,
    ],
    compiler_params=_sc_params,
)


def _pq_body(h_ref, whd_ref, whs_ref, p_ref, q_ref):
    h = h_ref[...]
    p_ref[...] = jnp.dot(h, whd_ref[...], preferred_element_type=jnp.float32)
    q_ref[...] = jnp.dot(h, whs_ref[...], preferred_element_type=jnp.float32)


def _pq(h, whd, whs):
    r = 400
    full = lambda shape: pl.BlockSpec(shape, lambda i: (0, 0))
    return pl.pallas_call(
        _pq_body,
        grid=(N // r,),
        in_specs=[
            pl.BlockSpec((r, H), lambda i: (i, 0)),
            full((H, H)), full((H, H)),
        ],
        out_specs=[
            pl.BlockSpec((r, H), lambda i: (i, 0)),
            pl.BlockSpec((r, H), lambda i: (i, 0)),
        ],
        out_shape=[
            jax.ShapeDtypeStruct((N, H), jnp.float32),
            jax.ShapeDtypeStruct((N, H), jnp.float32),
        ],
    )(h, whd, whs)


def _scatter_body(m_hbm, wx_hbm, wy_hbm, wz_hbm, dst_hbm, zm_hbm, z4_hbm,
                  partm_hbm, part2_hbm,
                  idxv, idx1, idx2, idx3, rowsv, wxv, wyv, wzv, onesv, buf4,
                  aggm_sh, agg4_sh, sem):
    c = lax.axis_index("c")
    s = lax.axis_index("s")
    wid = s * NC + c
    rpt = 624

    pltpu.sync_copy(zm_hbm.at[pl.ds(s * rpt, rpt)],
                    aggm_sh.at[pl.ds(s * rpt, rpt)])

    @pl.when(s == NS - 1)
    def _():
        pltpu.sync_copy(zm_hbm.at[pl.ds(NS * rpt, N - NS * rpt)],
                        aggm_sh.at[pl.ds(NS * rpt, N - NS * rpt)])

    @pl.when(s < 8)
    def _():
        pltpu.sync_copy(z4_hbm.at[pl.ds(s * 5000, 5000)], buf4)
        pltpu.sync_copy(buf4, agg4_sh.at[pl.ds(s * 5000, 5000)])

    for jj in range(K // 16):
        onesv[pl.ds(jj * 16, 16)] = jnp.full((16,), 1.0, jnp.float32)
    plsc.subcore_barrier()

    def step(j, carry):
        base = (wid + NW * j) * K
        a = pltpu.async_copy(dst_hbm.at[pl.ds(base, K)], idxv, sem)
        a.wait()
        b1 = pltpu.async_copy(m_hbm.at[pl.ds(base, K)], rowsv, sem)
        b2 = pltpu.async_copy(wx_hbm.at[pl.ds(base, K)], wxv, sem)
        b3 = pltpu.async_copy(wy_hbm.at[pl.ds(base, K)], wyv, sem)
        b4 = pltpu.async_copy(wz_hbm.at[pl.ds(base, K)], wzv, sem)
        for jj in range(K // 16):
            sl = pl.ds(jj * 16, 16)
            v = idxv[sl]
            idx1[sl] = v + N
            idx2[sl] = v + 2 * N
            idx3[sl] = v + 3 * N
        b1.wait()
        b2.wait()
        b3.wait()
        b4.wait()
        pltpu.sync_copy(rowsv, aggm_sh.at[idxv], add=True)
        pltpu.sync_copy(wxv, agg4_sh.at[idxv], add=True)
        pltpu.sync_copy(wyv, agg4_sh.at[idx1], add=True)
        pltpu.sync_copy(wzv, agg4_sh.at[idx2], add=True)
        pltpu.sync_copy(onesv, agg4_sh.at[idx3], add=True)
        return carry

    lax.fori_loop(0, JITERS, step, 0)
    plsc.subcore_barrier()
    pltpu.sync_copy(aggm_sh.at[pl.ds(s * rpt, rpt)],
                    partm_hbm.at[pl.ds(c * N + s * rpt, rpt)])

    @pl.when(s == NS - 1)
    def _():
        pltpu.sync_copy(aggm_sh.at[pl.ds(NS * rpt, N - NS * rpt)],
                        partm_hbm.at[pl.ds(c * N + NS * rpt, N - NS * rpt)])

    @pl.when(s < 8)
    def _():
        pltpu.sync_copy(agg4_sh.at[pl.ds(s * 5000, 5000)], buf4)
        pltpu.sync_copy(buf4, part2_hbm.at[pl.ds(c * 4 * N + s * 5000, 5000)])


_scatter = pl.kernel(
    _scatter_body,
    out_type=(jax.ShapeDtypeStruct((NC * N, H), jnp.float32),
              jax.ShapeDtypeStruct((NC * 4 * N,), jnp.float32)),
    mesh=_mesh,
    scratch_types=[
        pltpu.VMEM((K,), jnp.int32),
        pltpu.VMEM((K,), jnp.int32),
        pltpu.VMEM((K,), jnp.int32),
        pltpu.VMEM((K,), jnp.int32),
        pltpu.VMEM((K, H), jnp.float32),
        pltpu.VMEM((K,), jnp.float32),
        pltpu.VMEM((K,), jnp.float32),
        pltpu.VMEM((K,), jnp.float32),
        pltpu.VMEM((K,), jnp.float32),
        pltpu.VMEM((5000,), jnp.float32),
        pltpu.VMEM_SHARED((N, H), jnp.float32),
        pltpu.VMEM_SHARED((4 * N,), jnp.float32),
        pltpu.SemaphoreType.DMA,
    ],
    compiler_params=_sc_params,
)


def _proj_body(x_ref, w_ref, b_ref, out_ref):
    out_ref[...] = jnp.dot(x_ref[...], w_ref[...],
                           preferred_element_type=jnp.float32) + b_ref[...]


def _proj(x, w, b):
    r = 400
    return pl.pallas_call(
        _proj_body,
        grid=(N // r,),
        in_specs=[
            pl.BlockSpec((r, DIN), lambda i: (i, 0)),
            pl.BlockSpec((DIN, H), lambda i: (0, 0)),
            pl.BlockSpec((1, H), lambda i: (0, 0)),
        ],
        out_specs=pl.BlockSpec((r, H), lambda i: (i, 0)),
        out_shape=jax.ShapeDtypeStruct((N, H), jnp.float32),
    )(x, w, b)


def _edge_body(t0_ref, rx_ref, ry_ref, rz_ref, d2_ref, eat_ref,
               wd2_ref,
               wea_ref, b1_ref, w2_ref, b2_ref, xw1_ref, xb1_ref, xw2r_ref,
               m_ref, wx_ref, wy_ref, wz_ref):
    rd4 = jnp.concatenate(
        [rx_ref[...][None, :], ry_ref[...][None, :],
         rz_ref[...][None, :], d2_ref[...][None, :]], axis=0)
    rdt = jnp.transpose(rd4)
    eat = jnp.transpose(eat_ref[0])
    d2 = rdt[:, 3:4]
    t = (t0_ref[...]
         + d2 * wd2_ref[...]
         + jnp.dot(eat, wea_ref[...], preferred_element_type=jnp.float32)
         + b1_ref[...])
    m = jax.nn.silu(t)
    m = jax.nn.silu(
        jnp.dot(m, w2_ref[...], preferred_element_type=jnp.float32) + b2_ref[...])
    u = jax.nn.silu(
        jnp.dot(m, xw1_ref[...], preferred_element_type=jnp.float32) + xb1_ref[...])
    cw = jnp.sum(u * xw2r_ref[...], axis=1, keepdims=True)
    wr4 = jnp.transpose(rdt * (cw / (jnp.sqrt(d2) + 1.0)))
    m_ref[...] = m
    wx_ref[...] = wr4[0]
    wy_ref[...] = wr4[1]
    wz_ref[...] = wr4[2]


def _edge(t0, rx, ry, rz, d2, eat,
          wd2, wea, b1, w2, b2, xw1, xb1, xw2r):
    full = lambda shape: pl.BlockSpec(shape, lambda i: (0,) * len(shape))
    vec = pl.BlockSpec((BE,), lambda i: (i,))
    return pl.pallas_call(
        _edge_body,
        grid=(NBLK,),
        in_specs=[
            pl.BlockSpec((BE, H), lambda i: (i, 0)),
            vec, vec, vec, vec,
            pl.BlockSpec((1, 8, BE), lambda i: (i, 0, 0)),
            full((1, H)), full((8, H)),
            full((1, H)), full((H, H)), full((1, H)),
            full((H, H)), full((1, H)), full((1, H)),
        ],
        out_specs=[
            pl.BlockSpec((BE, H), lambda i: (i, 0)),
            vec, vec, vec,
        ],
        out_shape=[
            jax.ShapeDtypeStruct((E, H), jnp.float32),
            jax.ShapeDtypeStruct((E,), jnp.float32),
            jax.ShapeDtypeStruct((E,), jnp.float32),
            jax.ShapeDtypeStruct((E,), jnp.float32),
        ],
    )(t0, rx, ry, rz, d2, eat,
      wd2, wea, b1, w2, b2, xw1, xb1, xw2r)


def _node_body(h_ref, p0_ref, p1_ref, cp_ref, q0_ref, q1_ref,
               w1a_ref, w1b_ref, b1_ref, w2_ref, b2_ref,
               hn_ref, cpn_ref):
    h = h_ref[...]
    aggm = p0_ref[...] + p1_ref[...]
    s4 = q0_ref[...] + q1_ref[...]
    deg = s4[:, 3:4]
    cpn_ref[...] = cp_ref[...] + s4 * (1.0 / (deg + 1.0))
    hu = jax.nn.silu(
        jnp.dot(h, w1a_ref[...], preferred_element_type=jnp.float32)
        + jnp.dot(aggm, w1b_ref[...], preferred_element_type=jnp.float32)
        + b1_ref[...])
    hn_ref[...] = h + jnp.dot(hu, w2_ref[...],
                              preferred_element_type=jnp.float32) + b2_ref[...]


def _node(h, p0, p1, cp4, q0, q1, w1a, w1b, b1, w2, b2):
    r = 400
    full = lambda shape: pl.BlockSpec(shape, lambda i: (0, 0))
    return pl.pallas_call(
        _node_body,
        grid=(N // r,),
        in_specs=[
            pl.BlockSpec((r, H), lambda i: (i, 0)),
            pl.BlockSpec((r, H), lambda i: (i, 0)),
            pl.BlockSpec((r, H), lambda i: (i, 0)),
            pl.BlockSpec((r, 4), lambda i: (i, 0)),
            pl.BlockSpec((r, 4), lambda i: (i, 0)),
            pl.BlockSpec((r, 4), lambda i: (i, 0)),
            full((H, H)), full((H, H)), full((1, H)),
            full((H, H)), full((1, H)),
        ],
        out_specs=[
            pl.BlockSpec((r, H), lambda i: (i, 0)),
            pl.BlockSpec((r, 4), lambda i: (i, 0)),
        ],
        out_shape=[
            jax.ShapeDtypeStruct((N, H), jnp.float32),
            jax.ShapeDtypeStruct((N, 4), jnp.float32),
        ],
    )(h, p0, p1, cp4, q0, q1, w1a, w1b, b1, w2, b2)


@jax.jit
def kernel(x, coords, edge_index, edge_attr, proj_w, proj_b,
           ew1, eb1, ew2, eb2, xw1, xb1, xw2, hw1, hb1, hw2, hb2):
    src = edge_index[0].astype(jnp.int32)
    dst = edge_index[1].astype(jnp.int32)
    eat = jnp.pad(edge_attr, ((0, 0), (0, 1))).reshape(NBLK, BE, 8)
    eat = eat.transpose(0, 2, 1)
    cp4 = jnp.pad(coords, ((0, 0), (0, 1)))
    cx, cy, cz = coords[:, 0], coords[:, 1], coords[:, 2]
    zm = jnp.zeros((N, H), jnp.float32)
    z4 = jnp.zeros((4 * N,), jnp.float32)

    h = _proj(x, proj_w, proj_b.reshape(1, H))
    for i in range(NLAYERS):
        p, q = _pq(h, ew1[i, :H], ew1[i, H:2 * H])
        t0, rx, ry, rz, d2 = _gather(p, q, cx, cy, cz, src, dst)
        m, wx, wy, wz = _edge(t0, rx, ry, rz, d2, eat,
                              ew1[i, 2 * H:2 * H + 1],
                              jnp.pad(ew1[i, 2 * H + 1:], ((0, 1), (0, 0))),
                              eb1[i].reshape(1, H), ew2[i],
                              eb2[i].reshape(1, H),
                              xw1[i], xb1[i].reshape(1, H),
                              xw2[i].reshape(1, H))
        partm, part2 = _scatter(m, wx, wy, wz, dst, zm, z4)
        p2 = part2.reshape(NC, 4, N).transpose(0, 2, 1)
        h, cp4 = _node(h, partm[:N], partm[N:], cp4, p2[0], p2[1],
                       hw1[i, :H], hw1[i, H:], hb1[i].reshape(1, H),
                       hw2[i], hb2[i].reshape(1, H))
        cx, cy, cz = cp4[:, 0], cp4[:, 1], cp4[:, 2]
    return cp4[:, :3]

# --- scband reference (transcript-rebuilt; emitter-appended) ---
"""Pipeline reference for scband-egnncoordinate-predictor-29180007809687 (READ-ONLY COPY).

The authoritative reference and input builder live on the scoring server;
editing this copy changes nothing except your own understanding.
"""

import jax, jax.numpy as jnp
import numpy as np

H = 128
L = 3
DIN = 196
EF = 7
N_NODES = 10000
N_EDGES = 320000


def _mk(key, shape, scale=0.05):
    return jax.random.normal(key, shape, dtype=jnp.float32) * scale


def setup_inputs(seed: int = 0) -> dict:
    key = jax.random.key(seed)
    ks = jax.random.split(key, 16)
    x = jax.random.normal(ks[0], (N_NODES, DIN), dtype=jnp.float32)
    coords = jax.random.normal(ks[1], (N_NODES, 3), dtype=jnp.float32) * 10.0
    edge_index = jax.random.randint(ks[2], (2, N_EDGES), 0, N_NODES).astype(jnp.int64)
    edge_attr = jax.random.normal(ks[3], (N_EDGES, EF), dtype=jnp.float32)
    proj_w = _mk(ks[4], (DIN, H))
    proj_b = jnp.zeros((H,), dtype=jnp.float32)
    ew1 = _mk(ks[5], (L, 2 * H + 1 + EF, H))
    eb1 = jnp.zeros((L, H), dtype=jnp.float32)
    ew2 = _mk(ks[6], (L, H, H))
    eb2 = jnp.zeros((L, H), dtype=jnp.float32)
    xw1 = _mk(ks[7], (L, H, H))
    xb1 = jnp.zeros((L, H), dtype=jnp.float32)
    xw2 = _mk(ks[8], (L, H, 1))
    hw1 = _mk(ks[9], (L, 2 * H, H))
    hb1 = jnp.zeros((L, H), dtype=jnp.float32)
    hw2 = _mk(ks[10], (L, H, H))
    hb2 = jnp.zeros((L, H), dtype=jnp.float32)
    return {
        "x": x, "coords": coords, "edge_index": edge_index, "edge_attr": edge_attr,
        "proj_w": proj_w, "proj_b": proj_b,
        "ew1": ew1, "eb1": eb1, "ew2": ew2, "eb2": eb2,
        "xw1": xw1, "xb1": xb1, "xw2": xw2,
        "hw1": hw1, "hb1": hb1, "hw2": hw2, "hb2": hb2,
    }


def reference(x, coords, edge_index, edge_attr, proj_w, proj_b,
              ew1, eb1, ew2, eb2, xw1, xb1, xw2, hw1, hb1, hw2, hb2):
    # EGNN coordinate predictor (inference: dropout is identity).
    # ligand_proj then num_layers of (EGNNConv feature update + CoordEGNNConv_v2 coord update).
    N = x.shape[0]
    src = edge_index[0]
    dst = edge_index[1]
    h = x @ proj_w + proj_b
    ones_e = jnp.ones((src.shape[0], 1), dtype=jnp.float32)
    deg = jax.ops.segment_sum(ones_e, dst, num_segments=N)
    for i in range(L):
        h_src = h[src]
        h_dst = h[dst]
        rel = coords[dst] - coords[src]
        d2 = jnp.sum(rel * rel, axis=-1, keepdims=True)
        m_in = jnp.concatenate([h_dst, h_src, d2, edge_attr], axis=-1)
        m = jax.nn.silu(m_in @ ew1[i] + eb1[i])
        m = jax.nn.silu(m @ ew2[i] + eb2[i])
        # coordinate update (v2: distance-normalized relative directions)
        cw = jax.nn.silu(m @ xw1[i] + xb1[i]) @ xw2[i]  # [E, 1]
        rel_n = rel / (jnp.sqrt(d2) + 1.0)
        agg_x = jax.ops.segment_sum(rel_n * cw, dst, num_segments=N)
        coords = coords + agg_x / (deg + 1.0)
        # feature update
        agg_m = jax.ops.segment_sum(m, dst, num_segments=N)
        hu = jnp.concatenate([h, agg_m], axis=-1)
        hu = jax.nn.silu(hu @ hw1[i] + hb1[i])
        h = h + (hu @ hw2[i] + hb2[i])
    return coords

if __name__ == "__main__":
    import jax
    _d = setup_inputs()
    print(jax.jit(kernel)(*tuple(_d.values())))

</pallas_src>

<mosaic_0001>
#map = affine_map<(d0, d1) -> (0, 0)>
#map1 = affine_map<(d0, d1) -> (0)>
module attributes {stable_mosaic.version = 14 : i64} {
  func.func @_gather_body(%arg0: i32, %arg1: i32, %arg2: memref<10000x128xf32, #tpu.memory_space<hbm>>, %arg3: memref<10000x128xf32, #tpu.memory_space<hbm>>, %arg4: memref<10000xf32, #tpu.memory_space<hbm>>, %arg5: memref<10000xf32, #tpu.memory_space<hbm>>, %arg6: memref<10000xf32, #tpu.memory_space<hbm>>, %arg7: memref<320000xi32, #tpu.memory_space<hbm>>, %arg8: memref<320000xi32, #tpu.memory_space<hbm>>, %arg9: memref<320000x128xf32, #tpu.memory_space<hbm>>, %arg10: memref<320000xf32, #tpu.memory_space<hbm>>, %arg11: memref<320000xf32, #tpu.memory_space<hbm>>, %arg12: memref<320000xf32, #tpu.memory_space<hbm>>, %arg13: memref<320000xf32, #tpu.memory_space<hbm>>, %arg14: memref<10000xf32, #tpu.memory_space<vmem>>, %arg15: memref<10000xf32, #tpu.memory_space<vmem>>, %arg16: memref<10000xf32, #tpu.memory_space<vmem>>, %arg17: memref<80xi32, #tpu.memory_space<vmem>>, %arg18: memref<80xi32, #tpu.memory_space<vmem>>, %arg19: memref<80x128xf32, #tpu.memory_space<vmem>>, %arg20: memref<80xf32, #tpu.memory_space<vmem>>, %arg21: memref<80xf32, #tpu.memory_space<vmem>>, %arg22: memref<80xf32, #tpu.memory_space<vmem>>, %arg23: memref<80xf32, #tpu.memory_space<vmem>>, %arg24: memref<!tpu.dma_semaphore, #tpu.memory_space<semaphore_mem>>) attributes {dimension_semantics = [#tpu.dimension_semantics<core_parallel>, #tpu.dimension_semantics<subcore_parallel>], iteration_bounds = array<i64: 2, 16>, scalar_prefetch = 0 : i64, scratch_operands = 11 : i64, tpu.core_type = #tpu.core_type<sc_vector_subcore>, window_params = [{transform_indices = #map}, {transform_indices = #map}, {transform_indices = #map1}, {transform_indices = #map1}, {transform_indices = #map1}, {transform_indices = #map1}, {transform_indices = #map1}, {transform_indices = #map}, {transform_indices = #map1}, {transform_indices = #map1}, {transform_indices = #map1}, {transform_indices = #map1}]} {
    %mul3A = arith.constant 2 : i32
    %mul3A_0 = arith.muli %arg1, %mul3A : i32
    %add3A = arith.addi %mul3A_0, %arg0 : i32
    "tpu.region"() ({
      %run_scoped3A = tpu.sem_alloc : memref<!tpu.dma_semaphore, #tpu.memory_space<semaphore_mem>>
      tpu.enqueue_dma source(%arg4 : memref<10000xf32, #tpu.memory_space<hbm>>) target(%arg14 : memref<10000xf32, #tpu.memory_space<vmem>>) target_semaphore(%run_scoped3A : memref<!tpu.dma_semaphore, #tpu.memory_space<semaphore_mem>>)
      tpu.wait_dma2 semaphore(%run_scoped3A : memref<!tpu.dma_semaphore, #tpu.memory_space<semaphore_mem>>) src(%arg4 : memref<10000xf32, #tpu.memory_space<hbm>>) dst(%arg14 : memref<10000xf32, #tpu.memory_space<vmem>>)
      tpu.yield
    }) : () -> ()
    "tpu.region"() ({
      %run_scoped3A = tpu.sem_alloc : memref<!tpu.dma_semaphore, #tpu.memory_space<semaphore_mem>>
      tpu.enqueue_dma source(%arg5 : memref<10000xf32, #tpu.memory_space<hbm>>) target(%arg15 : memref<10000xf32, #tpu.memory_space<vmem>>) target_semaphore(%run_scoped3A : memref<!tpu.dma_semaphore, #tpu.memory_space<semaphore_mem>>)
      tpu.wait_dma2 semaphore(%run_scoped3A : memref<!tpu.dma_semaphore, #tpu.memory_space<semaphore_mem>>) src(%arg5 : memref<10000xf32, #tpu.memory_space<hbm>>) dst(%arg15 : memref<10000xf32, #tpu.memory_space<vmem>>)
      tpu.yield
    }) : () -> ()
    "tpu.region"() ({
      %run_scoped3A = tpu.sem_alloc : memref<!tpu.dma_semaphore, #tpu.memory_space<semaphore_mem>>
      tpu.enqueue_dma source(%arg6 : memref<10000xf32, #tpu.memory_space<hbm>>) target(%arg16 : memref<10000xf32, #tpu.memory_space<vmem>>) target_semaphore(%run_scoped3A : memref<!tpu.dma_semaphore, #tpu.memory_space<semaphore_mem>>)
      tpu.wait_dma2 semaphore(%run_scoped3A : memref<!tpu.dma_semaphore, #tpu.memory_space<semaphore_mem>>) src(%arg6 : memref<10000xf32, #tpu.memory_space<hbm>>) dst(%arg16 : memref<10000xf32, #tpu.memory_space<vmem>>)
      tpu.yield
    }) : () -> ()
    %scan3A = arith.constant 0 : i32
    %scan3A_1 = arith.constant 0 : i32
    %scan3A_2 = arith.constant 125 : i32
    %scan3A_3 = arith.addi %scan3A_1, %scan3A_2 : i32
    %scan3A_4 = arith.constant 1 : i32
    scf.for %scan3A_6 = %scan3A_1 to %scan3A_3 step %scan3A_4  : i32 {
      %mul3A_7 = arith.constant 32 : i32
      %mul3A_8 = arith.muli %mul3A_7, %scan3A_6 : i32
      %add3A_9 = arith.addi %add3A, %mul3A_8 : i32
      %mul3A_10 = arith.constant 80 : i32
      %mul3A_11 = arith.muli %add3A_9, %mul3A_10 : i32
      %dma_start3A = tpu.memref_slice %arg8[%mul3A_11] : memref<320000xi32, #tpu.memory_space<hbm>> -> memref<80xi32, #tpu.memory_space<hbm>>
      %dma_start3A_12 = tpu.memref_slice %arg8[%mul3A_11] : memref<320000xi32, #tpu.memory_space<hbm>> -> memref<80xi32, #tpu.memory_space<hbm>>
      tpu.enqueue_dma source(%dma_start3A_12 : memref<80xi32, #tpu.memory_space<hbm>>) target(%arg18 : memref<80xi32, #tpu.memory_space<vmem>>) target_semaphore(%arg24 : memref<!tpu.dma_semaphore, #tpu.memory_space<semaphore_mem>>)
      %dma_start3A_13 = tpu.memref_slice %arg7[%mul3A_11] : memref<320000xi32, #tpu.memory_space<hbm>> -> memref<80xi32, #tpu.memory_space<hbm>>
      %dma_start3A_14 = tpu.memref_slice %arg7[%mul3A_11] : memref<320000xi32, #tpu.memory_space<hbm>> -> memref<80xi32, #tpu.memory_space<hbm>>
      tpu.enqueue_dma source(%dma_start3A_14 : memref<80xi32, #tpu.memory_space<hbm>>) target(%arg17 : memref<80xi32, #tpu.memory_space<vmem>>) target_semaphore(%arg24 : memref<!tpu.dma_semaphore, #tpu.memory_space<semaphore_mem>>)
      %dma_wait3A = tpu.memref_slice %arg8[%mul3A_11] : memref<320000xi32, #tpu.memory_space<hbm>> -> memref<80xi32, #tpu.memory_space<hbm>>
      %dma_wait3A_15 = tpu.memref_slice %arg8[%mul3A_11] : memref<320000xi32, #tpu.memory_space<hbm>> -> memref<80xi32, #tpu.memory_space<hbm>>
      tpu.wait_dma2 semaphore(%arg24 : memref<!tpu.dma_semaphore, #tpu.memory_space<semaphore_mem>>) src(%dma_wait3A_15 : memref<80xi32, #tpu.memory_space<hbm>>) dst(%arg18 : memref<80xi32, #tpu.memory_space<vmem>>)
      %dma_wait3A_16 = tpu.memref_slice %arg7[%mul3A_11] : memref<320000xi32, #tpu.memory_space<hbm>> -> memref<80xi32, #tpu.memory_space<hbm>>
      %dma_wait3A_17 = tpu.memref_slice %arg7[%mul3A_11] : memref<320000xi32, #tpu.memory_space<hbm>> -> memref<80xi32, #tpu.memory_space<hbm>>
      tpu.wait_dma2 semaphore(%arg24 : memref<!tpu.dma_semaphore, #tpu.memory_space<semaphore_mem>>) src(%dma_wait3A_17 : memref<80xi32, #tpu.memory_space<hbm>>) dst(%arg17 : memref<80xi32, #tpu.memory_space<vmem>>)
      %dma_start3A_18 = arith.constant 0 : i32
      %dma_start3A_19 = arith.constant 0 : i32
      %dma_start3A_20 = tpu.memref_slice %arg2[%dma_start3A_18, %dma_start3A_19] : memref<10000x128xf32, #tpu.memory_space<hbm>> -> memref<10000x128xf32, #tpu.memory_space<hbm>>
      tpu.enqueue_indirect_dma source(%dma_start3A_20 : memref<10000x128xf32, #tpu.memory_space<hbm>>) target(%arg19 : memref<80x128xf32, #tpu.memory_space<vmem>>) offsets(%arg18 : memref<80xi32, #tpu.memory_space<vmem>>) semaphore(%arg24 : memref<!tpu.dma_semaphore, #tpu.memory_space<semaphore_mem>>)
      %get3A = arith.constant 0 : index
      %get3A_21 = tpu.vector_load %arg18[%get3A] {strides = array<i32>} : memref<80xi32, #tpu.memory_space<vmem>>, vector<16xi32>,
      %get3A_22 = arith.constant 0 : index
      %get3A_23 = tpu.vector_load %arg17[%get3A_22] {strides = array<i32>} : memref<80xi32, #tpu.memory_space<vmem>>, vector<16xi32>,
      %gather3A = tpu.vector_load_idx %arg14[%get3A_21] : memref<10000xf32, #tpu.memory_space<vmem>>[vector<16xi32>], vector<16xf32>,
      %gather3A_24 = tpu.vector_load_idx %arg14[%get3A_23] : memref<10000xf32, #tpu.memory_space<vmem>>[vector<16xi32>], vector<16xf32>,
      %sub3A = arith.subf %gather3A, %gather3A_24 : vector<16xf32>
      %gather3A_25 = tpu.vector_load_idx %arg15[%get3A_21] : memref<10000xf32, #tpu.memory_space<vmem>>[vector<16xi32>], vector<16xf32>,
      %gather3A_26 = tpu.vector_load_idx %arg15[%get3A_23] : memref<10000xf32, #tpu.memory_space<vmem>>[vector<16xi32>], vector<16xf32>,
      %sub3A_27 = arith.subf %gather3A_25, %gather3A_26 : vector<16xf32>
      %gather3A_28 = tpu.vector_load_idx %arg16[%get3A_21] : memref<10000xf32, #tpu.memory_space<vmem>>[vector<16xi32>], vector<16xf32>,
      %gather3A_29 = tpu.vector_load_idx %arg16[%get3A_23] : memref<10000xf32, #tpu.memory_space<vmem>>[vector<16xi32>], vector<16xf32>,
      %sub3A_30 = arith.subf %gather3A_28, %gather3A_29 : vector<16xf32>
      %swap3A = arith.constant 0 : index
      %swap3A_31 = tpu.vector_load %arg20[%swap3A] {strides = array<i32>} : memref<80xf32, #tpu.memory_space<vmem>>, vector<16xf32>,
      tpu.vector_store %arg20[%swap3A], %sub3A {strides = array<i32>} : memref<80xf32, #tpu.memory_space<vmem>>, vector<16xf32>,
      %swap3A_32 = arith.constant 0 : index
      %swap3A_33 = tpu.vector_load %arg21[%swap3A_32] {strides = array<i32>} : memref<80xf32, #tpu.memory_space<vmem>>, vector<16xf32>,
      tpu.vector_store %arg21[%swap3A_32], %sub3A_27 {strides = array<i32>} : memref<80xf32, #tpu.memory_space<vmem>>, vector<16xf32>,
      %swap3A_34 = arith.constant 0 : index
      %swap3A_35 = tpu.vector_load %arg22[%swap3A_34] {strides = array<i32>} : memref<80xf32, #tpu.memory_space<vmem>>, vector<16xf32>,
      tpu.vector_store %arg22[%swap3A_34], %sub3A_30 {strides = array<i32>} : memref<80xf32, #tpu.memory_space<vmem>>, vector<16xf32>,
      %mul3A_36 = arith.mulf %sub3A, %sub3A : vector<16xf32>
      %mul3A_37 = arith.mulf %sub3A_27, %sub3A_27 : vector<16xf32>
      %add3A_38 = arith.addf %mul3A_36, %mul3A_37 : vector<16xf32>
      %mul3A_39 = arith.mulf %sub3A_30, %sub3A_30 : vector<16xf32>
      %add3A_40 = arith.addf %add3A_38, %mul3A_39 : vector<16xf32>
      %swap3A_41 = arith.constant 0 : index
      %swap3A_42 = tpu.vector_load %arg23[%swap3A_41] {strides = array<i32>} : memref<80xf32, #tpu.memory_space<vmem>>, vector<16xf32>,
      tpu.vector_store %arg23[%swap3A_41], %add3A_40 {strides = array<i32>} : memref<80xf32, #tpu.memory_space<vmem>>, vector<16xf32>,
      %get3A_43 = arith.constant 16 : index
      %get3A_44 = tpu.vector_load %arg18[%get3A_43] {strides = array<i32>} : memref<80xi32, #tpu.memory_space<vmem>>, vector<16xi32>,
      %get3A_45 = arith.constant 16 : index
      %get3A_46 = tpu.vector_load %arg17[%get3A_45] {strides = array<i32>} : memref<80xi32, #tpu.memory_space<vmem>>, vector<16xi32>,
      %gather3A_47 = tpu.vector_load_idx %arg14[%get3A_44] : memref<10000xf32, #tpu.memory_space<vmem>>[vector<16xi32>], vector<16xf32>,
      %gather3A_48 = tpu.vector_load_idx %arg14[%get3A_46] : memref<10000xf32, #tpu.memory_space<vmem>>[vector<16xi32>], vector<16xf32>,
      %sub3A_49 = arith.subf %gather3A_47, %gather3A_48 : vector<16xf32>
      %gather3A_50 = tpu.vector_load_idx %arg15[%get3A_44] : memref<10000xf32, #tpu.memory_space<vmem>>[vector<16xi32>], vector<16xf32>,
      %gather3A_51 = tpu.vector_load_idx %arg15[%get3A_46] : memref<10000xf32, #tpu.memory_space<vmem>>[vector<16xi32>], vector<16xf32>,
      %sub3A_52 = arith.subf %gather3A_50, %gather3A_51 : vector<16xf32>
      %gather3A_53 = tpu.vector_load_idx %arg16[%get3A_44] : memref<10000xf32, #tpu.memory_space<vmem>>[vector<16xi32>], vector<16xf32>,
      %gather3A_54 = tpu.vector_load_idx %arg16[%get3A_46] : memref<10000xf32, #tpu.memory_space<vmem>>[vector<16xi32>], vector<16xf32>,
      %sub3A_55 = arith.subf %gather3A_53, %gather3A_54 : vector<16xf32>
      %swap3A_56 = arith.constant 16 : index
      %swap3A_57 = tpu.vector_load %arg20[%swap3A_56] {strides = array<i32>} : memref<80xf32, #tpu.memory_space<vmem>>, vector<16xf32>,
      tpu.vector_store %arg20[%swap3A_56], %sub3A_49 {strides = array<i32>} : memref<80xf32, #tpu.memory_space<vmem>>, vector<16xf32>,
      %swap3A_58 = arith.constant 16 : index
      %swap3A_59 = tpu.vector_load %arg21[%swap3A_58] {strides = array<i32>} : memref<80xf32, #tpu.memory_space<vmem>>, vector<16xf32>,
      tpu.vector_store %arg21[%swap3A_58], %sub3A_52 {strides = array<i32>} : memref<80xf32, #tpu.memory_space<vmem>>, vector<16xf32>,
      %swap3A_60 = arith.constant 16 : index
      %swap3A_61 = tpu.vector_load %arg22[%swap3A_60] {strides = array<i32>} : memref<80xf32, #tpu.memory_space<vmem>>, vector<16xf32>,
      tpu.vector_store %arg22[%swap3A_60], %sub3A_55 {strides = array<i32>} : memref<80xf32, #tpu.memory_space<vmem>>, vector<16xf32>,
      %mul3A_62 = arith.mulf %sub3A_49, %sub3A_49 : vector<16xf32>
      %mul3A_63 = arith.mulf %sub3A_52, %sub3A_52 : vector<16xf32>
      %add3A_64 = arith.addf %mul3A_62, %mul3A_63 : vector<16xf32>
      %mul3A_65 = arith.mulf %sub3A_55, %sub3A_55 : vector<16xf32>
      %add3A_66 = arith.addf %add3A_64, %mul3A_65 : vector<16xf32>
      %swap3A_67 = arith.constant 16 : index
      %swap3A_68 = tpu.vector_load %arg23[%swap3A_67] {strides = array<i32>} : memref<80xf32, #tpu.memory_space<vmem>>, vector<16xf32>,
      tpu.vector_store %arg23[%swap3A_67], %add3A_66 {strides = array<i32>} : memref<80xf32, #tpu.memory_space<vmem>>, vector<16xf32>,
      %get3A_69 = arith.constant 32 : index
      %get3A_70 = tpu.vector_load %arg18[%get3A_69] {strides = array<i32>} : memref<80xi32, #tpu.memory_space<vmem>>, vector<16xi32>,
      %get3A_71 = arith.constant 32 : index
      %get3A_72 = tpu.vector_load %arg17[%get3A_71] {strides = array<i32>} : memref<80xi32, #tpu.memory_space<vmem>>, vector<16xi32>,
      %gather3A_73 = tpu.vector_load_idx %arg14[%get3A_70] : memref<10000xf32, #tpu.memory_space<vmem>>[vector<16xi32>], vector<16xf32>,
      %gather3A_74 = tpu.vector_load_idx %arg14[%get3A_72] : memref<10000xf32, #tpu.memory_space<vmem>>[vector<16xi32>], vector<16xf32>,
      %sub3A_75 = arith.subf %gather3A_73, %gather3A_74 : vector<16xf32>
      %gather3A_76 = tpu.vector_load_idx %arg15[%get3A_70] : memref<10000xf32, #tpu.memory_space<vmem>>[vector<16xi32>], vector<16xf32>,
      %gather3A_77 = tpu.vector_load_idx %arg15[%get3A_72] : memref<10000xf32, #tpu.memory_space<vmem>>[vector<16xi32>], vector<16xf32>,
      %sub3A_78 = arith.subf %gather3A_76, %gather3A_77 : vector<16xf32>
      %gather3A_79 = tpu.vector_load_idx %arg16[%get3A_70] : memref<10000xf32, #tpu.memory_space<vmem>>[vector<16xi32>], vector<16xf32>,
      %gather3A_80 = tpu.vector_load_idx %arg16[%get3A_72] : memref<10000xf32, #tpu.memory_space<vmem>>[vector<16xi32>], vector<16xf32>,
      %sub3A_81 = arith.subf %gather3A_79, %gather3A_80 : vector<16xf32>
      %swap3A_82 = arith.constant 32 : index
      %swap3A_83 = tpu.vector_load %arg20[%swap3A_82] {strides = array<i32>} : memref<80xf32, #tpu.memory_space<vmem>>, vector<16xf32>,
      tpu.vector_store %arg20[%swap3A_82], %sub3A_75 {strides = array<i32>} : memref<80xf32, #tpu.memory_space<vmem>>, vector<16xf32>,
      %swap3A_84 = arith.constant 32 : index
      %swap3A_85 = tpu.vector_load %arg21[%swap3A_84] {strides = array<i32>} : memref<80xf32, #tpu.memory_space<vmem>>, vector<16xf32>,
      tpu.vector_store %arg21[%swap3A_84], %sub3A_78 {strides = array<i32>} : memref<80xf32, #tpu.memory_space<vmem>>, vector<16xf32>,
      %swap3A_86 = arith.constant 32 : index
      %swap3A_87 = tpu.vector_load %arg22[%swap3A_86] {strides = array<i32>} : memref<80xf32, #tpu.memory_space<vmem>>, vector<16xf32>,
      tpu.vector_store %arg22[%swap3A_86], %sub3A_81 {strides = array<i32>} : memref<80xf32, #tpu.memory_space<vmem>>, vector<16xf32>,
      %mul3A_88 = arith.mulf %sub3A_75, %sub3A_75 : vector<16xf32>
      %mul3A_89 = arith.mulf %sub3A_78, %sub3A_78 : vector<16xf32>
      %add3A_90 = arith.addf %mul3A_88, %mul3A_89 : vector<16xf32>
      %mul3A_91 = arith.mulf %sub3A_81, %sub3A_81 : vector<16xf32>
      %add3A_92 = arith.addf %add3A_90, %mul3A_91 : vector<16xf32>
      %swap3A_93 = arith.constant 32 : index
      %swap3A_94 = tpu.vector_load %arg23[%swap3A_93] {strides = array<i32>} : memref<80xf32, #tpu.memory_space<vmem>>, vector<16xf32>,
      tpu.vector_store %arg23[%swap3A_93], %add3A_92 {strides = array<i32>} : memref<80xf32, #tpu.memory_space<vmem>>, vector<16xf32>,
      %get3A_95 = arith.constant 48 : index
      %get3A_96 = tpu.vector_load %arg18[%get3A_95] {strides = array<i32>} : memref<80xi32, #tpu.memory_space<vmem>>, vector<16xi32>,
      %get3A_97 = arith.constant 48 : index
      %get3A_98 = tpu.vector_load %arg17[%get3A_97] {strides = array<i32>} : memref<80xi32, #tpu.memory_space<vmem>>, vector<16xi32>,
      %gather3A_99 = tpu.vector_load_idx %arg14[%get3A_96] : memref<10000xf32, #tpu.memory_space<vmem>>[vector<16xi32>], vector<16xf32>,
      %gather3A_100 = tpu.vector_load_idx %arg14[%get3A_98] : memref<10000xf32, #tpu.memory_space<vmem>>[vector<16xi32>], vector<16xf32>,
      %sub3A_101 = arith.subf %gather3A_99, %gather3A_100 : vector<16xf32>
      %gather3A_102 = tpu.vector_load_idx %arg15[%get3A_96] : memref<10000xf32, #tpu.memory_space<vmem>>[vector<16xi32>], vector<16xf32>,
      %gather3A_103 = tpu.vector_load_idx %arg15[%get3A_98] : memref<10000xf32, #tpu.memory_space<vmem>>[vector<16xi32>], vector<16xf32>,
      %sub3A_104 = arith.subf %gather3A_102, %gather3A_103 : vector<16xf32>
      %gather3A_105 = tpu.vector_load_idx %arg16[%get3A_96] : memref<10000xf32, #tpu.memory_space<vmem>>[vector<16xi32>], vector<16xf32>,
      %gather3A_106 = tpu.vector_load_idx %arg16[%get3A_98] : memref<10000xf32, #tpu.memory_space<vmem>>[vector<16xi32>], vector<16xf32>,
      %sub3A_107 = arith.subf %gather3A_105, %gather3A_106 : vector<16xf32>
      %swap3A_108 = arith.constant 48 : index
      %swap3A_109 = tpu.vector_load %arg20[%swap3A_108] {strides = array<i32>} : memref<80xf32, #tpu.memory_space<vmem>>, vector<16xf32>,
      tpu.vector_store %arg20[%swap3A_108], %sub3A_101 {strides = array<i32>} : memref<80xf32, #tpu.memory_space<vmem>>, vector<16xf32>,
      %swap3A_110 = arith.constant 48 : index
      %swap3A_111 = tpu.vector_load %arg21[%swap3A_110] {strides = array<i32>} : memref<80xf32, #tpu.memory_space<vmem>>, vector<16xf32>,
      tpu.vector_store %arg21[%swap3A_110], %sub3A_104 {strides = array<i32>} : memref<80xf32, #tpu.memory_space<vmem>>, vector<16xf32>,
      %swap3A_112 = arith.constant 48 : index
      %swap3A_113 = tpu.vector_load %arg22[%swap3A_112] {strides = array<i32>} : memref<80xf32, #tpu.memory_space<vmem>>, vector<16xf32>,
      tpu.vector_store %arg22[%swap3A_112], %sub3A_107 {strides = array<i32>} : memref<80xf32, #tpu.memory_space<vmem>>, vector<16xf32>,
      %mul3A_114 = arith.mulf %sub3A_101, %sub3A_101 : vector<16xf32>
      %mul3A_115 = arith.mulf %sub3A_104, %sub3A_104 : vector<16xf32>
      %add3A_116 = arith.addf %mul3A_114, %mul3A_115 : vector<16xf32>
      %mul3A_117 = arith.mulf %sub3A_107, %sub3A_107 : vector<16xf32>
      %add3A_118 = arith.addf %add3A_116, %mul3A_117 : vector<16xf32>
      %swap3A_119 = arith.constant 48 : index
      %swap3A_120 = tpu.vector_load %arg23[%swap3A_119] {strides = array<i32>} : memref<80xf32, #tpu.memory_space<vmem>>, vector<16xf32>,
      tpu.vector_store %arg23[%swap3A_119], %add3A_118 {strides = array<i32>} : memref<80xf32, #tpu.memory_space<vmem>>, vector<16xf32>,
      %get3A_121 = arith.constant 64 : index
      %get3A_122 = tpu.vector_load %arg18[%get3A_121] {strides = array<i32>} : memref<80xi32, #tpu.memory_space<vmem>>, vector<16xi32>,
      %get3A_123 = arith.constant 64 : index
      %get3A_124 = tpu.vector_load %arg17[%get3A_123] {strides = array<i32>} : memref<80xi32, #tpu.memory_space<vmem>>, vector<16xi32>,
      %gather3A_125 = tpu.vector_load_idx %arg14[%get3A_122] : memref<10000xf32, #tpu.memory_space<vmem>>[vector<16xi32>], vector<16xf32>,
      %gather3A_126 = tpu.vector_load_idx %arg14[%get3A_124] : memref<10000xf32, #tpu.memory_space<vmem>>[vector<16xi32>], vector<16xf32>,
      %sub3A_127 = arith.subf %gather3A_125, %gather3A_126 : vector<16xf32>
      %gather3A_128 = tpu.vector_load_idx %arg15[%get3A_122] : memref<10000xf32, #tpu.memory_space<vmem>>[vector<16xi32>], vector<16xf32>,
      %gather3A_129 = tpu.vector_load_idx %arg15[%get3A_124] : memref<10000xf32, #tpu.memory_space<vmem>>[vector<16xi32>], vector<16xf32>,
      %sub3A_130 = arith.subf %gather3A_128, %gather3A_129 : vector<16xf32>
      %gather3A_131 = tpu.vector_load_idx %arg16[%get3A_122] : memref<10000xf32, #tpu.memory_space<vmem>>[vector<16xi32>], vector<16xf32>,
      %gather3A_132 = tpu.vector_load_idx %arg16[%get3A_124] : memref<10000xf32, #tpu.memory_space<vmem>>[vector<16xi32>], vector<16xf32>,
      %sub3A_133 = arith.subf %gather3A_131, %gather3A_132 : vector<16xf32>
      %swap3A_134 = arith.constant 64 : index
      %swap3A_135 = tpu.vector_load %arg20[%swap3A_134] {strides = array<i32>} : memref<80xf32, #tpu.memory_space<vmem>>, vector<16xf32>,
      tpu.vector_store %arg20[%swap3A_134], %sub3A_127 {strides = array<i32>} : memref<80xf32, #tpu.memory_space<vmem>>, vector<16xf32>,
      %swap3A_136 = arith.constant 64 : index
      %swap3A_137 = tpu.vector_load %arg21[%swap3A_136] {strides = array<i32>} : memref<80xf32, #tpu.memory_space<vmem>>, vector<16xf32>,
      tpu.vector_store %arg21[%swap3A_136], %sub3A_130 {strides = array<i32>} : memref<80xf32, #tpu.memory_space<vmem>>, vector<16xf32>,
      %swap3A_138 = arith.constant 64 : index
      %swap3A_139 = tpu.vector_load %arg22[%swap3A_138] {strides = array<i32>} : memref<80xf32, #tpu.memory_space<vmem>>, vector<16xf32>,
      tpu.vector_store %arg22[%swap3A_138], %sub3A_133 {strides = array<i32>} : memref<80xf32, #tpu.memory_space<vmem>>, vector<16xf32>,
      %mul3A_140 = arith.mulf %sub3A_127, %sub3A_127 : vector<16xf32>
      %mul3A_141 = arith.mulf %sub3A_130, %sub3A_130 : vector<16xf32>
      %add3A_142 = arith.addf %mul3A_140, %mul3A_141 : vector<16xf32>
      %mul3A_143 = arith.mulf %sub3A_133, %sub3A_133 : vector<16xf32>
      %add3A_144 = arith.addf %add3A_142, %mul3A_143 : vector<16xf32>
      %swap3A_145 = arith.constant 64 : index
      %swap3A_146 = tpu.vector_load %arg23[%swap3A_145] {strides = array<i32>} : memref<80xf32, #tpu.memory_space<vmem>>, vector<16xf32>,
      tpu.vector_store %arg23[%swap3A_145], %add3A_144 {strides = array<i32>} : memref<80xf32, #tpu.memory_space<vmem>>, vector<16xf32>,
      %dma_wait3A_147 = arith.constant 0 : i32
      %dma_wait3A_148 = arith.constant 0 : i32
      %dma_wait3A_149 = tpu.memref_slice %arg2[%dma_wait3A_147, %dma_wait3A_148] : memref<10000x128xf32, #tpu.memory_space<hbm>> -> memref<10000x128xf32, #tpu.memory_space<hbm>>
      tpu.wait_indirect_dma semaphore(%arg24 : memref<!tpu.dma_semaphore, #tpu.memory_space<semaphore_mem>>) src(%dma_wait3A_149 : memref<10000x128xf32, #tpu.memory_space<hbm>>) dst(%arg19 : memref<80x128xf32, #tpu.memory_space<vmem>>)
      %dma_start3A_150 = arith.constant 0 : i32
      %dma_start3A_151 = arith.constant 0 : i32
      %dma_start3A_152 = tpu.memref_slice %arg3[%dma_start3A_150, %dma_start3A_151] : memref<10000x128xf32, #tpu.memory_space<hbm>> -> memref<10000x128xf32, #tpu.memory_space<hbm>>
      tpu.enqueue_indirect_dma source(%dma_start3A_152 : memref<10000x128xf32, #tpu.memory_space<hbm>>) target(%arg19 : memref<80x128xf32, #tpu.memory_space<vmem>>) offsets(%arg17 : memref<80xi32, #tpu.memory_space<vmem>>) semaphore(%arg24 : memref<!tpu.dma_semaphore, #tpu.memory_space<semaphore_mem>>) {add = true}
      %dma_wait3A_153 = arith.constant 0 : i32
      %dma_wait3A_154 = arith.constant 0 : i32
      %dma_wait3A_155 = tpu.memref_slice %arg3[%dma_wait3A_153, %dma_wait3A_154] : memref<10000x128xf32, #tpu.memory_space<hbm>> -> memref<10000x128xf32, #tpu.memory_space<hbm>>
      tpu.wait_indirect_dma semaphore(%arg24 : memref<!tpu.dma_semaphore, #tpu.memory_space<semaphore_mem>>) src(%dma_wait3A_155 : memref<10000x128xf32, #tpu.memory_space<hbm>>) dst(%arg19 : memref<80x128xf32, #tpu.memory_space<vmem>>)
      %dma_start3A_156 = arith.constant 0 : i32
      %dma_start3A_157 = tpu.memref_slice %arg9[%mul3A_11, %dma_start3A_156] : memref<320000x128xf32, #tpu.memory_space<hbm>> -> memref<80x128xf32, #tpu.memory_space<hbm>>
      %dma_start3A_158 = arith.constant 0 : i32
      %dma_start3A_159 = tpu.memref_slice %arg9[%mul3A_11, %dma_start3A_158] : memref<320000x128xf32, #tpu.memory_space<hbm>> -> memref<80x128xf32, #tpu.memory_space<hbm>>
      tpu.enqueue_dma source(%arg19 : memref<80x128xf32, #tpu.memory_space<vmem>>) target(%dma_start3A_159 : memref<80x128xf32, #tpu.memory_space<hbm>>) target_semaphore(%arg24 : memref<!tpu.dma_semaphore, #tpu.memory_space<semaphore_mem>>)
      %dma_start3A_160 = tpu.memref_slice %arg10[%mul3A_11] : memref<320000xf32, #tpu.memory_space<hbm>> -> memref<80xf32, #tpu.memory_space<hbm>>
      %dma_start3A_161 = tpu.memref_slice %arg10[%mul3A_11] : memref<320000xf32, #tpu.memory_space<hbm>> -> memref<80xf32, #tpu.memory_space<hbm>>
      tpu.enqueue_dma source(%arg20 : memref<80xf32, #tpu.memory_space<vmem>>) target(%dma_start3A_161 : memref<80xf32, #tpu.memory_space<hbm>>) target_semaphore(%arg24 : memref<!tpu.dma_semaphore, #tpu.memory_space<semaphore_mem>>)
      %dma_start3A_162 = tpu.memref_slice %arg11[%mul3A_11] : memref<320000xf32, #tpu.memory_space<hbm>> -> memref<80xf32, #tpu.memory_space<hbm>>
      %dma_start3A_163 = tpu.memref_slice %arg11[%mul3A_11] : memref<320000xf32, #tpu.memory_space<hbm>> -> memref<80xf32, #tpu.memory_space<hbm>>
      tpu.enqueue_dma source(%arg21 : memref<80xf32, #tpu.memory_space<vmem>>) target(%dma_start3A_163 : memref<80xf32, #tpu.memory_space<hbm>>) target_semaphore(%arg24 : memref<!tpu.dma_semaphore, #tpu.memory_space<semaphore_mem>>)
      %dma_start3A_164 = tpu.memref_slice %arg12[%mul3A_11] : memref<320000xf32, #tpu.memory_space<hbm>> -> memref<80xf32, #tpu.memory_space<hbm>>
      %dma_start3A_165 = tpu.memref_slice %arg12[%mul3A_11] : memref<320000xf32, #tpu.memory_space<hbm>> -> memref<80xf32, #tpu.memory_space<hbm>>
      tpu.enqueue_dma source(%arg22 : memref<80xf32, #tpu.memory_space<vmem>>) target(%dma_start3A_165 : memref<80xf32, #tpu.memory_space<hbm>>) target_semaphore(%arg24 : memref<!tpu.dma_semaphore, #tpu.memory_space<semaphore_mem>>)
      %dma_start3A_166 = tpu.memref_slice %arg13[%mul3A_11] : memref<320000xf32, #tpu.memory_space<hbm>> -> memref<80xf32, #tpu.memory_space<hbm>>
      %dma_start3A_167 = tpu.memref_slice %arg13[%mul3A_11] : memref<320000xf32, #tpu.memory_space<hbm>> -> memref<80xf32, #tpu.memory_space<hbm>>
      tpu.enqueue_dma source(%arg23 : memref<80xf32, #tpu.memory_space<vmem>>) target(%dma_start3A_167 : memref<80xf32, #tpu.memory_space<hbm>>) target_semaphore(%arg24 : memref<!tpu.dma_semaphore, #tpu.memory_space<semaphore_mem>>)
      %dma_wait3A_168 = arith.constant 0 : i32
      %dma_wait3A_169 = tpu.memref_slice %arg9[%mul3A_11, %dma_wait3A_168] : memref<320000x128xf32, #tpu.memory_space<hbm>> -> memref<80x128xf32, #tpu.memory_space<hbm>>
      %dma_wait3A_170 = arith.constant 0 : i32
      %dma_wait3A_171 = tpu.memref_slice %arg9[%mul3A_11, %dma_wait3A_170] : memref<320000x128xf32, #tpu.memory_space<hbm>> -> memref<80x128xf32, #tpu.memory_space<hbm>>
      tpu.wait_dma2 semaphore(%arg24 : memref<!tpu.dma_semaphore, #tpu.memory_space<semaphore_mem>>) src(%arg19 : memref<80x128xf32, #tpu.memory_space<vmem>>) dst(%dma_wait3A_171 : memref<80x128xf32, #tpu.memory_space<hbm>>)
      %dma_wait3A_172 = tpu.memref_slice %arg10[%mul3A_11] : memref<320000xf32, #tpu.memory_space<hbm>> -> memref<80xf32, #tpu.memory_space<hbm>>
      %dma_wait3A_173 = tpu.memref_slice %arg10[%mul3A_11] : memref<320000xf32, #tpu.memory_space<hbm>> -> memref<80xf32, #tpu.memory_space<hbm>>
      tpu.wait_dma2 semaphore(%arg24 : memref<!tpu.dma_semaphore, #tpu.memory_space<semaphore_mem>>) src(%arg20 : memref<80xf32, #tpu.memory_space<vmem>>) dst(%dma_wait3A_173 : memref<80xf32, #tpu.memory_space<hbm>>)
      %dma_wait3A_174 = tpu.memref_slice %arg11[%mul3A_11] : memref<320000xf32, #tpu.memory_space<hbm>> -> memref<80xf32, #tpu.memory_space<hbm>>
      %dma_wait3A_175 = tpu.memref_slice %arg11[%mul3A_11] : memref<320000xf32, #tpu.memory_space<hbm>> -> memref<80xf32, #tpu.memory_space<hbm>>
      tpu.wait_dma2 semaphore(%arg24 : memref<!tpu.dma_semaphore, #tpu.memory_space<semaphore_mem>>) src(%arg21 : memref<80xf32, #tpu.memory_space<vmem>>) dst(%dma_wait3A_175 : memref<80xf32, #tpu.memory_space<hbm>>)
      %dma_wait3A_176 = tpu.memref_slice %arg12[%mul3A_11] : memref<320000xf32, #tpu.memory_space<hbm>> -> memref<80xf32, #tpu.memory_space<hbm>>
      %dma_wait3A_177 = tpu.memref_slice %arg12[%mul3A_11] : memref<320000xf32, #tpu.memory_space<hbm>> -> memref<80xf32, #tpu.memory_space<hbm>>
      tpu.wait_dma2 semaphore(%arg24 : memref<!tpu.dma_semaphore, #tpu.memory_space<semaphore_mem>>) src(%arg22 : memref<80xf32, #tpu.memory_space<vmem>>) dst(%dma_wait3A_177 : memref<80xf32, #tpu.memory_space<hbm>>)
      %dma_wait3A_178 = tpu.memref_slice %arg13[%mul3A_11] : memref<320000xf32, #tpu.memory_space<hbm>> -> memref<80xf32, #tpu.memory_space<hbm>>
      %dma_wait3A_179 = tpu.memref_slice %arg13[%mul3A_11] : memref<320000xf32, #tpu.memory_space<hbm>> -> memref<80xf32, #tpu.memory_space<hbm>>
      tpu.wait_dma2 semaphore(%arg24 : memref<!tpu.dma_semaphore, #tpu.memory_space<semaphore_mem>>) src(%arg23 : memref<80xf32, #tpu.memory_space<vmem>>) dst(%dma_wait3A_179 : memref<80xf32, #tpu.memory_space<hbm>>)
    }
    %scan3A_5 = arith.constant 125 : i32
    return
  }
}

#map = affine_map<(d0, d1) -> (0, 0)>
#map1 = affine_map<(d0, d1) -> (0)>
module attributes {stable_mosaic.version = 14 : i64} {
  func.func @_scatter_body(%arg0: i32, %arg1: i32, %arg2: memref<320000x128xf32, #tpu.memory_space<hbm>>, %arg3: memref<320000xf32, #tpu.memory_space<hbm>>, %arg4: memref<320000xf32, #tpu.memory_space<hbm>>, %arg5: memref<320000xf32, #tpu.memory_space<hbm>>, %arg6: memref<320000xi32, #tpu.memory_space<hbm>>, %arg7: memref<10000x128xf32, #tpu.memory_space<hbm>>, %arg8: memref<40000xf32, #tpu.memory_space<hbm>>, %arg9: memref<20000x128xf32, #tpu.memory_space<hbm>>, %arg10: memref<80000xf32, #tpu.memory_space<hbm>>, %arg11: memref<80xi32, #tpu.memory_space<vmem>>, %arg12: memref<80xi32, #tpu.memory_space<vmem>>, %arg13: memref<80xi32, #tpu.memory_space<vmem>>, %arg14: memref<80xi32, #tpu.memory_space<vmem>>, %arg15: memref<80x128xf32, #tpu.memory_space<vmem>>, %arg16: memref<80xf32, #tpu.memory_space<vmem>>, %arg17: memref<80xf32, #tpu.memory_space<vmem>>, %arg18: memref<80xf32, #tpu.memory_space<vmem>>, %arg19: memref<80xf32, #tpu.memory_space<vmem>>, %arg20: memref<5000xf32, #tpu.memory_space<vmem>>, %arg21: memref<10000x128xf32, #tpu.memory_space<vmem_shared>>, %arg22: memref<40000xf32, #tpu.memory_space<vmem_shared>>, %arg23: memref<!tpu.dma_semaphore, #tpu.memory_space<semaphore_mem>>) attributes {dimension_semantics = [#tpu.dimension_semantics<core_parallel>, #tpu.dimension_semantics<subcore_parallel>], iteration_bounds = array<i64: 2, 16>, scalar_prefetch = 0 : i64, scratch_operands = 13 : i64, tpu.core_type = #tpu.core_type<sc_vector_subcore>, window_params = [{transform_indices = #map}, {transform_indices = #map1}, {transform_indices = #map1}, {transform_indices = #map1}, {transform_indices = #map1}, {transform_indices = #map}, {transform_indices = #map1}, {transform_indices = #map}, {transform_indices = #map1}]} {
    %mul3A = arith.constant 2 : i32
    %mul3A_0 = arith.muli %arg1, %mul3A : i32
    %add3A = arith.addi %mul3A_0, %arg0 : i32
    %mul3A_1 = arith.constant 624 : i32
    %mul3A_2 = arith.muli %arg1, %mul3A_1 : i32
    %mul3A_3 = arith.constant 624 : i32
    %mul3A_4 = arith.muli %arg1, %mul3A_3 : i32
    "tpu.region"() ({
      %run_scoped3A = tpu.sem_alloc : memref<!tpu.dma_semaphore, #tpu.memory_space<semaphore_mem>>
      %dma_start3A = arith.constant 0 : i32
      %dma_start3A_52 = tpu.memref_slice %arg21[%mul3A_4, %dma_start3A] : memref<10000x128xf32, #tpu.memory_space<vmem_shared>> -> memref<624x128xf32, #tpu.memory_space<vmem_shared>>
      %dma_start3A_53 = arith.constant 0 : i32
      %dma_start3A_54 = tpu.memref_slice %arg7[%mul3A_2, %dma_start3A_53] : memref<10000x128xf32, #tpu.memory_space<hbm>> -> memref<624x128xf32, #tpu.memory_space<hbm>>
      tpu.enqueue_dma source(%dma_start3A_54 : memref<624x128xf32, #tpu.memory_space<hbm>>) target(%dma_start3A_52 : memref<624x128xf32, #tpu.memory_space<vmem_shared>>) target_semaphore(%run_scoped3A : memref<!tpu.dma_semaphore, #tpu.memory_space<semaphore_mem>>)
      %dma_wait3A = arith.constant 0 : i32
      %dma_wait3A_55 = tpu.memref_slice %arg21[%mul3A_4, %dma_wait3A] : memref<10000x128xf32, #tpu.memory_space<vmem_shared>> -> memref<624x128xf32, #tpu.memory_space<vmem_shared>>
      %dma_wait3A_56 = arith.constant 0 : i32
      %dma_wait3A_57 = tpu.memref_slice %arg7[%mul3A_2, %dma_wait3A_56] : memref<10000x128xf32, #tpu.memory_space<hbm>> -> memref<624x128xf32, #tpu.memory_space<hbm>>
      tpu.wait_dma2 semaphore(%run_scoped3A : memref<!tpu.dma_semaphore, #tpu.memory_space<semaphore_mem>>) src(%dma_wait3A_57 : memref<624x128xf32, #tpu.memory_space<hbm>>) dst(%dma_wait3A_55 : memref<624x128xf32, #tpu.memory_space<vmem_shared>>)
      tpu.yield
    }) : () -> ()
    %eq3A = arith.constant 15 : i32
    %eq3A_5 = arith.cmpi eq, %arg1, %eq3A : i32
    %convert_element_type3A = arith.extui %eq3A_5 : i1 to i32
    %cond3A = arith.constant 0 : i32
    %cond3A_6 = arith.cmpi ne, %convert_element_type3A, %cond3A : i32
    scf.if %cond3A_6 {
      "tpu.region"() ({
        %run_scoped3A = tpu.sem_alloc : memref<!tpu.dma_semaphore, #tpu.memory_space<semaphore_mem>>
        %dma_start3A = arith.constant 9984 : i32
        %dma_start3A_52 = arith.constant 0 : i32
        %dma_start3A_53 = tpu.memref_slice %arg21[%dma_start3A, %dma_start3A_52] : memref<10000x128xf32, #tpu.memory_space<vmem_shared>> -> memref<16x128xf32, #tpu.memory_space<vmem_shared>>
        %dma_start3A_54 = arith.constant 9984 : i32
        %dma_start3A_55 = arith.constant 0 : i32
        %dma_start3A_56 = tpu.memref_slice %arg7[%dma_start3A_54, %dma_start3A_55] : memref<10000x128xf32, #tpu.memory_space<hbm>> -> memref<16x128xf32, #tpu.memory_space<hbm>>
        tpu.enqueue_dma source(%dma_start3A_56 : memref<16x128xf32, #tpu.memory_space<hbm>>) target(%dma_start3A_53 : memref<16x128xf32, #tpu.memory_space<vmem_shared>>) target_semaphore(%run_scoped3A : memref<!tpu.dma_semaphore, #tpu.memory_space<semaphore_mem>>)
        %dma_wait3A = arith.constant 9984 : i32
        %dma_wait3A_57 = arith.constant 0 : i32
        %dma_wait3A_58 = tpu.memref_slice %arg21[%dma_wait3A, %dma_wait3A_57] : memref<10000x128xf32, #tpu.memory_space<vmem_shared>> -> memref<16x128xf32, #tpu.memory_space<vmem_shared>>
        %dma_wait3A_59 = arith.constant 9984 : i32
        %dma_wait3A_60 = arith.constant 0 : i32
        %dma_wait3A_61 = tpu.memref_slice %arg7[%dma_wait3A_59, %dma_wait3A_60] : memref<10000x128xf32, #tpu.memory_space<hbm>> -> memref<16x128xf32, #tpu.memory_space<hbm>>
        tpu.wait_dma2 semaphore(%run_scoped3A : memref<!tpu.dma_semaphore, #tpu.memory_space<semaphore_mem>>) src(%dma_wait3A_61 : memref<16x128xf32, #tpu.memory_space<hbm>>) dst(%dma_wait3A_58 : memref<16x128xf32, #tpu.memory_space<vmem_shared>>)
        tpu.yield
      }) : () -> ()
    } else {
    }
    %lt3A = arith.constant 8 : i32
    %lt3A_7 = arith.cmpi slt, %arg1, %lt3A : i32
    %convert_element_type3A_8 = arith.extui %lt3A_7 : i1 to i32
    %cond3A_9 = arith.constant 0 : i32
    %cond3A_10 = arith.cmpi ne, %convert_element_type3A_8, %cond3A_9 : i32
    scf.if %cond3A_10 {
      %mul3A_52 = arith.constant 5000 : i32
      %mul3A_53 = arith.muli %arg1, %mul3A_52 : i32
      "tpu.region"() ({
        %run_scoped3A = tpu.sem_alloc : memref<!tpu.dma_semaphore, #tpu.memory_space<semaphore_mem>>
        %dma_start3A = tpu.memref_slice %arg8[%mul3A_53] : memref<40000xf32, #tpu.memory_space<hbm>> -> memref<5000xf32, #tpu.memory_space<hbm>>
        %dma_start3A_56 = tpu.memref_slice %arg8[%mul3A_53] : memref<40000xf32, #tpu.memory_space<hbm>> -> memref<5000xf32, #tpu.memory_space<hbm>>
        tpu.enqueue_dma source(%dma_start3A_56 : memref<5000xf32, #tpu.memory_space<hbm>>) target(%arg20 : memref<5000xf32, #tpu.memory_space<vmem>>) target_semaphore(%run_scoped3A : memref<!tpu.dma_semaphore, #tpu.memory_space<semaphore_mem>>)
        %dma_wait3A = tpu.memref_slice %arg8[%mul3A_53] : memref<40000xf32, #tpu.memory_space<hbm>> -> memref<5000xf32, #tpu.memory_space<hbm>>
        %dma_wait3A_57 = tpu.memref_slice %arg8[%mul3A_53] : memref<40000xf32, #tpu.memory_space<hbm>> -> memref<5000xf32, #tpu.memory_space<hbm>>
        tpu.wait_dma2 semaphore(%run_scoped3A : memref<!tpu.dma_semaphore, #tpu.memory_space<semaphore_mem>>) src(%dma_wait3A_57 : memref<5000xf32, #tpu.memory_space<hbm>>) dst(%arg20 : memref<5000xf32, #tpu.memory_space<vmem>>)
        tpu.yield
      }) : () -> ()
      %mul3A_54 = arith.constant 5000 : i32
      %mul3A_55 = arith.muli %arg1, %mul3A_54 : i32
      "tpu.region"() ({
        %run_scoped3A = tpu.sem_alloc : memref<!tpu.dma_semaphore, #tpu.memory_space<semaphore_mem>>
        %dma_start3A = tpu.memref_slice %arg22[%mul3A_55] : memref<40000xf32, #tpu.memory_space<vmem_shared>> -> memref<5000xf32, #tpu.memory_space<vmem_shared>>
        %dma_start3A_56 = tpu.memref_slice %arg22[%mul3A_55] : memref<40000xf32, #tpu.memory_space<vmem_shared>> -> memref<5000xf32, #tpu.memory_space<vmem_shared>>
        tpu.enqueue_dma source(%arg20 : memref<5000xf32, #tpu.memory_space<vmem>>) target(%dma_start3A_56 : memref<5000xf32, #tpu.memory_space<vmem_shared>>) target_semaphore(%run_scoped3A : memref<!tpu.dma_semaphore, #tpu.memory_space<semaphore_mem>>)
        %dma_wait3A = tpu.memref_slice %arg22[%mul3A_55] : memref<40000xf32, #tpu.memory_space<vmem_shared>> -> memref<5000xf32, #tpu.memory_space<vmem_shared>>
        %dma_wait3A_57 = tpu.memref_slice %arg22[%mul3A_55] : memref<40000xf32, #tpu.memory_space<vmem_shared>> -> memref<5000xf32, #tpu.memory_space<vmem_shared>>
        tpu.wait_dma2 semaphore(%run_scoped3A : memref<!tpu.dma_semaphore, #tpu.memory_space<semaphore_mem>>) src(%arg20 : memref<5000xf32, #tpu.memory_space<vmem>>) dst(%dma_wait3A_57 : memref<5000xf32, #tpu.memory_space<vmem_shared>>)
        tpu.yield
      }) : () -> ()
    } else {
    }
    %broadcast_in_dim3A = arith.constant 1.000000e+00 : f32
    %broadcast_in_dim3A_11 = vector.broadcast %broadcast_in_dim3A : f32 to vector<16xf32>
    %swap3A = arith.constant 0 : index
    %swap3A_12 = tpu.vector_load %arg19[%swap3A] {strides = array<i32>} : memref<80xf32, #tpu.memory_space<vmem>>, vector<16xf32>,
    tpu.vector_store %arg19[%swap3A], %broadcast_in_dim3A_11 {strides = array<i32>} : memref<80xf32, #tpu.memory_space<vmem>>, vector<16xf32>,
    %broadcast_in_dim3A_13 = arith.constant 1.000000e+00 : f32
    %broadcast_in_dim3A_14 = vector.broadcast %broadcast_in_dim3A_13 : f32 to vector<16xf32>
    %swap3A_15 = arith.constant 16 : index
    %swap3A_16 = tpu.vector_load %arg19[%swap3A_15] {strides = array<i32>} : memref<80xf32, #tpu.memory_space<vmem>>, vector<16xf32>,
    tpu.vector_store %arg19[%swap3A_15], %broadcast_in_dim3A_14 {strides = array<i32>} : memref<80xf32, #tpu.memory_space<vmem>>, vector<16xf32>,
    %broadcast_in_dim3A_17 = arith.constant 1.000000e+00 : f32
    %broadcast_in_dim3A_18 = vector.broadcast %broadcast_in_dim3A_17 : f32 to vector<16xf32>
    %swap3A_19 = arith.constant 32 : index
    %swap3A_20 = tpu.vector_load %arg19[%swap3A_19] {strides = array<i32>} : memref<80xf32, #tpu.memory_space<vmem>>, vector<16xf32>,
    tpu.vector_store %arg19[%swap3A_19], %broadcast_in_dim3A_18 {strides = array<i32>} : memref<80xf32, #tpu.memory_space<vmem>>, vector<16xf32>,
    %broadcast_in_dim3A_21 = arith.constant 1.000000e+00 : f32
    %broadcast_in_dim3A_22 = vector.broadcast %broadcast_in_dim3A_21 : f32 to vector<16xf32>
    %swap3A_23 = arith.constant 48 : index
    %swap3A_24 = tpu.vector_load %arg19[%swap3A_23] {strides = array<i32>} : memref<80xf32, #tpu.memory_space<vmem>>, vector<16xf32>,
    tpu.vector_store %arg19[%swap3A_23], %broadcast_in_dim3A_22 {strides = array<i32>} : memref<80xf32, #tpu.memory_space<vmem>>, vector<16xf32>,
    %broadcast_in_dim3A_25 = arith.constant 1.000000e+00 : f32
    %broadcast_in_dim3A_26 = vector.broadcast %broadcast_in_dim3A_25 : f32 to vector<16xf32>
    %swap3A_27 = arith.constant 64 : index
    %swap3A_28 = tpu.vector_load %arg19[%swap3A_27] {strides = array<i32>} : memref<80xf32, #tpu.memory_space<vmem>>, vector<16xf32>,
    tpu.vector_store %arg19[%swap3A_27], %broadcast_in_dim3A_26 {strides = array<i32>} : memref<80xf32, #tpu.memory_space<vmem>>, vector<16xf32>,
    %barrier3A = arith.constant 0 : index
    tpu.barrier barrier_id(%barrier3A)
    %scan3A = arith.constant 0 : i32
    %scan3A_29 = arith.constant 0 : i32
    %scan3A_30 = arith.constant 125 : i32
    %scan3A_31 = arith.addi %scan3A_29, %scan3A_30 : i32
    %scan3A_32 = arith.constant 1 : i32
    scf.for %scan3A_52 = %scan3A_29 to %scan3A_31 step %scan3A_32  : i32 {
      %mul3A_53 = arith.constant 32 : i32
      %mul3A_54 = arith.muli %mul3A_53, %scan3A_52 : i32
      %add3A_55 = arith.addi %add3A, %mul3A_54 : i32
      %mul3A_56 = arith.constant 80 : i32
      %mul3A_57 = arith.muli %add3A_55, %mul3A_56 : i32
      %dma_start3A = tpu.memref_slice %arg6[%mul3A_57] : memref<320000xi32, #tpu.memory_space<hbm>> -> memref<80xi32, #tpu.memory_space<hbm>>
      %dma_start3A_58 = tpu.memref_slice %arg6[%mul3A_57] : memref<320000xi32, #tpu.memory_space<hbm>> -> memref<80xi32, #tpu.memory_space<hbm>>
      tpu.enqueue_dma source(%dma_start3A_58 : memref<80xi32, #tpu.memory_space<hbm>>) target(%arg11 : memref<80xi32, #tpu.memory_space<vmem>>) target_semaphore(%arg23 : memref<!tpu.dma_semaphore, #tpu.memory_space<semaphore_mem>>)
      %dma_wait3A = tpu.memref_slice %arg6[%mul3A_57] : memref<320000xi32, #tpu.memory_space<hbm>> -> memref<80xi32, #tpu.memory_space<hbm>>
      %dma_wait3A_59 = tpu.memref_slice %arg6[%mul3A_57] : memref<320000xi32, #tpu.memory_space<hbm>> -> memref<80xi32, #tpu.memory_space<hbm>>
      tpu.wait_dma2 semaphore(%arg23 : memref<!tpu.dma_semaphore, #tpu.memory_space<semaphore_mem>>) src(%dma_wait3A_59 : memref<80xi32, #tpu.memory_space<hbm>>) dst(%arg11 : memref<80xi32, #tpu.memory_space<vmem>>)
      %dma_start3A_60 = arith.constant 0 : i32
      %dma_start3A_61 = tpu.memref_slice %arg2[%mul3A_57, %dma_start3A_60] : memref<320000x128xf32, #tpu.memory_space<hbm>> -> memref<80x128xf32, #tpu.memory_space<hbm>>
      %dma_start3A_62 = arith.constant 0 : i32
      %dma_start3A_63 = tpu.memref_slice %arg2[%mul3A_57, %dma_start3A_62] : memref<320000x128xf32, #tpu.memory_space<hbm>> -> memref<80x128xf32, #tpu.memory_space<hbm>>
      tpu.enqueue_dma source(%dma_start3A_63 : memref<80x128xf32, #tpu.memory_space<hbm>>) target(%arg15 : memref<80x128xf32, #tpu.memory_space<vmem>>) target_semaphore(%arg23 : memref<!tpu.dma_semaphore, #tpu.memory_space<semaphore_mem>>)
      %dma_start3A_64 = tpu.memref_slice %arg3[%mul3A_57] : memref<320000xf32, #tpu.memory_space<hbm>> -> memref<80xf32, #tpu.memory_space<hbm>>
      %dma_start3A_65 = tpu.memref_slice %arg3[%mul3A_57] : memref<320000xf32, #tpu.memory_space<hbm>> -> memref<80xf32, #tpu.memory_space<hbm>>
      tpu.enqueue_dma source(%dma_start3A_65 : memref<80xf32, #tpu.memory_space<hbm>>) target(%arg16 : memref<80xf32, #tpu.memory_space<vmem>>) target_semaphore(%arg23 : memref<!tpu.dma_semaphore, #tpu.memory_space<semaphore_mem>>)
      %dma_start3A_66 = tpu.memref_slice %arg4[%mul3A_57] : memref<320000xf32, #tpu.memory_space<hbm>> -> memref<80xf32, #tpu.memory_space<hbm>>
      %dma_start3A_67 = tpu.memref_slice %arg4[%mul3A_57] : memref<320000xf32, #tpu.memory_space<hbm>> -> memref<80xf32, #tpu.memory_space<hbm>>
      tpu.enqueue_dma source(%dma_start3A_67 : memref<80xf32, #tpu.memory_space<hbm>>) target(%arg17 : memref<80xf32, #tpu.memory_space<vmem>>) target_semaphore(%arg23 : memref<!tpu.dma_semaphore, #tpu.memory_space<semaphore_mem>>)
      %dma_start3A_68 = tpu.memref_slice %arg5[%mul3A_57] : memref<320000xf32, #tpu.memory_space<hbm>> -> memref<80xf32, #tpu.memory_space<hbm>>
      %dma_start3A_69 = tpu.memref_slice %arg5[%mul3A_57] : memref<320000xf32, #tpu.memory_space<hbm>> -> memref<80xf32, #tpu.memory_space<hbm>>
      tpu.enqueue_dma source(%dma_start3A_69 : memref<80xf32, #tpu.memory_space<hbm>>) target(%arg18 : memref<80xf32, #tpu.memory_space<vmem>>) target_semaphore(%arg23 : memref<!tpu.dma_semaphore, #tpu.memory_space<semaphore_mem>>)
      %get3A = arith.constant 0 : index
      %get3A_70 = tpu.vector_load %arg11[%get3A] {strides = array<i32>} : memref<80xi32, #tpu.memory_space<vmem>>, vector<16xi32>,
      %add3A_71 = arith.constant 10000 : i32
      %add3A_72 = vector.broadcast %add3A_71 : i32 to vector<16xi32>
      %add3A_73 = arith.addi %get3A_70, %add3A_72 : vector<16xi32>
      %swap3A_74 = arith.constant 0 : index
      %swap3A_75 = tpu.vector_load %arg12[%swap3A_74] {strides = array<i32>} : memref<80xi32, #tpu.memory_space<vmem>>, vector<16xi32>,
      tpu.vector_store %arg12[%swap3A_74], %add3A_73 {strides = array<i32>} : memref<80xi32, #tpu.memory_space<vmem>>, vector<16xi32>,
      %add3A_76 = arith.constant 20000 : i32
      %add3A_77 = vector.broadcast %add3A_76 : i32 to vector<16xi32>
      %add3A_78 = arith.addi %get3A_70, %add3A_77 : vector<16xi32>
      %swap3A_79 = arith.constant 0 : index
      %swap3A_80 = tpu.vector_load %arg13[%swap3A_79] {strides = array<i32>} : memref<80xi32, #tpu.memory_space<vmem>>, vector<16xi32>,
      tpu.vector_store %arg13[%swap3A_79], %add3A_78 {strides = array<i32>} : memref<80xi32, #tpu.memory_space<vmem>>, vector<16xi32>,
      %add3A_81 = arith.constant 30000 : i32
      %add3A_82 = vector.broadcast %add3A_81 : i32 to vector<16xi32>
      %add3A_83 = arith.addi %get3A_70, %add3A_82 : vector<16xi32>
      %swap3A_84 = arith.constant 0 : index
      %swap3A_85 = tpu.vector_load %arg14[%swap3A_84] {strides = array<i32>} : memref<80xi32, #tpu.memory_space<vmem>>, vector<16xi32>,
      tpu.vector_store %arg14[%swap3A_84], %add3A_83 {strides = array<i32>} : memref<80xi32, #tpu.memory_space<vmem>>, vector<16xi32>,
      %get3A_86 = arith.constant 16 : index
      %get3A_87 = tpu.vector_load %arg11[%get3A_86] {strides = array<i32>} : memref<80xi32, #tpu.memory_space<vmem>>, vector<16xi32>,
      %add3A_88 = arith.constant 10000 : i32
      %add3A_89 = vector.broadcast %add3A_88 : i32 to vector<16xi32>
      %add3A_90 = arith.addi %get3A_87, %add3A_89 : vector<16xi32>
      %swap3A_91 = arith.constant 16 : index
      %swap3A_92 = tpu.vector_load %arg12[%swap3A_91] {strides = array<i32>} : memref<80xi32, #tpu.memory_space<vmem>>, vector<16xi32>,
      tpu.vector_store %arg12[%swap3A_91], %add3A_90 {strides = array<i32>} : memref<80xi32, #tpu.memory_space<vmem>>, vector<16xi32>,
      %add3A_93 = arith.constant 20000 : i32
      %add3A_94 = vector.broadcast %add3A_93 : i32 to vector<16xi32>
      %add3A_95 = arith.addi %get3A_87, %add3A_94 : vector<16xi32>
      %swap3A_96 = arith.constant 16 : index
      %swap3A_97 = tpu.vector_load %arg13[%swap3A_96] {strides = array<i32>} : memref<80xi32, #tpu.memory_space<vmem>>, vector<16xi32>,
      tpu.vector_store %arg13[%swap3A_96], %add3A_95 {strides = array<i32>} : memref<80xi32, #tpu.memory_space<vmem>>, vector<16xi32>,
      %add3A_98 = arith.constant 30000 : i32
      %add3A_99 = vector.broadcast %add3A_98 : i32 to vector<16xi32>
      %add3A_100 = arith.addi %get3A_87, %add3A_99 : vector<16xi32>
      %swap3A_101 = arith.constant 16 : index
      %swap3A_102 = tpu.vector_load %arg14[%swap3A_101] {strides = array<i32>} : memref<80xi32, #tpu.memory_space<vmem>>, vector<16xi32>,
      tpu.vector_store %arg14[%swap3A_101], %add3A_100 {strides = array<i32>} : memref<80xi32, #tpu.memory_space<vmem>>, vector<16xi32>,
      %get3A_103 = arith.constant 32 : index
      %get3A_104 = tpu.vector_load %arg11[%get3A_103] {strides = array<i32>} : memref<80xi32, #tpu.memory_space<vmem>>, vector<16xi32>,
      %add3A_105 = arith.constant 10000 : i32
      %add3A_106 = vector.broadcast %add3A_105 : i32 to vector<16xi32>
      %add3A_107 = arith.addi %get3A_104, %add3A_106 : vector<16xi32>
      %swap3A_108 = arith.constant 32 : index
      %swap3A_109 = tpu.vector_load %arg12[%swap3A_108] {strides = array<i32>} : memref<80xi32, #tpu.memory_space<vmem>>, vector<16xi32>,
      tpu.vector_store %arg12[%swap3A_108], %add3A_107 {strides = array<i32>} : memref<80xi32, #tpu.memory_space<vmem>>, vector<16xi32>,
      %add3A_110 = arith.constant 20000 : i32
      %add3A_111 = vector.broadcast %add3A_110 : i32 to vector<16xi32>
      %add3A_112 = arith.addi %get3A_104, %add3A_111 : vector<16xi32>
      %swap3A_113 = arith.constant 32 : index
      %swap3A_114 = tpu.vector_load %arg13[%swap3A_113] {strides = array<i32>} : memref<80xi32, #tpu.memory_space<vmem>>, vector<16xi32>,
      tpu.vector_store %arg13[%swap3A_113], %add3A_112 {strides = array<i32>} : memref<80xi32, #tpu.memory_space<vmem>>, vector<16xi32>,
      %add3A_115 = arith.constant 30000 : i32
      %add3A_116 = vector.broadcast %add3A_115 : i32 to vector<16xi32>
      %add3A_117 = arith.addi %get3A_104, %add3A_116 : vector<16xi32>
      %swap3A_118 = arith.constant 32 : index
      %swap3A_119 = tpu.vector_load %arg14[%swap3A_118] {strides = array<i32>} : memref<80xi32, #tpu.memory_space<vmem>>, vector<16xi32>,
      tpu.vector_store %arg14[%swap3A_118], %add3A_117 {strides = array<i32>} : memref<80xi32, #tpu.memory_space<vmem>>, vector<16xi32>,
      %get3A_120 = arith.constant 48 : index
      %get3A_121 = tpu.vector_load %arg11[%get3A_120] {strides = array<i32>} : memref<80xi32, #tpu.memory_space<vmem>>, vector<16xi32>,
      %add3A_122 = arith.constant 10000 : i32
      %add3A_123 = vector.broadcast %add3A_122 : i32 to vector<16xi32>
      %add3A_124 = arith.addi %get3A_121, %add3A_123 : vector<16xi32>
      %swap3A_125 = arith.constant 48 : index
      %swap3A_126 = tpu.vector_load %arg12[%swap3A_125] {strides = array<i32>} : memref<80xi32, #tpu.memory_space<vmem>>, vector<16xi32>,
      tpu.vector_store %arg12[%swap3A_125], %add3A_124 {strides = array<i32>} : memref<80xi32, #tpu.memory_space<vmem>>, vector<16xi32>,
      %add3A_127 = arith.constant 20000 : i32
      %add3A_128 = vector.broadcast %add3A_127 : i32 to vector<16xi32>
      %add3A_129 = arith.addi %get3A_121, %add3A_128 : vector<16xi32>
      %swap3A_130 = arith.constant 48 : index
      %swap3A_131 = tpu.vector_load %arg13[%swap3A_130] {strides = array<i32>} : memref<80xi32, #tpu.memory_space<vmem>>, vector<16xi32>,
      tpu.vector_store %arg13[%swap3A_130], %add3A_129 {strides = array<i32>} : memref<80xi32, #tpu.memory_space<vmem>>, vector<16xi32>,
      %add3A_132 = arith.constant 30000 : i32
      %add3A_133 = vector.broadcast %add3A_132 : i32 to vector<16xi32>
      %add3A_134 = arith.addi %get3A_121, %add3A_133 : vector<16xi32>
      %swap3A_135 = arith.constant 48 : index
      %swap3A_136 = tpu.vector_load %arg14[%swap3A_135] {strides = array<i32>} : memref<80xi32, #tpu.memory_space<vmem>>, vector<16xi32>,
      tpu.vector_store %arg14[%swap3A_135], %add3A_134 {strides = array<i32>} : memref<80xi32, #tpu.memory_space<vmem>>, vector<16xi32>,
      %get3A_137 = arith.constant 64 : index
      %get3A_138 = tpu.vector_load %arg11[%get3A_137] {strides = array<i32>} : memref<80xi32, #tpu.memory_space<vmem>>, vector<16xi32>,
      %add3A_139 = arith.constant 10000 : i32
      %add3A_140 = vector.broadcast %add3A_139 : i32 to vector<16xi32>
      %add3A_141 = arith.addi %get3A_138, %add3A_140 : vector<16xi32>
      %swap3A_142 = arith.constant 64 : index
      %swap3A_143 = tpu.vector_load %arg12[%swap3A_142] {strides = array<i32>} : memref<80xi32, #tpu.memory_space<vmem>>, vector<16xi32>,
      tpu.vector_store %arg12[%swap3A_142], %add3A_141 {strides = array<i32>} : memref<80xi32, #tpu.memory_space<vmem>>, vector<16xi32>,
      %add3A_144 = arith.constant 20000 : i32
      %add3A_145 = vector.broadcast %add3A_144 : i32 to vector<16xi32>
      %add3A_146 = arith.addi %get3A_138, %add3A_145 : vector<16xi32>
      %swap3A_147 = arith.constant 64 : index
      %swap3A_148 = tpu.vector_load %arg13[%swap3A_147] {strides = array<i32>} : memref<80xi32, #tpu.memory_space<vmem>>, vector<16xi32>,
      tpu.vector_store %arg13[%swap3A_147], %add3A_146 {strides = array<i32>} : memref<80xi32, #tpu.memory_space<vmem>>, vector<16xi32>,
      %add3A_149 = arith.constant 30000 : i32
      %add3A_150 = vector.broadcast %add3A_149 : i32 to vector<16xi32>
      %add3A_151 = arith.addi %get3A_138, %add3A_150 : vector<16xi32>
      %swap3A_152 = arith.constant 64 : index
      %swap3A_153 = tpu.vector_load %arg14[%swap3A_152] {strides = array<i32>} : memref<80xi32, #tpu.memory_space<vmem>>, vector<16xi32>,
      tpu.vector_store %arg14[%swap3A_152], %add3A_151 {strides = array<i32>} : memref<80xi32, #tpu.memory_space<vmem>>, vector<16xi32>,
      %dma_wait3A_154 = arith.constant 0 : i32
      %dma_wait3A_155 = tpu.memref_slice %arg2[%mul3A_57, %dma_wait3A_154] : memref<320000x128xf32, #tpu.memory_space<hbm>> -> memref<80x128xf32, #tpu.memory_space<hbm>>
      %dma_wait3A_156 = arith.constant 0 : i32
      %dma_wait3A_157 = tpu.memref_slice %arg2[%mul3A_57, %dma_wait3A_156] : memref<320000x128xf32, #tpu.memory_space<hbm>> -> memref<80x128xf32, #tpu.memory_space<hbm>>
      tpu.wait_dma2 semaphore(%arg23 : memref<!tpu.dma_semaphore, #tpu.memory_space<semaphore_mem>>) src(%dma_wait3A_157 : memref<80x128xf32, #tpu.memory_space<hbm>>) dst(%arg15 : memref<80x128xf32, #tpu.memory_space<vmem>>)
      %dma_wait3A_158 = tpu.memref_slice %arg3[%mul3A_57] : memref<320000xf32, #tpu.memory_space<hbm>> -> memref<80xf32, #tpu.memory_space<hbm>>
      %dma_wait3A_159 = tpu.memref_slice %arg3[%mul3A_57] : memref<320000xf32, #tpu.memory_space<hbm>> -> memref<80xf32, #tpu.memory_space<hbm>>
      tpu.wait_dma2 semaphore(%arg23 : memref<!tpu.dma_semaphore, #tpu.memory_space<semaphore_mem>>) src(%dma_wait3A_159 : memref<80xf32, #tpu.memory_space<hbm>>) dst(%arg16 : memref<80xf32, #tpu.memory_space<vmem>>)
      %dma_wait3A_160 = tpu.memref_slice %arg4[%mul3A_57] : memref<320000xf32, #tpu.memory_space<hbm>> -> memref<80xf32, #tpu.memory_space<hbm>>
      %dma_wait3A_161 = tpu.memref_slice %arg4[%mul3A_57] : memref<320000xf32, #tpu.memory_space<hbm>> -> memref<80xf32, #tpu.memory_space<hbm>>
      tpu.wait_dma2 semaphore(%arg23 : memref<!tpu.dma_semaphore, #tpu.memory_space<semaphore_mem>>) src(%dma_wait3A_161 : memref<80xf32, #tpu.memory_space<hbm>>) dst(%arg17 : memref<80xf32, #tpu.memory_space<vmem>>)
      %dma_wait3A_162 = tpu.memref_slice %arg5[%mul3A_57] : memref<320000xf32, #tpu.memory_space<hbm>> -> memref<80xf32, #tpu.memory_space<hbm>>
      %dma_wait3A_163 = tpu.memref_slice %arg5[%mul3A_57] : memref<320000xf32, #tpu.memory_space<hbm>> -> memref<80xf32, #tpu.memory_space<hbm>>
      tpu.wait_dma2 semaphore(%arg23 : memref<!tpu.dma_semaphore, #tpu.memory_space<semaphore_mem>>) src(%dma_wait3A_163 : memref<80xf32, #tpu.memory_space<hbm>>) dst(%arg18 : memref<80xf32, #tpu.memory_space<vmem>>)
      "tpu.region"() ({
        %run_scoped3A = tpu.sem_alloc : memref<!tpu.dma_semaphore, #tpu.memory_space<semaphore_mem>>
        %dma_start3A_164 = arith.constant 0 : i32
        %dma_start3A_165 = arith.constant 0 : i32
        %dma_start3A_166 = tpu.memref_slice %arg21[%dma_start3A_164, %dma_start3A_165] : memref<10000x128xf32, #tpu.memory_space<vmem_shared>> -> memref<10000x128xf32, #tpu.memory_space<vmem_shared>>
        tpu.enqueue_indirect_dma source(%arg15 : memref<80x128xf32, #tpu.memory_space<vmem>>) target(%dma_start3A_166 : memref<10000x128xf32, #tpu.memory_space<vmem_shared>>) offsets(%arg11 : memref<80xi32, #tpu.memory_space<vmem>>) semaphore(%run_scoped3A : memref<!tpu.dma_semaphore, #tpu.memory_space<semaphore_mem>>) {add = true}
        %dma_wait3A_167 = arith.constant 0 : i32
        %dma_wait3A_168 = arith.constant 0 : i32
        %dma_wait3A_169 = tpu.memref_slice %arg21[%dma_wait3A_167, %dma_wait3A_168] : memref<10000x128xf32, #tpu.memory_space<vmem_shared>> -> memref<10000x128xf32, #tpu.memory_space<vmem_shared>>
        tpu.wait_indirect_dma semaphore(%run_scoped3A : memref<!tpu.dma_semaphore, #tpu.memory_space<semaphore_mem>>) src(%arg15 : memref<80x128xf32, #tpu.memory_space<vmem>>) dst(%dma_wait3A_169 : memref<10000x128xf32, #tpu.memory_space<vmem_shared>>)
        tpu.yield
      }) : () -> ()
      "tpu.region"() ({
        %run_scoped3A = tpu.sem_alloc : memref<!tpu.dma_semaphore, #tpu.memory_space<semaphore_mem>>
        %dma_start3A_164 = arith.constant 0 : i32
        %dma_start3A_165 = tpu.memref_slice %arg22[%dma_start3A_164] : memref<40000xf32, #tpu.memory_space<vmem_shared>> -> memref<40000xf32, #tpu.memory_space<vmem_shared>>
        tpu.enqueue_indirect_dma source(%arg16 : memref<80xf32, #tpu.memory_space<vmem>>) target(%dma_start3A_165 : memref<40000xf32, #tpu.memory_space<vmem_shared>>) offsets(%arg11 : memref<80xi32, #tpu.memory_space<vmem>>) semaphore(%run_scoped3A : memref<!tpu.dma_semaphore, #tpu.memory_space<semaphore_mem>>) {add = true}
        %dma_wait3A_166 = arith.constant 0 : i32
        %dma_wait3A_167 = tpu.memref_slice %arg22[%dma_wait3A_166] : memref<40000xf32, #tpu.memory_space<vmem_shared>> -> memref<40000xf32, #tpu.memory_space<vmem_shared>>
        tpu.wait_indirect_dma semaphore(%run_scoped3A : memref<!tpu.dma_semaphore, #tpu.memory_space<semaphore_mem>>) src(%arg16 : memref<80xf32, #tpu.memory_space<vmem>>) dst(%dma_wait3A_167 : memref<40000xf32, #tpu.memory_space<vmem_shared>>)
        tpu.yield
      }) : () -> ()
      "tpu.region"() ({
        %run_scoped3A = tpu.sem_alloc : memref<!tpu.dma_semaphore, #tpu.memory_space<semaphore_mem>>
        %dma_start3A_164 = arith.constant 0 : i32
        %dma_start3A_165 = tpu.memref_slice %arg22[%dma_start3A_164] : memref<40000xf32, #tpu.memory_space<vmem_shared>> -> memref<40000xf32, #tpu.memory_space<vmem_shared>>
        tpu.enqueue_indirect_dma source(%arg17 : memref<80xf32, #tpu.memory_space<vmem>>) target(%dma_start3A_165 : memref<40000xf32, #tpu.memory_space<vmem_shared>>) offsets(%arg12 : memref<80xi32, #tpu.memory_space<vmem>>) semaphore(%run_scoped3A : memref<!tpu.dma_semaphore, #tpu.memory_space<semaphore_mem>>) {add = true}
        %dma_wait3A_166 = arith.constant 0 : i32
        %dma_wait3A_167 = tpu.memref_slice %arg22[%dma_wait3A_166] : memref<40000xf32, #tpu.memory_space<vmem_shared>> -> memref<40000xf32, #tpu.memory_space<vmem_shared>>
        tpu.wait_indirect_dma semaphore(%run_scoped3A : memref<!tpu.dma_semaphore, #tpu.memory_space<semaphore_mem>>) src(%arg17 : memref<80xf32, #tpu.memory_space<vmem>>) dst(%dma_wait3A_167 : memref<40000xf32, #tpu.memory_space<vmem_shared>>)
        tpu.yield
      }) : () -> ()
      "tpu.region"() ({
        %run_scoped3A = tpu.sem_alloc : memref<!tpu.dma_semaphore, #tpu.memory_space<semaphore_mem>>
        %dma_start3A_164 = arith.constant 0 : i32
        %dma_start3A_165 = tpu.memref_slice %arg22[%dma_start3A_164] : memref<40000xf32, #tpu.memory_space<vmem_shared>> -> memref<40000xf32, #tpu.memory_space<vmem_shared>>
        tpu.enqueue_indirect_dma source(%arg18 : memref<80xf32, #tpu.memory_space<vmem>>) target(%dma_start3A_165 : memref<40000xf32, #tpu.memory_space<vmem_shared>>) offsets(%arg13 : memref<80xi32, #tpu.memory_space<vmem>>) semaphore(%run_scoped3A : memref<!tpu.dma_semaphore, #tpu.memory_space<semaphore_mem>>) {add = true}
        %dma_wait3A_166 = arith.constant 0 : i32
        %dma_wait3A_167 = tpu.memref_slice %arg22[%dma_wait3A_166] : memref<40000xf32, #tpu.memory_space<vmem_shared>> -> memref<40000xf32, #tpu.memory_space<vmem_shared>>
        tpu.wait_indirect_dma semaphore(%run_scoped3A : memref<!tpu.dma_semaphore, #tpu.memory_space<semaphore_mem>>) src(%arg18 : memref<80xf32, #tpu.memory_space<vmem>>) dst(%dma_wait3A_167 : memref<40000xf32, #tpu.memory_space<vmem_shared>>)
        tpu.yield
      }) : () -> ()
      "tpu.region"() ({
        %run_scoped3A = tpu.sem_alloc : memref<!tpu.dma_semaphore, #tpu.memory_space<semaphore_mem>>
        %dma_start3A_164 = arith.constant 0 : i32
        %dma_start3A_165 = tpu.memref_slice %arg22[%dma_start3A_164] : memref<40000xf32, #tpu.memory_space<vmem_shared>> -> memref<40000xf32, #tpu.memory_space<vmem_shared>>
        tpu.enqueue_indirect_dma source(%arg19 : memref<80xf32, #tpu.memory_space<vmem>>) target(%dma_start3A_165 : memref<40000xf32, #tpu.memory_space<vmem_shared>>) offsets(%arg14 : memref<80xi32, #tpu.memory_space<vmem>>) semaphore(%run_scoped3A : memref<!tpu.dma_semaphore, #tpu.memory_space<semaphore_mem>>) {add = true}
        %dma_wait3A_166 = arith.constant 0 : i32
        %dma_wait3A_167 = tpu.memref_slice %arg22[%dma_wait3A_166] : memref<40000xf32, #tpu.memory_space<vmem_shared>> -> memref<40000xf32, #tpu.memory_space<vmem_shared>>
        tpu.wait_indirect_dma semaphore(%run_scoped3A : memref<!tpu.dma_semaphore, #tpu.memory_space<semaphore_mem>>) src(%arg19 : memref<80xf32, #tpu.memory_space<vmem>>) dst(%dma_wait3A_167 : memref<40000xf32, #tpu.memory_space<vmem_shared>>)
        tpu.yield
      }) : () -> ()
    }
    %scan3A_33 = arith.constant 125 : i32
    %barrier3A_34 = arith.constant 0 : index
    tpu.barrier barrier_id(%barrier3A_34)
    %mul3A_35 = arith.constant 624 : i32
    %mul3A_36 = arith.muli %arg1, %mul3A_35 : i32
    %mul3A_37 = arith.constant 10000 : i32
    %mul3A_38 = arith.muli %arg0, %mul3A_37 : i32
    %mul3A_39 = arith.constant 624 : i32
    %mul3A_40 = arith.muli %arg1, %mul3A_39 : i32
    %add3A_41 = arith.addi %mul3A_38, %mul3A_40 : i32
    "tpu.region"() ({
      %run_scoped3A = tpu.sem_alloc : memref<!tpu.dma_semaphore, #tpu.memory_space<semaphore_mem>>
      %dma_start3A = arith.constant 0 : i32
      %dma_start3A_52 = tpu.memref_slice %arg9[%add3A_41, %dma_start3A] : memref<20000x128xf32, #tpu.memory_space<hbm>> -> memref<624x128xf32, #tpu.memory_space<hbm>>
      %dma_start3A_53 = arith.constant 0 : i32
      %dma_start3A_54 = tpu.memref_slice %arg21[%mul3A_36, %dma_start3A_53] : memref<10000x128xf32, #tpu.memory_space<vmem_shared>> -> memref<624x128xf32, #tpu.memory_space<vmem_shared>>
      tpu.enqueue_dma source(%dma_start3A_54 : memref<624x128xf32, #tpu.memory_space<vmem_shared>>) target(%dma_start3A_52 : memref<624x128xf32, #tpu.memory_space<hbm>>) target_semaphore(%run_scoped3A : memref<!tpu.dma_semaphore, #tpu.memory_space<semaphore_mem>>)
      %dma_wait3A = arith.constant 0 : i32
      %dma_wait3A_55 = tpu.memref_slice %arg9[%add3A_41, %dma_wait3A] : memref<20000x128xf32, #tpu.memory_space<hbm>> -> memref<624x128xf32, #tpu.memory_space<hbm>>
      %dma_wait3A_56 = arith.constant 0 : i32
      %dma_wait3A_57 = tpu.memref_slice %arg21[%mul3A_36, %dma_wait3A_56] : memref<10000x128xf32, #tpu.memory_space<vmem_shared>> -> memref<624x128xf32, #tpu.memory_space<vmem_shared>>
      tpu.wait_dma2 semaphore(%run_scoped3A : memref<!tpu.dma_semaphore, #tpu.memory_space<semaphore_mem>>) src(%dma_wait3A_57 : memref<624x128xf32, #tpu.memory_space<vmem_shared>>) dst(%dma_wait3A_55 : memref<624x128xf32, #tpu.memory_space<hbm>>)
      tpu.yield
    }) : () -> ()
    %eq3A_42 = arith.constant 15 : i32
    %eq3A_43 = arith.cmpi eq, %arg1, %eq3A_42 : i32
    %convert_element_type3A_44 = arith.extui %eq3A_43 : i1 to i32
    %cond3A_45 = arith.constant 0 : i32
    %cond3A_46 = arith.cmpi ne, %convert_element_type3A_44, %cond3A_45 : i32
    scf.if %cond3A_46 {
      %mul3A_52 = arith.constant 10000 : i32
      %mul3A_53 = arith.muli %arg0, %mul3A_52 : i32
      %add3A_54 = arith.constant 9984 : i32
      %add3A_55 = arith.addi %mul3A_53, %add3A_54 : i32
      "tpu.region"() ({
        %run_scoped3A = tpu.sem_alloc : memref<!tpu.dma_semaphore, #tpu.memory_space<semaphore_mem>>
        %dma_start3A = arith.constant 0 : i32
        %dma_start3A_56 = tpu.memref_slice %arg9[%add3A_55, %dma_start3A] : memref<20000x128xf32, #tpu.memory_space<hbm>> -> memref<16x128xf32, #tpu.memory_space<hbm>>
        %dma_start3A_57 = arith.constant 9984 : i32
        %dma_start3A_58 = arith.constant 0 : i32
        %dma_start3A_59 = tpu.memref_slice %arg21[%dma_start3A_57, %dma_start3A_58] : memref<10000x128xf32, #tpu.memory_space<vmem_shared>> -> memref<16x128xf32, #tpu.memory_space<vmem_shared>>
        tpu.enqueue_dma source(%dma_start3A_59 : memref<16x128xf32, #tpu.memory_space<vmem_shared>>) target(%dma_start3A_56 : memref<16x128xf32, #tpu.memory_space<hbm>>) target_semaphore(%run_scoped3A : memref<!tpu.dma_semaphore, #tpu.memory_space<semaphore_mem>>)
        %dma_wait3A = arith.constant 0 : i32
        %dma_wait3A_60 = tpu.memref_slice %arg9[%add3A_55, %dma_wait3A] : memref<20000x128xf32, #tpu.memory_space<hbm>> -> memref<16x128xf32, #tpu.memory_space<hbm>>
        %dma_wait3A_61 = arith.constant 9984 : i32
        %dma_wait3A_62 = arith.constant 0 : i32
        %dma_wait3A_63 = tpu.memref_slice %arg21[%dma_wait3A_61, %dma_wait3A_62] : memref<10000x128xf32, #tpu.memory_space<vmem_shared>> -> memref<16x128xf32, #tpu.memory_space<vmem_shared>>
        tpu.wait_dma2 semaphore(%run_scoped3A : memref<!tpu.dma_semaphore, #tpu.memory_space<semaphore_mem>>) src(%dma_wait3A_63 : memref<16x128xf32, #tpu.memory_space<vmem_shared>>) dst(%dma_wait3A_60 : memref<16x128xf32, #tpu.memory_space<hbm>>)
        tpu.yield
      }) : () -> ()
    } else {
    }
    %lt3A_47 = arith.constant 8 : i32
    %lt3A_48 = arith.cmpi slt, %arg1, %lt3A_47 : i32
    %convert_element_type3A_49 = arith.extui %lt3A_48 : i1 to i32
    %cond3A_50 = arith.constant 0 : i32
    %cond3A_51 = arith.cmpi ne, %convert_element_type3A_49, %cond3A_50 : i32
    scf.if %cond3A_51 {
      %mul3A_52 = arith.constant 5000 : i32
      %mul3A_53 = arith.muli %arg1, %mul3A_52 : i32
      "tpu.region"() ({
        %run_scoped3A = tpu.sem_alloc : memref<!tpu.dma_semaphore, #tpu.memory_space<semaphore_mem>>
        %dma_start3A = tpu.memref_slice %arg22[%mul3A_53] : memref<40000xf32, #tpu.memory_space<vmem_shared>> -> memref<5000xf32, #tpu.memory_space<vmem_shared>>
        %dma_start3A_61 = tpu.memref_slice %arg22[%mul3A_53] : memref<40000xf32, #tpu.memory_space<vmem_shared>> -> memref<5000xf32, #tpu.memory_space<vmem_shared>>
        tpu.enqueue_dma source(%dma_start3A_61 : memref<5000xf32, #tpu.memory_space<vmem_shared>>) target(%arg20 : memref<5000xf32, #tpu.memory_space<vmem>>) target_semaphore(%run_scoped3A : memref<!tpu.dma_semaphore, #tpu.memory_space<semaphore_mem>>)
        %dma_wait3A = tpu.memref_slice %arg22[%mul3A_53] : memref<40000xf32, #tpu.memory_space<vmem_shared>> -> memref<5000xf32, #tpu.memory_space<vmem_shared>>
        %dma_wait3A_62 = tpu.memref_slice %arg22[%mul3A_53] : memref<40000xf32, #tpu.memory_space<vmem_shared>> -> memref<5000xf32, #tpu.memory_space<vmem_shared>>
        tpu.wait_dma2 semaphore(%run_scoped3A : memref<!tpu.dma_semaphore, #tpu.memory_space<semaphore_mem>>) src(%dma_wait3A_62 : memref<5000xf32, #tpu.memory_space<vmem_shared>>) dst(%arg20 : memref<5000xf32, #tpu.memory_space<vmem>>)
        tpu.yield
      }) : () -> ()
      %mul3A_54 = arith.constant 4 : i32
      %mul3A_55 = arith.muli %arg0, %mul3A_54 : i32
      %mul3A_56 = arith.constant 10000 : i32
      %mul3A_57 = arith.muli %mul3A_55, %mul3A_56 : i32
      %mul3A_58 = arith.constant 5000 : i32
      %mul3A_59 = arith.muli %arg1, %mul3A_58 : i32
      %add3A_60 = arith.addi %mul3A_57, %mul3A_59 : i32
      "tpu.region"() ({
        %run_scoped3A = tpu.sem_alloc : memref<!tpu.dma_semaphore, #tpu.memory_space<semaphore_mem>>
        %dma_start3A = tpu.memref_slice %arg10[%add3A_60] : memref<80000xf32, #tpu.memory_space<hbm>> -> memref<5000xf32, #tpu.memory_space<hbm>>
        %dma_start3A_61 = tpu.memref_slice %arg10[%add3A_60] : memref<80000xf32, #tpu.memory_space<hbm>> -> memref<5000xf32, #tpu.memory_space<hbm>>
        tpu.enqueue_dma source(%arg20 : memref<5000xf32, #tpu.memory_space<vmem>>) target(%dma_start3A_61 : memref<5000xf32, #tpu.memory_space<hbm>>) target_semaphore(%run_scoped3A : memref<!tpu.dma_semaphore, #tpu.memory_space<semaphore_mem>>)
        %dma_wait3A = tpu.memref_slice %arg10[%add3A_60] : memref<80000xf32, #tpu.memory_space<hbm>> -> memref<5000xf32, #tpu.memory_space<hbm>>
        %dma_wait3A_62 = tpu.memref_slice %arg10[%add3A_60] : memref<80000xf32, #tpu.memory_space<hbm>> -> memref<5000xf32, #tpu.memory_space<hbm>>
        tpu.wait_dma2 semaphore(%run_scoped3A : memref<!tpu.dma_semaphore, #tpu.memory_space<semaphore_mem>>) src(%arg20 : memref<5000xf32, #tpu.memory_space<vmem>>) dst(%dma_wait3A_62 : memref<5000xf32, #tpu.memory_space<hbm>>)
        tpu.yield
      }) : () -> ()
    } else {
    }
    return
  }
}

#map = affine_map<(d0, d1) -> (0, 0)>
#map1 = affine_map<(d0, d1) -> (0)>
module attributes {stable_mosaic.version = 14 : i64} {
  func.func @_gather_body(%arg0: i32, %arg1: i32, %arg2: memref<10000x128xf32, #tpu.memory_space<hbm>>, %arg3: memref<10000x128xf32, #tpu.memory_space<hbm>>, %arg4: memref<10000xf32, #tpu.memory_space<hbm>>, %arg5: memref<10000xf32, #tpu.memory_space<hbm>>, %arg6: memref<10000xf32, #tpu.memory_space<hbm>>, %arg7: memref<320000xi32, #tpu.memory_space<hbm>>, %arg8: memref<320000xi32, #tpu.memory_space<hbm>>, %arg9: memref<320000x128xf32, #tpu.memory_space<hbm>>, %arg10: memref<320000xf32, #tpu.memory_space<hbm>>, %arg11: memref<320000xf32, #tpu.memory_space<hbm>>, %arg12: memref<320000xf32, #tpu.memory_space<hbm>>, %arg13: memref<320000xf32, #tpu.memory_space<hbm>>, %arg14: memref<10000xf32, #tpu.memory_space<vmem>>, %arg15: memref<10000xf32, #tpu.memory_space<vmem>>, %arg16: memref<10000xf32, #tpu.memory_space<vmem>>, %arg17: memref<80xi32, #tpu.memory_space<vmem>>, %arg18: memref<80xi32, #tpu.memory_space<vmem>>, %arg19: memref<80x128xf32, #tpu.memory_space<vmem>>, %arg20: memref<80xf32, #tpu.memory_space<vmem>>, %arg21: memref<80xf32, #tpu.memory_space<vmem>>, %arg22: memref<80xf32, #tpu.memory_space<vmem>>, %arg23: memref<80xf32, #tpu.memory_space<vmem>>, %arg24: memref<!tpu.dma_semaphore, #tpu.memory_space<semaphore_mem>>) attributes {dimension_semantics = [#tpu.dimension_semantics<core_parallel>, #tpu.dimension_semantics<subcore_parallel>], iteration_bounds = array<i64: 2, 16>, scalar_prefetch = 0 : i64, scratch_operands = 11 : i64, tpu.core_type = #tpu.core_type<sc_vector_subcore>, window_params = [{transform_indices = #map}, {transform_indices = #map}, {transform_indices = #map1}, {transform_indices = #map1}, {transform_indices = #map1}, {transform_indices = #map1}, {transform_indices = #map1}, {transform_indices = #map}, {transform_indices = #map1}, {transform_indices = #map1}, {transform_indices = #map1}, {transform_indices = #map1}]} {
    %mul3A = arith.constant 2 : i32
    %mul3A_0 = arith.muli %arg1, %mul3A : i32
    %add3A = arith.addi %mul3A_0, %arg0 : i32
    "tpu.region"() ({
      %run_scoped3A = tpu.sem_alloc : memref<!tpu.dma_semaphore, #tpu.memory_space<semaphore_mem>>
      tpu.enqueue_dma source(%arg4 : memref<10000xf32, #tpu.memory_space<hbm>>) target(%arg14 : memref<10000xf32, #tpu.memory_space<vmem>>) target_semaphore(%run_scoped3A : memref<!tpu.dma_semaphore, #tpu.memory_space<semaphore_mem>>)
      tpu.wait_dma2 semaphore(%run_scoped3A : memref<!tpu.dma_semaphore, #tpu.memory_space<semaphore_mem>>) src(%arg4 : memref<10000xf32, #tpu.memory_space<hbm>>) dst(%arg14 : memref<10000xf32, #tpu.memory_space<vmem>>)
      tpu.yield
    }) : () -> ()
    "tpu.region"() ({
      %run_scoped3A = tpu.sem_alloc : memref<!tpu.dma_semaphore, #tpu.memory_space<semaphore_mem>>
      tpu.enqueue_dma source(%arg5 : memref<10000xf32, #tpu.memory_space<hbm>>) target(%arg15 : memref<10000xf32, #tpu.memory_space<vmem>>) target_semaphore(%run_scoped3A : memref<!tpu.dma_semaphore, #tpu.memory_space<semaphore_mem>>)
      tpu.wait_dma2 semaphore(%run_scoped3A : memref<!tpu.dma_semaphore, #tpu.memory_space<semaphore_mem>>) src(%arg5 : memref<10000xf32, #tpu.memory_space<hbm>>) dst(%arg15 : memref<10000xf32, #tpu.memory_space<vmem>>)
      tpu.yield
    }) : () -> ()
    "tpu.region"() ({
      %run_scoped3A = tpu.sem_alloc : memref<!tpu.dma_semaphore, #tpu.memory_space<semaphore_mem>>
      tpu.enqueue_dma source(%arg6 : memref<10000xf32, #tpu.memory_space<hbm>>) target(%arg16 : memref<10000xf32, #tpu.memory_space<vmem>>) target_semaphore(%run_scoped3A : memref<!tpu.dma_semaphore, #tpu.memory_space<semaphore_mem>>)
      tpu.wait_dma2 semaphore(%run_scoped3A : memref<!tpu.dma_semaphore, #tpu.memory_space<semaphore_mem>>) src(%arg6 : memref<10000xf32, #tpu.memory_space<hbm>>) dst(%arg16 : memref<10000xf32, #tpu.memory_space<vmem>>)
      tpu.yield
    }) : () -> ()
    %scan3A = arith.constant 0 : i32
    %scan3A_1 = arith.constant 0 : i32
    %scan3A_2 = arith.constant 125 : i32
    %scan3A_3 = arith.addi %scan3A_1, %scan3A_2 : i32
    %scan3A_4 = arith.constant 1 : i32
    scf.for %scan3A_6 = %scan3A_1 to %scan3A_3 step %scan3A_4  : i32 {
      %mul3A_7 = arith.constant 32 : i32
      %mul3A_8 = arith.muli %mul3A_7, %scan3A_6 : i32
      %add3A_9 = arith.addi %add3A, %mul3A_8 : i32
      %mul3A_10 = arith.constant 80 : i32
      %mul3A_11 = arith.muli %add3A_9, %mul3A_10 : i32
      %dma_start3A = tpu.memref_slice %arg8[%mul3A_11] : memref<320000xi32, #tpu.memory_space<hbm>> -> memref<80xi32, #tpu.memory_space<hbm>>
      %dma_start3A_12 = tpu.memref_slice %arg8[%mul3A_11] : memref<320000xi32, #tpu.memory_space<hbm>> -> memref<80xi32, #tpu.memory_space<hbm>>
      tpu.enqueue_dma source(%dma_start3A_12 : memref<80xi32, #tpu.memory_space<hbm>>) target(%arg18 : memref<80xi32, #tpu.memory_space<vmem>>) target_semaphore(%arg24 : memref<!tpu.dma_semaphore, #tpu.memory_space<semaphore_mem>>)
      %dma_start3A_13 = tpu.memref_slice %arg7[%mul3A_11] : memref<320000xi32, #tpu.memory_space<hbm>> -> memref<80xi32, #tpu.memory_space<hbm>>
      %dma_start3A_14 = tpu.memref_slice %arg7[%mul3A_11] : memref<320000xi32, #tpu.memory_space<hbm>> -> memref<80xi32, #tpu.memory_space<hbm>>
      tpu.enqueue_dma source(%dma_start3A_14 : memref<80xi32, #tpu.memory_space<hbm>>) target(%arg17 : memref<80xi32, #tpu.memory_space<vmem>>) target_semaphore(%arg24 : memref<!tpu.dma_semaphore, #tpu.memory_space<semaphore_mem>>)
      %dma_wait3A = tpu.memref_slice %arg8[%mul3A_11] : memref<320000xi32, #tpu.memory_space<hbm>> -> memref<80xi32, #tpu.memory_space<hbm>>
      %dma_wait3A_15 = tpu.memref_slice %arg8[%mul3A_11] : memref<320000xi32, #tpu.memory_space<hbm>> -> memref<80xi32, #tpu.memory_space<hbm>>
      tpu.wait_dma2 semaphore(%arg24 : memref<!tpu.dma_semaphore, #tpu.memory_space<semaphore_mem>>) src(%dma_wait3A_15 : memref<80xi32, #tpu.memory_space<hbm>>) dst(%arg18 : memref<80xi32, #tpu.memory_space<vmem>>)
      %dma_wait3A_16 = tpu.memref_slice %arg7[%mul3A_11] : memref<320000xi32, #tpu.memory_space<hbm>> -> memref<80xi32, #tpu.memory_space<hbm>>
      %dma_wait3A_17 = tpu.memref_slice %arg7[%mul3A_11] : memref<320000xi32, #tpu.memory_space<hbm>> -> memref<80xi32, #tpu.memory_space<hbm>>
      tpu.wait_dma2 semaphore(%arg24 : memref<!tpu.dma_semaphore, #tpu.memory_space<semaphore_mem>>) src(%dma_wait3A_17 : memref<80xi32, #tpu.memory_space<hbm>>) dst(%arg17 : memref<80xi32, #tpu.memory_space<vmem>>)
      %dma_start3A_18 = arith.constant 0 : i32
      %dma_start3A_19 = arith.constant 0 : i32
      %dma_start3A_20 = tpu.memref_slice %arg2[%dma_start3A_18, %dma_start3A_19] : memref<10000x128xf32, #tpu.memory_space<hbm>> -> memref<10000x128xf32, #tpu.memory_space<hbm>>
      tpu.enqueue_indirect_dma source(%dma_start3A_20 : memref<10000x128xf32, #tpu.memory_space<hbm>>) target(%arg19 : memref<80x128xf32, #tpu.memory_space<vmem>>) offsets(%arg18 : memref<80xi32, #tpu.memory_space<vmem>>) semaphore(%arg24 : memref<!tpu.dma_semaphore, #tpu.memory_space<semaphore_mem>>)
      %get3A = arith.constant 0 : index
      %get3A_21 = tpu.vector_load %arg18[%get3A] {strides = array<i32>} : memref<80xi32, #tpu.memory_space<vmem>>, vector<16xi32>,
      %get3A_22 = arith.constant 0 : index
      %get3A_23 = tpu.vector_load %arg17[%get3A_22] {strides = array<i32>} : memref<80xi32, #tpu.memory_space<vmem>>, vector<16xi32>,
      %gather3A = tpu.vector_load_idx %arg14[%get3A_21] : memref<10000xf32, #tpu.memory_space<vmem>>[vector<16xi32>], vector<16xf32>,
      %gather3A_24 = tpu.vector_load_idx %arg14[%get3A_23] : memref<10000xf32, #tpu.memory_space<vmem>>[vector<16xi32>], vector<16xf32>,
      %sub3A = arith.subf %gather3A, %gather3A_24 : vector<16xf32>
      %gather3A_25 = tpu.vector_load_idx %arg15[%get3A_21] : memref<10000xf32, #tpu.memory_space<vmem>>[vector<16xi32>], vector<16xf32>,
      %gather3A_26 = tpu.vector_load_idx %arg15[%get3A_23] : memref<10000xf32, #tpu.memory_space<vmem>>[vector<16xi32>], vector<16xf32>,
      %sub3A_27 = arith.subf %gather3A_25, %gather3A_26 : vector<16xf32>
      %gather3A_28 = tpu.vector_load_idx %arg16[%get3A_21] : memref<10000xf32, #tpu.memory_space<vmem>>[vector<16xi32>], vector<16xf32>,
      %gather3A_29 = tpu.vector_load_idx %arg16[%get3A_23] : memref<10000xf32, #tpu.memory_space<vmem>>[vector<16xi32>], vector<16xf32>,
      %sub3A_30 = arith.subf %gather3A_28, %gather3A_29 : vector<16xf32>
      %swap3A = arith.constant 0 : index
      %swap3A_31 = tpu.vector_load %arg20[%swap3A] {strides = array<i32>} : memref<80xf32, #tpu.memory_space<vmem>>, vector<16xf32>,
      tpu.vector_store %arg20[%swap3A], %sub3A {strides = array<i32>} : memref<80xf32, #tpu.memory_space<vmem>>, vector<16xf32>,
      %swap3A_32 = arith.constant 0 : index
      %swap3A_33 = tpu.vector_load %arg21[%swap3A_32] {strides = array<i32>} : memref<80xf32, #tpu.memory_space<vmem>>, vector<16xf32>,
      tpu.vector_store %arg21[%swap3A_32], %sub3A_27 {strides = array<i32>} : memref<80xf32, #tpu.memory_space<vmem>>, vector<16xf32>,
      %swap3A_34 = arith.constant 0 : index
      %swap3A_35 = tpu.vector_load %arg22[%swap3A_34] {strides = array<i32>} : memref<80xf32, #tpu.memory_space<vmem>>, vector<16xf32>,
      tpu.vector_store %arg22[%swap3A_34], %sub3A_30 {strides = array<i32>} : memref<80xf32, #tpu.memory_space<vmem>>, vector<16xf32>,
      %mul3A_36 = arith.mulf %sub3A, %sub3A : vector<16xf32>
      %mul3A_37 = arith.mulf %sub3A_27, %sub3A_27 : vector<16xf32>
      %add3A_38 = arith.addf %mul3A_36, %mul3A_37 : vector<16xf32>
      %mul3A_39 = arith.mulf %sub3A_30, %sub3A_30 : vector<16xf32>
      %add3A_40 = arith.addf %add3A_38, %mul3A_39 : vector<16xf32>
      %swap3A_41 = arith.constant 0 : index
      %swap3A_42 = tpu.vector_load %arg23[%swap3A_41] {strides = array<i32>} : memref<80xf32, #tpu.memory_space<vmem>>, vector<16xf32>,
      tpu.vector_store %arg23[%swap3A_41], %add3A_40 {strides = array<i32>} : memref<80xf32, #tpu.memory_space<vmem>>, vector<16xf32>,
      %get3A_43 = arith.constant 16 : index
      %get3A_44 = tpu.vector_load %arg18[%get3A_43] {strides = array<i32>} : memref<80xi32, #tpu.memory_space<vmem>>, vector<16xi32>,
      %get3A_45 = arith.constant 16 : index
      %get3A_46 = tpu.vector_load %arg17[%get3A_45] {strides = array<i32>} : memref<80xi32, #tpu.memory_space<vmem>>, vector<16xi32>,
      %gather3A_47 = tpu.vector_load_idx %arg14[%get3A_44] : memref<10000xf32, #tpu.memory_space<vmem>>[vector<16xi32>], vector<16xf32>,
      %gather3A_48 = tpu.vector_load_idx %arg14[%get3A_46] : memref<10000xf32, #tpu.memory_space<vmem>>[vector<16xi32>], vector<16xf32>,
      %sub3A_49 = arith.subf %gather3A_47, %gather3A_48 : vector<16xf32>
      %gather3A_50 = tpu.vector_load_idx %arg15[%get3A_44] : memref<10000xf32, #tpu.memory_space<vmem>>[vector<16xi32>], vector<16xf32>,
      %gather3A_51 = tpu.vector_load_idx %arg15[%get3A_46] : memref<10000xf32, #tpu.memory_space<vmem>>[vector<16xi32>], vector<16xf32>,
      %sub3A_52 = arith.subf %gather3A_50, %gather3A_51 : vector<16xf32>
      %gather3A_53 = tpu.vector_load_idx %arg16[%get3A_44] : memref<10000xf32, #tpu.memory_space<vmem>>[vector<16xi32>], vector<16xf32>,
      %gather3A_54 = tpu.vector_load_idx %arg16[%get3A_46] : memref<10000xf32, #tpu.memory_space<vmem>>[vector<16xi32>], vector<16xf32>,
      %sub3A_55 = arith.subf %gather3A_53, %gather3A_54 : vector<16xf32>
      %swap3A_56 = arith.constant 16 : index
      %swap3A_57 = tpu.vector_load %arg20[%swap3A_56] {strides = array<i32>} : memref<80xf32, #tpu.memory_space<vmem>>, vector<16xf32>,
      tpu.vector_store %arg20[%swap3A_56], %sub3A_49 {strides = array<i32>} : memref<80xf32, #tpu.memory_space<vmem>>, vector<16xf32>,
      %swap3A_58 = arith.constant 16 : index
      %swap3A_59 = tpu.vector_load %arg21[%swap3A_58] {strides = array<i32>} : memref<80xf32, #tpu.memory_space<vmem>>, vector<16xf32>,
      tpu.vector_store %arg21[%swap3A_58], %sub3A_52 {strides = array<i32>} : memref<80xf32, #tpu.memory_space<vmem>>, vector<16xf32>,
      %swap3A_60 = arith.constant 16 : index
      %swap3A_61 = tpu.vector_load %arg22[%swap3A_60] {strides = array<i32>} : memref<80xf32, #tpu.memory_space<vmem>>, vector<16xf32>,
      tpu.vector_store %arg22[%swap3A_60], %sub3A_55 {strides = array<i32>} : memref<80xf32, #tpu.memory_space<vmem>>, vector<16xf32>,
      %mul3A_62 = arith.mulf %sub3A_49, %sub3A_49 : vector<16xf32>
      %mul3A_63 = arith.mulf %sub3A_52, %sub3A_52 : vector<16xf32>
      %add3A_64 = arith.addf %mul3A_62, %mul3A_63 : vector<16xf32>
      %mul3A_65 = arith.mulf %sub3A_55, %sub3A_55 : vector<16xf32>
      %add3A_66 = arith.addf %add3A_64, %mul3A_65 : vector<16xf32>
      %swap3A_67 = arith.constant 16 : index
      %swap3A_68 = tpu.vector_load %arg23[%swap3A_67] {strides = array<i32>} : memref<80xf32, #tpu.memory_space<vmem>>, vector<16xf32>,
      tpu.vector_store %arg23[%swap3A_67], %add3A_66 {strides = array<i32>} : memref<80xf32, #tpu.memory_space<vmem>>, vector<16xf32>,
      %get3A_69 = arith.constant 32 : index
      %get3A_70 = tpu.vector_load %arg18[%get3A_69] {strides = array<i32>} : memref<80xi32, #tpu.memory_space<vmem>>, vector<16xi32>,
      %get3A_71 = arith.constant 32 : index
      %get3A_72 = tpu.vector_load %arg17[%get3A_71] {strides = array<i32>} : memref<80xi32, #tpu.memory_space<vmem>>, vector<16xi32>,
      %gather3A_73 = tpu.vector_load_idx %arg14[%get3A_70] : memref<10000xf32, #tpu.memory_space<vmem>>[vector<16xi32>], vector<16xf32>,
      %gather3A_74 = tpu.vector_load_idx %arg14[%get3A_72] : memref<10000xf32, #tpu.memory_space<vmem>>[vector<16xi32>], vector<16xf32>,
      %sub3A_75 = arith.subf %gather3A_73, %gather3A_74 : vector<16xf32>
      %gather3A_76 = tpu.vector_load_idx %arg15[%get3A_70] : memref<10000xf32, #tpu.memory_space<vmem>>[vector<16xi32>], vector<16xf32>,
      %gather3A_77 = tpu.vector_load_idx %arg15[%get3A_72] : memref<10000xf32, #tpu.memory_space<vmem>>[vector<16xi32>], vector<16xf32>,
      %sub3A_78 = arith.subf %gather3A_76, %gather3A_77 : vector<16xf32>
      %gather3A_79 = tpu.vector_load_idx %arg16[%get3A_70] : memref<10000xf32, #tpu.memory_space<vmem>>[vector<16xi32>], vector<16xf32>,
      %gather3A_80 = tpu.vector_load_idx %arg16[%get3A_72] : memref<10000xf32, #tpu.memory_space<vmem>>[vector<16xi32>], vector<16xf32>,
      %sub3A_81 = arith.subf %gather3A_79, %gather3A_80 : vector<16xf32>
      %swap3A_82 = arith.constant 32 : index
      %swap3A_83 = tpu.vector_load %arg20[%swap3A_82] {strides = array<i32>} : memref<80xf32, #tpu.memory_space<vmem>>, vector<16xf32>,
      tpu.vector_store %arg20[%swap3A_82], %sub3A_75 {strides = array<i32>} : memref<80xf32, #tpu.memory_space<vmem>>, vector<16xf32>,
      %swap3A_84 = arith.constant 32 : index
      %swap3A_85 = tpu.vector_load %arg21[%swap3A_84] {strides = array<i32>} : memref<80xf32, #tpu.memory_space<vmem>>, vector<16xf32>,
      tpu.vector_store %arg21[%swap3A_84], %sub3A_78 {strides = array<i32>} : memref<80xf32, #tpu.memory_space<vmem>>, vector<16xf32>,
      %swap3A_86 = arith.constant 32 : index
      %swap3A_87 = tpu.vector_load %arg22[%swap3A_86] {strides = array<i32>} : memref<80xf32, #tpu.memory_space<vmem>>, vector<16xf32>,
      tpu.vector_store %arg22[%swap3A_86], %sub3A_81 {strides = array<i32>} : memref<80xf32, #tpu.memory_space<vmem>>, vector<16xf32>,
      %mul3A_88 = arith.mulf %sub3A_75, %sub3A_75 : vector<16xf32>
      %mul3A_89 = arith.mulf %sub3A_78, %sub3A_78 : vector<16xf32>
      %add3A_90 = arith.addf %mul3A_88, %mul3A_89 : vector<16xf32>
      %mul3A_91 = arith.mulf %sub3A_81, %sub3A_81 : vector<16xf32>
      %add3A_92 = arith.addf %add3A_90, %mul3A_91 : vector<16xf32>
      %swap3A_93 = arith.constant 32 : index
      %swap3A_94 = tpu.vector_load %arg23[%swap3A_93] {strides = array<i32>} : memref<80xf32, #tpu.memory_space<vmem>>, vector<16xf32>,
      tpu.vector_store %arg23[%swap3A_93], %add3A_92 {strides = array<i32>} : memref<80xf32, #tpu.memory_space<vmem>>, vector<16xf32>,
      %get3A_95 = arith.constant 48 : index
      %get3A_96 = tpu.vector_load %arg18[%get3A_95] {strides = array<i32>} : memref<80xi32, #tpu.memory_space<vmem>>, vector<16xi32>,
      %get3A_97 = arith.constant 48 : index
      %get3A_98 = tpu.vector_load %arg17[%get3A_97] {strides = array<i32>} : memref<80xi32, #tpu.memory_space<vmem>>, vector<16xi32>,
      %gather3A_99 = tpu.vector_load_idx %arg14[%get3A_96] : memref<10000xf32, #tpu.memory_space<vmem>>[vector<16xi32>], vector<16xf32>,
      %gather3A_100 = tpu.vector_load_idx %arg14[%get3A_98] : memref<10000xf32, #tpu.memory_space<vmem>>[vector<16xi32>], vector<16xf32>,
      %sub3A_101 = arith.subf %gather3A_99, %gather3A_100 : vector<16xf32>
      %gather3A_102 = tpu.vector_load_idx %arg15[%get3A_96] : memref<10000xf32, #tpu.memory_space<vmem>>[vector<16xi32>], vector<16xf32>,
      %gather3A_103 = tpu.vector_load_idx %arg15[%get3A_98] : memref<10000xf32, #tpu.memory_space<vmem>>[vector<16xi32>], vector<16xf32>,
      %sub3A_104 = arith.subf %gather3A_102, %gather3A_103 : vector<16xf32>
      %gather3A_105 = tpu.vector_load_idx %arg16[%get3A_96] : memref<10000xf32, #tpu.memory_space<vmem>>[vector<16xi32>], vector<16xf32>,
      %gather3A_106 = tpu.vector_load_idx %arg16[%get3A_98] : memref<10000xf32, #tpu.memory_space<vmem>>[vector<16xi32>], vector<16xf32>,
      %sub3A_107 = arith.subf %gather3A_105, %gather3A_106 : vector<16xf32>
      %swap3A_108 = arith.constant 48 : index
      %swap3A_109 = tpu.vector_load %arg20[%swap3A_108] {strides = array<i32>} : memref<80xf32, #tpu.memory_space<vmem>>, vector<16xf32>,
      tpu.vector_store %arg20[%swap3A_108], %sub3A_101 {strides = array<i32>} : memref<80xf32, #tpu.memory_space<vmem>>, vector<16xf32>,
      %swap3A_110 = arith.constant 48 : index
      %swap3A_111 = tpu.vector_load %arg21[%swap3A_110] {strides = array<i32>} : memref<80xf32, #tpu.memory_space<vmem>>, vector<16xf32>,
      tpu.vector_store %arg21[%swap3A_110], %sub3A_104 {strides = array<i32>} : memref<80xf32, #tpu.memory_space<vmem>>, vector<16xf32>,
      %swap3A_112 = arith.constant 48 : index
      %swap3A_113 = tpu.vector_load %arg22[%swap3A_112] {strides = array<i32>} : memref<80xf32, #tpu.memory_space<vmem>>, vector<16xf32>,
      tpu.vector_store %arg22[%swap3A_112], %sub3A_107 {strides = array<i32>} : memref<80xf32, #tpu.memory_space<vmem>>, vector<16xf32>,
      %mul3A_114 = arith.mulf %sub3A_101, %sub3A_101 : vector<16xf32>
      %mul3A_115 = arith.mulf %sub3A_104, %sub3A_104 : vector<16xf32>
      %add3A_116 = arith.addf %mul3A_114, %mul3A_115 : vector<16xf32>
      %mul3A_117 = arith.mulf %sub3A_107, %sub3A_107 : vector<16xf32>
      %add3A_118 = arith.addf %add3A_116, %mul3A_117 : vector<16xf32>
      %swap3A_119 = arith.constant 48 : index
      %swap3A_120 = tpu.vector_load %arg23[%swap3A_119] {strides = array<i32>} : memref<80xf32, #tpu.memory_space<vmem>>, vector<16xf32>,
      tpu.vector_store %arg23[%swap3A_119], %add3A_118 {strides = array<i32>} : memref<80xf32, #tpu.memory_space<vmem>>, vector<16xf32>,
      %get3A_121 = arith.constant 64 : index
      %get3A_122 = tpu.vector_load %arg18[%get3A_121] {strides = array<i32>} : memref<80xi32, #tpu.memory_space<vmem>>, vector<16xi32>,
      %get3A_123 = arith.constant 64 : index
      %get3A_124 = tpu.vector_load %arg17[%get3A_123] {strides = array<i32>} : memref<80xi32, #tpu.memory_space<vmem>>, vector<16xi32>,
      %gather3A_125 = tpu.vector_load_idx %arg14[%get3A_122] : memref<10000xf32, #tpu.memory_space<vmem>>[vector<16xi32>], vector<16xf32>,
      %gather3A_126 = tpu.vector_load_idx %arg14[%get3A_124] : memref<10000xf32, #tpu.memory_space<vmem>>[vector<16xi32>], vector<16xf32>,
      %sub3A_127 = arith.subf %gather3A_125, %gather3A_126 : vector<16xf32>
      %gather3A_128 = tpu.vector_load_idx %arg15[%get3A_122] : memref<10000xf32, #tpu.memory_space<vmem>>[vector<16xi32>], vector<16xf32>,
      %gather3A_129 = tpu.vector_load_idx %arg15[%get3A_124] : memref<10000xf32, #tpu.memory_space<vmem>>[vector<16xi32>], vector<16xf32>,
      %sub3A_130 = arith.subf %gather3A_128, %gather3A_129 : vector<16xf32>
      %gather3A_131 = tpu.vector_load_idx %arg16[%get3A_122] : memref<10000xf32, #tpu.memory_space<vmem>>[vector<16xi32>], vector<16xf32>,
      %gather3A_132 = tpu.vector_load_idx %arg16[%get3A_124] : memref<10000xf32, #tpu.memory_space<vmem>>[vector<16xi32>], vector<16xf32>,
      %sub3A_133 = arith.subf %gather3A_131, %gather3A_132 : vector<16xf32>
      %swap3A_134 = arith.constant 64 : index
      %swap3A_135 = tpu.vector_load %arg20[%swap3A_134] {strides = array<i32>} : memref<80xf32, #tpu.memory_space<vmem>>, vector<16xf32>,
      tpu.vector_store %arg20[%swap3A_134], %sub3A_127 {strides = array<i32>} : memref<80xf32, #tpu.memory_space<vmem>>, vector<16xf32>,
      %swap3A_136 = arith.constant 64 : index
      %swap3A_137 = tpu.vector_load %arg21[%swap3A_136] {strides = array<i32>} : memref<80xf32, #tpu.memory_space<vmem>>, vector<16xf32>,
      tpu.vector_store %arg21[%swap3A_136], %sub3A_130 {strides = array<i32>} : memref<80xf32, #tpu.memory_space<vmem>>, vector<16xf32>,
      %swap3A_138 = arith.constant 64 : index
      %swap3A_139 = tpu.vector_load %arg22[%swap3A_138] {strides = array<i32>} : memref<80xf32, #tpu.memory_space<vmem>>, vector<16xf32>,
      tpu.vector_store %arg22[%swap3A_138], %sub3A_133 {strides = array<i32>} : memref<80xf32, #tpu.memory_space<vmem>>, vector<16xf32>,
      %mul3A_140 = arith.mulf %sub3A_127, %sub3A_127 : vector<16xf32>
      %mul3A_141 = arith.mulf %sub3A_130, %sub3A_130 : vector<16xf32>
      %add3A_142 = arith.addf %mul3A_140, %mul3A_141 : vector<16xf32>
      %mul3A_143 = arith.mulf %sub3A_133, %sub3A_133 : vector<16xf32>
      %add3A_144 = arith.addf %add3A_142, %mul3A_143 : vector<16xf32>
      %swap3A_145 = arith.constant 64 : index
      %swap3A_146 = tpu.vector_load %arg23[%swap3A_145] {strides = array<i32>} : memref<80xf32, #tpu.memory_space<vmem>>, vector<16xf32>,
      tpu.vector_store %arg23[%swap3A_145], %add3A_144 {strides = array<i32>} : memref<80xf32, #tpu.memory_space<vmem>>, vector<16xf32>,
      %dma_wait3A_147 = arith.constant 0 : i32
      %dma_wait3A_148 = arith.constant 0 : i32
      %dma_wait3A_149 = tpu.memref_slice %arg2[%dma_wait3A_147, %dma_wait3A_148] : memref<10000x128xf32, #tpu.memory_space<hbm>> -> memref<10000x128xf32, #tpu.memory_space<hbm>>
      tpu.wait_indirect_dma semaphore(%arg24 : memref<!tpu.dma_semaphore, #tpu.memory_space<semaphore_mem>>) src(%dma_wait3A_149 : memref<10000x128xf32, #tpu.memory_space<hbm>>) dst(%arg19 : memref<80x128xf32, #tpu.memory_space<vmem>>)
      %dma_start3A_150 = arith.constant 0 : i32
      %dma_start3A_151 = arith.constant 0 : i32
      %dma_start3A_152 = tpu.memref_slice %arg3[%dma_start3A_150, %dma_start3A_151] : memref<10000x128xf32, #tpu.memory_space<hbm>> -> memref<10000x128xf32, #tpu.memory_space<hbm>>
      tpu.enqueue_indirect_dma source(%dma_start3A_152 : memref<10000x128xf32, #tpu.memory_space<hbm>>) target(%arg19 : memref<80x128xf32, #tpu.memory_space<vmem>>) offsets(%arg17 : memref<80xi32, #tpu.memory_space<vmem>>) semaphore(%arg24 : memref<!tpu.dma_semaphore, #tpu.memory_space<semaphore_mem>>) {add = true}
      %dma_wait3A_153 = arith.constant 0 : i32
      %dma_wait3A_154 = arith.constant 0 : i32
      %dma_wait3A_155 = tpu.memref_slice %arg3[%dma_wait3A_153, %dma_wait3A_154] : memref<10000x128xf32, #tpu.memory_space<hbm>> -> memref<10000x128xf32, #tpu.memory_space<hbm>>
      tpu.wait_indirect_dma semaphore(%arg24 : memref<!tpu.dma_semaphore, #tpu.memory_space<semaphore_mem>>) src(%dma_wait3A_155 : memref<10000x128xf32, #tpu.memory_space<hbm>>) dst(%arg19 : memref<80x128xf32, #tpu.memory_space<vmem>>)
      %dma_start3A_156 = arith.constant 0 : i32
      %dma_start3A_157 = tpu.memref_slice %arg9[%mul3A_11, %dma_start3A_156] : memref<320000x128xf32, #tpu.memory_space<hbm>> -> memref<80x128xf32, #tpu.memory_space<hbm>>
      %dma_start3A_158 = arith.constant 0 : i32
      %dma_start3A_159 = tpu.memref_slice %arg9[%mul3A_11, %dma_start3A_158] : memref<320000x128xf32, #tpu.memory_space<hbm>> -> memref<80x128xf32, #tpu.memory_space<hbm>>
      tpu.enqueue_dma source(%arg19 : memref<80x128xf32, #tpu.memory_space<vmem>>) target(%dma_start3A_159 : memref<80x128xf32, #tpu.memory_space<hbm>>) target_semaphore(%arg24 : memref<!tpu.dma_semaphore, #tpu.memory_space<semaphore_mem>>)
      %dma_start3A_160 = tpu.memref_slice %arg10[%mul3A_11] : memref<320000xf32, #tpu.memory_space<hbm>> -> memref<80xf32, #tpu.memory_space<hbm>>
      %dma_start3A_161 = tpu.memref_slice %arg10[%mul3A_11] : memref<320000xf32, #tpu.memory_space<hbm>> -> memref<80xf32, #tpu.memory_space<hbm>>
      tpu.enqueue_dma source(%arg20 : memref<80xf32, #tpu.memory_space<vmem>>) target(%dma_start3A_161 : memref<80xf32, #tpu.memory_space<hbm>>) target_semaphore(%arg24 : memref<!tpu.dma_semaphore, #tpu.memory_space<semaphore_mem>>)
      %dma_start3A_162 = tpu.memref_slice %arg11[%mul3A_11] : memref<320000xf32, #tpu.memory_space<hbm>> -> memref<80xf32, #tpu.memory_space<hbm>>
      %dma_start3A_163 = tpu.memref_slice %arg11[%mul3A_11] : memref<320000xf32, #tpu.memory_space<hbm>> -> memref<80xf32, #tpu.memory_space<hbm>>
      tpu.enqueue_dma source(%arg21 : memref<80xf32, #tpu.memory_space<vmem>>) target(%dma_start3A_163 : memref<80xf32, #tpu.memory_space<hbm>>) target_semaphore(%arg24 : memref<!tpu.dma_semaphore, #tpu.memory_space<semaphore_mem>>)
      %dma_start3A_164 = tpu.memref_slice %arg12[%mul3A_11] : memref<320000xf32, #tpu.memory_space<hbm>> -> memref<80xf32, #tpu.memory_space<hbm>>
      %dma_start3A_165 = tpu.memref_slice %arg12[%mul3A_11] : memref<320000xf32, #tpu.memory_space<hbm>> -> memref<80xf32, #tpu.memory_space<hbm>>
      tpu.enqueue_dma source(%arg22 : memref<80xf32, #tpu.memory_space<vmem>>) target(%dma_start3A_165 : memref<80xf32, #tpu.memory_space<hbm>>) target_semaphore(%arg24 : memref<!tpu.dma_semaphore, #tpu.memory_space<semaphore_mem>>)
      %dma_start3A_166 = tpu.memref_slice %arg13[%mul3A_11] : memref<320000xf32, #tpu.memory_space<hbm>> -> memref<80xf32, #tpu.memory_space<hbm>>
      %dma_start3A_167 = tpu.memref_slice %arg13[%mul3A_11] : memref<320000xf32, #tpu.memory_space<hbm>> -> memref<80xf32, #tpu.memory_space<hbm>>
      tpu.enqueue_dma source(%arg23 : memref<80xf32, #tpu.memory_space<vmem>>) target(%dma_start3A_167 : memref<80xf32, #tpu.memory_space<hbm>>) target_semaphore(%arg24 : memref<!tpu.dma_semaphore, #tpu.memory_space<semaphore_mem>>)
      %dma_wait3A_168 = arith.constant 0 : i32
      %dma_wait3A_169 = tpu.memref_slice %arg9[%mul3A_11, %dma_wait3A_168] : memref<320000x128xf32, #tpu.memory_space<hbm>> -> memref<80x128xf32, #tpu.memory_space<hbm>>
      %dma_wait3A_170 = arith.constant 0 : i32
      %dma_wait3A_171 = tpu.memref_slice %arg9[%mul3A_11, %dma_wait3A_170] : memref<320000x128xf32, #tpu.memory_space<hbm>> -> memref<80x128xf32, #tpu.memory_space<hbm>>
      tpu.wait_dma2 semaphore(%arg24 : memref<!tpu.dma_semaphore, #tpu.memory_space<semaphore_mem>>) src(%arg19 : memref<80x128xf32, #tpu.memory_space<vmem>>) dst(%dma_wait3A_171 : memref<80x128xf32, #tpu.memory_space<hbm>>)
      %dma_wait3A_172 = tpu.memref_slice %arg10[%mul3A_11] : memref<320000xf32, #tpu.memory_space<hbm>> -> memref<80xf32, #tpu.memory_space<hbm>>
      %dma_wait3A_173 = tpu.memref_slice %arg10[%mul3A_11] : memref<320000xf32, #tpu.memory_space<hbm>> -> memref<80xf32, #tpu.memory_space<hbm>>
      tpu.wait_dma2 semaphore(%arg24 : memref<!tpu.dma_semaphore, #tpu.memory_space<semaphore_mem>>) src(%arg20 : memref<80xf32, #tpu.memory_space<vmem>>) dst(%dma_wait3A_173 : memref<80xf32, #tpu.memory_space<hbm>>)
      %dma_wait3A_174 = tpu.memref_slice %arg11[%mul3A_11] : memref<320000xf32, #tpu.memory_space<hbm>> -> memref<80xf32, #tpu.memory_space<hbm>>
      %dma_wait3A_175 = tpu.memref_slice %arg11[%mul3A_11] : memref<320000xf32, #tpu.memory_space<hbm>> -> memref<80xf32, #tpu.memory_space<hbm>>
      tpu.wait_dma2 semaphore(%arg24 : memref<!tpu.dma_semaphore, #tpu.memory_space<semaphore_mem>>) src(%arg21 : memref<80xf32, #tpu.memory_space<vmem>>) dst(%dma_wait3A_175 : memref<80xf32, #tpu.memory_space<hbm>>)
      %dma_wait3A_176 = tpu.memref_slice %arg12[%mul3A_11] : memref<320000xf32, #tpu.memory_space<hbm>> -> memref<80xf32, #tpu.memory_space<hbm>>
      %dma_wait3A_177 = tpu.memref_slice %arg12[%mul3A_11] : memref<320000xf32, #tpu.memory_space<hbm>> -> memref<80xf32, #tpu.memory_space<hbm>>
      tpu.wait_dma2 semaphore(%arg24 : memref<!tpu.dma_semaphore, #tpu.memory_space<semaphore_mem>>) src(%arg22 : memref<80xf32, #tpu.memory_space<vmem>>) dst(%dma_wait3A_177 : memref<80xf32, #tpu.memory_space<hbm>>)
      %dma_wait3A_178 = tpu.memref_slice %arg13[%mul3A_11] : memref<320000xf32, #tpu.memory_space<hbm>> -> memref<80xf32, #tpu.memory_space<hbm>>
      %dma_wait3A_179 = tpu.memref_slice %arg13[%mul3A_11] : memref<320000xf32, #tpu.memory_space<hbm>> -> memref<80xf32, #tpu.memory_space<hbm>>
      tpu.wait_dma2 semaphore(%arg24 : memref<!tpu.dma_semaphore, #tpu.memory_space<semaphore_mem>>) src(%arg23 : memref<80xf32, #tpu.memory_space<vmem>>) dst(%dma_wait3A_179 : memref<80xf32, #tpu.memory_space<hbm>>)
    }
    %scan3A_5 = arith.constant 125 : i32
    return
  }
}

#map = affine_map<(d0, d1) -> (0, 0)>
#map1 = affine_map<(d0, d1) -> (0)>
module attributes {stable_mosaic.version = 14 : i64} {
  func.func @_scatter_body(%arg0: i32, %arg1: i32, %arg2: memref<320000x128xf32, #tpu.memory_space<hbm>>, %arg3: memref<320000xf32, #tpu.memory_space<hbm>>, %arg4: memref<320000xf32, #tpu.memory_space<hbm>>, %arg5: memref<320000xf32, #tpu.memory_space<hbm>>, %arg6: memref<320000xi32, #tpu.memory_space<hbm>>, %arg7: memref<10000x128xf32, #tpu.memory_space<hbm>>, %arg8: memref<40000xf32, #tpu.memory_space<hbm>>, %arg9: memref<20000x128xf32, #tpu.memory_space<hbm>>, %arg10: memref<80000xf32, #tpu.memory_space<hbm>>, %arg11: memref<80xi32, #tpu.memory_space<vmem>>, %arg12: memref<80xi32, #tpu.memory_space<vmem>>, %arg13: memref<80xi32, #tpu.memory_space<vmem>>, %arg14: memref<80xi32, #tpu.memory_space<vmem>>, %arg15: memref<80x128xf32, #tpu.memory_space<vmem>>, %arg16: memref<80xf32, #tpu.memory_space<vmem>>, %arg17: memref<80xf32, #tpu.memory_space<vmem>>, %arg18: memref<80xf32, #tpu.memory_space<vmem>>, %arg19: memref<80xf32, #tpu.memory_space<vmem>>, %arg20: memref<5000xf32, #tpu.memory_space<vmem>>, %arg21: memref<10000x128xf32, #tpu.memory_space<vmem_shared>>, %arg22: memref<40000xf32, #tpu.memory_space<vmem_shared>>, %arg23: memref<!tpu.dma_semaphore, #tpu.memory_space<semaphore_mem>>) attributes {dimension_semantics = [#tpu.dimension_semantics<core_parallel>, #tpu.dimension_semantics<subcore_parallel>], iteration_bounds = array<i64: 2, 16>, scalar_prefetch = 0 : i64, scratch_operands = 13 : i64, tpu.core_type = #tpu.core_type<sc_vector_subcore>, window_params = [{transform_indices = #map}, {transform_indices = #map1}, {transform_indices = #map1}, {transform_indices = #map1}, {transform_indices = #map1}, {transform_indices = #map}, {transform_indices = #map1}, {transform_indices = #map}, {transform_indices = #map1}]} {
    %mul3A = arith.constant 2 : i32
    %mul3A_0 = arith.muli %arg1, %mul3A : i32
    %add3A = arith.addi %mul3A_0, %arg0 : i32
    %mul3A_1 = arith.constant 624 : i32
    %mul3A_2 = arith.muli %arg1, %mul3A_1 : i32
    %mul3A_3 = arith.constant 624 : i32
    %mul3A_4 = arith.muli %arg1, %mul3A_3 : i32
    "tpu.region"() ({
      %run_scoped3A = tpu.sem_alloc : memref<!tpu.dma_semaphore, #tpu.memory_space<semaphore_mem>>
      %dma_start3A = arith.constant 0 : i32
      %dma_start3A_52 = tpu.memref_slice %arg21[%mul3A_4, %dma_start3A] : memref<10000x128xf32, #tpu.memory_space<vmem_shared>> -> memref<624x128xf32, #tpu.memory_space<vmem_shared>>
      %dma_start3A_53 = arith.constant 0 : i32
      %dma_start3A_54 = tpu.memref_slice %arg7[%mul3A_2, %dma_start3A_53] : memref<10000x128xf32, #tpu.memory_space<hbm>> -> memref<624x128xf32, #tpu.memory_space<hbm>>
      tpu.enqueue_dma source(%dma_start3A_54 : memref<624x128xf32, #tpu.memory_space<hbm>>) target(%dma_start3A_52 : memref<624x128xf32, #tpu.memory_space<vmem_shared>>) target_semaphore(%run_scoped3A : memref<!tpu.dma_semaphore, #tpu.memory_space<semaphore_mem>>)
      %dma_wait3A = arith.constant 0 : i32
      %dma_wait3A_55 = tpu.memref_slice %arg21[%mul3A_4, %dma_wait3A] : memref<10000x128xf32, #tpu.memory_space<vmem_shared>> -> memref<624x128xf32, #tpu.memory_space<vmem_shared>>
      %dma_wait3A_56 = arith.constant 0 : i32
      %dma_wait3A_57 = tpu.memref_slice %arg7[%mul3A_2, %dma_wait3A_56] : memref<10000x128xf32, #tpu.memory_space<hbm>> -> memref<624x128xf32, #tpu.memory_space<hbm>>
      tpu.wait_dma2 semaphore(%run_scoped3A : memref<!tpu.dma_semaphore, #tpu.memory_space<semaphore_mem>>) src(%dma_wait3A_57 : memref<624x128xf32, #tpu.memory_space<hbm>>) dst(%dma_wait3A_55 : memref<624x128xf32, #tpu.memory_space<vmem_shared>>)
      tpu.yield
    }) : () -> ()
    %eq3A = arith.constant 15 : i32
    %eq3A_5 = arith.cmpi eq, %arg1, %eq3A : i32
    %convert_element_type3A = arith.extui %eq3A_5 : i1 to i32
    %cond3A = arith.constant 0 : i32
    %cond3A_6 = arith.cmpi ne, %convert_element_type3A, %cond3A : i32
    scf.if %cond3A_6 {
      "tpu.region"() ({
        %run_scoped3A = tpu.sem_alloc : memref<!tpu.dma_semaphore, #tpu.memory_space<semaphore_mem>>
        %dma_start3A = arith.constant 9984 : i32
        %dma_start3A_52 = arith.constant 0 : i32
        %dma_start3A_53 = tpu.memref_slice %arg21[%dma_start3A, %dma_start3A_52] : memref<10000x128xf32, #tpu.memory_space<vmem_shared>> -> memref<16x128xf32, #tpu.memory_space<vmem_shared>>
        %dma_start3A_54 = arith.constant 9984 : i32
        %dma_start3A_55 = arith.constant 0 : i32
        %dma_start3A_56 = tpu.memref_slice %arg7[%dma_start3A_54, %dma_start3A_55] : memref<10000x128xf32, #tpu.memory_space<hbm>> -> memref<16x128xf32, #tpu.memory_space<hbm>>
        tpu.enqueue_dma source(%dma_start3A_56 : memref<16x128xf32, #tpu.memory_space<hbm>>) target(%dma_start3A_53 : memref<16x128xf32, #tpu.memory_space<vmem_shared>>) target_semaphore(%run_scoped3A : memref<!tpu.dma_semaphore, #tpu.memory_space<semaphore_mem>>)
        %dma_wait3A = arith.constant 9984 : i32
        %dma_wait3A_57 = arith.constant 0 : i32
        %dma_wait3A_58 = tpu.memref_slice %arg21[%dma_wait3A, %dma_wait3A_57] : memref<10000x128xf32, #tpu.memory_space<vmem_shared>> -> memref<16x128xf32, #tpu.memory_space<vmem_shared>>
        %dma_wait3A_59 = arith.constant 9984 : i32
        %dma_wait3A_60 = arith.constant 0 : i32
        %dma_wait3A_61 = tpu.memref_slice %arg7[%dma_wait3A_59, %dma_wait3A_60] : memref<10000x128xf32, #tpu.memory_space<hbm>> -> memref<16x128xf32, #tpu.memory_space<hbm>>
        tpu.wait_dma2 semaphore(%run_scoped3A : memref<!tpu.dma_semaphore, #tpu.memory_space<semaphore_mem>>) src(%dma_wait3A_61 : memref<16x128xf32, #tpu.memory_space<hbm>>) dst(%dma_wait3A_58 : memref<16x128xf32, #tpu.memory_space<vmem_shared>>)
        tpu.yield
      }) : () -> ()
    } else {
    }
    %lt3A = arith.constant 8 : i32
    %lt3A_7 = arith.cmpi slt, %arg1, %lt3A : i32
    %convert_element_type3A_8 = arith.extui %lt3A_7 : i1 to i32
    %cond3A_9 = arith.constant 0 : i32
    %cond3A_10 = arith.cmpi ne, %convert_element_type3A_8, %cond3A_9 : i32
    scf.if %cond3A_10 {
      %mul3A_52 = arith.constant 5000 : i32
      %mul3A_53 = arith.muli %arg1, %mul3A_52 : i32
      "tpu.region"() ({
        %run_scoped3A = tpu.sem_alloc : memref<!tpu.dma_semaphore, #tpu.memory_space<semaphore_mem>>
        %dma_start3A = tpu.memref_slice %arg8[%mul3A_53] : memref<40000xf32, #tpu.memory_space<hbm>> -> memref<5000xf32, #tpu.memory_space<hbm>>
        %dma_start3A_56 = tpu.memref_slice %arg8[%mul3A_53] : memref<40000xf32, #tpu.memory_space<hbm>> -> memref<5000xf32, #tpu.memory_space<hbm>>
        tpu.enqueue_dma source(%dma_start3A_56 : memref<5000xf32, #tpu.memory_space<hbm>>) target(%arg20 : memref<5000xf32, #tpu.memory_space<vmem>>) target_semaphore(%run_scoped3A : memref<!tpu.dma_semaphore, #tpu.memory_space<semaphore_mem>>)
        %dma_wait3A = tpu.memref_slice %arg8[%mul3A_53] : memref<40000xf32, #tpu.memory_space<hbm>> -> memref<5000xf32, #tpu.memory_space<hbm>>
        %dma_wait3A_57 = tpu.memref_slice %arg8[%mul3A_53] : memref<40000xf32, #tpu.memory_space<hbm>> -> memref<5000xf32, #tpu.memory_space<hbm>>
        tpu.wait_dma2 semaphore(%run_scoped3A : memref<!tpu.dma_semaphore, #tpu.memory_space<semaphore_mem>>) src(%dma_wait3A_57 : memref<5000xf32, #tpu.memory_space<hbm>>) dst(%arg20 : memref<5000xf32, #tpu.memory_space<vmem>>)
        tpu.yield
      }) : () -> ()
      %mul3A_54 = arith.constant 5000 : i32
      %mul3A_55 = arith.muli %arg1, %mul3A_54 : i32
      "tpu.region"() ({
        %run_scoped3A = tpu.sem_alloc : memref<!tpu.dma_semaphore, #tpu.memory_space<semaphore_mem>>
        %dma_start3A = tpu.memref_slice %arg22[%mul3A_55] : memref<40000xf32, #tpu.memory_space<vmem_shared>> -> memref<5000xf32, #tpu.memory_space<vmem_shared>>
        %dma_start3A_56 = tpu.memref_slice %arg22[%mul3A_55] : memref<40000xf32, #tpu.memory_space<vmem_shared>> -> memref<5000xf32, #tpu.memory_space<vmem_shared>>
        tpu.enqueue_dma source(%arg20 : memref<5000xf32, #tpu.memory_space<vmem>>) target(%dma_start3A_56 : memref<5000xf32, #tpu.memory_space<vmem_shared>>) target_semaphore(%run_scoped3A : memref<!tpu.dma_semaphore, #tpu.memory_space<semaphore_mem>>)
        %dma_wait3A = tpu.memref_slice %arg22[%mul3A_55] : memref<40000xf32, #tpu.memory_space<vmem_shared>> -> memref<5000xf32, #tpu.memory_space<vmem_shared>>
        %dma_wait3A_57 = tpu.memref_slice %arg22[%mul3A_55] : memref<40000xf32, #tpu.memory_space<vmem_shared>> -> memref<5000xf32, #tpu.memory_space<vmem_shared>>
        tpu.wait_dma2 semaphore(%run_scoped3A : memref<!tpu.dma_semaphore, #tpu.memory_space<semaphore_mem>>) src(%arg20 : memref<5000xf32, #tpu.memory_space<vmem>>) dst(%dma_wait3A_57 : memref<5000xf32, #tpu.memory_space<vmem_shared>>)
        tpu.yield
      }) : () -> ()
    } else {
    }
    %broadcast_in_dim3A = arith.constant 1.000000e+00 : f32
    %broadcast_in_dim3A_11 = vector.broadcast %broadcast_in_dim3A : f32 to vector<16xf32>
    %swap3A = arith.constant 0 : index
    %swap3A_12 = tpu.vector_load %arg19[%swap3A] {strides = array<i32>} : memref<80xf32, #tpu.memory_space<vmem>>, vector<16xf32>,
    tpu.vector_store %arg19[%swap3A], %broadcast_in_dim3A_11 {strides = array<i32>} : memref<80xf32, #tpu.memory_space<vmem>>, vector<16xf32>,
    %broadcast_in_dim3A_13 = arith.constant 1.000000e+00 : f32
    %broadcast_in_dim3A_14 = vector.broadcast %broadcast_in_dim3A_13 : f32 to vector<16xf32>
    %swap3A_15 = arith.constant 16 : index
    %swap3A_16 = tpu.vector_load %arg19[%swap3A_15] {strides = array<i32>} : memref<80xf32, #tpu.memory_space<vmem>>, vector<16xf32>,
    tpu.vector_store %arg19[%swap3A_15], %broadcast_in_dim3A_14 {strides = array<i32>} : memref<80xf32, #tpu.memory_space<vmem>>, vector<16xf32>,
    %broadcast_in_dim3A_17 = arith.constant 1.000000e+00 : f32
    %broadcast_in_dim3A_18 = vector.broadcast %broadcast_in_dim3A_17 : f32 to vector<16xf32>
    %swap3A_19 = arith.constant 32 : index
    %swap3A_20 = tpu.vector_load %arg19[%swap3A_19] {strides = array<i32>} : memref<80xf32, #tpu.memory_space<vmem>>, vector<16xf32>,
    tpu.vector_store %arg19[%swap3A_19], %broadcast_in_dim3A_18 {strides = array<i32>} : memref<80xf32, #tpu.memory_space<vmem>>, vector<16xf32>,
    %broadcast_in_dim3A_21 = arith.constant 1.000000e+00 : f32
    %broadcast_in_dim3A_22 = vector.broadcast %broadcast_in_dim3A_21 : f32 to vector<16xf32>
    %swap3A_23 = arith.constant 48 : index
    %swap3A_24 = tpu.vector_load %arg19[%swap3A_23] {strides = array<i32>} : memref<80xf32, #tpu.memory_space<vmem>>, vector<16xf32>,
    tpu.vector_store %arg19[%swap3A_23], %broadcast_in_dim3A_22 {strides = array<i32>} : memref<80xf32, #tpu.memory_space<vmem>>, vector<16xf32>,
    %broadcast_in_dim3A_25 = arith.constant 1.000000e+00 : f32
    %broadcast_in_dim3A_26 = vector.broadcast %broadcast_in_dim3A_25 : f32 to vector<16xf32>
    %swap3A_27 = arith.constant 64 : index
    %swap3A_28 = tpu.vector_load %arg19[%swap3A_27] {strides = array<i32>} : memref<80xf32, #tpu.memory_space<vmem>>, vector<16xf32>,
    tpu.vector_store %arg19[%swap3A_27], %broadcast_in_dim3A_26 {strides = array<i32>} : memref<80xf32, #tpu.memory_space<vmem>>, vector<16xf32>,
    %barrier3A = arith.constant 0 : index
    tpu.barrier barrier_id(%barrier3A)
    %scan3A = arith.constant 0 : i32
    %scan3A_29 = arith.constant 0 : i32
    %scan3A_30 = arith.constant 125 : i32
    %scan3A_31 = arith.addi %scan3A_29, %scan3A_30 : i32
    %scan3A_32 = arith.constant 1 : i32
    scf.for %scan3A_52 = %scan3A_29 to %scan3A_31 step %scan3A_32  : i32 {
      %mul3A_53 = arith.constant 32 : i32
      %mul3A_54 = arith.muli %mul3A_53, %scan3A_52 : i32
      %add3A_55 = arith.addi %add3A, %mul3A_54 : i32
      %mul3A_56 = arith.constant 80 : i32
      %mul3A_57 = arith.muli %add3A_55, %mul3A_56 : i32
      %dma_start3A = tpu.memref_slice %arg6[%mul3A_57] : memref<320000xi32, #tpu.memory_space<hbm>> -> memref<80xi32, #tpu.memory_space<hbm>>
      %dma_start3A_58 = tpu.memref_slice %arg6[%mul3A_57] : memref<320000xi32, #tpu.memory_space<hbm>> -> memref<80xi32, #tpu.memory_space<hbm>>
      tpu.enqueue_dma source(%dma_start3A_58 : memref<80xi32, #tpu.memory_space<hbm>>) target(%arg11 : memref<80xi32, #tpu.memory_space<vmem>>) target_semaphore(%arg23 : memref<!tpu.dma_semaphore, #tpu.memory_space<semaphore_mem>>)
      %dma_wait3A = tpu.memref_slice %arg6[%mul3A_57] : memref<320000xi32, #tpu.memory_space<hbm>> -> memref<80xi32, #tpu.memory_space<hbm>>
      %dma_wait3A_59 = tpu.memref_slice %arg6[%mul3A_57] : memref<320000xi32, #tpu.memory_space<hbm>> -> memref<80xi32, #tpu.memory_space<hbm>>
      tpu.wait_dma2 semaphore(%arg23 : memref<!tpu.dma_semaphore, #tpu.memory_space<semaphore_mem>>) src(%dma_wait3A_59 : memref<80xi32, #tpu.memory_space<hbm>>) dst(%arg11 : memref<80xi32, #tpu.memory_space<vmem>>)
      %dma_start3A_60 = arith.constant 0 : i32
      %dma_start3A_61 = tpu.memref_slice %arg2[%mul3A_57, %dma_start3A_60] : memref<320000x128xf32, #tpu.memory_space<hbm>> -> memref<80x128xf32, #tpu.memory_space<hbm>>
      %dma_start3A_62 = arith.constant 0 : i32
      %dma_start3A_63 = tpu.memref_slice %arg2[%mul3A_57, %dma_start3A_62] : memref<320000x128xf32, #tpu.memory_space<hbm>> -> memref<80x128xf32, #tpu.memory_space<hbm>>
      tpu.enqueue_dma source(%dma_start3A_63 : memref<80x128xf32, #tpu.memory_space<hbm>>) target(%arg15 : memref<80x128xf32, #tpu.memory_space<vmem>>) target_semaphore(%arg23 : memref<!tpu.dma_semaphore, #tpu.memory_space<semaphore_mem>>)
      %dma_start3A_64 = tpu.memref_slice %arg3[%mul3A_57] : memref<320000xf32, #tpu.memory_space<hbm>> -> memref<80xf32, #tpu.memory_space<hbm>>
      %dma_start3A_65 = tpu.memref_slice %arg3[%mul3A_57] : memref<320000xf32, #tpu.memory_space<hbm>> -> memref<80xf32, #tpu.memory_space<hbm>>
      tpu.enqueue_dma source(%dma_start3A_65 : memref<80xf32, #tpu.memory_space<hbm>>) target(%arg16 : memref<80xf32, #tpu.memory_space<vmem>>) target_semaphore(%arg23 : memref<!tpu.dma_semaphore, #tpu.memory_space<semaphore_mem>>)
      %dma_start3A_66 = tpu.memref_slice %arg4[%mul3A_57] : memref<320000xf32, #tpu.memory_space<hbm>> -> memref<80xf32, #tpu.memory_space<hbm>>
      %dma_start3A_67 = tpu.memref_slice %arg4[%mul3A_57] : memref<320000xf32, #tpu.memory_space<hbm>> -> memref<80xf32, #tpu.memory_space<hbm>>
      tpu.enqueue_dma source(%dma_start3A_67 : memref<80xf32, #tpu.memory_space<hbm>>) target(%arg17 : memref<80xf32, #tpu.memory_space<vmem>>) target_semaphore(%arg23 : memref<!tpu.dma_semaphore, #tpu.memory_space<semaphore_mem>>)
      %dma_start3A_68 = tpu.memref_slice %arg5[%mul3A_57] : memref<320000xf32, #tpu.memory_space<hbm>> -> memref<80xf32, #tpu.memory_space<hbm>>
      %dma_start3A_69 = tpu.memref_slice %arg5[%mul3A_57] : memref<320000xf32, #tpu.memory_space<hbm>> -> memref<80xf32, #tpu.memory_space<hbm>>
      tpu.enqueue_dma source(%dma_start3A_69 : memref<80xf32, #tpu.memory_space<hbm>>) target(%arg18 : memref<80xf32, #tpu.memory_space<vmem>>) target_semaphore(%arg23 : memref<!tpu.dma_semaphore, #tpu.memory_space<semaphore_mem>>)
      %get3A = arith.constant 0 : index
      %get3A_70 = tpu.vector_load %arg11[%get3A] {strides = array<i32>} : memref<80xi32, #tpu.memory_space<vmem>>, vector<16xi32>,
      %add3A_71 = arith.constant 10000 : i32
      %add3A_72 = vector.broadcast %add3A_71 : i32 to vector<16xi32>
      %add3A_73 = arith.addi %get3A_70, %add3A_72 : vector<16xi32>
      %swap3A_74 = arith.constant 0 : index
      %swap3A_75 = tpu.vector_load %arg12[%swap3A_74] {strides = array<i32>} : memref<80xi32, #tpu.memory_space<vmem>>, vector<16xi32>,
      tpu.vector_store %arg12[%swap3A_74], %add3A_73 {strides = array<i32>} : memref<80xi32, #tpu.memory_space<vmem>>, vector<16xi32>,
      %add3A_76 = arith.constant 20000 : i32
      %add3A_77 = vector.broadcast %add3A_76 : i32 to vector<16xi32>
      %add3A_78 = arith.addi %get3A_70, %add3A_77 : vector<16xi32>
      %swap3A_79 = arith.constant 0 : index
      %swap3A_80 = tpu.vector_load %arg13[%swap3A_79] {strides = array<i32>} : memref<80xi32, #tpu.memory_space<vmem>>, vector<16xi32>,
      tpu.vector_store %arg13[%swap3A_79], %add3A_78 {strides = array<i32>} : memref<80xi32, #tpu.memory_space<vmem>>, vector<16xi32>,
      %add3A_81 = arith.constant 30000 : i32
      %add3A_82 = vector.broadcast %add3A_81 : i32 to vector<16xi32>
      %add3A_83 = arith.addi %get3A_70, %add3A_82 : vector<16xi32>
      %swap3A_84 = arith.constant 0 : index
      %swap3A_85 = tpu.vector_load %arg14[%swap3A_84] {strides = array<i32>} : memref<80xi32, #tpu.memory_space<vmem>>, vector<16xi32>,
      tpu.vector_store %arg14[%swap3A_84], %add3A_83 {strides = array<i32>} : memref<80xi32, #tpu.memory_space<vmem>>, vector<16xi32>,
      %get3A_86 = arith.constant 16 : index
      %get3A_87 = tpu.vector_load %arg11[%get3A_86] {strides = array<i32>} : memref<80xi32, #tpu.memory_space<vmem>>, vector<16xi32>,
      %add3A_88 = arith.constant 10000 : i32
      %add3A_89 = vector.broadcast %add3A_88 : i32 to vector<16xi32>
      %add3A_90 = arith.addi %get3A_87, %add3A_89 : vector<16xi32>
      %swap3A_91 = arith.constant 16 : index
      %swap3A_92 = tpu.vector_load %arg12[%swap3A_91] {strides = array<i32>} : memref<80xi32, #tpu.memory_space<vmem>>, vector<16xi32>,
      tpu.vector_store %arg12[%swap3A_91], %add3A_90 {strides = array<i32>} : memref<80xi32, #tpu.memory_space<vmem>>, vector<16xi32>,
      %add3A_93 = arith.constant 20000 : i32
      %add3A_94 = vector.broadcast %add3A_93 : i32 to vector<16xi32>
      %add3A_95 = arith.addi %get3A_87, %add3A_94 : vector<16xi32>
      %swap3A_96 = arith.constant 16 : index
      %swap3A_97 = tpu.vector_load %arg13[%swap3A_96] {strides = array<i32>} : memref<80xi32, #tpu.memory_space<vmem>>, vector<16xi32>,
      tpu.vector_store %arg13[%swap3A_96], %add3A_95 {strides = array<i32>} : memref<80xi32, #tpu.memory_space<vmem>>, vector<16xi32>,
      %add3A_98 = arith.constant 30000 : i32
      %add3A_99 = vector.broadcast %add3A_98 : i32 to vector<16xi32>
      %add3A_100 = arith.addi %get3A_87, %add3A_99 : vector<16xi32>
      %swap3A_101 = arith.constant 16 : index
      %swap3A_102 = tpu.vector_load %arg14[%swap3A_101] {strides = array<i32>} : memref<80xi32, #tpu.memory_space<vmem>>, vector<16xi32>,
      tpu.vector_store %arg14[%swap3A_101], %add3A_100 {strides = array<i32>} : memref<80xi32, #tpu.memory_space<vmem>>, vector<16xi32>,
      %get3A_103 = arith.constant 32 : index
      %get3A_104 = tpu.vector_load %arg11[%get3A_103] {strides = array<i32>} : memref<80xi32, #tpu.memory_space<vmem>>, vector<16xi32>,
      %add3A_105 = arith.constant 10000 : i32
      %add3A_106 = vector.broadcast %add3A_105 : i32 to vector<16xi32>
      %add3A_107 = arith.addi %get3A_104, %add3A_106 : vector<16xi32>
      %swap3A_108 = arith.constant 32 : index
      %swap3A_109 = tpu.vector_load %arg12[%swap3A_108] {strides = array<i32>} : memref<80xi32, #tpu.memory_space<vmem>>, vector<16xi32>,
      tpu.vector_store %arg12[%swap3A_108], %add3A_107 {strides = array<i32>} : memref<80xi32, #tpu.memory_space<vmem>>, vector<16xi32>,
      %add3A_110 = arith.constant 20000 : i32
      %add3A_111 = vector.broadcast %add3A_110 : i32 to vector<16xi32>
      %add3A_112 = arith.addi %get3A_104, %add3A_111 : vector<16xi32>
      %swap3A_113 = arith.constant 32 : index
      %swap3A_114 = tpu.vector_load %arg13[%swap3A_113] {strides = array<i32>} : memref<80xi32, #tpu.memory_space<vmem>>, vector<16xi32>,
      tpu.vector_store %arg13[%swap3A_113], %add3A_112 {strides = array<i32>} : memref<80xi32, #tpu.memory_space<vmem>>, vector<16xi32>,
      %add3A_115 = arith.constant 30000 : i32
      %add3A_116 = vector.broadcast %add3A_115 : i32 to vector<16xi32>
      %add3A_117 = arith.addi %get3A_104, %add3A_116 : vector<16xi32>
      %swap3A_118 = arith.constant 32 : index
      %swap3A_119 = tpu.vector_load %arg14[%swap3A_118] {strides = array<i32>} : memref<80xi32, #tpu.memory_space<vmem>>, vector<16xi32>,
      tpu.vector_store %arg14[%swap3A_118], %add3A_117 {strides = array<i32>} : memref<80xi32, #tpu.memory_space<vmem>>, vector<16xi32>,
      %get3A_120 = arith.constant 48 : index
      %get3A_121 = tpu.vector_load %arg11[%get3A_120] {strides = array<i32>} : memref<80xi32, #tpu.memory_space<vmem>>, vector<16xi32>,
      %add3A_122 = arith.constant 10000 : i32
      %add3A_123 = vector.broadcast %add3A_122 : i32 to vector<16xi32>
      %add3A_124 = arith.addi %get3A_121, %add3A_123 : vector<16xi32>
      %swap3A_125 = arith.constant 48 : index
      %swap3A_126 = tpu.vector_load %arg12[%swap3A_125] {strides = array<i32>} : memref<80xi32, #tpu.memory_space<vmem>>, vector<16xi32>,
      tpu.vector_store %arg12[%swap3A_125], %add3A_124 {strides = array<i32>} : memref<80xi32, #tpu.memory_space<vmem>>, vector<16xi32>,
      %add3A_127 = arith.constant 20000 : i32
      %add3A_128 = vector.broadcast %add3A_127 : i32 to vector<16xi32>
      %add3A_129 = arith.addi %get3A_121, %add3A_128 : vector<16xi32>
      %swap3A_130 = arith.constant 48 : index
      %swap3A_131 = tpu.vector_load %arg13[%swap3A_130] {strides = array<i32>} : memref<80xi32, #tpu.memory_space<vmem>>, vector<16xi32>,
      tpu.vector_store %arg13[%swap3A_130], %add3A_129 {strides = array<i32>} : memref<80xi32, #tpu.memory_space<vmem>>, vector<16xi32>,
      %add3A_132 = arith.constant 30000 : i32
      %add3A_133 = vector.broadcast %add3A_132 : i32 to vector<16xi32>
      %add3A_134 = arith.addi %get3A_121, %add3A_133 : vector<16xi32>
      %swap3A_135 = arith.constant 48 : index
      %swap3A_136 = tpu.vector_load %arg14[%swap3A_135] {strides = array<i32>} : memref<80xi32, #tpu.memory_space<vmem>>, vector<16xi32>,
      tpu.vector_store %arg14[%swap3A_135], %add3A_134 {strides = array<i32>} : memref<80xi32, #tpu.memory_space<vmem>>, vector<16xi32>,
      %get3A_137 = arith.constant 64 : index
      %get3A_138 = tpu.vector_load %arg11[%get3A_137] {strides = array<i32>} : memref<80xi32, #tpu.memory_space<vmem>>, vector<16xi32>,
      %add3A_139 = arith.constant 10000 : i32
      %add3A_140 = vector.broadcast %add3A_139 : i32 to vector<16xi32>
      %add3A_141 = arith.addi %get3A_138, %add3A_140 : vector<16xi32>
      %swap3A_142 = arith.constant 64 : index
      %swap3A_143 = tpu.vector_load %arg12[%swap3A_142] {strides = array<i32>} : memref<80xi32, #tpu.memory_space<vmem>>, vector<16xi32>,
      tpu.vector_store %arg12[%swap3A_142], %add3A_141 {strides = array<i32>} : memref<80xi32, #tpu.memory_space<vmem>>, vector<16xi32>,
      %add3A_144 = arith.constant 20000 : i32
      %add3A_145 = vector.broadcast %add3A_144 : i32 to vector<16xi32>
      %add3A_146 = arith.addi %get3A_138, %add3A_145 : vector<16xi32>
      %swap3A_147 = arith.constant 64 : index
      %swap3A_148 = tpu.vector_load %arg13[%swap3A_147] {strides = array<i32>} : memref<80xi32, #tpu.memory_space<vmem>>, vector<16xi32>,
      tpu.vector_store %arg13[%swap3A_147], %add3A_146 {strides = array<i32>} : memref<80xi32, #tpu.memory_space<vmem>>, vector<16xi32>,
      %add3A_149 = arith.constant 30000 : i32
      %add3A_150 = vector.broadcast %add3A_149 : i32 to vector<16xi32>
      %add3A_151 = arith.addi %get3A_138, %add3A_150 : vector<16xi32>
      %swap3A_152 = arith.constant 64 : index
      %swap3A_153 = tpu.vector_load %arg14[%swap3A_152] {strides = array<i32>} : memref<80xi32, #tpu.memory_space<vmem>>, vector<16xi32>,
      tpu.vector_store %arg14[%swap3A_152], %add3A_151 {strides = array<i32>} : memref<80xi32, #tpu.memory_space<vmem>>, vector<16xi32>,
      %dma_wait3A_154 = arith.constant 0 : i32
      %dma_wait3A_155 = tpu.memref_slice %arg2[%mul3A_57, %dma_wait3A_154] : memref<320000x128xf32, #tpu.memory_space<hbm>> -> memref<80x128xf32, #tpu.memory_space<hbm>>
      %dma_wait3A_156 = arith.constant 0 : i32
      %dma_wait3A_157 = tpu.memref_slice %arg2[%mul3A_57, %dma_wait3A_156] : memref<320000x128xf32, #tpu.memory_space<hbm>> -> memref<80x128xf32, #tpu.memory_space<hbm>>
      tpu.wait_dma2 semaphore(%arg23 : memref<!tpu.dma_semaphore, #tpu.memory_space<semaphore_mem>>) src(%dma_wait3A_157 : memref<80x128xf32, #tpu.memory_space<hbm>>) dst(%arg15 : memref<80x128xf32, #tpu.memory_space<vmem>>)
      %dma_wait3A_158 = tpu.memref_slice %arg3[%mul3A_57] : memref<320000xf32, #tpu.memory_space<hbm>> -> memref<80xf32, #tpu.memory_space<hbm>>
      %dma_wait3A_159 = tpu.memref_slice %arg3[%mul3A_57] : memref<320000xf32, #tpu.memory_space<hbm>> -> memref<80xf32, #tpu.memory_space<hbm>>
      tpu.wait_dma2 semaphore(%arg23 : memref<!tpu.dma_semaphore, #tpu.memory_space<semaphore_mem>>) src(%dma_wait3A_159 : memref<80xf32, #tpu.memory_space<hbm>>) dst(%arg16 : memref<80xf32, #tpu.memory_space<vmem>>)
      %dma_wait3A_160 = tpu.memref_slice %arg4[%mul3A_57] : memref<320000xf32, #tpu.memory_space<hbm>> -> memref<80xf32, #tpu.memory_space<hbm>>
      %dma_wait3A_161 = tpu.memref_slice %arg4[%mul3A_57] : memref<320000xf32, #tpu.memory_space<hbm>> -> memref<80xf32, #tpu.memory_space<hbm>>
      tpu.wait_dma2 semaphore(%arg23 : memref<!tpu.dma_semaphore, #tpu.memory_space<semaphore_mem>>) src(%dma_wait3A_161 : memref<80xf32, #tpu.memory_space<hbm>>) dst(%arg17 : memref<80xf32, #tpu.memory_space<vmem>>)
      %dma_wait3A_162 = tpu.memref_slice %arg5[%mul3A_57] : memref<320000xf32, #tpu.memory_space<hbm>> -> memref<80xf32, #tpu.memory_space<hbm>>
      %dma_wait3A_163 = tpu.memref_slice %arg5[%mul3A_57] : memref<320000xf32, #tpu.memory_space<hbm>> -> memref<80xf32, #tpu.memory_space<hbm>>
      tpu.wait_dma2 semaphore(%arg23 : memref<!tpu.dma_semaphore, #tpu.memory_space<semaphore_mem>>) src(%dma_wait3A_163 : memref<80xf32, #tpu.memory_space<hbm>>) dst(%arg18 : memref<80xf32, #tpu.memory_space<vmem>>)
      "tpu.region"() ({
        %run_scoped3A = tpu.sem_alloc : memref<!tpu.dma_semaphore, #tpu.memory_space<semaphore_mem>>
        %dma_start3A_164 = arith.constant 0 : i32
        %dma_start3A_165 = arith.constant 0 : i32
        %dma_start3A_166 = tpu.memref_slice %arg21[%dma_start3A_164, %dma_start3A_165] : memref<10000x128xf32, #tpu.memory_space<vmem_shared>> -> memref<10000x128xf32, #tpu.memory_space<vmem_shared>>
        tpu.enqueue_indirect_dma source(%arg15 : memref<80x128xf32, #tpu.memory_space<vmem>>) target(%dma_start3A_166 : memref<10000x128xf32, #tpu.memory_space<vmem_shared>>) offsets(%arg11 : memref<80xi32, #tpu.memory_space<vmem>>) semaphore(%run_scoped3A : memref<!tpu.dma_semaphore, #tpu.memory_space<semaphore_mem>>) {add = true}
        %dma_wait3A_167 = arith.constant 0 : i32
        %dma_wait3A_168 = arith.constant 0 : i32
        %dma_wait3A_169 = tpu.memref_slice %arg21[%dma_wait3A_167, %dma_wait3A_168] : memref<10000x128xf32, #tpu.memory_space<vmem_shared>> -> memref<10000x128xf32, #tpu.memory_space<vmem_shared>>
        tpu.wait_indirect_dma semaphore(%run_scoped3A : memref<!tpu.dma_semaphore, #tpu.memory_space<semaphore_mem>>) src(%arg15 : memref<80x128xf32, #tpu.memory_space<vmem>>) dst(%dma_wait3A_169 : memref<10000x128xf32, #tpu.memory_space<vmem_shared>>)
        tpu.yield
      }) : () -> ()
      "tpu.region"() ({
        %run_scoped3A = tpu.sem_alloc : memref<!tpu.dma_semaphore, #tpu.memory_space<semaphore_mem>>
        %dma_start3A_164 = arith.constant 0 : i32
        %dma_start3A_165 = tpu.memref_slice %arg22[%dma_start3A_164] : memref<40000xf32, #tpu.memory_space<vmem_shared>> -> memref<40000xf32, #tpu.memory_space<vmem_shared>>
        tpu.enqueue_indirect_dma source(%arg16 : memref<80xf32, #tpu.memory_space<vmem>>) target(%dma_start3A_165 : memref<40000xf32, #tpu.memory_space<vmem_shared>>) offsets(%arg11 : memref<80xi32, #tpu.memory_space<vmem>>) semaphore(%run_scoped3A : memref<!tpu.dma_semaphore, #tpu.memory_space<semaphore_mem>>) {add = true}
        %dma_wait3A_166 = arith.constant 0 : i32
        %dma_wait3A_167 = tpu.memref_slice %arg22[%dma_wait3A_166] : memref<40000xf32, #tpu.memory_space<vmem_shared>> -> memref<40000xf32, #tpu.memory_space<vmem_shared>>
        tpu.wait_indirect_dma semaphore(%run_scoped3A : memref<!tpu.dma_semaphore, #tpu.memory_space<semaphore_mem>>) src(%arg16 : memref<80xf32, #tpu.memory_space<vmem>>) dst(%dma_wait3A_167 : memref<40000xf32, #tpu.memory_space<vmem_shared>>)
        tpu.yield
      }) : () -> ()
      "tpu.region"() ({
        %run_scoped3A = tpu.sem_alloc : memref<!tpu.dma_semaphore, #tpu.memory_space<semaphore_mem>>
        %dma_start3A_164 = arith.constant 0 : i32
        %dma_start3A_165 = tpu.memref_slice %arg22[%dma_start3A_164] : memref<40000xf32, #tpu.memory_space<vmem_shared>> -> memref<40000xf32, #tpu.memory_space<vmem_shared>>
        tpu.enqueue_indirect_dma source(%arg17 : memref<80xf32, #tpu.memory_space<vmem>>) target(%dma_start3A_165 : memref<40000xf32, #tpu.memory_space<vmem_shared>>) offsets(%arg12 : memref<80xi32, #tpu.memory_space<vmem>>) semaphore(%run_scoped3A : memref<!tpu.dma_semaphore, #tpu.memory_space<semaphore_mem>>) {add = true}
        %dma_wait3A_166 = arith.constant 0 : i32
        %dma_wait3A_167 = tpu.memref_slice %arg22[%dma_wait3A_166] : memref<40000xf32, #tpu.memory_space<vmem_shared>> -> memref<40000xf32, #tpu.memory_space<vmem_shared>>
        tpu.wait_indirect_dma semaphore(%run_scoped3A : memref<!tpu.dma_semaphore, #tpu.memory_space<semaphore_mem>>) src(%arg17 : memref<80xf32, #tpu.memory_space<vmem>>) dst(%dma_wait3A_167 : memref<40000xf32, #tpu.memory_space<vmem_shared>>)
        tpu.yield
      }) : () -> ()
      "tpu.region"() ({
        %run_scoped3A = tpu.sem_alloc : memref<!tpu.dma_semaphore, #tpu.memory_space<semaphore_mem>>
        %dma_start3A_164 = arith.constant 0 : i32
        %dma_start3A_165 = tpu.memref_slice %arg22[%dma_start3A_164] : memref<40000xf32, #tpu.memory_space<vmem_shared>> -> memref<40000xf32, #tpu.memory_space<vmem_shared>>
        tpu.enqueue_indirect_dma source(%arg18 : memref<80xf32, #tpu.memory_space<vmem>>) target(%dma_start3A_165 : memref<40000xf32, #tpu.memory_space<vmem_shared>>) offsets(%arg13 : memref<80xi32, #tpu.memory_space<vmem>>) semaphore(%run_scoped3A : memref<!tpu.dma_semaphore, #tpu.memory_space<semaphore_mem>>) {add = true}
        %dma_wait3A_166 = arith.constant 0 : i32
        %dma_wait3A_167 = tpu.memref_slice %arg22[%dma_wait3A_166] : memref<40000xf32, #tpu.memory_space<vmem_shared>> -> memref<40000xf32, #tpu.memory_space<vmem_shared>>
        tpu.wait_indirect_dma semaphore(%run_scoped3A : memref<!tpu.dma_semaphore, #tpu.memory_space<semaphore_mem>>) src(%arg18 : memref<80xf32, #tpu.memory_space<vmem>>) dst(%dma_wait3A_167 : memref<40000xf32, #tpu.memory_space<vmem_shared>>)
        tpu.yield
      }) : () -> ()
      "tpu.region"() ({
        %run_scoped3A = tpu.sem_alloc : memref<!tpu.dma_semaphore, #tpu.memory_space<semaphore_mem>>
        %dma_start3A_164 = arith.constant 0 : i32
        %dma_start3A_165 = tpu.memref_slice %arg22[%dma_start3A_164] : memref<40000xf32, #tpu.memory_space<vmem_shared>> -> memref<40000xf32, #tpu.memory_space<vmem_shared>>
        tpu.enqueue_indirect_dma source(%arg19 : memref<80xf32, #tpu.memory_space<vmem>>) target(%dma_start3A_165 : memref<40000xf32, #tpu.memory_space<vmem_shared>>) offsets(%arg14 : memref<80xi32, #tpu.memory_space<vmem>>) semaphore(%run_scoped3A : memref<!tpu.dma_semaphore, #tpu.memory_space<semaphore_mem>>) {add = true}
        %dma_wait3A_166 = arith.constant 0 : i32
        %dma_wait3A_167 = tpu.memref_slice %arg22[%dma_wait3A_166] : memref<40000xf32, #tpu.memory_space<vmem_shared>> -> memref<40000xf32, #tpu.memory_space<vmem_shared>>
        tpu.wait_indirect_dma semaphore(%run_scoped3A : memref<!tpu.dma_semaphore, #tpu.memory_space<semaphore_mem>>) src(%arg19 : memref<80xf32, #tpu.memory_space<vmem>>) dst(%dma_wait3A_167 : memref<40000xf32, #tpu.memory_space<vmem_shared>>)
        tpu.yield
      }) : () -> ()
    }
    %scan3A_33 = arith.constant 125 : i32
    %barrier3A_34 = arith.constant 0 : index
    tpu.barrier barrier_id(%barrier3A_34)
    %mul3A_35 = arith.constant 624 : i32
    %mul3A_36 = arith.muli %arg1, %mul3A_35 : i32
    %mul3A_37 = arith.constant 10000 : i32
    %mul3A_38 = arith.muli %arg0, %mul3A_37 : i32
    %mul3A_39 = arith.constant 624 : i32
    %mul3A_40 = arith.muli %arg1, %mul3A_39 : i32
    %add3A_41 = arith.addi %mul3A_38, %mul3A_40 : i32
    "tpu.region"() ({
      %run_scoped3A = tpu.sem_alloc : memref<!tpu.dma_semaphore, #tpu.memory_space<semaphore_mem>>
      %dma_start3A = arith.constant 0 : i32
      %dma_start3A_52 = tpu.memref_slice %arg9[%add3A_41, %dma_start3A] : memref<20000x128xf32, #tpu.memory_space<hbm>> -> memref<624x128xf32, #tpu.memory_space<hbm>>
      %dma_start3A_53 = arith.constant 0 : i32
      %dma_start3A_54 = tpu.memref_slice %arg21[%mul3A_36, %dma_start3A_53] : memref<10000x128xf32, #tpu.memory_space<vmem_shared>> -> memref<624x128xf32, #tpu.memory_space<vmem_shared>>
      tpu.enqueue_dma source(%dma_start3A_54 : memref<624x128xf32, #tpu.memory_space<vmem_shared>>) target(%dma_start3A_52 : memref<624x128xf32, #tpu.memory_space<hbm>>) target_semaphore(%run_scoped3A : memref<!tpu.dma_semaphore, #tpu.memory_space<semaphore_mem>>)
      %dma_wait3A = arith.constant 0 : i32
      %dma_wait3A_55 = tpu.memref_slice %arg9[%add3A_41, %dma_wait3A] : memref<20000x128xf32, #tpu.memory_space<hbm>> -> memref<624x128xf32, #tpu.memory_space<hbm>>
      %dma_wait3A_56 = arith.constant 0 : i32
      %dma_wait3A_57 = tpu.memref_slice %arg21[%mul3A_36, %dma_wait3A_56] : memref<10000x128xf32, #tpu.memory_space<vmem_shared>> -> memref<624x128xf32, #tpu.memory_space<vmem_shared>>
      tpu.wait_dma2 semaphore(%run_scoped3A : memref<!tpu.dma_semaphore, #tpu.memory_space<semaphore_mem>>) src(%dma_wait3A_57 : memref<624x128xf32, #tpu.memory_space<vmem_shared>>) dst(%dma_wait3A_55 : memref<624x128xf32, #tpu.memory_space<hbm>>)
      tpu.yield
    }) : () -> ()
    %eq3A_42 = arith.constant 15 : i32
    %eq3A_43 = arith.cmpi eq, %arg1, %eq3A_42 : i32
    %convert_element_type3A_44 = arith.extui %eq3A_43 : i1 to i32
    %cond3A_45 = arith.constant 0 : i32
    %cond3A_46 = arith.cmpi ne, %convert_element_type3A_44, %cond3A_45 : i32
    scf.if %cond3A_46 {
      %mul3A_52 = arith.constant 10000 : i32
      %mul3A_53 = arith.muli %arg0, %mul3A_52 : i32
      %add3A_54 = arith.constant 9984 : i32
      %add3A_55 = arith.addi %mul3A_53, %add3A_54 : i32
      "tpu.region"() ({
        %run_scoped3A = tpu.sem_alloc : memref<!tpu.dma_semaphore, #tpu.memory_space<semaphore_mem>>
        %dma_start3A = arith.constant 0 : i32
        %dma_start3A_56 = tpu.memref_slice %arg9[%add3A_55, %dma_start3A] : memref<20000x128xf32, #tpu.memory_space<hbm>> -> memref<16x128xf32, #tpu.memory_space<hbm>>
        %dma_start3A_57 = arith.constant 9984 : i32
        %dma_start3A_58 = arith.constant 0 : i32
        %dma_start3A_59 = tpu.memref_slice %arg21[%dma_start3A_57, %dma_start3A_58] : memref<10000x128xf32, #tpu.memory_space<vmem_shared>> -> memref<16x128xf32, #tpu.memory_space<vmem_shared>>
        tpu.enqueue_dma source(%dma_start3A_59 : memref<16x128xf32, #tpu.memory_space<vmem_shared>>) target(%dma_start3A_56 : memref<16x128xf32, #tpu.memory_space<hbm>>) target_semaphore(%run_scoped3A : memref<!tpu.dma_semaphore, #tpu.memory_space<semaphore_mem>>)
        %dma_wait3A = arith.constant 0 : i32
        %dma_wait3A_60 = tpu.memref_slice %arg9[%add3A_55, %dma_wait3A] : memref<20000x128xf32, #tpu.memory_space<hbm>> -> memref<16x128xf32, #tpu.memory_space<hbm>>
        %dma_wait3A_61 = arith.constant 9984 : i32
        %dma_wait3A_62 = arith.constant 0 : i32
        %dma_wait3A_63 = tpu.memref_slice %arg21[%dma_wait3A_61, %dma_wait3A_62] : memref<10000x128xf32, #tpu.memory_space<vmem_shared>> -> memref<16x128xf32, #tpu.memory_space<vmem_shared>>
        tpu.wait_dma2 semaphore(%run_scoped3A : memref<!tpu.dma_semaphore, #tpu.memory_space<semaphore_mem>>) src(%dma_wait3A_63 : memref<16x128xf32, #tpu.memory_space<vmem_shared>>) dst(%dma_wait3A_60 : memref<16x128xf32, #tpu.memory_space<hbm>>)
        tpu.yield
      }) : () -> ()
    } else {
    }
    %lt3A_47 = arith.constant 8 : i32
    %lt3A_48 = arith.cmpi slt, %arg1, %lt3A_47 : i32
    %convert_element_type3A_49 = arith.extui %lt3A_48 : i1 to i32
    %cond3A_50 = arith.constant 0 : i32
    %cond3A_51 = arith.cmpi ne, %convert_element_type3A_49, %cond3A_50 : i32
    scf.if %cond3A_51 {
      %mul3A_52 = arith.constant 5000 : i32
      %mul3A_53 = arith.muli %arg1, %mul3A_52 : i32
      "tpu.region"() ({
        %run_scoped3A = tpu.sem_alloc : memref<!tpu.dma_semaphore, #tpu.memory_space<semaphore_mem>>
        %dma_start3A = tpu.memref_slice %arg22[%mul3A_53] : memref<40000xf32, #tpu.memory_space<vmem_shared>> -> memref<5000xf32, #tpu.memory_space<vmem_shared>>
        %dma_start3A_61 = tpu.memref_slice %arg22[%mul3A_53] : memref<40000xf32, #tpu.memory_space<vmem_shared>> -> memref<5000xf32, #tpu.memory_space<vmem_shared>>
        tpu.enqueue_dma source(%dma_start3A_61 : memref<5000xf32, #tpu.memory_space<vmem_shared>>) target(%arg20 : memref<5000xf32, #tpu.memory_space<vmem>>) target_semaphore(%run_scoped3A : memref<!tpu.dma_semaphore, #tpu.memory_space<semaphore_mem>>)
        %dma_wait3A = tpu.memref_slice %arg22[%mul3A_53] : memref<40000xf32, #tpu.memory_space<vmem_shared>> -> memref<5000xf32, #tpu.memory_space<vmem_shared>>
        %dma_wait3A_62 = tpu.memref_slice %arg22[%mul3A_53] : memref<40000xf32, #tpu.memory_space<vmem_shared>> -> memref<5000xf32, #tpu.memory_space<vmem_shared>>
        tpu.wait_dma2 semaphore(%run_scoped3A : memref<!tpu.dma_semaphore, #tpu.memory_space<semaphore_mem>>) src(%dma_wait3A_62 : memref<5000xf32, #tpu.memory_space<vmem_shared>>) dst(%arg20 : memref<5000xf32, #tpu.memory_space<vmem>>)
        tpu.yield
      }) : () -> ()
      %mul3A_54 = arith.constant 4 : i32
      %mul3A_55 = arith.muli %arg0, %mul3A_54 : i32
      %mul3A_56 = arith.constant 10000 : i32
      %mul3A_57 = arith.muli %mul3A_55, %mul3A_56 : i32
      %mul3A_58 = arith.constant 5000 : i32
      %mul3A_59 = arith.muli %arg1, %mul3A_58 : i32
      %add3A_60 = arith.addi %mul3A_57, %mul3A_59 : i32
      "tpu.region"() ({
        %run_scoped3A = tpu.sem_alloc : memref<!tpu.dma_semaphore, #tpu.memory_space<semaphore_mem>>
        %dma_start3A = tpu.memref_slice %arg10[%add3A_60] : memref<80000xf32, #tpu.memory_space<hbm>> -> memref<5000xf32, #tpu.memory_space<hbm>>
        %dma_start3A_61 = tpu.memref_slice %arg10[%add3A_60] : memref<80000xf32, #tpu.memory_space<hbm>> -> memref<5000xf32, #tpu.memory_space<hbm>>
        tpu.enqueue_dma source(%arg20 : memref<5000xf32, #tpu.memory_space<vmem>>) target(%dma_start3A_61 : memref<5000xf32, #tpu.memory_space<hbm>>) target_semaphore(%run_scoped3A : memref<!tpu.dma_semaphore, #tpu.memory_space<semaphore_mem>>)
        %dma_wait3A = tpu.memref_slice %arg10[%add3A_60] : memref<80000xf32, #tpu.memory_space<hbm>> -> memref<5000xf32, #tpu.memory_space<hbm>>
        %dma_wait3A_62 = tpu.memref_slice %arg10[%add3A_60] : memref<80000xf32, #tpu.memory_space<hbm>> -> memref<5000xf32, #tpu.memory_space<hbm>>
        tpu.wait_dma2 semaphore(%run_scoped3A : memref<!tpu.dma_semaphore, #tpu.memory_space<semaphore_mem>>) src(%arg20 : memref<5000xf32, #tpu.memory_space<vmem>>) dst(%dma_wait3A_62 : memref<5000xf32, #tpu.memory_space<hbm>>)
        tpu.yield
      }) : () -> ()
    } else {
    }
    return
  }
}

#map = affine_map<(d0, d1) -> (0, 0)>
#map1 = affine_map<(d0, d1) -> (0)>
module attributes {stable_mosaic.version = 14 : i64} {
  func.func @_gather_body(%arg0: i32, %arg1: i32, %arg2: memref<10000x128xf32, #tpu.memory_space<hbm>>, %arg3: memref<10000x128xf32, #tpu.memory_space<hbm>>, %arg4: memref<10000xf32, #tpu.memory_space<hbm>>, %arg5: memref<10000xf32, #tpu.memory_space<hbm>>, %arg6: memref<10000xf32, #tpu.memory_space<hbm>>, %arg7: memref<320000xi32, #tpu.memory_space<hbm>>, %arg8: memref<320000xi32, #tpu.memory_space<hbm>>, %arg9: memref<320000x128xf32, #tpu.memory_space<hbm>>, %arg10: memref<320000xf32, #tpu.memory_space<hbm>>, %arg11: memref<320000xf32, #tpu.memory_space<hbm>>, %arg12: memref<320000xf32, #tpu.memory_space<hbm>>, %arg13: memref<320000xf32, #tpu.memory_space<hbm>>, %arg14: memref<10000xf32, #tpu.memory_space<vmem>>, %arg15: memref<10000xf32, #tpu.memory_space<vmem>>, %arg16: memref<10000xf32, #tpu.memory_space<vmem>>, %arg17: memref<80xi32, #tpu.memory_space<vmem>>, %arg18: memref<80xi32, #tpu.memory_space<vmem>>, %arg19: memref<80x128xf32, #tpu.memory_space<vmem>>, %arg20: memref<80xf32, #tpu.memory_space<vmem>>, %arg21: memref<80xf32, #tpu.memory_space<vmem>>, %arg22: memref<80xf32, #tpu.memory_space<vmem>>, %arg23: memref<80xf32, #tpu.memory_space<vmem>>, %arg24: memref<!tpu.dma_semaphore, #tpu.memory_space<semaphore_mem>>) attributes {dimension_semantics = [#tpu.dimension_semantics<core_parallel>, #tpu.dimension_semantics<subcore_parallel>], iteration_bounds = array<i64: 2, 16>, scalar_prefetch = 0 : i64, scratch_operands = 11 : i64, tpu.core_type = #tpu.core_type<sc_vector_subcore>, window_params = [{transform_indices = #map}, {transform_indices = #map}, {transform_indices = #map1}, {transform_indices = #map1}, {transform_indices = #map1}, {transform_indices = #map1}, {transform_indices = #map1}, {transform_indices = #map}, {transform_indices = #map1}, {transform_indices = #map1}, {transform_indices = #map1}, {transform_indices = #map1}]} {
    %mul3A = arith.constant 2 : i32
    %mul3A_0 = arith.muli %arg1, %mul3A : i32
    %add3A = arith.addi %mul3A_0, %arg0 : i32
    "tpu.region"() ({
      %run_scoped3A = tpu.sem_alloc : memref<!tpu.dma_semaphore, #tpu.memory_space<semaphore_mem>>
      tpu.enqueue_dma source(%arg4 : memref<10000xf32, #tpu.memory_space<hbm>>) target(%arg14 : memref<10000xf32, #tpu.memory_space<vmem>>) target_semaphore(%run_scoped3A : memref<!tpu.dma_semaphore, #tpu.memory_space<semaphore_mem>>)
      tpu.wait_dma2 semaphore(%run_scoped3A : memref<!tpu.dma_semaphore, #tpu.memory_space<semaphore_mem>>) src(%arg4 : memref<10000xf32, #tpu.memory_space<hbm>>) dst(%arg14 : memref<10000xf32, #tpu.memory_space<vmem>>)
      tpu.yield
    }) : () -> ()
    "tpu.region"() ({
      %run_scoped3A = tpu.sem_alloc : memref<!tpu.dma_semaphore, #tpu.memory_space<semaphore_mem>>
      tpu.enqueue_dma source(%arg5 : memref<10000xf32, #tpu.memory_space<hbm>>) target(%arg15 : memref<10000xf32, #tpu.memory_space<vmem>>) target_semaphore(%run_scoped3A : memref<!tpu.dma_semaphore, #tpu.memory_space<semaphore_mem>>)
      tpu.wait_dma2 semaphore(%run_scoped3A : memref<!tpu.dma_semaphore, #tpu.memory_space<semaphore_mem>>) src(%arg5 : memref<10000xf32, #tpu.memory_space<hbm>>) dst(%arg15 : memref<10000xf32, #tpu.memory_space<vmem>>)
      tpu.yield
    }) : () -> ()
    "tpu.region"() ({
      %run_scoped3A = tpu.sem_alloc : memref<!tpu.dma_semaphore, #tpu.memory_space<semaphore_mem>>
      tpu.enqueue_dma source(%arg6 : memref<10000xf32, #tpu.memory_space<hbm>>) target(%arg16 : memref<10000xf32, #tpu.memory_space<vmem>>) target_semaphore(%run_scoped3A : memref<!tpu.dma_semaphore, #tpu.memory_space<semaphore_mem>>)
      tpu.wait_dma2 semaphore(%run_scoped3A : memref<!tpu.dma_semaphore, #tpu.memory_space<semaphore_mem>>) src(%arg6 : memref<10000xf32, #tpu.memory_space<hbm>>) dst(%arg16 : memref<10000xf32, #tpu.memory_space<vmem>>)
      tpu.yield
    }) : () -> ()
    %scan3A = arith.constant 0 : i32
    %scan3A_1 = arith.constant 0 : i32
    %scan3A_2 = arith.constant 125 : i32
    %scan3A_3 = arith.addi %scan3A_1, %scan3A_2 : i32
    %scan3A_4 = arith.constant 1 : i32
    scf.for %scan3A_6 = %scan3A_1 to %scan3A_3 step %scan3A_4  : i32 {
      %mul3A_7 = arith.constant 32 : i32
      %mul3A_8 = arith.muli %mul3A_7, %scan3A_6 : i32
      %add3A_9 = arith.addi %add3A, %mul3A_8 : i32
      %mul3A_10 = arith.constant 80 : i32
      %mul3A_11 = arith.muli %add3A_9, %mul3A_10 : i32
      %dma_start3A = tpu.memref_slice %arg8[%mul3A_11] : memref<320000xi32, #tpu.memory_space<hbm>> -> memref<80xi32, #tpu.memory_space<hbm>>
      %dma_start3A_12 = tpu.memref_slice %arg8[%mul3A_11] : memref<320000xi32, #tpu.memory_space<hbm>> -> memref<80xi32, #tpu.memory_space<hbm>>
      tpu.enqueue_dma source(%dma_start3A_12 : memref<80xi32, #tpu.memory_space<hbm>>) target(%arg18 : memref<80xi32, #tpu.memory_space<vmem>>) target_semaphore(%arg24 : memref<!tpu.dma_semaphore, #tpu.memory_space<semaphore_mem>>)
      %dma_start3A_13 = tpu.memref_slice %arg7[%mul3A_11] : memref<320000xi32, #tpu.memory_space<hbm>> -> memref<80xi32, #tpu.memory_space<hbm>>
      %dma_start3A_14 = tpu.memref_slice %arg7[%mul3A_11] : memref<320000xi32, #tpu.memory_space<hbm>> -> memref<80xi32, #tpu.memory_space<hbm>>
      tpu.enqueue_dma source(%dma_start3A_14 : memref<80xi32, #tpu.memory_space<hbm>>) target(%arg17 : memref<80xi32, #tpu.memory_space<vmem>>) target_semaphore(%arg24 : memref<!tpu.dma_semaphore, #tpu.memory_space<semaphore_mem>>)
      %dma_wait3A = tpu.memref_slice %arg8[%mul3A_11] : memref<320000xi32, #tpu.memory_space<hbm>> -> memref<80xi32, #tpu.memory_space<hbm>>
      %dma_wait3A_15 = tpu.memref_slice %arg8[%mul3A_11] : memref<320000xi32, #tpu.memory_space<hbm>> -> memref<80xi32, #tpu.memory_space<hbm>>
      tpu.wait_dma2 semaphore(%arg24 : memref<!tpu.dma_semaphore, #tpu.memory_space<semaphore_mem>>) src(%dma_wait3A_15 : memref<80xi32, #tpu.memory_space<hbm>>) dst(%arg18 : memref<80xi32, #tpu.memory_space<vmem>>)
      %dma_wait3A_16 = tpu.memref_slice %arg7[%mul3A_11] : memref<320000xi32, #tpu.memory_space<hbm>> -> memref<80xi32, #tpu.memory_space<hbm>>
      %dma_wait3A_17 = tpu.memref_slice %arg7[%mul3A_11] : memref<320000xi32, #tpu.memory_space<hbm>> -> memref<80xi32, #tpu.memory_space<hbm>>
      tpu.wait_dma2 semaphore(%arg24 : memref<!tpu.dma_semaphore, #tpu.memory_space<semaphore_mem>>) src(%dma_wait3A_17 : memref<80xi32, #tpu.memory_space<hbm>>) dst(%arg17 : memref<80xi32, #tpu.memory_space<vmem>>)
      %dma_start3A_18 = arith.constant 0 : i32
      %dma_start3A_19 = arith.constant 0 : i32
      %dma_start3A_20 = tpu.memref_slice %arg2[%dma_start3A_18, %dma_start3A_19] : memref<10000x128xf32, #tpu.memory_space<hbm>> -> memref<10000x128xf32, #tpu.memory_space<hbm>>
      tpu.enqueue_indirect_dma source(%dma_start3A_20 : memref<10000x128xf32, #tpu.memory_space<hbm>>) target(%arg19 : memref<80x128xf32, #tpu.memory_space<vmem>>) offsets(%arg18 : memref<80xi32, #tpu.memory_space<vmem>>) semaphore(%arg24 : memref<!tpu.dma_semaphore, #tpu.memory_space<semaphore_mem>>)
      %get3A = arith.constant 0 : index
      %get3A_21 = tpu.vector_load %arg18[%get3A] {strides = array<i32>} : memref<80xi32, #tpu.memory_space<vmem>>, vector<16xi32>,
      %get3A_22 = arith.constant 0 : index
      %get3A_23 = tpu.vector_load %arg17[%get3A_22] {strides = array<i32>} : memref<80xi32, #tpu.memory_space<vmem>>, vector<16xi32>,
      %gather3A = tpu.vector_load_idx %arg14[%get3A_21] : memref<10000xf32, #tpu.memory_space<vmem>>[vector<16xi32>], vector<16xf32>,
      %gather3A_24 = tpu.vector_load_idx %arg14[%get3A_23] : memref<10000xf32, #tpu.memory_space<vmem>>[vector<16xi32>], vector<16xf32>,
      %sub3A = arith.subf %gather3A, %gather3A_24 : vector<16xf32>
      %gather3A_25 = tpu.vector_load_idx %arg15[%get3A_21] : memref<10000xf32, #tpu.memory_space<vmem>>[vector<16xi32>], vector<16xf32>,
      %gather3A_26 = tpu.vector_load_idx %arg15[%get3A_23] : memref<10000xf32, #tpu.memory_space<vmem>>[vector<16xi32>], vector<16xf32>,
      %sub3A_27 = arith.subf %gather3A_25, %gather3A_26 : vector<16xf32>
      %gather3A_28 = tpu.vector_load_idx %arg16[%get3A_21] : memref<10000xf32, #tpu.memory_space<vmem>>[vector<16xi32>], vector<16xf32>,
      %gather3A_29 = tpu.vector_load_idx %arg16[%get3A_23] : memref<10000xf32, #tpu.memory_space<vmem>>[vector<16xi32>], vector<16xf32>,
      %sub3A_30 = arith.subf %gather3A_28, %gather3A_29 : vector<16xf32>
      %swap3A = arith.constant 0 : index
      %swap3A_31 = tpu.vector_load %arg20[%swap3A] {strides = array<i32>} : memref<80xf32, #tpu.memory_space<vmem>>, vector<16xf32>,
      tpu.vector_store %arg20[%swap3A], %sub3A {strides = array<i32>} : memref<80xf32, #tpu.memory_space<vmem>>, vector<16xf32>,
      %swap3A_32 = arith.constant 0 : index
      %swap3A_33 = tpu.vector_load %arg21[%swap3A_32] {strides = array<i32>} : memref<80xf32, #tpu.memory_space<vmem>>, vector<16xf32>,
      tpu.vector_store %arg21[%swap3A_32], %sub3A_27 {strides = array<i32>} : memref<80xf32, #tpu.memory_space<vmem>>, vector<16xf32>,
      %swap3A_34 = arith.constant 0 : index
      %swap3A_35 = tpu.vector_load %arg22[%swap3A_34] {strides = array<i32>} : memref<80xf32, #tpu.memory_space<vmem>>, vector<16xf32>,
      tpu.vector_store %arg22[%swap3A_34], %sub3A_30 {strides = array<i32>} : memref<80xf32, #tpu.memory_space<vmem>>, vector<16xf32>,
      %mul3A_36 = arith.mulf %sub3A, %sub3A : vector<16xf32>
      %mul3A_37 = arith.mulf %sub3A_27, %sub3A_27 : vector<16xf32>
      %add3A_38 = arith.addf %mul3A_36, %mul3A_37 : vector<16xf32>
      %mul3A_39 = arith.mulf %sub3A_30, %sub3A_30 : vector<16xf32>
      %add3A_40 = arith.addf %add3A_38, %mul3A_39 : vector<16xf32>
      %swap3A_41 = arith.constant 0 : index
      %swap3A_42 = tpu.vector_load %arg23[%swap3A_41] {strides = array<i32>} : memref<80xf32, #tpu.memory_space<vmem>>, vector<16xf32>,
      tpu.vector_store %arg23[%swap3A_41], %add3A_40 {strides = array<i32>} : memref<80xf32, #tpu.memory_space<vmem>>, vector<16xf32>,
      %get3A_43 = arith.constant 16 : index
      %get3A_44 = tpu.vector_load %arg18[%get3A_43] {strides = array<i32>} : memref<80xi32, #tpu.memory_space<vmem>>, vector<16xi32>,
      %get3A_45 = arith.constant 16 : index
      %get3A_46 = tpu.vector_load %arg17[%get3A_45] {strides = array<i32>} : memref<80xi32, #tpu.memory_space<vmem>>, vector<16xi32>,
      %gather3A_47 = tpu.vector_load_idx %arg14[%get3A_44] : memref<10000xf32, #tpu.memory_space<vmem>>[vector<16xi32>], vector<16xf32>,
      %gather3A_48 = tpu.vector_load_idx %arg14[%get3A_46] : memref<10000xf32, #tpu.memory_space<vmem>>[vector<16xi32>], vector<16xf32>,
      %sub3A_49 = arith.subf %gather3A_47, %gather3A_48 : vector<16xf32>
      %gather3A_50 = tpu.vector_load_idx %arg15[%get3A_44] : memref<10000xf32, #tpu.memory_space<vmem>>[vector<16xi32>], vector<16xf32>,
      %gather3A_51 = tpu.vector_load_idx %arg15[%get3A_46] : memref<10000xf32, #tpu.memory_space<vmem>>[vector<16xi32>], vector<16xf32>,
      %sub3A_52 = arith.subf %gather3A_50, %gather3A_51 : vector<16xf32>
      %gather3A_53 = tpu.vector_load_idx %arg16[%get3A_44] : memref<10000xf32, #tpu.memory_space<vmem>>[vector<16xi32>], vector<16xf32>,
      %gather3A_54 = tpu.vector_load_idx %arg16[%get3A_46] : memref<10000xf32, #tpu.memory_space<vmem>>[vector<16xi32>], vector<16xf32>,
      %sub3A_55 = arith.subf %gather3A_53, %gather3A_54 : vector<16xf32>
      %swap3A_56 = arith.constant 16 : index
      %swap3A_57 = tpu.vector_load %arg20[%swap3A_56] {strides = array<i32>} : memref<80xf32, #tpu.memory_space<vmem>>, vector<16xf32>,
      tpu.vector_store %arg20[%swap3A_56], %sub3A_49 {strides = array<i32>} : memref<80xf32, #tpu.memory_space<vmem>>, vector<16xf32>,
      %swap3A_58 = arith.constant 16 : index
      %swap3A_59 = tpu.vector_load %arg21[%swap3A_58] {strides = array<i32>} : memref<80xf32, #tpu.memory_space<vmem>>, vector<16xf32>,
      tpu.vector_store %arg21[%swap3A_58], %sub3A_52 {strides = array<i32>} : memref<80xf32, #tpu.memory_space<vmem>>, vector<16xf32>,
      %swap3A_60 = arith.constant 16 : index
      %swap3A_61 = tpu.vector_load %arg22[%swap3A_60] {strides = array<i32>} : memref<80xf32, #tpu.memory_space<vmem>>, vector<16xf32>,
      tpu.vector_store %arg22[%swap3A_60], %sub3A_55 {strides = array<i32>} : memref<80xf32, #tpu.memory_space<vmem>>, vector<16xf32>,
      %mul3A_62 = arith.mulf %sub3A_49, %sub3A_49 : vector<16xf32>
      %mul3A_63 = arith.mulf %sub3A_52, %sub3A_52 : vector<16xf32>
      %add3A_64 = arith.addf %mul3A_62, %mul3A_63 : vector<16xf32>
      %mul3A_65 = arith.mulf %sub3A_55, %sub3A_55 : vector<16xf32>
      %add3A_66 = arith.addf %add3A_64, %mul3A_65 : vector<16xf32>
      %swap3A_67 = arith.constant 16 : index
      %swap3A_68 = tpu.vector_load %arg23[%swap3A_67] {strides = array<i32>} : memref<80xf32, #tpu.memory_space<vmem>>, vector<16xf32>,
      tpu.vector_store %arg23[%swap3A_67], %add3A_66 {strides = array<i32>} : memref<80xf32, #tpu.memory_space<vmem>>, vector<16xf32>,
      %get3A_69 = arith.constant 32 : index
      %get3A_70 = tpu.vector_load %arg18[%get3A_69] {strides = array<i32>} : memref<80xi32, #tpu.memory_space<vmem>>, vector<16xi32>,
      %get3A_71 = arith.constant 32 : index
      %get3A_72 = tpu.vector_load %arg17[%get3A_71] {strides = array<i32>} : memref<80xi32, #tpu.memory_space<vmem>>, vector<16xi32>,
      %gather3A_73 = tpu.vector_load_idx %arg14[%get3A_70] : memref<10000xf32, #tpu.memory_space<vmem>>[vector<16xi32>], vector<16xf32>,
      %gather3A_74 = tpu.vector_load_idx %arg14[%get3A_72] : memref<10000xf32, #tpu.memory_space<vmem>>[vector<16xi32>], vector<16xf32>,
      %sub3A_75 = arith.subf %gather3A_73, %gather3A_74 : vector<16xf32>
      %gather3A_76 = tpu.vector_load_idx %arg15[%get3A_70] : memref<10000xf32, #tpu.memory_space<vmem>>[vector<16xi32>], vector<16xf32>,
      %gather3A_77 = tpu.vector_load_idx %arg15[%get3A_72] : memref<10000xf32, #tpu.memory_space<vmem>>[vector<16xi32>], vector<16xf32>,
      %sub3A_78 = arith.subf %gather3A_76, %gather3A_77 : vector<16xf32>
      %gather3A_79 = tpu.vector_load_idx %arg16[%get3A_70] : memref<10000xf32, #tpu.memory_space<vmem>>[vector<16xi32>], vector<16xf32>,
      %gather3A_80 = tpu.vector_load_idx %arg16[%get3A_72] : memref<10000xf32, #tpu.memory_space<vmem>>[vector<16xi32>], vector<16xf32>,
      %sub3A_81 = arith.subf %gather3A_79, %gather3A_80 : vector<16xf32>
      %swap3A_82 = arith.constant 32 : index
      %swap3A_83 = tpu.vector_load %arg20[%swap3A_82] {strides = array<i32>} : memref<80xf32, #tpu.memory_space<vmem>>, vector<16xf32>,
      tpu.vector_store %arg20[%swap3A_82], %sub3A_75 {strides = array<i32>} : memref<80xf32, #tpu.memory_space<vmem>>, vector<16xf32>,
      %swap3A_84 = arith.constant 32 : index
      %swap3A_85 = tpu.vector_load %arg21[%swap3A_84] {strides = array<i32>} : memref<80xf32, #tpu.memory_space<vmem>>, vector<16xf32>,
      tpu.vector_store %arg21[%swap3A_84], %sub3A_78 {strides = array<i32>} : memref<80xf32, #tpu.memory_space<vmem>>, vector<16xf32>,
      %swap3A_86 = arith.constant 32 : index
      %swap3A_87 = tpu.vector_load %arg22[%swap3A_86] {strides = array<i32>} : memref<80xf32, #tpu.memory_space<vmem>>, vector<16xf32>,
      tpu.vector_store %arg22[%swap3A_86], %sub3A_81 {strides = array<i32>} : memref<80xf32, #tpu.memory_space<vmem>>, vector<16xf32>,
      %mul3A_88 = arith.mulf %sub3A_75, %sub3A_75 : vector<16xf32>
      %mul3A_89 = arith.mulf %sub3A_78, %sub3A_78 : vector<16xf32>
      %add3A_90 = arith.addf %mul3A_88, %mul3A_89 : vector<16xf32>
      %mul3A_91 = arith.mulf %sub3A_81, %sub3A_81 : vector<16xf32>
      %add3A_92 = arith.addf %add3A_90, %mul3A_91 : vector<16xf32>
      %swap3A_93 = arith.constant 32 : index
      %swap3A_94 = tpu.vector_load %arg23[%swap3A_93] {strides = array<i32>} : memref<80xf32, #tpu.memory_space<vmem>>, vector<16xf32>,
      tpu.vector_store %arg23[%swap3A_93], %add3A_92 {strides = array<i32>} : memref<80xf32, #tpu.memory_space<vmem>>, vector<16xf32>,
      %get3A_95 = arith.constant 48 : index
      %get3A_96 = tpu.vector_load %arg18[%get3A_95] {strides = array<i32>} : memref<80xi32, #tpu.memory_space<vmem>>, vector<16xi32>,
      %get3A_97 = arith.constant 48 : index
      %get3A_98 = tpu.vector_load %arg17[%get3A_97] {strides = array<i32>} : memref<80xi32, #tpu.memory_space<vmem>>, vector<16xi32>,
      %gather3A_99 = tpu.vector_load_idx %arg14[%get3A_96] : memref<10000xf32, #tpu.memory_space<vmem>>[vector<16xi32>], vector<16xf32>,
      %gather3A_100 = tpu.vector_load_idx %arg14[%get3A_98] : memref<10000xf32, #tpu.memory_space<vmem>>[vector<16xi32>], vector<16xf32>,
      %sub3A_101 = arith.subf %gather3A_99, %gather3A_100 : vector<16xf32>
      %gather3A_102 = tpu.vector_load_idx %arg15[%get3A_96] : memref<10000xf32, #tpu.memory_space<vmem>>[vector<16xi32>], vector<16xf32>,
      %gather3A_103 = tpu.vector_load_idx %arg15[%get3A_98] : memref<10000xf32, #tpu.memory_space<vmem>>[vector<16xi32>], vector<16xf32>,
      %sub3A_104 = arith.subf %gather3A_102, %gather3A_103 : vector<16xf32>
      %gather3A_105 = tpu.vector_load_idx %arg16[%get3A_96] : memref<10000xf32, #tpu.memory_space<vmem>>[vector<16xi32>], vector<16xf32>,
      %gather3A_106 = tpu.vector_load_idx %arg16[%get3A_98] : memref<10000xf32, #tpu.memory_space<vmem>>[vector<16xi32>], vector<16xf32>,
      %sub3A_107 = arith.subf %gather3A_105, %gather3A_106 : vector<16xf32>
      %swap3A_108 = arith.constant 48 : index
      %swap3A_109 = tpu.vector_load %arg20[%swap3A_108] {strides = array<i32>} : memref<80xf32, #tpu.memory_space<vmem>>, vector<16xf32>,
      tpu.vector_store %arg20[%swap3A_108], %sub3A_101 {strides = array<i32>} : memref<80xf32, #tpu.memory_space<vmem>>, vector<16xf32>,
      %swap3A_110 = arith.constant 48 : index
      %swap3A_111 = tpu.vector_load %arg21[%swap3A_110] {strides = array<i32>} : memref<80xf32, #tpu.memory_space<vmem>>, vector<16xf32>,
      tpu.vector_store %arg21[%swap3A_110], %sub3A_104 {strides = array<i32>} : memref<80xf32, #tpu.memory_space<vmem>>, vector<16xf32>,
      %swap3A_112 = arith.constant 48 : index
      %swap3A_113 = tpu.vector_load %arg22[%swap3A_112] {strides = array<i32>} : memref<80xf32, #tpu.memory_space<vmem>>, vector<16xf32>,
      tpu.vector_store %arg22[%swap3A_112], %sub3A_107 {strides = array<i32>} : memref<80xf32, #tpu.memory_space<vmem>>, vector<16xf32>,
      %mul3A_114 = arith.mulf %sub3A_101, %sub3A_101 : vector<16xf32>
      %mul3A_115 = arith.mulf %sub3A_104, %sub3A_104 : vector<16xf32>
      %add3A_116 = arith.addf %mul3A_114, %mul3A_115 : vector<16xf32>
      %mul3A_117 = arith.mulf %sub3A_107, %sub3A_107 : vector<16xf32>
      %add3A_118 = arith.addf %add3A_116, %mul3A_117 : vector<16xf32>
      %swap3A_119 = arith.constant 48 : index
      %swap3A_120 = tpu.vector_load %arg23[%swap3A_119] {strides = array<i32>} : memref<80xf32, #tpu.memory_space<vmem>>, vector<16xf32>,
      tpu.vector_store %arg23[%swap3A_119], %add3A_118 {strides = array<i32>} : memref<80xf32, #tpu.memory_space<vmem>>, vector<16xf32>,
      %get3A_121 = arith.constant 64 : index
      %get3A_122 = tpu.vector_load %arg18[%get3A_121] {strides = array<i32>} : memref<80xi32, #tpu.memory_space<vmem>>, vector<16xi32>,
      %get3A_123 = arith.constant 64 : index
      %get3A_124 = tpu.vector_load %arg17[%get3A_123] {strides = array<i32>} : memref<80xi32, #tpu.memory_space<vmem>>, vector<16xi32>,
      %gather3A_125 = tpu.vector_load_idx %arg14[%get3A_122] : memref<10000xf32, #tpu.memory_space<vmem>>[vector<16xi32>], vector<16xf32>,
      %gather3A_126 = tpu.vector_load_idx %arg14[%get3A_124] : memref<10000xf32, #tpu.memory_space<vmem>>[vector<16xi32>], vector<16xf32>,
      %sub3A_127 = arith.subf %gather3A_125, %gather3A_126 : vector<16xf32>
      %gather3A_128 = tpu.vector_load_idx %arg15[%get3A_122] : memref<10000xf32, #tpu.memory_space<vmem>>[vector<16xi32>], vector<16xf32>,
      %gather3A_129 = tpu.vector_load_idx %arg15[%get3A_124] : memref<10000xf32, #tpu.memory_space<vmem>>[vector<16xi32>], vector<16xf32>,
      %sub3A_130 = arith.subf %gather3A_128, %gather3A_129 : vector<16xf32>
      %gather3A_131 = tpu.vector_load_idx %arg16[%get3A_122] : memref<10000xf32, #tpu.memory_space<vmem>>[vector<16xi32>], vector<16xf32>,
      %gather3A_132 = tpu.vector_load_idx %arg16[%get3A_124] : memref<10000xf32, #tpu.memory_space<vmem>>[vector<16xi32>], vector<16xf32>,
      %sub3A_133 = arith.subf %gather3A_131, %gather3A_132 : vector<16xf32>
      %swap3A_134 = arith.constant 64 : index
      %swap3A_135 = tpu.vector_load %arg20[%swap3A_134] {strides = array<i32>} : memref<80xf32, #tpu.memory_space<vmem>>, vector<16xf32>,
      tpu.vector_store %arg20[%swap3A_134], %sub3A_127 {strides = array<i32>} : memref<80xf32, #tpu.memory_space<vmem>>, vector<16xf32>,
      %swap3A_136 = arith.constant 64 : index
      %swap3A_137 = tpu.vector_load %arg21[%swap3A_136] {strides = array<i32>} : memref<80xf32, #tpu.memory_space<vmem>>, vector<16xf32>,
      tpu.vector_store %arg21[%swap3A_136], %sub3A_130 {strides = array<i32>} : memref<80xf32, #tpu.memory_space<vmem>>, vector<16xf32>,
      %swap3A_138 = arith.constant 64 : index
      %swap3A_139 = tpu.vector_load %arg22[%swap3A_138] {strides = array<i32>} : memref<80xf32, #tpu.memory_space<vmem>>, vector<16xf32>,
      tpu.vector_store %arg22[%swap3A_138], %sub3A_133 {strides = array<i32>} : memref<80xf32, #tpu.memory_space<vmem>>, vector<16xf32>,
      %mul3A_140 = arith.mulf %sub3A_127, %sub3A_127 : vector<16xf32>
      %mul3A_141 = arith.mulf %sub3A_130, %sub3A_130 : vector<16xf32>
      %add3A_142 = arith.addf %mul3A_140, %mul3A_141 : vector<16xf32>
      %mul3A_143 = arith.mulf %sub3A_133, %sub3A_133 : vector<16xf32>
      %add3A_144 = arith.addf %add3A_142, %mul3A_143 : vector<16xf32>
      %swap3A_145 = arith.constant 64 : index
      %swap3A_146 = tpu.vector_load %arg23[%swap3A_145] {strides = array<i32>} : memref<80xf32, #tpu.memory_space<vmem>>, vector<16xf32>,
      tpu.vector_store %arg23[%swap3A_145], %add3A_144 {strides = array<i32>} : memref<80xf32, #tpu.memory_space<vmem>>, vector<16xf32>,
      %dma_wait3A_147 = arith.constant 0 : i32
      %dma_wait3A_148 = arith.constant 0 : i32
      %dma_wait3A_149 = tpu.memref_slice %arg2[%dma_wait3A_147, %dma_wait3A_148] : memref<10000x128xf32, #tpu.memory_space<hbm>> -> memref<10000x128xf32, #tpu.memory_space<hbm>>
      tpu.wait_indirect_dma semaphore(%arg24 : memref<!tpu.dma_semaphore, #tpu.memory_space<semaphore_mem>>) src(%dma_wait3A_149 : memref<10000x128xf32, #tpu.memory_space<hbm>>) dst(%arg19 : memref<80x128xf32, #tpu.memory_space<vmem>>)
      %dma_start3A_150 = arith.constant 0 : i32
      %dma_start3A_151 = arith.constant 0 : i32
      %dma_start3A_152 = tpu.memref_slice %arg3[%dma_start3A_150, %dma_start3A_151] : memref<10000x128xf32, #tpu.memory_space<hbm>> -> memref<10000x128xf32, #tpu.memory_space<hbm>>
      tpu.enqueue_indirect_dma source(%dma_start3A_152 : memref<10000x128xf32, #tpu.memory_space<hbm>>) target(%arg19 : memref<80x128xf32, #tpu.memory_space<vmem>>) offsets(%arg17 : memref<80xi32, #tpu.memory_space<vmem>>) semaphore(%arg24 : memref<!tpu.dma_semaphore, #tpu.memory_space<semaphore_mem>>) {add = true}
      %dma_wait3A_153 = arith.constant 0 : i32
      %dma_wait3A_154 = arith.constant 0 : i32
      %dma_wait3A_155 = tpu.memref_slice %arg3[%dma_wait3A_153, %dma_wait3A_154] : memref<10000x128xf32, #tpu.memory_space<hbm>> -> memref<10000x128xf32, #tpu.memory_space<hbm>>
      tpu.wait_indirect_dma semaphore(%arg24 : memref<!tpu.dma_semaphore, #tpu.memory_space<semaphore_mem>>) src(%dma_wait3A_155 : memref<10000x128xf32, #tpu.memory_space<hbm>>) dst(%arg19 : memref<80x128xf32, #tpu.memory_space<vmem>>)
      %dma_start3A_156 = arith.constant 0 : i32
      %dma_start3A_157 = tpu.memref_slice %arg9[%mul3A_11, %dma_start3A_156] : memref<320000x128xf32, #tpu.memory_space<hbm>> -> memref<80x128xf32, #tpu.memory_space<hbm>>
      %dma_start3A_158 = arith.constant 0 : i32
      %dma_start3A_159 = tpu.memref_slice %arg9[%mul3A_11, %dma_start3A_158] : memref<320000x128xf32, #tpu.memory_space<hbm>> -> memref<80x128xf32, #tpu.memory_space<hbm>>
      tpu.enqueue_dma source(%arg19 : memref<80x128xf32, #tpu.memory_space<vmem>>) target(%dma_start3A_159 : memref<80x128xf32, #tpu.memory_space<hbm>>) target_semaphore(%arg24 : memref<!tpu.dma_semaphore, #tpu.memory_space<semaphore_mem>>)
      %dma_start3A_160 = tpu.memref_slice %arg10[%mul3A_11] : memref<320000xf32, #tpu.memory_space<hbm>> -> memref<80xf32, #tpu.memory_space<hbm>>
      %dma_start3A_161 = tpu.memref_slice %arg10[%mul3A_11] : memref<320000xf32, #tpu.memory_space<hbm>> -> memref<80xf32, #tpu.memory_space<hbm>>
      tpu.enqueue_dma source(%arg20 : memref<80xf32, #tpu.memory_space<vmem>>) target(%dma_start3A_161 : memref<80xf32, #tpu.memory_space<hbm>>) target_semaphore(%arg24 : memref<!tpu.dma_semaphore, #tpu.memory_space<semaphore_mem>>)
      %dma_start3A_162 = tpu.memref_slice %arg11[%mul3A_11] : memref<320000xf32, #tpu.memory_space<hbm>> -> memref<80xf32, #tpu.memory_space<hbm>>
      %dma_start3A_163 = tpu.memref_slice %arg11[%mul3A_11] : memref<320000xf32, #tpu.memory_space<hbm>> -> memref<80xf32, #tpu.memory_space<hbm>>
      tpu.enqueue_dma source(%arg21 : memref<80xf32, #tpu.memory_space<vmem>>) target(%dma_start3A_163 : memref<80xf32, #tpu.memory_space<hbm>>) target_semaphore(%arg24 : memref<!tpu.dma_semaphore, #tpu.memory_space<semaphore_mem>>)
      %dma_start3A_164 = tpu.memref_slice %arg12[%mul3A_11] : memref<320000xf32, #tpu.memory_space<hbm>> -> memref<80xf32, #tpu.memory_space<hbm>>
      %dma_start3A_165 = tpu.memref_slice %arg12[%mul3A_11] : memref<320000xf32, #tpu.memory_space<hbm>> -> memref<80xf32, #tpu.memory_space<hbm>>
      tpu.enqueue_dma source(%arg22 : memref<80xf32, #tpu.memory_space<vmem>>) target(%dma_start3A_165 : memref<80xf32, #tpu.memory_space<hbm>>) target_semaphore(%arg24 : memref<!tpu.dma_semaphore, #tpu.memory_space<semaphore_mem>>)
      %dma_start3A_166 = tpu.memref_slice %arg13[%mul3A_11] : memref<320000xf32, #tpu.memory_space<hbm>> -> memref<80xf32, #tpu.memory_space<hbm>>
      %dma_start3A_167 = tpu.memref_slice %arg13[%mul3A_11] : memref<320000xf32, #tpu.memory_space<hbm>> -> memref<80xf32, #tpu.memory_space<hbm>>
      tpu.enqueue_dma source(%arg23 : memref<80xf32, #tpu.memory_space<vmem>>) target(%dma_start3A_167 : memref<80xf32, #tpu.memory_space<hbm>>) target_semaphore(%arg24 : memref<!tpu.dma_semaphore, #tpu.memory_space<semaphore_mem>>)
      %dma_wait3A_168 = arith.constant 0 : i32
      %dma_wait3A_169 = tpu.memref_slice %arg9[%mul3A_11, %dma_wait3A_168] : memref<320000x128xf32, #tpu.memory_space<hbm>> -> memref<80x128xf32, #tpu.memory_space<hbm>>
      %dma_wait3A_170 = arith.constant 0 : i32
      %dma_wait3A_171 = tpu.memref_slice %arg9[%mul3A_11, %dma_wait3A_170] : memref<320000x128xf32, #tpu.memory_space<hbm>> -> memref<80x128xf32, #tpu.memory_space<hbm>>
      tpu.wait_dma2 semaphore(%arg24 : memref<!tpu.dma_semaphore, #tpu.memory_space<semaphore_mem>>) src(%arg19 : memref<80x128xf32, #tpu.memory_space<vmem>>) dst(%dma_wait3A_171 : memref<80x128xf32, #tpu.memory_space<hbm>>)
      %dma_wait3A_172 = tpu.memref_slice %arg10[%mul3A_11] : memref<320000xf32, #tpu.memory_space<hbm>> -> memref<80xf32, #tpu.memory_space<hbm>>
      %dma_wait3A_173 = tpu.memref_slice %arg10[%mul3A_11] : memref<320000xf32, #tpu.memory_space<hbm>> -> memref<80xf32, #tpu.memory_space<hbm>>
      tpu.wait_dma2 semaphore(%arg24 : memref<!tpu.dma_semaphore, #tpu.memory_space<semaphore_mem>>) src(%arg20 : memref<80xf32, #tpu.memory_space<vmem>>) dst(%dma_wait3A_173 : memref<80xf32, #tpu.memory_space<hbm>>)
      %dma_wait3A_174 = tpu.memref_slice %arg11[%mul3A_11] : memref<320000xf32, #tpu.memory_space<hbm>> -> memref<80xf32, #tpu.memory_space<hbm>>
      %dma_wait3A_175 = tpu.memref_slice %arg11[%mul3A_11] : memref<320000xf32, #tpu.memory_space<hbm>> -> memref<80xf32, #tpu.memory_space<hbm>>
      tpu.wait_dma2 semaphore(%arg24 : memref<!tpu.dma_semaphore, #tpu.memory_space<semaphore_mem>>) src(%arg21 : memref<80xf32, #tpu.memory_space<vmem>>) dst(%dma_wait3A_175 : memref<80xf32, #tpu.memory_space<hbm>>)
      %dma_wait3A_176 = tpu.memref_slice %arg12[%mul3A_11] : memref<320000xf32, #tpu.memory_space<hbm>> -> memref<80xf32, #tpu.memory_space<hbm>>
      %dma_wait3A_177 = tpu.memref_slice %arg12[%mul3A_11] : memref<320000xf32, #tpu.memory_space<hbm>> -> memref<80xf32, #tpu.memory_space<hbm>>
      tpu.wait_dma2 semaphore(%arg24 : memref<!tpu.dma_semaphore, #tpu.memory_space<semaphore_mem>>) src(%arg22 : memref<80xf32, #tpu.memory_space<vmem>>) dst(%dma_wait3A_177 : memref<80xf32, #tpu.memory_space<hbm>>)
      %dma_wait3A_178 = tpu.memref_slice %arg13[%mul3A_11] : memref<320000xf32, #tpu.memory_space<hbm>> -> memref<80xf32, #tpu.memory_space<hbm>>
      %dma_wait3A_179 = tpu.memref_slice %arg13[%mul3A_11] : memref<320000xf32, #tpu.memory_space<hbm>> -> memref<80xf32, #tpu.memory_space<hbm>>
      tpu.wait_dma2 semaphore(%arg24 : memref<!tpu.dma_semaphore, #tpu.memory_space<semaphore_mem>>) src(%arg23 : memref<80xf32, #tpu.memory_space<vmem>>) dst(%dma_wait3A_179 : memref<80xf32, #tpu.memory_space<hbm>>)
    }
    %scan3A_5 = arith.constant 125 : i32
    return
  }
}

#map = affine_map<(d0, d1) -> (0, 0)>
#map1 = affine_map<(d0, d1) -> (0)>
module attributes {stable_mosaic.version = 14 : i64} {
  func.func @_scatter_body(%arg0: i32, %arg1: i32, %arg2: memref<320000x128xf32, #tpu.memory_space<hbm>>, %arg3: memref<320000xf32, #tpu.memory_space<hbm>>, %arg4: memref<320000xf32, #tpu.memory_space<hbm>>, %arg5: memref<320000xf32, #tpu.memory_space<hbm>>, %arg6: memref<320000xi32, #tpu.memory_space<hbm>>, %arg7: memref<10000x128xf32, #tpu.memory_space<hbm>>, %arg8: memref<40000xf32, #tpu.memory_space<hbm>>, %arg9: memref<20000x128xf32, #tpu.memory_space<hbm>>, %arg10: memref<80000xf32, #tpu.memory_space<hbm>>, %arg11: memref<80xi32, #tpu.memory_space<vmem>>, %arg12: memref<80xi32, #tpu.memory_space<vmem>>, %arg13: memref<80xi32, #tpu.memory_space<vmem>>, %arg14: memref<80xi32, #tpu.memory_space<vmem>>, %arg15: memref<80x128xf32, #tpu.memory_space<vmem>>, %arg16: memref<80xf32, #tpu.memory_space<vmem>>, %arg17: memref<80xf32, #tpu.memory_space<vmem>>, %arg18: memref<80xf32, #tpu.memory_space<vmem>>, %arg19: memref<80xf32, #tpu.memory_space<vmem>>, %arg20: memref<5000xf32, #tpu.memory_space<vmem>>, %arg21: memref<10000x128xf32, #tpu.memory_space<vmem_shared>>, %arg22: memref<40000xf32, #tpu.memory_space<vmem_shared>>, %arg23: memref<!tpu.dma_semaphore, #tpu.memory_space<semaphore_mem>>) attributes {dimension_semantics = [#tpu.dimension_semantics<core_parallel>, #tpu.dimension_semantics<subcore_parallel>], iteration_bounds = array<i64: 2, 16>, scalar_prefetch = 0 : i64, scratch_operands = 13 : i64, tpu.core_type = #tpu.core_type<sc_vector_subcore>, window_params = [{transform_indices = #map}, {transform_indices = #map1}, {transform_indices = #map1}, {transform_indices = #map1}, {transform_indices = #map1}, {transform_indices = #map}, {transform_indices = #map1}, {transform_indices = #map}, {transform_indices = #map1}]} {
    %mul3A = arith.constant 2 : i32
    %mul3A_0 = arith.muli %arg1, %mul3A : i32
    %add3A = arith.addi %mul3A_0, %arg0 : i32
    %mul3A_1 = arith.constant 624 : i32
    %mul3A_2 = arith.muli %arg1, %mul3A_1 : i32
    %mul3A_3 = arith.constant 624 : i32
    %mul3A_4 = arith.muli %arg1, %mul3A_3 : i32
    "tpu.region"() ({
      %run_scoped3A = tpu.sem_alloc : memref<!tpu.dma_semaphore, #tpu.memory_space<semaphore_mem>>
      %dma_start3A = arith.constant 0 : i32
      %dma_start3A_52 = tpu.memref_slice %arg21[%mul3A_4, %dma_start3A] : memref<10000x128xf32, #tpu.memory_space<vmem_shared>> -> memref<624x128xf32, #tpu.memory_space<vmem_shared>>
      %dma_start3A_53 = arith.constant 0 : i32
      %dma_start3A_54 = tpu.memref_slice %arg7[%mul3A_2, %dma_start3A_53] : memref<10000x128xf32, #tpu.memory_space<hbm>> -> memref<624x128xf32, #tpu.memory_space<hbm>>
      tpu.enqueue_dma source(%dma_start3A_54 : memref<624x128xf32, #tpu.memory_space<hbm>>) target(%dma_start3A_52 : memref<624x128xf32, #tpu.memory_space<vmem_shared>>) target_semaphore(%run_scoped3A : memref<!tpu.dma_semaphore, #tpu.memory_space<semaphore_mem>>)
      %dma_wait3A = arith.constant 0 : i32
      %dma_wait3A_55 = tpu.memref_slice %arg21[%mul3A_4, %dma_wait3A] : memref<10000x128xf32, #tpu.memory_space<vmem_shared>> -> memref<624x128xf32, #tpu.memory_space<vmem_shared>>
      %dma_wait3A_56 = arith.constant 0 : i32
      %dma_wait3A_57 = tpu.memref_slice %arg7[%mul3A_2, %dma_wait3A_56] : memref<10000x128xf32, #tpu.memory_space<hbm>> -> memref<624x128xf32, #tpu.memory_space<hbm>>
      tpu.wait_dma2 semaphore(%run_scoped3A : memref<!tpu.dma_semaphore, #tpu.memory_space<semaphore_mem>>) src(%dma_wait3A_57 : memref<624x128xf32, #tpu.memory_space<hbm>>) dst(%dma_wait3A_55 : memref<624x128xf32, #tpu.memory_space<vmem_shared>>)
      tpu.yield
    }) : () -> ()
    %eq3A = arith.constant 15 : i32
    %eq3A_5 = arith.cmpi eq, %arg1, %eq3A : i32
    %convert_element_type3A = arith.extui %eq3A_5 : i1 to i32
    %cond3A = arith.constant 0 : i32
    %cond3A_6 = arith.cmpi ne, %convert_element_type3A, %cond3A : i32
    scf.if %cond3A_6 {
      "tpu.region"() ({
        %run_scoped3A = tpu.sem_alloc : memref<!tpu.dma_semaphore, #tpu.memory_space<semaphore_mem>>
        %dma_start3A = arith.constant 9984 : i32
        %dma_start3A_52 = arith.constant 0 : i32
        %dma_start3A_53 = tpu.memref_slice %arg21[%dma_start3A, %dma_start3A_52] : memref<10000x128xf32, #tpu.memory_space<vmem_shared>> -> memref<16x128xf32, #tpu.memory_space<vmem_shared>>
        %dma_start3A_54 = arith.constant 9984 : i32
        %dma_start3A_55 = arith.constant 0 : i32
        %dma_start3A_56 = tpu.memref_slice %arg7[%dma_start3A_54, %dma_start3A_55] : memref<10000x128xf32, #tpu.memory_space<hbm>> -> memref<16x128xf32, #tpu.memory_space<hbm>>
        tpu.enqueue_dma source(%dma_start3A_56 : memref<16x128xf32, #tpu.memory_space<hbm>>) target(%dma_start3A_53 : memref<16x128xf32, #tpu.memory_space<vmem_shared>>) target_semaphore(%run_scoped3A : memref<!tpu.dma_semaphore, #tpu.memory_space<semaphore_mem>>)
        %dma_wait3A = arith.constant 9984 : i32
        %dma_wait3A_57 = arith.constant 0 : i32
        %dma_wait3A_58 = tpu.memref_slice %arg21[%dma_wait3A, %dma_wait3A_57] : memref<10000x128xf32, #tpu.memory_space<vmem_shared>> -> memref<16x128xf32, #tpu.memory_space<vmem_shared>>
        %dma_wait3A_59 = arith.constant 9984 : i32
        %dma_wait3A_60 = arith.constant 0 : i32
        %dma_wait3A_61 = tpu.memref_slice %arg7[%dma_wait3A_59, %dma_wait3A_60] : memref<10000x128xf32, #tpu.memory_space<hbm>> -> memref<16x128xf32, #tpu.memory_space<hbm>>
        tpu.wait_dma2 semaphore(%run_scoped3A : memref<!tpu.dma_semaphore, #tpu.memory_space<semaphore_mem>>) src(%dma_wait3A_61 : memref<16x128xf32, #tpu.memory_space<hbm>>) dst(%dma_wait3A_58 : memref<16x128xf32, #tpu.memory_space<vmem_shared>>)
        tpu.yield
      }) : () -> ()
    } else {
    }
    %lt3A = arith.constant 8 : i32
    %lt3A_7 = arith.cmpi slt, %arg1, %lt3A : i32
    %convert_element_type3A_8 = arith.extui %lt3A_7 : i1 to i32
    %cond3A_9 = arith.constant 0 : i32
    %cond3A_10 = arith.cmpi ne, %convert_element_type3A_8, %cond3A_9 : i32
    scf.if %cond3A_10 {
      %mul3A_52 = arith.constant 5000 : i32
      %mul3A_53 = arith.muli %arg1, %mul3A_52 : i32
      "tpu.region"() ({
        %run_scoped3A = tpu.sem_alloc : memref<!tpu.dma_semaphore, #tpu.memory_space<semaphore_mem>>
        %dma_start3A = tpu.memref_slice %arg8[%mul3A_53] : memref<40000xf32, #tpu.memory_space<hbm>> -> memref<5000xf32, #tpu.memory_space<hbm>>
        %dma_start3A_56 = tpu.memref_slice %arg8[%mul3A_53] : memref<40000xf32, #tpu.memory_space<hbm>> -> memref<5000xf32, #tpu.memory_space<hbm>>
        tpu.enqueue_dma source(%dma_start3A_56 : memref<5000xf32, #tpu.memory_space<hbm>>) target(%arg20 : memref<5000xf32, #tpu.memory_space<vmem>>) target_semaphore(%run_scoped3A : memref<!tpu.dma_semaphore, #tpu.memory_space<semaphore_mem>>)
        %dma_wait3A = tpu.memref_slice %arg8[%mul3A_53] : memref<40000xf32, #tpu.memory_space<hbm>> -> memref<5000xf32, #tpu.memory_space<hbm>>
        %dma_wait3A_57 = tpu.memref_slice %arg8[%mul3A_53] : memref<40000xf32, #tpu.memory_space<hbm>> -> memref<5000xf32, #tpu.memory_space<hbm>>
        tpu.wait_dma2 semaphore(%run_scoped3A : memref<!tpu.dma_semaphore, #tpu.memory_space<semaphore_mem>>) src(%dma_wait3A_57 : memref<5000xf32, #tpu.memory_space<hbm>>) dst(%arg20 : memref<5000xf32, #tpu.memory_space<vmem>>)
        tpu.yield
      }) : () -> ()
      %mul3A_54 = arith.constant 5000 : i32
      %mul3A_55 = arith.muli %arg1, %mul3A_54 : i32
      "tpu.region"() ({
        %run_scoped3A = tpu.sem_alloc : memref<!tpu.dma_semaphore, #tpu.memory_space<semaphore_mem>>
        %dma_start3A = tpu.memref_slice %arg22[%mul3A_55] : memref<40000xf32, #tpu.memory_space<vmem_shared>> -> memref<5000xf32, #tpu.memory_space<vmem_shared>>
        %dma_start3A_56 = tpu.memref_slice %arg22[%mul3A_55] : memref<40000xf32, #tpu.memory_space<vmem_shared>> -> memref<5000xf32, #tpu.memory_space<vmem_shared>>
        tpu.enqueue_dma source(%arg20 : memref<5000xf32, #tpu.memory_space<vmem>>) target(%dma_start3A_56 : memref<5000xf32, #tpu.memory_space<vmem_shared>>) target_semaphore(%run_scoped3A : memref<!tpu.dma_semaphore, #tpu.memory_space<semaphore_mem>>)
        %dma_wait3A = tpu.memref_slice %arg22[%mul3A_55] : memref<40000xf32, #tpu.memory_space<vmem_shared>> -> memref<5000xf32, #tpu.memory_space<vmem_shared>>
        %dma_wait3A_57 = tpu.memref_slice %arg22[%mul3A_55] : memref<40000xf32, #tpu.memory_space<vmem_shared>> -> memref<5000xf32, #tpu.memory_space<vmem_shared>>
        tpu.wait_dma2 semaphore(%run_scoped3A : memref<!tpu.dma_semaphore, #tpu.memory_space<semaphore_mem>>) src(%arg20 : memref<5000xf32, #tpu.memory_space<vmem>>) dst(%dma_wait3A_57 : memref<5000xf32, #tpu.memory_space<vmem_shared>>)
        tpu.yield
      }) : () -> ()
    } else {
    }
    %broadcast_in_dim3A = arith.constant 1.000000e+00 : f32
    %broadcast_in_dim3A_11 = vector.broadcast %broadcast_in_dim3A : f32 to vector<16xf32>
    %swap3A = arith.constant 0 : index
    %swap3A_12 = tpu.vector_load %arg19[%swap3A] {strides = array<i32>} : memref<80xf32, #tpu.memory_space<vmem>>, vector<16xf32>,
    tpu.vector_store %arg19[%swap3A], %broadcast_in_dim3A_11 {strides = array<i32>} : memref<80xf32, #tpu.memory_space<vmem>>, vector<16xf32>,
    %broadcast_in_dim3A_13 = arith.constant 1.000000e+00 : f32
    %broadcast_in_dim3A_14 = vector.broadcast %broadcast_in_dim3A_13 : f32 to vector<16xf32>
    %swap3A_15 = arith.constant 16 : index
    %swap3A_16 = tpu.vector_load %arg19[%swap3A_15] {strides = array<i32>} : memref<80xf32, #tpu.memory_space<vmem>>, vector<16xf32>,
    tpu.vector_store %arg19[%swap3A_15], %broadcast_in_dim3A_14 {strides = array<i32>} : memref<80xf32, #tpu.memory_space<vmem>>, vector<16xf32>,
    %broadcast_in_dim3A_17 = arith.constant 1.000000e+00 : f32
    %broadcast_in_dim3A_18 = vector.broadcast %broadcast_in_dim3A_17 : f32 to vector<16xf32>
    %swap3A_19 = arith.constant 32 : index
    %swap3A_20 = tpu.vector_load %arg19[%swap3A_19] {strides = array<i32>} : memref<80xf32, #tpu.memory_space<vmem>>, vector<16xf32>,
    tpu.vector_store %arg19[%swap3A_19], %broadcast_in_dim3A_18 {strides = array<i32>} : memref<80xf32, #tpu.memory_space<vmem>>, vector<16xf32>,
    %broadcast_in_dim3A_21 = arith.constant 1.000000e+00 : f32
    %broadcast_in_dim3A_22 = vector.broadcast %broadcast_in_dim3A_21 : f32 to vector<16xf32>
    %swap3A_23 = arith.constant 48 : index
    %swap3A_24 = tpu.vector_load %arg19[%swap3A_23] {strides = array<i32>} : memref<80xf32, #tpu.memory_space<vmem>>, vector<16xf32>,
    tpu.vector_store %arg19[%swap3A_23], %broadcast_in_dim3A_22 {strides = array<i32>} : memref<80xf32, #tpu.memory_space<vmem>>, vector<16xf32>,
    %broadcast_in_dim3A_25 = arith.constant 1.000000e+00 : f32
    %broadcast_in_dim3A_26 = vector.broadcast %broadcast_in_dim3A_25 : f32 to vector<16xf32>
    %swap3A_27 = arith.constant 64 : index
    %swap3A_28 = tpu.vector_load %arg19[%swap3A_27] {strides = array<i32>} : memref<80xf32, #tpu.memory_space<vmem>>, vector<16xf32>,
    tpu.vector_store %arg19[%swap3A_27], %broadcast_in_dim3A_26 {strides = array<i32>} : memref<80xf32, #tpu.memory_space<vmem>>, vector<16xf32>,
    %barrier3A = arith.constant 0 : index
    tpu.barrier barrier_id(%barrier3A)
    %scan3A = arith.constant 0 : i32
    %scan3A_29 = arith.constant 0 : i32
    %scan3A_30 = arith.constant 125 : i32
    %scan3A_31 = arith.addi %scan3A_29, %scan3A_30 : i32
    %scan3A_32 = arith.constant 1 : i32
    scf.for %scan3A_52 = %scan3A_29 to %scan3A_31 step %scan3A_32  : i32 {
      %mul3A_53 = arith.constant 32 : i32
      %mul3A_54 = arith.muli %mul3A_53, %scan3A_52 : i32
      %add3A_55 = arith.addi %add3A, %mul3A_54 : i32
      %mul3A_56 = arith.constant 80 : i32
      %mul3A_57 = arith.muli %add3A_55, %mul3A_56 : i32
      %dma_start3A = tpu.memref_slice %arg6[%mul3A_57] : memref<320000xi32, #tpu.memory_space<hbm>> -> memref<80xi32, #tpu.memory_space<hbm>>
      %dma_start3A_58 = tpu.memref_slice %arg6[%mul3A_57] : memref<320000xi32, #tpu.memory_space<hbm>> -> memref<80xi32, #tpu.memory_space<hbm>>
      tpu.enqueue_dma source(%dma_start3A_58 : memref<80xi32, #tpu.memory_space<hbm>>) target(%arg11 : memref<80xi32, #tpu.memory_space<vmem>>) target_semaphore(%arg23 : memref<!tpu.dma_semaphore, #tpu.memory_space<semaphore_mem>>)
      %dma_wait3A = tpu.memref_slice %arg6[%mul3A_57] : memref<320000xi32, #tpu.memory_space<hbm>> -> memref<80xi32, #tpu.memory_space<hbm>>
      %dma_wait3A_59 = tpu.memref_slice %arg6[%mul3A_57] : memref<320000xi32, #tpu.memory_space<hbm>> -> memref<80xi32, #tpu.memory_space<hbm>>
      tpu.wait_dma2 semaphore(%arg23 : memref<!tpu.dma_semaphore, #tpu.memory_space<semaphore_mem>>) src(%dma_wait3A_59 : memref<80xi32, #tpu.memory_space<hbm>>) dst(%arg11 : memref<80xi32, #tpu.memory_space<vmem>>)
      %dma_start3A_60 = arith.constant 0 : i32
      %dma_start3A_61 = tpu.memref_slice %arg2[%mul3A_57, %dma_start3A_60] : memref<320000x128xf32, #tpu.memory_space<hbm>> -> memref<80x128xf32, #tpu.memory_space<hbm>>
      %dma_start3A_62 = arith.constant 0 : i32
      %dma_start3A_63 = tpu.memref_slice %arg2[%mul3A_57, %dma_start3A_62] : memref<320000x128xf32, #tpu.memory_space<hbm>> -> memref<80x128xf32, #tpu.memory_space<hbm>>
      tpu.enqueue_dma source(%dma_start3A_63 : memref<80x128xf32, #tpu.memory_space<hbm>>) target(%arg15 : memref<80x128xf32, #tpu.memory_space<vmem>>) target_semaphore(%arg23 : memref<!tpu.dma_semaphore, #tpu.memory_space<semaphore_mem>>)
      %dma_start3A_64 = tpu.memref_slice %arg3[%mul3A_57] : memref<320000xf32, #tpu.memory_space<hbm>> -> memref<80xf32, #tpu.memory_space<hbm>>
      %dma_start3A_65 = tpu.memref_slice %arg3[%mul3A_57] : memref<320000xf32, #tpu.memory_space<hbm>> -> memref<80xf32, #tpu.memory_space<hbm>>
      tpu.enqueue_dma source(%dma_start3A_65 : memref<80xf32, #tpu.memory_space<hbm>>) target(%arg16 : memref<80xf32, #tpu.memory_space<vmem>>) target_semaphore(%arg23 : memref<!tpu.dma_semaphore, #tpu.memory_space<semaphore_mem>>)
      %dma_start3A_66 = tpu.memref_slice %arg4[%mul3A_57] : memref<320000xf32, #tpu.memory_space<hbm>> -> memref<80xf32, #tpu.memory_space<hbm>>
      %dma_start3A_67 = tpu.memref_slice %arg4[%mul3A_57] : memref<320000xf32, #tpu.memory_space<hbm>> -> memref<80xf32, #tpu.memory_space<hbm>>
      tpu.enqueue_dma source(%dma_start3A_67 : memref<80xf32, #tpu.memory_space<hbm>>) target(%arg17 : memref<80xf32, #tpu.memory_space<vmem>>) target_semaphore(%arg23 : memref<!tpu.dma_semaphore, #tpu.memory_space<semaphore_mem>>)
      %dma_start3A_68 = tpu.memref_slice %arg5[%mul3A_57] : memref<320000xf32, #tpu.memory_space<hbm>> -> memref<80xf32, #tpu.memory_space<hbm>>
      %dma_start3A_69 = tpu.memref_slice %arg5[%mul3A_57] : memref<320000xf32, #tpu.memory_space<hbm>> -> memref<80xf32, #tpu.memory_space<hbm>>
      tpu.enqueue_dma source(%dma_start3A_69 : memref<80xf32, #tpu.memory_space<hbm>>) target(%arg18 : memref<80xf32, #tpu.memory_space<vmem>>) target_semaphore(%arg23 : memref<!tpu.dma_semaphore, #tpu.memory_space<semaphore_mem>>)
      %get3A = arith.constant 0 : index
      %get3A_70 = tpu.vector_load %arg11[%get3A] {strides = array<i32>} : memref<80xi32, #tpu.memory_space<vmem>>, vector<16xi32>,
      %add3A_71 = arith.constant 10000 : i32
      %add3A_72 = vector.broadcast %add3A_71 : i32 to vector<16xi32>
      %add3A_73 = arith.addi %get3A_70, %add3A_72 : vector<16xi32>
      %swap3A_74 = arith.constant 0 : index
      %swap3A_75 = tpu.vector_load %arg12[%swap3A_74] {strides = array<i32>} : memref<80xi32, #tpu.memory_space<vmem>>, vector<16xi32>,
      tpu.vector_store %arg12[%swap3A_74], %add3A_73 {strides = array<i32>} : memref<80xi32, #tpu.memory_space<vmem>>, vector<16xi32>,
      %add3A_76 = arith.constant 20000 : i32
      %add3A_77 = vector.broadcast %add3A_76 : i32 to vector<16xi32>
      %add3A_78 = arith.addi %get3A_70, %add3A_77 : vector<16xi32>
      %swap3A_79 = arith.constant 0 : index
      %swap3A_80 = tpu.vector_load %arg13[%swap3A_79] {strides = array<i32>} : memref<80xi32, #tpu.memory_space<vmem>>, vector<16xi32>,
      tpu.vector_store %arg13[%swap3A_79], %add3A_78 {strides = array<i32>} : memref<80xi32, #tpu.memory_space<vmem>>, vector<16xi32>,
      %add3A_81 = arith.constant 30000 : i32
      %add3A_82 = vector.broadcast %add3A_81 : i32 to vector<16xi32>
      %add3A_83 = arith.addi %get3A_70, %add3A_82 : vector<16xi32>
      %swap3A_84 = arith.constant 0 : index
      %swap3A_85 = tpu.vector_load %arg14[%swap3A_84] {strides = array<i32>} : memref<80xi32, #tpu.memory_space<vmem>>, vector<16xi32>,
      tpu.vector_store %arg14[%swap3A_84], %add3A_83 {strides = array<i32>} : memref<80xi32, #tpu.memory_space<vmem>>, vector<16xi32>,
      %get3A_86 = arith.constant 16 : index
      %get3A_87 = tpu.vector_load %arg11[%get3A_86] {strides = array<i32>} : memref<80xi32, #tpu.memory_space<vmem>>, vector<16xi32>,
      %add3A_88 = arith.constant 10000 : i32
      %add3A_89 = vector.broadcast %add3A_88 : i32 to vector<16xi32>
      %add3A_90 = arith.addi %get3A_87, %add3A_89 : vector<16xi32>
      %swap3A_91 = arith.constant 16 : index
      %swap3A_92 = tpu.vector_load %arg12[%swap3A_91] {strides = array<i32>} : memref<80xi32, #tpu.memory_space<vmem>>, vector<16xi32>,
      tpu.vector_store %arg12[%swap3A_91], %add3A_90 {strides = array<i32>} : memref<80xi32, #tpu.memory_space<vmem>>, vector<16xi32>,
      %add3A_93 = arith.constant 20000 : i32
      %add3A_94 = vector.broadcast %add3A_93 : i32 to vector<16xi32>
      %add3A_95 = arith.addi %get3A_87, %add3A_94 : vector<16xi32>
      %swap3A_96 = arith.constant 16 : index
      %swap3A_97 = tpu.vector_load %arg13[%swap3A_96] {strides = array<i32>} : memref<80xi32, #tpu.memory_space<vmem>>, vector<16xi32>,
      tpu.vector_store %arg13[%swap3A_96], %add3A_95 {strides = array<i32>} : memref<80xi32, #tpu.memory_space<vmem>>, vector<16xi32>,
      %add3A_98 = arith.constant 30000 : i32
      %add3A_99 = vector.broadcast %add3A_98 : i32 to vector<16xi32>
      %add3A_100 = arith.addi %get3A_87, %add3A_99 : vector<16xi32>
      %swap3A_101 = arith.constant 16 : index
      %swap3A_102 = tpu.vector_load %arg14[%swap3A_101] {strides = array<i32>} : memref<80xi32, #tpu.memory_space<vmem>>, vector<16xi32>,
      tpu.vector_store %arg14[%swap3A_101], %add3A_100 {strides = array<i32>} : memref<80xi32, #tpu.memory_space<vmem>>, vector<16xi32>,
      %get3A_103 = arith.constant 32 : index
      %get3A_104 = tpu.vector_load %arg11[%get3A_103] {strides = array<i32>} : memref<80xi32, #tpu.memory_space<vmem>>, vector<16xi32>,
      %add3A_105 = arith.constant 10000 : i32
      %add3A_106 = vector.broadcast %add3A_105 : i32 to vector<16xi32>
      %add3A_107 = arith.addi %get3A_104, %add3A_106 : vector<16xi32>
      %swap3A_108 = arith.constant 32 : index
      %swap3A_109 = tpu.vector_load %arg12[%swap3A_108] {strides = array<i32>} : memref<80xi32, #tpu.memory_space<vmem>>, vector<16xi32>,
      tpu.vector_store %arg12[%swap3A_108], %add3A_107 {strides = array<i32>} : memref<80xi32, #tpu.memory_space<vmem>>, vector<16xi32>,
      %add3A_110 = arith.constant 20000 : i32
      %add3A_111 = vector.broadcast %add3A_110 : i32 to vector<16xi32>
      %add3A_112 = arith.addi %get3A_104, %add3A_111 : vector<16xi32>
      %swap3A_113 = arith.constant 32 : index
      %swap3A_114 = tpu.vector_load %arg13[%swap3A_113] {strides = array<i32>} : memref<80xi32, #tpu.memory_space<vmem>>, vector<16xi32>,
      tpu.vector_store %arg13[%swap3A_113], %add3A_112 {strides = array<i32>} : memref<80xi32, #tpu.memory_space<vmem>>, vector<16xi32>,
      %add3A_115 = arith.constant 30000 : i32
      %add3A_116 = vector.broadcast %add3A_115 : i32 to vector<16xi32>
      %add3A_117 = arith.addi %get3A_104, %add3A_116 : vector<16xi32>
      %swap3A_118 = arith.constant 32 : index
      %swap3A_119 = tpu.vector_load %arg14[%swap3A_118] {strides = array<i32>} : memref<80xi32, #tpu.memory_space<vmem>>, vector<16xi32>,
      tpu.vector_store %arg14[%swap3A_118], %add3A_117 {strides = array<i32>} : memref<80xi32, #tpu.memory_space<vmem>>, vector<16xi32>,
      %get3A_120 = arith.constant 48 : index
      %get3A_121 = tpu.vector_load %arg11[%get3A_120] {strides = array<i32>} : memref<80xi32, #tpu.memory_space<vmem>>, vector<16xi32>,
      %add3A_122 = arith.constant 10000 : i32
      %add3A_123 = vector.broadcast %add3A_122 : i32 to vector<16xi32>
      %add3A_124 = arith.addi %get3A_121, %add3A_123 : vector<16xi32>
      %swap3A_125 = arith.constant 48 : index
      %swap3A_126 = tpu.vector_load %arg12[%swap3A_125] {strides = array<i32>} : memref<80xi32, #tpu.memory_space<vmem>>, vector<16xi32>,
      tpu.vector_store %arg12[%swap3A_125], %add3A_124 {strides = array<i32>} : memref<80xi32, #tpu.memory_space<vmem>>, vector<16xi32>,
      %add3A_127 = arith.constant 20000 : i32
      %add3A_128 = vector.broadcast %add3A_127 : i32 to vector<16xi32>
      %add3A_129 = arith.addi %get3A_121, %add3A_128 : vector<16xi32>
      %swap3A_130 = arith.constant 48 : index
      %swap3A_131 = tpu.vector_load %arg13[%swap3A_130] {strides = array<i32>} : memref<80xi32, #tpu.memory_space<vmem>>, vector<16xi32>,
      tpu.vector_store %arg13[%swap3A_130], %add3A_129 {strides = array<i32>} : memref<80xi32, #tpu.memory_space<vmem>>, vector<16xi32>,
      %add3A_132 = arith.constant 30000 : i32
      %add3A_133 = vector.broadcast %add3A_132 : i32 to vector<16xi32>
      %add3A_134 = arith.addi %get3A_121, %add3A_133 : vector<16xi32>
      %swap3A_135 = arith.constant 48 : index
      %swap3A_136 = tpu.vector_load %arg14[%swap3A_135] {strides = array<i32>} : memref<80xi32, #tpu.memory_space<vmem>>, vector<16xi32>,
      tpu.vector_store %arg14[%swap3A_135], %add3A_134 {strides = array<i32>} : memref<80xi32, #tpu.memory_space<vmem>>, vector<16xi32>,
      %get3A_137 = arith.constant 64 : index
      %get3A_138 = tpu.vector_load %arg11[%get3A_137] {strides = array<i32>} : memref<80xi32, #tpu.memory_space<vmem>>, vector<16xi32>,
      %add3A_139 = arith.constant 10000 : i32
      %add3A_140 = vector.broadcast %add3A_139 : i32 to vector<16xi32>
      %add3A_141 = arith.addi %get3A_138, %add3A_140 : vector<16xi32>
      %swap3A_142 = arith.constant 64 : index
      %swap3A_143 = tpu.vector_load %arg12[%swap3A_142] {strides = array<i32>} : memref<80xi32, #tpu.memory_space<vmem>>, vector<16xi32>,
      tpu.vector_store %arg12[%swap3A_142], %add3A_141 {strides = array<i32>} : memref<80xi32, #tpu.memory_space<vmem>>, vector<16xi32>,
      %add3A_144 = arith.constant 20000 : i32
      %add3A_145 = vector.broadcast %add3A_144 : i32 to vector<16xi32>
      %add3A_146 = arith.addi %get3A_138, %add3A_145 : vector<16xi32>
      %swap3A_147 = arith.constant 64 : index
      %swap3A_148 = tpu.vector_load %arg13[%swap3A_147] {strides = array<i32>} : memref<80xi32, #tpu.memory_space<vmem>>, vector<16xi32>,
      tpu.vector_store %arg13[%swap3A_147], %add3A_146 {strides = array<i32>} : memref<80xi32, #tpu.memory_space<vmem>>, vector<16xi32>,
      %add3A_149 = arith.constant 30000 : i32
      %add3A_150 = vector.broadcast %add3A_149 : i32 to vector<16xi32>
      %add3A_151 = arith.addi %get3A_138, %add3A_150 : vector<16xi32>
      %swap3A_152 = arith.constant 64 : index
      %swap3A_153 = tpu.vector_load %arg14[%swap3A_152] {strides = array<i32>} : memref<80xi32, #tpu.memory_space<vmem>>, vector<16xi32>,
      tpu.vector_store %arg14[%swap3A_152], %add3A_151 {strides = array<i32>} : memref<80xi32, #tpu.memory_space<vmem>>, vector<16xi32>,
      %dma_wait3A_154 = arith.constant 0 : i32
      %dma_wait3A_155 = tpu.memref_slice %arg2[%mul3A_57, %dma_wait3A_154] : memref<320000x128xf32, #tpu.memory_space<hbm>> -> memref<80x128xf32, #tpu.memory_space<hbm>>
      %dma_wait3A_156 = arith.constant 0 : i32
      %dma_wait3A_157 = tpu.memref_slice %arg2[%mul3A_57, %dma_wait3A_156] : memref<320000x128xf32, #tpu.memory_space<hbm>> -> memref<80x128xf32, #tpu.memory_space<hbm>>
      tpu.wait_dma2 semaphore(%arg23 : memref<!tpu.dma_semaphore, #tpu.memory_space<semaphore_mem>>) src(%dma_wait3A_157 : memref<80x128xf32, #tpu.memory_space<hbm>>) dst(%arg15 : memref<80x128xf32, #tpu.memory_space<vmem>>)
      %dma_wait3A_158 = tpu.memref_slice %arg3[%mul3A_57] : memref<320000xf32, #tpu.memory_space<hbm>> -> memref<80xf32, #tpu.memory_space<hbm>>
      %dma_wait3A_159 = tpu.memref_slice %arg3[%mul3A_57] : memref<320000xf32, #tpu.memory_space<hbm>> -> memref<80xf32, #tpu.memory_space<hbm>>
      tpu.wait_dma2 semaphore(%arg23 : memref<!tpu.dma_semaphore, #tpu.memory_space<semaphore_mem>>) src(%dma_wait3A_159 : memref<80xf32, #tpu.memory_space<hbm>>) dst(%arg16 : memref<80xf32, #tpu.memory_space<vmem>>)
      %dma_wait3A_160 = tpu.memref_slice %arg4[%mul3A_57] : memref<320000xf32, #tpu.memory_space<hbm>> -> memref<80xf32, #tpu.memory_space<hbm>>
      %dma_wait3A_161 = tpu.memref_slice %arg4[%mul3A_57] : memref<320000xf32, #tpu.memory_space<hbm>> -> memref<80xf32, #tpu.memory_space<hbm>>
      tpu.wait_dma2 semaphore(%arg23 : memref<!tpu.dma_semaphore, #tpu.memory_space<semaphore_mem>>) src(%dma_wait3A_161 : memref<80xf32, #tpu.memory_space<hbm>>) dst(%arg17 : memref<80xf32, #tpu.memory_space<vmem>>)
      %dma_wait3A_162 = tpu.memref_slice %arg5[%mul3A_57] : memref<320000xf32, #tpu.memory_space<hbm>> -> memref<80xf32, #tpu.memory_space<hbm>>
      %dma_wait3A_163 = tpu.memref_slice %arg5[%mul3A_57] : memref<320000xf32, #tpu.memory_space<hbm>> -> memref<80xf32, #tpu.memory_space<hbm>>
      tpu.wait_dma2 semaphore(%arg23 : memref<!tpu.dma_semaphore, #tpu.memory_space<semaphore_mem>>) src(%dma_wait3A_163 : memref<80xf32, #tpu.memory_space<hbm>>) dst(%arg18 : memref<80xf32, #tpu.memory_space<vmem>>)
      "tpu.region"() ({
        %run_scoped3A = tpu.sem_alloc : memref<!tpu.dma_semaphore, #tpu.memory_space<semaphore_mem>>
        %dma_start3A_164 = arith.constant 0 : i32
        %dma_start3A_165 = arith.constant 0 : i32
        %dma_start3A_166 = tpu.memref_slice %arg21[%dma_start3A_164, %dma_start3A_165] : memref<10000x128xf32, #tpu.memory_space<vmem_shared>> -> memref<10000x128xf32, #tpu.memory_space<vmem_shared>>
        tpu.enqueue_indirect_dma source(%arg15 : memref<80x128xf32, #tpu.memory_space<vmem>>) target(%dma_start3A_166 : memref<10000x128xf32, #tpu.memory_space<vmem_shared>>) offsets(%arg11 : memref<80xi32, #tpu.memory_space<vmem>>) semaphore(%run_scoped3A : memref<!tpu.dma_semaphore, #tpu.memory_space<semaphore_mem>>) {add = true}
        %dma_wait3A_167 = arith.constant 0 : i32
        %dma_wait3A_168 = arith.constant 0 : i32
        %dma_wait3A_169 = tpu.memref_slice %arg21[%dma_wait3A_167, %dma_wait3A_168] : memref<10000x128xf32, #tpu.memory_space<vmem_shared>> -> memref<10000x128xf32, #tpu.memory_space<vmem_shared>>
        tpu.wait_indirect_dma semaphore(%run_scoped3A : memref<!tpu.dma_semaphore, #tpu.memory_space<semaphore_mem>>) src(%arg15 : memref<80x128xf32, #tpu.memory_space<vmem>>) dst(%dma_wait3A_169 : memref<10000x128xf32, #tpu.memory_space<vmem_shared>>)
        tpu.yield
      }) : () -> ()
      "tpu.region"() ({
        %run_scoped3A = tpu.sem_alloc : memref<!tpu.dma_semaphore, #tpu.memory_space<semaphore_mem>>
        %dma_start3A_164 = arith.constant 0 : i32
        %dma_start3A_165 = tpu.memref_slice %arg22[%dma_start3A_164] : memref<40000xf32, #tpu.memory_space<vmem_shared>> -> memref<40000xf32, #tpu.memory_space<vmem_shared>>
        tpu.enqueue_indirect_dma source(%arg16 : memref<80xf32, #tpu.memory_space<vmem>>) target(%dma_start3A_165 : memref<40000xf32, #tpu.memory_space<vmem_shared>>) offsets(%arg11 : memref<80xi32, #tpu.memory_space<vmem>>) semaphore(%run_scoped3A : memref<!tpu.dma_semaphore, #tpu.memory_space<semaphore_mem>>) {add = true}
        %dma_wait3A_166 = arith.constant 0 : i32
        %dma_wait3A_167 = tpu.memref_slice %arg22[%dma_wait3A_166] : memref<40000xf32, #tpu.memory_space<vmem_shared>> -> memref<40000xf32, #tpu.memory_space<vmem_shared>>
        tpu.wait_indirect_dma semaphore(%run_scoped3A : memref<!tpu.dma_semaphore, #tpu.memory_space<semaphore_mem>>) src(%arg16 : memref<80xf32, #tpu.memory_space<vmem>>) dst(%dma_wait3A_167 : memref<40000xf32, #tpu.memory_space<vmem_shared>>)
        tpu.yield
      }) : () -> ()
      "tpu.region"() ({
        %run_scoped3A = tpu.sem_alloc : memref<!tpu.dma_semaphore, #tpu.memory_space<semaphore_mem>>
        %dma_start3A_164 = arith.constant 0 : i32
        %dma_start3A_165 = tpu.memref_slice %arg22[%dma_start3A_164] : memref<40000xf32, #tpu.memory_space<vmem_shared>> -> memref<40000xf32, #tpu.memory_space<vmem_shared>>
        tpu.enqueue_indirect_dma source(%arg17 : memref<80xf32, #tpu.memory_space<vmem>>) target(%dma_start3A_165 : memref<40000xf32, #tpu.memory_space<vmem_shared>>) offsets(%arg12 : memref<80xi32, #tpu.memory_space<vmem>>) semaphore(%run_scoped3A : memref<!tpu.dma_semaphore, #tpu.memory_space<semaphore_mem>>) {add = true}
        %dma_wait3A_166 = arith.constant 0 : i32
        %dma_wait3A_167 = tpu.memref_slice %arg22[%dma_wait3A_166] : memref<40000xf32, #tpu.memory_space<vmem_shared>> -> memref<40000xf32, #tpu.memory_space<vmem_shared>>
        tpu.wait_indirect_dma semaphore(%run_scoped3A : memref<!tpu.dma_semaphore, #tpu.memory_space<semaphore_mem>>) src(%arg17 : memref<80xf32, #tpu.memory_space<vmem>>) dst(%dma_wait3A_167 : memref<40000xf32, #tpu.memory_space<vmem_shared>>)
        tpu.yield
      }) : () -> ()
      "tpu.region"() ({
        %run_scoped3A = tpu.sem_alloc : memref<!tpu.dma_semaphore, #tpu.memory_space<semaphore_mem>>
        %dma_start3A_164 = arith.constant 0 : i32
        %dma_start3A_165 = tpu.memref_slice %arg22[%dma_start3A_164] : memref<40000xf32, #tpu.memory_space<vmem_shared>> -> memref<40000xf32, #tpu.memory_space<vmem_shared>>
        tpu.enqueue_indirect_dma source(%arg18 : memref<80xf32, #tpu.memory_space<vmem>>) target(%dma_start3A_165 : memref<40000xf32, #tpu.memory_space<vmem_shared>>) offsets(%arg13 : memref<80xi32, #tpu.memory_space<vmem>>) semaphore(%run_scoped3A : memref<!tpu.dma_semaphore, #tpu.memory_space<semaphore_mem>>) {add = true}
        %dma_wait3A_166 = arith.constant 0 : i32
        %dma_wait3A_167 = tpu.memref_slice %arg22[%dma_wait3A_166] : memref<40000xf32, #tpu.memory_space<vmem_shared>> -> memref<40000xf32, #tpu.memory_space<vmem_shared>>
        tpu.wait_indirect_dma semaphore(%run_scoped3A : memref<!tpu.dma_semaphore, #tpu.memory_space<semaphore_mem>>) src(%arg18 : memref<80xf32, #tpu.memory_space<vmem>>) dst(%dma_wait3A_167 : memref<40000xf32, #tpu.memory_space<vmem_shared>>)
        tpu.yield
      }) : () -> ()
      "tpu.region"() ({
        %run_scoped3A = tpu.sem_alloc : memref<!tpu.dma_semaphore, #tpu.memory_space<semaphore_mem>>
        %dma_start3A_164 = arith.constant 0 : i32
        %dma_start3A_165 = tpu.memref_slice %arg22[%dma_start3A_164] : memref<40000xf32, #tpu.memory_space<vmem_shared>> -> memref<40000xf32, #tpu.memory_space<vmem_shared>>
        tpu.enqueue_indirect_dma source(%arg19 : memref<80xf32, #tpu.memory_space<vmem>>) target(%dma_start3A_165 : memref<40000xf32, #tpu.memory_space<vmem_shared>>) offsets(%arg14 : memref<80xi32, #tpu.memory_space<vmem>>) semaphore(%run_scoped3A : memref<!tpu.dma_semaphore, #tpu.memory_space<semaphore_mem>>) {add = true}
        %dma_wait3A_166 = arith.constant 0 : i32
        %dma_wait3A_167 = tpu.memref_slice %arg22[%dma_wait3A_166] : memref<40000xf32, #tpu.memory_space<vmem_shared>> -> memref<40000xf32, #tpu.memory_space<vmem_shared>>
        tpu.wait_indirect_dma semaphore(%run_scoped3A : memref<!tpu.dma_semaphore, #tpu.memory_space<semaphore_mem>>) src(%arg19 : memref<80xf32, #tpu.memory_space<vmem>>) dst(%dma_wait3A_167 : memref<40000xf32, #tpu.memory_space<vmem_shared>>)
        tpu.yield
      }) : () -> ()
    }
    %scan3A_33 = arith.constant 125 : i32
    %barrier3A_34 = arith.constant 0 : index
    tpu.barrier barrier_id(%barrier3A_34)
    %mul3A_35 = arith.constant 624 : i32
    %mul3A_36 = arith.muli %arg1, %mul3A_35 : i32
    %mul3A_37 = arith.constant 10000 : i32
    %mul3A_38 = arith.muli %arg0, %mul3A_37 : i32
    %mul3A_39 = arith.constant 624 : i32
    %mul3A_40 = arith.muli %arg1, %mul3A_39 : i32
    %add3A_41 = arith.addi %mul3A_38, %mul3A_40 : i32
    "tpu.region"() ({
      %run_scoped3A = tpu.sem_alloc : memref<!tpu.dma_semaphore, #tpu.memory_space<semaphore_mem>>
      %dma_start3A = arith.constant 0 : i32
      %dma_start3A_52 = tpu.memref_slice %arg9[%add3A_41, %dma_start3A] : memref<20000x128xf32, #tpu.memory_space<hbm>> -> memref<624x128xf32, #tpu.memory_space<hbm>>
      %dma_start3A_53 = arith.constant 0 : i32
      %dma_start3A_54 = tpu.memref_slice %arg21[%mul3A_36, %dma_start3A_53] : memref<10000x128xf32, #tpu.memory_space<vmem_shared>> -> memref<624x128xf32, #tpu.memory_space<vmem_shared>>
      tpu.enqueue_dma source(%dma_start3A_54 : memref<624x128xf32, #tpu.memory_space<vmem_shared>>) target(%dma_start3A_52 : memref<624x128xf32, #tpu.memory_space<hbm>>) target_semaphore(%run_scoped3A : memref<!tpu.dma_semaphore, #tpu.memory_space<semaphore_mem>>)
      %dma_wait3A = arith.constant 0 : i32
      %dma_wait3A_55 = tpu.memref_slice %arg9[%add3A_41, %dma_wait3A] : memref<20000x128xf32, #tpu.memory_space<hbm>> -> memref<624x128xf32, #tpu.memory_space<hbm>>
      %dma_wait3A_56 = arith.constant 0 : i32
      %dma_wait3A_57 = tpu.memref_slice %arg21[%mul3A_36, %dma_wait3A_56] : memref<10000x128xf32, #tpu.memory_space<vmem_shared>> -> memref<624x128xf32, #tpu.memory_space<vmem_shared>>
      tpu.wait_dma2 semaphore(%run_scoped3A : memref<!tpu.dma_semaphore, #tpu.memory_space<semaphore_mem>>) src(%dma_wait3A_57 : memref<624x128xf32, #tpu.memory_space<vmem_shared>>) dst(%dma_wait3A_55 : memref<624x128xf32, #tpu.memory_space<hbm>>)
      tpu.yield
    }) : () -> ()
    %eq3A_42 = arith.constant 15 : i32
    %eq3A_43 = arith.cmpi eq, %arg1, %eq3A_42 : i32
    %convert_element_type3A_44 = arith.extui %eq3A_43 : i1 to i32
    %cond3A_45 = arith.constant 0 : i32
    %cond3A_46 = arith.cmpi ne, %convert_element_type3A_44, %cond3A_45 : i32
    scf.if %cond3A_46 {
      %mul3A_52 = arith.constant 10000 : i32
      %mul3A_53 = arith.muli %arg0, %mul3A_52 : i32
      %add3A_54 = arith.constant 9984 : i32
      %add3A_55 = arith.addi %mul3A_53, %add3A_54 : i32
      "tpu.region"() ({
        %run_scoped3A = tpu.sem_alloc : memref<!tpu.dma_semaphore, #tpu.memory_space<semaphore_mem>>
        %dma_start3A = arith.constant 0 : i32
        %dma_start3A_56 = tpu.memref_slice %arg9[%add3A_55, %dma_start3A] : memref<20000x128xf32, #tpu.memory_space<hbm>> -> memref<16x128xf32, #tpu.memory_space<hbm>>
        %dma_start3A_57 = arith.constant 9984 : i32
        %dma_start3A_58 = arith.constant 0 : i32
        %dma_start3A_59 = tpu.memref_slice %arg21[%dma_start3A_57, %dma_start3A_58] : memref<10000x128xf32, #tpu.memory_space<vmem_shared>> -> memref<16x128xf32, #tpu.memory_space<vmem_shared>>
        tpu.enqueue_dma source(%dma_start3A_59 : memref<16x128xf32, #tpu.memory_space<vmem_shared>>) target(%dma_start3A_56 : memref<16x128xf32, #tpu.memory_space<hbm>>) target_semaphore(%run_scoped3A : memref<!tpu.dma_semaphore, #tpu.memory_space<semaphore_mem>>)
        %dma_wait3A = arith.constant 0 : i32
        %dma_wait3A_60 = tpu.memref_slice %arg9[%add3A_55, %dma_wait3A] : memref<20000x128xf32, #tpu.memory_space<hbm>> -> memref<16x128xf32, #tpu.memory_space<hbm>>
        %dma_wait3A_61 = arith.constant 9984 : i32
        %dma_wait3A_62 = arith.constant 0 : i32
        %dma_wait3A_63 = tpu.memref_slice %arg21[%dma_wait3A_61, %dma_wait3A_62] : memref<10000x128xf32, #tpu.memory_space<vmem_shared>> -> memref<16x128xf32, #tpu.memory_space<vmem_shared>>
        tpu.wait_dma2 semaphore(%run_scoped3A : memref<!tpu.dma_semaphore, #tpu.memory_space<semaphore_mem>>) src(%dma_wait3A_63 : memref<16x128xf32, #tpu.memory_space<vmem_shared>>) dst(%dma_wait3A_60 : memref<16x128xf32, #tpu.memory_space<hbm>>)
        tpu.yield
      }) : () -> ()
    } else {
    }
    %lt3A_47 = arith.constant 8 : i32
    %lt3A_48 = arith.cmpi slt, %arg1, %lt3A_47 : i32
    %convert_element_type3A_49 = arith.extui %lt3A_48 : i1 to i32
    %cond3A_50 = arith.constant 0 : i32
    %cond3A_51 = arith.cmpi ne, %convert_element_type3A_49, %cond3A_50 : i32
    scf.if %cond3A_51 {
      %mul3A_52 = arith.constant 5000 : i32
      %mul3A_53 = arith.muli %arg1, %mul3A_52 : i32
      "tpu.region"() ({
        %run_scoped3A = tpu.sem_alloc : memref<!tpu.dma_semaphore, #tpu.memory_space<semaphore_mem>>
        %dma_start3A = tpu.memref_slice %arg22[%mul3A_53] : memref<40000xf32, #tpu.memory_space<vmem_shared>> -> memref<5000xf32, #tpu.memory_space<vmem_shared>>
        %dma_start3A_61 = tpu.memref_slice %arg22[%mul3A_53] : memref<40000xf32, #tpu.memory_space<vmem_shared>> -> memref<5000xf32, #tpu.memory_space<vmem_shared>>
        tpu.enqueue_dma source(%dma_start3A_61 : memref<5000xf32, #tpu.memory_space<vmem_shared>>) target(%arg20 : memref<5000xf32, #tpu.memory_space<vmem>>) target_semaphore(%run_scoped3A : memref<!tpu.dma_semaphore, #tpu.memory_space<semaphore_mem>>)
        %dma_wait3A = tpu.memref_slice %arg22[%mul3A_53] : memref<40000xf32, #tpu.memory_space<vmem_shared>> -> memref<5000xf32, #tpu.memory_space<vmem_shared>>
        %dma_wait3A_62 = tpu.memref_slice %arg22[%mul3A_53] : memref<40000xf32, #tpu.memory_space<vmem_shared>> -> memref<5000xf32, #tpu.memory_space<vmem_shared>>
        tpu.wait_dma2 semaphore(%run_scoped3A : memref<!tpu.dma_semaphore, #tpu.memory_space<semaphore_mem>>) src(%dma_wait3A_62 : memref<5000xf32, #tpu.memory_space<vmem_shared>>) dst(%arg20 : memref<5000xf32, #tpu.memory_space<vmem>>)
        tpu.yield
      }) : () -> ()
      %mul3A_54 = arith.constant 4 : i32
      %mul3A_55 = arith.muli %arg0, %mul3A_54 : i32
      %mul3A_56 = arith.constant 10000 : i32
      %mul3A_57 = arith.muli %mul3A_55, %mul3A_56 : i32
      %mul3A_58 = arith.constant 5000 : i32
      %mul3A_59 = arith.muli %arg1, %mul3A_58 : i32
      %add3A_60 = arith.addi %mul3A_57, %mul3A_59 : i32
      "tpu.region"() ({
        %run_scoped3A = tpu.sem_alloc : memref<!tpu.dma_semaphore, #tpu.memory_space<semaphore_mem>>
        %dma_start3A = tpu.memref_slice %arg10[%add3A_60] : memref<80000xf32, #tpu.memory_space<hbm>> -> memref<5000xf32, #tpu.memory_space<hbm>>
        %dma_start3A_61 = tpu.memref_slice %arg10[%add3A_60] : memref<80000xf32, #tpu.memory_space<hbm>> -> memref<5000xf32, #tpu.memory_space<hbm>>
        tpu.enqueue_dma source(%arg20 : memref<5000xf32, #tpu.memory_space<vmem>>) target(%dma_start3A_61 : memref<5000xf32, #tpu.memory_space<hbm>>) target_semaphore(%run_scoped3A : memref<!tpu.dma_semaphore, #tpu.memory_space<semaphore_mem>>)
        %dma_wait3A = tpu.memref_slice %arg10[%add3A_60] : memref<80000xf32, #tpu.memory_space<hbm>> -> memref<5000xf32, #tpu.memory_space<hbm>>
        %dma_wait3A_62 = tpu.memref_slice %arg10[%add3A_60] : memref<80000xf32, #tpu.memory_space<hbm>> -> memref<5000xf32, #tpu.memory_space<hbm>>
        tpu.wait_dma2 semaphore(%run_scoped3A : memref<!tpu.dma_semaphore, #tpu.memory_space<semaphore_mem>>) src(%arg20 : memref<5000xf32, #tpu.memory_space<vmem>>) dst(%dma_wait3A_62 : memref<5000xf32, #tpu.memory_space<hbm>>)
        tpu.yield
      }) : () -> ()
    } else {
    }
    return
  }
}

module attributes {stable_mosaic.version = 14 : i64} {
  func.func @_proj_body(%arg0: i32, %arg1: memref<400x196xf32, #tpu.memory_space<vmem>>, %arg2: memref<196x128xf32, #tpu.memory_space<vmem>>, %arg3: memref<1x128xf32, #tpu.memory_space<vmem>>, %arg4: memref<400x128xf32, #tpu.memory_space<vmem>>) attributes {dimension_semantics = [#tpu.dimension_semantics<arbitrary>], iteration_bounds = array<i64: 25>, scalar_prefetch = 0 : i64, scratch_operands = 0 : i64, tpu.core_type = #tpu.core_type<tc>, window_params = [{transform_indices = @transform_0, window_bounds = array<i64: 400, 196>}, {pipeline_mode = #tpu.pipeline_mode<synchronous>, transform_indices = @transform_1, window_bounds = array<i64: 196, 128>}, {pipeline_mode = #tpu.pipeline_mode<synchronous>, transform_indices = @transform_2, window_bounds = array<i64: 1, 128>}, {transform_indices = @transform_3, window_bounds = array<i64: 400, 128>}]} {
    %get3A = arith.constant 0 : index
    %get3A_0 = arith.constant 0 : index
    %get3A_1 = vector.load %arg1[%get3A, %get3A_0] : memref<400x196xf32, #tpu.memory_space<vmem>>, vector<400x196xf32>
    %get3A_2 = arith.constant 0 : index
    %get3A_3 = arith.constant 0 : index
    %get3A_4 = vector.load %arg2[%get3A_2, %get3A_3] : memref<196x128xf32, #tpu.memory_space<vmem>>, vector<196x128xf32>
    %dot_general3A = arith.constant dense<0.000000e+00> : vector<400x128xf32>
    %dot_general3A_5 = tpu.matmul %get3A_1, %get3A_4, %dot_general3A {dimension_numbers = #tpu.dot_dimension_numbers<[1], [0], [0], [1], [0, 0, 1, 1], [], []>, transpose_lhs_hint = false} : vector<400x196xf32>, vector<196x128xf32>, vector<400x128xf32> -> vector<400x128xf32>
    %get3A_6 = arith.constant 0 : index
    %get3A_7 = arith.constant 0 : index
    %get3A_8 = vector.load %arg3[%get3A_6, %get3A_7] : memref<1x128xf32, #tpu.memory_space<vmem>>, vector<1x128xf32>
    %add3A = vector.broadcast %get3A_8 : vector<1x128xf32> to vector<400x128xf32>
    %add3A_9 = arith.addf %dot_general3A_5, %add3A : vector<400x128xf32>
    %swap3A = arith.constant 0 : index
    %swap3A_10 = arith.constant 0 : index
    %swap3A_11 = vector.load %arg4[%swap3A, %swap3A_10] : memref<400x128xf32, #tpu.memory_space<vmem>>, vector<400x128xf32>
    tpu.vector_store %arg4[%swap3A, %swap3A_10], %add3A_9 {strides = array<i32>} : memref<400x128xf32, #tpu.memory_space<vmem>>, vector<400x128xf32>,
    return
  }
  func.func @transform_0(%arg0: i32) -> (i32, i32) {
    %c0_i32 = arith.constant 0 : i32
    %c0_i32_0 = arith.constant 0 : i32
    return %arg0, %c0_i32 : i32, i32
  }
  func.func @transform_1(%arg0: i32) -> (i32, i32) {
    %c0_i32 = arith.constant 0 : i32
    %c0_i32_0 = arith.constant 0 : i32
    %c0_i32_1 = arith.constant 0 : i32
    return %c0_i32, %c0_i32_0 : i32, i32
  }
  func.func @transform_2(%arg0: i32) -> (i32, i32) {
    %c0_i32 = arith.constant 0 : i32
    %c0_i32_0 = arith.constant 0 : i32
    %c0_i32_1 = arith.constant 0 : i32
    return %c0_i32, %c0_i32_0 : i32, i32
  }
  func.func @transform_3(%arg0: i32) -> (i32, i32) {
    %c0_i32 = arith.constant 0 : i32
    %c0_i32_0 = arith.constant 0 : i32
    return %arg0, %c0_i32 : i32, i32
  }
}

module attributes {stable_mosaic.version = 14 : i64} {
  func.func @_pq_body(%arg0: i32, %arg1: memref<400x128xf32, #tpu.memory_space<vmem>>, %arg2: memref<128x128xf32, #tpu.memory_space<vmem>>, %arg3: memref<128x128xf32, #tpu.memory_space<vmem>>, %arg4: memref<400x128xf32, #tpu.memory_space<vmem>>, %arg5: memref<400x128xf32, #tpu.memory_space<vmem>>) attributes {dimension_semantics = [#tpu.dimension_semantics<arbitrary>], iteration_bounds = array<i64: 25>, scalar_prefetch = 0 : i64, scratch_operands = 0 : i64, tpu.core_type = #tpu.core_type<tc>, window_params = [{transform_indices = @transform_0, window_bounds = array<i64: 400, 128>}, {pipeline_mode = #tpu.pipeline_mode<synchronous>, transform_indices = @transform_1, window_bounds = array<i64: 128, 128>}, {pipeline_mode = #tpu.pipeline_mode<synchronous>, transform_indices = @transform_2, window_bounds = array<i64: 128, 128>}, {transform_indices = @transform_3, window_bounds = array<i64: 400, 128>}, {transform_indices = @transform_4, window_bounds = array<i64: 400, 128>}]} {
    %get3A = arith.constant 0 : index
    %get3A_0 = arith.constant 0 : index
    %get3A_1 = vector.load %arg1[%get3A, %get3A_0] : memref<400x128xf32, #tpu.memory_space<vmem>>, vector<400x128xf32>
    %get3A_2 = arith.constant 0 : index
    %get3A_3 = arith.constant 0 : index
    %get3A_4 = vector.load %arg2[%get3A_2, %get3A_3] : memref<128x128xf32, #tpu.memory_space<vmem>>, vector<128x128xf32>
    %dot_general3A = arith.constant dense<0.000000e+00> : vector<400x128xf32>
    %dot_general3A_5 = tpu.matmul %get3A_1, %get3A_4, %dot_general3A {dimension_numbers = #tpu.dot_dimension_numbers<[1], [0], [0], [1], [0, 0, 1, 1], [], []>, transpose_lhs_hint = false} : vector<400x128xf32>, vector<128x128xf32>, vector<400x128xf32> -> vector<400x128xf32>
    %swap3A = arith.constant 0 : index
    %swap3A_6 = arith.constant 0 : index
    %swap3A_7 = vector.load %arg4[%swap3A, %swap3A_6] : memref<400x128xf32, #tpu.memory_space<vmem>>, vector<400x128xf32>
    tpu.vector_store %arg4[%swap3A, %swap3A_6], %dot_general3A_5 {strides = array<i32>} : memref<400x128xf32, #tpu.memory_space<vmem>>, vector<400x128xf32>,
    %get3A_8 = arith.constant 0 : index
    %get3A_9 = arith.constant 0 : index
    %get3A_10 = vector.load %arg3[%get3A_8, %get3A_9] : memref<128x128xf32, #tpu.memory_space<vmem>>, vector<128x128xf32>
    %dot_general3A_11 = arith.constant dense<0.000000e+00> : vector<400x128xf32>
    %dot_general3A_12 = tpu.matmul %get3A_1, %get3A_10, %dot_general3A_11 {dimension_numbers = #tpu.dot_dimension_numbers<[1], [0], [0], [1], [0, 0, 1, 1], [], []>, transpose_lhs_hint = false} : vector<400x128xf32>, vector<128x128xf32>, vector<400x128xf32> -> vector<400x128xf32>
    %swap3A_13 = arith.constant 0 : index
    %swap3A_14 = arith.constant 0 : index
    %swap3A_15 = vector.load %arg5[%swap3A_13, %swap3A_14] : memref<400x128xf32, #tpu.memory_space<vmem>>, vector<400x128xf32>
    tpu.vector_store %arg5[%swap3A_13, %swap3A_14], %dot_general3A_12 {strides = array<i32>} : memref<400x128xf32, #tpu.memory_space<vmem>>, vector<400x128xf32>,
    return
  }
  func.func @transform_0(%arg0: i32) -> (i32, i32) {
    %c0_i32 = arith.constant 0 : i32
    %c0_i32_0 = arith.constant 0 : i32
    return %arg0, %c0_i32 : i32, i32
  }
  func.func @transform_1(%arg0: i32) -> (i32, i32) {
    %c0_i32 = arith.constant 0 : i32
    %c0_i32_0 = arith.constant 0 : i32
    %c0_i32_1 = arith.constant 0 : i32
    return %c0_i32, %c0_i32_0 : i32, i32
  }
  func.func @transform_2(%arg0: i32) -> (i32, i32) {
    %c0_i32 = arith.constant 0 : i32
    %c0_i32_0 = arith.constant 0 : i32
    %c0_i32_1 = arith.constant 0 : i32
    return %c0_i32, %c0_i32_0 : i32, i32
  }
  func.func @transform_3(%arg0: i32) -> (i32, i32) {
    %c0_i32 = arith.constant 0 : i32
    %c0_i32_0 = arith.constant 0 : i32
    return %arg0, %c0_i32 : i32, i32
  }
  func.func @transform_4(%arg0: i32) -> (i32, i32) {
    %c0_i32 = arith.constant 0 : i32
    %c0_i32_0 = arith.constant 0 : i32
    return %arg0, %c0_i32 : i32, i32
  }
}

module attributes {stable_mosaic.version = 14 : i64} {
  func.func @_edge_body(%arg0: i32, %arg1: memref<512x128xf32, #tpu.memory_space<vmem>>, %arg2: memref<512xf32, #tpu.memory_space<vmem>>, %arg3: memref<512xf32, #tpu.memory_space<vmem>>, %arg4: memref<512xf32, #tpu.memory_space<vmem>>, %arg5: memref<512xf32, #tpu.memory_space<vmem>>, %arg6: memref<1x8x512xf32, #tpu.memory_space<vmem>>, %arg7: memref<1x128xf32, #tpu.memory_space<vmem>>, %arg8: memref<8x128xf32, #tpu.memory_space<vmem>>, %arg9: memref<1x128xf32, #tpu.memory_space<vmem>>, %arg10: memref<128x128xf32, #tpu.memory_space<vmem>>, %arg11: memref<1x128xf32, #tpu.memory_space<vmem>>, %arg12: memref<128x128xf32, #tpu.memory_space<vmem>>, %arg13: memref<1x128xf32, #tpu.memory_space<vmem>>, %arg14: memref<1x128xf32, #tpu.memory_space<vmem>>, %arg15: memref<512x128xf32, #tpu.memory_space<vmem>>, %arg16: memref<512xf32, #tpu.memory_space<vmem>>, %arg17: memref<512xf32, #tpu.memory_space<vmem>>, %arg18: memref<512xf32, #tpu.memory_space<vmem>>) attributes {dimension_semantics = [#tpu.dimension_semantics<arbitrary>], iteration_bounds = array<i64: 625>, scalar_prefetch = 0 : i64, scratch_operands = 0 : i64, tpu.core_type = #tpu.core_type<tc>, window_params = [{transform_indices = @transform_0, window_bounds = array<i64: 512, 128>}, {transform_indices = @transform_1, window_bounds = array<i64: 512>}, {transform_indices = @transform_2, window_bounds = array<i64: 512>}, {transform_indices = @transform_3, window_bounds = array<i64: 512>}, {transform_indices = @transform_4, window_bounds = array<i64: 512>}, {transform_indices = @transform_5, window_bounds = array<i64: 1, 8, 512>}, {pipeline_mode = #tpu.pipeline_mode<synchronous>, transform_indices = @transform_6, window_bounds = array<i64: 1, 128>}, {pipeline_mode = #tpu.pipeline_mode<synchronous>, transform_indices = @transform_7, window_bounds = array<i64: 8, 128>}, {pipeline_mode = #tpu.pipeline_mode<synchronous>, transform_indices = @transform_8, window_bounds = array<i64: 1, 128>}, {pipeline_mode = #tpu.pipeline_mode<synchronous>, transform_indices = @transform_9, window_bounds = array<i64: 128, 128>}, {pipeline_mode = #tpu.pipeline_mode<synchronous>, transform_indices = @transform_10, window_bounds = array<i64: 1, 128>}, {pipeline_mode = #tpu.pipeline_mode<synchronous>, transform_indices = @transform_11, window_bounds = array<i64: 128, 128>}, {pipeline_mode = #tpu.pipeline_mode<synchronous>, transform_indices = @transform_12, window_bounds = array<i64: 1, 128>}, {pipeline_mode = #tpu.pipeline_mode<synchronous>, transform_indices = @transform_13, window_bounds = array<i64: 1, 128>}, {transform_indices = @transform_14, window_bounds = array<i64: 512, 128>}, {transform_indices = @transform_15, window_bounds = array<i64: 512>}, {transform_indices = @transform_16, window_bounds = array<i64: 512>}, {transform_indices = @transform_17, window_bounds = array<i64: 512>}]} {
    %get3A = arith.constant 0 : index
    %get3A_0 = vector.load %arg2[%get3A] : memref<512xf32, #tpu.memory_space<vmem>>, vector<512xf32>
    %broadcast_in_dim3A = vector.shape_cast %get3A_0 : vector<512xf32> to vector<1x512xf32>
    %get3A_1 = arith.constant 0 : index
    %get3A_2 = vector.load %arg3[%get3A_1] : memref<512xf32, #tpu.memory_space<vmem>>, vector<512xf32>
    %broadcast_in_dim3A_3 = vector.shape_cast %get3A_2 : vector<512xf32> to vector<1x512xf32>
    %get3A_4 = arith.constant 0 : index
    %get3A_5 = vector.load %arg4[%get3A_4] : memref<512xf32, #tpu.memory_space<vmem>>, vector<512xf32>
    %broadcast_in_dim3A_6 = vector.shape_cast %get3A_5 : vector<512xf32> to vector<1x512xf32>
    %get3A_7 = arith.constant 0 : index
    %get3A_8 = vector.load %arg5[%get3A_7] : memref<512xf32, #tpu.memory_space<vmem>>, vector<512xf32>
    %broadcast_in_dim3A_9 = vector.shape_cast %get3A_8 : vector<512xf32> to vector<1x512xf32>
    %concatenate3A = tpu.concatenate %broadcast_in_dim3A, %broadcast_in_dim3A_3, %broadcast_in_dim3A_6, %broadcast_in_dim3A_9 in 0 : vector<1x512xf32>, vector<1x512xf32>, vector<1x512xf32>, vector<1x512xf32> -> vector<4x512xf32>
    %transpose3A = tpu.transpose %concatenate3A, [1, 0] : vector<4x512xf32> -> vector<512x4xf32>
    %get3A_10 = arith.constant 0 : index
    %get3A_11 = arith.constant 0 : index
    %get3A_12 = arith.constant 0 : index
    %get3A_13 = vector.load %arg6[%get3A_10, %get3A_11, %get3A_12] : memref<1x8x512xf32, #tpu.memory_space<vmem>>, vector<1x8x512xf32>
    %get3A_14 = vector.shape_cast %get3A_13 : vector<1x8x512xf32> to vector<8x512xf32>
    %transpose3A_15 = tpu.transpose %get3A_14, [1, 0] : vector<8x512xf32> -> vector<512x8xf32>
    %slice3A = vector.extract_strided_slice %transpose3A {offsets = [0, 3], sizes = [512, 1], strides = [1, 1]} : vector<512x4xf32> to vector<512x1xf32>
    %get3A_16 = arith.constant 0 : index
    %get3A_17 = arith.constant 0 : index
    %get3A_18 = vector.load %arg1[%get3A_16, %get3A_17] : memref<512x128xf32, #tpu.memory_space<vmem>>, vector<512x128xf32>
    %get3A_19 = arith.constant 0 : index
    %get3A_20 = arith.constant 0 : index
    %get3A_21 = vector.load %arg7[%get3A_19, %get3A_20] : memref<1x128xf32, #tpu.memory_space<vmem>>, vector<1x128xf32>
    %mul3A = vector.broadcast %slice3A : vector<512x1xf32> to vector<512x128xf32>
    %mul3A_22 = vector.broadcast %get3A_21 : vector<1x128xf32> to vector<512x128xf32>
    %mul3A_23 = arith.mulf %mul3A, %mul3A_22 : vector<512x128xf32>
    %add3A = arith.addf %get3A_18, %mul3A_23 : vector<512x128xf32>
    %get3A_24 = arith.constant 0 : index
    %get3A_25 = arith.constant 0 : index
    %get3A_26 = vector.load %arg8[%get3A_24, %get3A_25] : memref<8x128xf32, #tpu.memory_space<vmem>>, vector<8x128xf32>
    %dot_general3A = arith.constant dense<0.000000e+00> : vector<512x128xf32>
    %dot_general3A_27 = tpu.matmul %transpose3A_15, %get3A_26, %dot_general3A {dimension_numbers = #tpu.dot_dimension_numbers<[1], [0], [0], [1], [0, 0, 1, 1], [], []>, transpose_lhs_hint = false} : vector<512x8xf32>, vector<8x128xf32>, vector<512x128xf32> -> vector<512x128xf32>
    %add3A_28 = arith.addf %add3A, %dot_general3A_27 : vector<512x128xf32>
    %get3A_29 = arith.constant 0 : index
    %get3A_30 = arith.constant 0 : index
    %get3A_31 = vector.load %arg9[%get3A_29, %get3A_30] : memref<1x128xf32, #tpu.memory_space<vmem>>, vector<1x128xf32>
    %add3A_32 = vector.broadcast %get3A_31 : vector<1x128xf32> to vector<512x128xf32>
    %add3A_33 = arith.addf %add3A_28, %add3A_32 : vector<512x128xf32>
    %logistic3A = arith.negf %add3A_33 : vector<512x128xf32>
    %logistic3A_34 = math.exp %logistic3A : vector<512x128xf32>
    %logistic3A_35 = arith.constant 1.000000e+00 : f32
    %logistic3A_36 = vector.broadcast %logistic3A_35 : f32 to vector<512x128xf32>
    %logistic3A_37 = arith.addf %logistic3A_36, %logistic3A_34 : vector<512x128xf32>
    %logistic3A_38 = arith.divf %logistic3A_36, %logistic3A_37 : vector<512x128xf32>
    %mul3A_39 = arith.mulf %add3A_33, %logistic3A_38 : vector<512x128xf32>
    %get3A_40 = arith.constant 0 : index
    %get3A_41 = arith.constant 0 : index
    %get3A_42 = vector.load %arg10[%get3A_40, %get3A_41] : memref<128x128xf32, #tpu.memory_space<vmem>>, vector<128x128xf32>
    %dot_general3A_43 = arith.constant dense<0.000000e+00> : vector<512x128xf32>
    %dot_general3A_44 = tpu.matmul %mul3A_39, %get3A_42, %dot_general3A_43 {dimension_numbers = #tpu.dot_dimension_numbers<[1], [0], [0], [1], [0, 0, 1, 1], [], []>, transpose_lhs_hint = false} : vector<512x128xf32>, vector<128x128xf32>, vector<512x128xf32> -> vector<512x128xf32>
    %get3A_45 = arith.constant 0 : index
    %get3A_46 = arith.constant 0 : index
    %get3A_47 = vector.load %arg11[%get3A_45, %get3A_46] : memref<1x128xf32, #tpu.memory_space<vmem>>, vector<1x128xf32>
    %add3A_48 = vector.broadcast %get3A_47 : vector<1x128xf32> to vector<512x128xf32>
    %add3A_49 = arith.addf %dot_general3A_44, %add3A_48 : vector<512x128xf32>
    %logistic3A_50 = arith.negf %add3A_49 : vector<512x128xf32>
    %logistic3A_51 = math.exp %logistic3A_50 : vector<512x128xf32>
    %logistic3A_52 = arith.constant 1.000000e+00 : f32
    %logistic3A_53 = vector.broadcast %logistic3A_52 : f32 to vector<512x128xf32>
    %logistic3A_54 = arith.addf %logistic3A_53, %logistic3A_51 : vector<512x128xf32>
    %logistic3A_55 = arith.divf %logistic3A_53, %logistic3A_54 : vector<512x128xf32>
    %mul3A_56 = arith.mulf %add3A_49, %logistic3A_55 : vector<512x128xf32>
    %get3A_57 = arith.constant 0 : index
    %get3A_58 = arith.constant 0 : index
    %get3A_59 = vector.load %arg12[%get3A_57, %get3A_58] : memref<128x128xf32, #tpu.memory_space<vmem>>, vector<128x128xf32>
    %dot_general3A_60 = arith.constant dense<0.000000e+00> : vector<512x128xf32>
    %dot_general3A_61 = tpu.matmul %mul3A_56, %get3A_59, %dot_general3A_60 {dimension_numbers = #tpu.dot_dimension_numbers<[1], [0], [0], [1], [0, 0, 1, 1], [], []>, transpose_lhs_hint = false} : vector<512x128xf32>, vector<128x128xf32>, vector<512x128xf32> -> vector<512x128xf32>
    %get3A_62 = arith.constant 0 : index
    %get3A_63 = arith.constant 0 : index
    %get3A_64 = vector.load %arg13[%get3A_62, %get3A_63] : memref<1x128xf32, #tpu.memory_space<vmem>>, vector<1x128xf32>
    %add3A_65 = vector.broadcast %get3A_64 : vector<1x128xf32> to vector<512x128xf32>
    %add3A_66 = arith.addf %dot_general3A_61, %add3A_65 : vector<512x128xf32>
    %logistic3A_67 = arith.negf %add3A_66 : vector<512x128xf32>
    %logistic3A_68 = math.exp %logistic3A_67 : vector<512x128xf32>
    %logistic3A_69 = arith.constant 1.000000e+00 : f32
    %logistic3A_70 = vector.broadcast %logistic3A_69 : f32 to vector<512x128xf32>
    %logistic3A_71 = arith.addf %logistic3A_70, %logistic3A_68 : vector<512x128xf32>
    %logistic3A_72 = arith.divf %logistic3A_70, %logistic3A_71 : vector<512x128xf32>
    %mul3A_73 = arith.mulf %add3A_66, %logistic3A_72 : vector<512x128xf32>
    %get3A_74 = arith.constant 0 : index
    %get3A_75 = arith.constant 0 : index
    %get3A_76 = vector.load %arg14[%get3A_74, %get3A_75] : memref<1x128xf32, #tpu.memory_space<vmem>>, vector<1x128xf32>
    %mul3A_77 = vector.broadcast %get3A_76 : vector<1x128xf32> to vector<512x128xf32>
    %mul3A_78 = arith.mulf %mul3A_73, %mul3A_77 : vector<512x128xf32>
    %reduce_sum3A = arith.constant dense<0.000000e+00> : vector<512xf32>
    %reduce_sum3A_79 = vector.multi_reduction <add>, %mul3A_78, %reduce_sum3A [1] : vector<512x128xf32> to vector<512xf32>
    %broadcast_in_dim3A_80 = vector.shape_cast %reduce_sum3A_79 : vector<512xf32> to vector<512x1xf32>
    %sqrt3A = math.sqrt %slice3A : vector<512x1xf32>
    %add3A_81 = arith.constant 1.000000e+00 : f32
    %add3A_82 = vector.broadcast %add3A_81 : f32 to vector<512x1xf32>
    %add3A_83 = arith.addf %sqrt3A, %add3A_82 : vector<512x1xf32>
    %div3A = arith.divf %broadcast_in_dim3A_80, %add3A_83 : vector<512x1xf32>
    %mul3A_84 = vector.broadcast %div3A : vector<512x1xf32> to vector<512x4xf32>
    %mul3A_85 = arith.mulf %transpose3A, %mul3A_84 : vector<512x4xf32>
    %transpose3A_86 = tpu.transpose %mul3A_85, [1, 0] : vector<512x4xf32> -> vector<4x512xf32>
    %swap3A = arith.constant 0 : index
    %swap3A_87 = arith.constant 0 : index
    %swap3A_88 = vector.load %arg15[%swap3A, %swap3A_87] : memref<512x128xf32, #tpu.memory_space<vmem>>, vector<512x128xf32>
    tpu.vector_store %arg15[%swap3A, %swap3A_87], %mul3A_56 {strides = array<i32>} : memref<512x128xf32, #tpu.memory_space<vmem>>, vector<512x128xf32>,
    %slice3A_89 = vector.extract_strided_slice %transpose3A_86 {offsets = [0, 0], sizes = [1, 512], strides = [1, 1]} : vector<4x512xf32> to vector<1x512xf32>
    %squeeze3A = vector.shape_cast %slice3A_89 : vector<1x512xf32> to vector<512xf32>
    %swap3A_90 = arith.constant 0 : index
    %swap3A_91 = vector.load %arg16[%swap3A_90] : memref<512xf32, #tpu.memory_space<vmem>>, vector<512xf32>
    tpu.vector_store %arg16[%swap3A_90], %squeeze3A {strides = array<i32>} : memref<512xf32, #tpu.memory_space<vmem>>, vector<512xf32>,
    %slice3A_92 = vector.extract_strided_slice %transpose3A_86 {offsets = [1, 0], sizes = [1, 512], strides = [1, 1]} : vector<4x512xf32> to vector<1x512xf32>
    %squeeze3A_93 = vector.shape_cast %slice3A_92 : vector<1x512xf32> to vector<512xf32>
    %swap3A_94 = arith.constant 0 : index
    %swap3A_95 = vector.load %arg17[%swap3A_94] : memref<512xf32, #tpu.memory_space<vmem>>, vector<512xf32>
    tpu.vector_store %arg17[%swap3A_94], %squeeze3A_93 {strides = array<i32>} : memref<512xf32, #tpu.memory_space<vmem>>, vector<512xf32>,
    %slice3A_96 = vector.extract_strided_slice %transpose3A_86 {offsets = [2, 0], sizes = [1, 512], strides = [1, 1]} : vector<4x512xf32> to vector<1x512xf32>
    %squeeze3A_97 = vector.shape_cast %slice3A_96 : vector<1x512xf32> to vector<512xf32>
    %swap3A_98 = arith.constant 0 : index
    %swap3A_99 = vector.load %arg18[%swap3A_98] : memref<512xf32, #tpu.memory_space<vmem>>, vector<512xf32>
    tpu.vector_store %arg18[%swap3A_98], %squeeze3A_97 {strides = array<i32>} : memref<512xf32, #tpu.memory_space<vmem>>, vector<512xf32>,
    return
  }
  func.func @transform_0(%arg0: i32) -> (i32, i32) {
    %c0_i32 = arith.constant 0 : i32
    %c0_i32_0 = arith.constant 0 : i32
    return %arg0, %c0_i32 : i32, i32
  }
  func.func @transform_1(%arg0: i32) -> i32 {
    %c0_i32 = arith.constant 0 : i32
    return %arg0 : i32
  }
  func.func @transform_2(%arg0: i32) -> i32 {
    %c0_i32 = arith.constant 0 : i32
    return %arg0 : i32
  }
  func.func @transform_3(%arg0: i32) -> i32 {
    %c0_i32 = arith.constant 0 : i32
    return %arg0 : i32
  }
  func.func @transform_4(%arg0: i32) -> i32 {
    %c0_i32 = arith.constant 0 : i32
    return %arg0 : i32
  }
  func.func @transform_5(%arg0: i32) -> (i32, i32, i32) {
    %c0_i32 = arith.constant 0 : i32
    %c0_i32_0 = arith.constant 0 : i32
    %c0_i32_1 = arith.constant 0 : i32
    return %arg0, %c0_i32, %c0_i32_0 : i32, i32, i32
  }
  func.func @transform_6(%arg0: i32) -> (i32, i32) {
    %c0_i32 = arith.constant 0 : i32
    %c0_i32_0 = arith.constant 0 : i32
    %c0_i32_1 = arith.constant 0 : i32
    return %c0_i32, %c0_i32_0 : i32, i32
  }
  func.func @transform_7(%arg0: i32) -> (i32, i32) {
    %c0_i32 = arith.constant 0 : i32
    %c0_i32_0 = arith.constant 0 : i32
    %c0_i32_1 = arith.constant 0 : i32
    return %c0_i32, %c0_i32_0 : i32, i32
  }
  func.func @transform_8(%arg0: i32) -> (i32, i32) {
    %c0_i32 = arith.constant 0 : i32
    %c0_i32_0 = arith.constant 0 : i32
    %c0_i32_1 = arith.constant 0 : i32
    return %c0_i32, %c0_i32_0 : i32, i32
  }
  func.func @transform_9(%arg0: i32) -> (i32, i32) {
    %c0_i32 = arith.constant 0 : i32
    %c0_i32_0 = arith.constant 0 : i32
    %c0_i32_1 = arith.constant 0 : i32
    return %c0_i32, %c0_i32_0 : i32, i32
  }
  func.func @transform_10(%arg0: i32) -> (i32, i32) {
    %c0_i32 = arith.constant 0 : i32
    %c0_i32_0 = arith.constant 0 : i32
    %c0_i32_1 = arith.constant 0 : i32
    return %c0_i32, %c0_i32_0 : i32, i32
  }
  func.func @transform_11(%arg0: i32) -> (i32, i32) {
    %c0_i32 = arith.constant 0 : i32
    %c0_i32_0 = arith.constant 0 : i32
    %c0_i32_1 = arith.constant 0 : i32
    return %c0_i32, %c0_i32_0 : i32, i32
  }
  func.func @transform_12(%arg0: i32) -> (i32, i32) {
    %c0_i32 = arith.constant 0 : i32
    %c0_i32_0 = arith.constant 0 : i32
    %c0_i32_1 = arith.constant 0 : i32
    return %c0_i32, %c0_i32_0 : i32, i32
  }
  func.func @transform_13(%arg0: i32) -> (i32, i32) {
    %c0_i32 = arith.constant 0 : i32
    %c0_i32_0 = arith.constant 0 : i32
    %c0_i32_1 = arith.constant 0 : i32
    return %c0_i32, %c0_i32_0 : i32, i32
  }
  func.func @transform_14(%arg0: i32) -> (i32, i32) {
    %c0_i32 = arith.constant 0 : i32
    %c0_i32_0 = arith.constant 0 : i32
    return %arg0, %c0_i32 : i32, i32
  }
  func.func @transform_15(%arg0: i32) -> i32 {
    %c0_i32 = arith.constant 0 : i32
    return %arg0 : i32
  }
  func.func @transform_16(%arg0: i32) -> i32 {
    %c0_i32 = arith.constant 0 : i32
    return %arg0 : i32
  }
  func.func @transform_17(%arg0: i32) -> i32 {
    %c0_i32 = arith.constant 0 : i32
    return %arg0 : i32
  }
}

module attributes {stable_mosaic.version = 14 : i64} {
  func.func @_node_body(%arg0: i32, %arg1: memref<400x128xf32, #tpu.memory_space<vmem>>, %arg2: memref<400x128xf32, #tpu.memory_space<vmem>>, %arg3: memref<400x128xf32, #tpu.memory_space<vmem>>, %arg4: memref<400x4xf32, #tpu.memory_space<vmem>>, %arg5: memref<400x4xf32, #tpu.memory_space<vmem>>, %arg6: memref<400x4xf32, #tpu.memory_space<vmem>>, %arg7: memref<128x128xf32, #tpu.memory_space<vmem>>, %arg8: memref<128x128xf32, #tpu.memory_space<vmem>>, %arg9: memref<1x128xf32, #tpu.memory_space<vmem>>, %arg10: memref<128x128xf32, #tpu.memory_space<vmem>>, %arg11: memref<1x128xf32, #tpu.memory_space<vmem>>, %arg12: memref<400x128xf32, #tpu.memory_space<vmem>>, %arg13: memref<400x4xf32, #tpu.memory_space<vmem>>) attributes {dimension_semantics = [#tpu.dimension_semantics<arbitrary>], iteration_bounds = array<i64: 25>, scalar_prefetch = 0 : i64, scratch_operands = 0 : i64, tpu.core_type = #tpu.core_type<tc>, window_params = [{transform_indices = @transform_0, window_bounds = array<i64: 400, 128>}, {transform_indices = @transform_1, window_bounds = array<i64: 400, 128>}, {transform_indices = @transform_2, window_bounds = array<i64: 400, 128>}, {transform_indices = @transform_3, window_bounds = array<i64: 400, 4>}, {transform_indices = @transform_4, window_bounds = array<i64: 400, 4>}, {transform_indices = @transform_5, window_bounds = array<i64: 400, 4>}, {pipeline_mode = #tpu.pipeline_mode<synchronous>, transform_indices = @transform_6, window_bounds = array<i64: 128, 128>}, {pipeline_mode = #tpu.pipeline_mode<synchronous>, transform_indices = @transform_7, window_bounds = array<i64: 128, 128>}, {pipeline_mode = #tpu.pipeline_mode<synchronous>, transform_indices = @transform_8, window_bounds = array<i64: 1, 128>}, {pipeline_mode = #tpu.pipeline_mode<synchronous>, transform_indices = @transform_9, window_bounds = array<i64: 128, 128>}, {pipeline_mode = #tpu.pipeline_mode<synchronous>, transform_indices = @transform_10, window_bounds = array<i64: 1, 128>}, {transform_indices = @transform_11, window_bounds = array<i64: 400, 128>}, {transform_indices = @transform_12, window_bounds = array<i64: 400, 4>}]} {
    %get3A = arith.constant 0 : index
    %get3A_0 = arith.constant 0 : index
    %get3A_1 = vector.load %arg1[%get3A, %get3A_0] : memref<400x128xf32, #tpu.memory_space<vmem>>, vector<400x128xf32>
    %get3A_2 = arith.constant 0 : index
    %get3A_3 = arith.constant 0 : index
    %get3A_4 = vector.load %arg2[%get3A_2, %get3A_3] : memref<400x128xf32, #tpu.memory_space<vmem>>, vector<400x128xf32>
    %get3A_5 = arith.constant 0 : index
    %get3A_6 = arith.constant 0 : index
    %get3A_7 = vector.load %arg3[%get3A_5, %get3A_6] : memref<400x128xf32, #tpu.memory_space<vmem>>, vector<400x128xf32>
    %add3A = arith.addf %get3A_4, %get3A_7 : vector<400x128xf32>
    %get3A_8 = arith.constant 0 : index
    %get3A_9 = arith.constant 0 : index
    %get3A_10 = vector.load %arg5[%get3A_8, %get3A_9] : memref<400x4xf32, #tpu.memory_space<vmem>>, vector<400x4xf32>
    %get3A_11 = arith.constant 0 : index
    %get3A_12 = arith.constant 0 : index
    %get3A_13 = vector.load %arg6[%get3A_11, %get3A_12] : memref<400x4xf32, #tpu.memory_space<vmem>>, vector<400x4xf32>
    %add3A_14 = arith.addf %get3A_10, %get3A_13 : vector<400x4xf32>
    %slice3A = vector.extract_strided_slice %add3A_14 {offsets = [0, 3], sizes = [400, 1], strides = [1, 1]} : vector<400x4xf32> to vector<400x1xf32>
    %get3A_15 = arith.constant 0 : index
    %get3A_16 = arith.constant 0 : index
    %get3A_17 = vector.load %arg4[%get3A_15, %get3A_16] : memref<400x4xf32, #tpu.memory_space<vmem>>, vector<400x4xf32>
    %add3A_18 = arith.constant 1.000000e+00 : f32
    %add3A_19 = vector.broadcast %add3A_18 : f32 to vector<400x1xf32>
    %add3A_20 = arith.addf %slice3A, %add3A_19 : vector<400x1xf32>
    %div3A = arith.constant 1.000000e+00 : f32
    %div3A_21 = vector.broadcast %div3A : f32 to vector<400x1xf32>
    %div3A_22 = arith.divf %div3A_21, %add3A_20 : vector<400x1xf32>
    %mul3A = vector.broadcast %div3A_22 : vector<400x1xf32> to vector<400x4xf32>
    %mul3A_23 = arith.mulf %add3A_14, %mul3A : vector<400x4xf32>
    %add3A_24 = arith.addf %get3A_17, %mul3A_23 : vector<400x4xf32>
    %swap3A = arith.constant 0 : index
    %swap3A_25 = arith.constant 0 : index
    %swap3A_26 = vector.load %arg13[%swap3A, %swap3A_25] : memref<400x4xf32, #tpu.memory_space<vmem>>, vector<400x4xf32>
    tpu.vector_store %arg13[%swap3A, %swap3A_25], %add3A_24 {strides = array<i32>} : memref<400x4xf32, #tpu.memory_space<vmem>>, vector<400x4xf32>,
    %get3A_27 = arith.constant 0 : index
    %get3A_28 = arith.constant 0 : index
    %get3A_29 = vector.load %arg7[%get3A_27, %get3A_28] : memref<128x128xf32, #tpu.memory_space<vmem>>, vector<128x128xf32>
    %dot_general3A = arith.constant dense<0.000000e+00> : vector<400x128xf32>
    %dot_general3A_30 = tpu.matmul %get3A_1, %get3A_29, %dot_general3A {dimension_numbers = #tpu.dot_dimension_numbers<[1], [0], [0], [1], [0, 0, 1, 1], [], []>, transpose_lhs_hint = false} : vector<400x128xf32>, vector<128x128xf32>, vector<400x128xf32> -> vector<400x128xf32>
    %get3A_31 = arith.constant 0 : index
    %get3A_32 = arith.constant 0 : index
    %get3A_33 = vector.load %arg8[%get3A_31, %get3A_32] : memref<128x128xf32, #tpu.memory_space<vmem>>, vector<128x128xf32>
    %dot_general3A_34 = arith.constant dense<0.000000e+00> : vector<400x128xf32>
    %dot_general3A_35 = tpu.matmul %add3A, %get3A_33, %dot_general3A_34 {dimension_numbers = #tpu.dot_dimension_numbers<[1], [0], [0], [1], [0, 0, 1, 1], [], []>, transpose_lhs_hint = false} : vector<400x128xf32>, vector<128x128xf32>, vector<400x128xf32> -> vector<400x128xf32>
    %add3A_36 = arith.addf %dot_general3A_30, %dot_general3A_35 : vector<400x128xf32>
    %get3A_37 = arith.constant 0 : index
    %get3A_38 = arith.constant 0 : index
    %get3A_39 = vector.load %arg9[%get3A_37, %get3A_38] : memref<1x128xf32, #tpu.memory_space<vmem>>, vector<1x128xf32>
    %add3A_40 = vector.broadcast %get3A_39 : vector<1x128xf32> to vector<400x128xf32>
    %add3A_41 = arith.addf %add3A_36, %add3A_40 : vector<400x128xf32>
    %logistic3A = arith.negf %add3A_41 : vector<400x128xf32>
    %logistic3A_42 = math.exp %logistic3A : vector<400x128xf32>
    %logistic3A_43 = arith.constant 1.000000e+00 : f32
    %logistic3A_44 = vector.broadcast %logistic3A_43 : f32 to vector<400x128xf32>
    %logistic3A_45 = arith.addf %logistic3A_44, %logistic3A_42 : vector<400x128xf32>
    %logistic3A_46 = arith.divf %logistic3A_44, %logistic3A_45 : vector<400x128xf32>
    %mul3A_47 = arith.mulf %add3A_41, %logistic3A_46 : vector<400x128xf32>
    %get3A_48 = arith.constant 0 : index
    %get3A_49 = arith.constant 0 : index
    %get3A_50 = vector.load %arg10[%get3A_48, %get3A_49] : memref<128x128xf32, #tpu.memory_space<vmem>>, vector<128x128xf32>
    %dot_general3A_51 = arith.constant dense<0.000000e+00> : vector<400x128xf32>
    %dot_general3A_52 = tpu.matmul %mul3A_47, %get3A_50, %dot_general3A_51 {dimension_numbers = #tpu.dot_dimension_numbers<[1], [0], [0], [1], [0, 0, 1, 1], [], []>, transpose_lhs_hint = false} : vector<400x128xf32>, vector<128x128xf32>, vector<400x128xf32> -> vector<400x128xf32>
    %add3A_53 = arith.addf %get3A_1, %dot_general3A_52 : vector<400x128xf32>
    %get3A_54 = arith.constant 0 : index
    %get3A_55 = arith.constant 0 : index
    %get3A_56 = vector.load %arg11[%get3A_54, %get3A_55] : memref<1x128xf32, #tpu.memory_space<vmem>>, vector<1x128xf32>
    %add3A_57 = vector.broadcast %get3A_56 : vector<1x128xf32> to vector<400x128xf32>
    %add3A_58 = arith.addf %add3A_53, %add3A_57 : vector<400x128xf32>
    %swap3A_59 = arith.constant 0 : index
    %swap3A_60 = arith.constant 0 : index
    %swap3A_61 = vector.load %arg12[%swap3A_59, %swap3A_60] : memref<400x128xf32, #tpu.memory_space<vmem>>, vector<400x128xf32>
    tpu.vector_store %arg12[%swap3A_59, %swap3A_60], %add3A_58 {strides = array<i32>} : memref<400x128xf32, #tpu.memory_space<vmem>>, vector<400x128xf32>,
    return
  }
  func.func @transform_0(%arg0: i32) -> (i32, i32) {
    %c0_i32 = arith.constant 0 : i32
    %c0_i32_0 = arith.constant 0 : i32
    return %arg0, %c0_i32 : i32, i32
  }
  func.func @transform_1(%arg0: i32) -> (i32, i32) {
    %c0_i32 = arith.constant 0 : i32
    %c0_i32_0 = arith.constant 0 : i32
    return %arg0, %c0_i32 : i32, i32
  }
  func.func @transform_2(%arg0: i32) -> (i32, i32) {
    %c0_i32 = arith.constant 0 : i32
    %c0_i32_0 = arith.constant 0 : i32
    return %arg0, %c0_i32 : i32, i32
  }
  func.func @transform_3(%arg0: i32) -> (i32, i32) {
    %c0_i32 = arith.constant 0 : i32
    %c0_i32_0 = arith.constant 0 : i32
    return %arg0, %c0_i32 : i32, i32
  }
  func.func @transform_4(%arg0: i32) -> (i32, i32) {
    %c0_i32 = arith.constant 0 : i32
    %c0_i32_0 = arith.constant 0 : i32
    return %arg0, %c0_i32 : i32, i32
  }
  func.func @transform_5(%arg0: i32) -> (i32, i32) {
    %c0_i32 = arith.constant 0 : i32
    %c0_i32_0 = arith.constant 0 : i32
    return %arg0, %c0_i32 : i32, i32
  }
  func.func @transform_6(%arg0: i32) -> (i32, i32) {
    %c0_i32 = arith.constant 0 : i32
    %c0_i32_0 = arith.constant 0 : i32
    %c0_i32_1 = arith.constant 0 : i32
    return %c0_i32, %c0_i32_0 : i32, i32
  }
  func.func @transform_7(%arg0: i32) -> (i32, i32) {
    %c0_i32 = arith.constant 0 : i32
    %c0_i32_0 = arith.constant 0 : i32
    %c0_i32_1 = arith.constant 0 : i32
    return %c0_i32, %c0_i32_0 : i32, i32
  }
  func.func @transform_8(%arg0: i32) -> (i32, i32) {
    %c0_i32 = arith.constant 0 : i32
    %c0_i32_0 = arith.constant 0 : i32
    %c0_i32_1 = arith.constant 0 : i32
    return %c0_i32, %c0_i32_0 : i32, i32
  }
  func.func @transform_9(%arg0: i32) -> (i32, i32) {
    %c0_i32 = arith.constant 0 : i32
    %c0_i32_0 = arith.constant 0 : i32
    %c0_i32_1 = arith.constant 0 : i32
    return %c0_i32, %c0_i32_0 : i32, i32
  }
  func.func @transform_10(%arg0: i32) -> (i32, i32) {
    %c0_i32 = arith.constant 0 : i32
    %c0_i32_0 = arith.constant 0 : i32
    %c0_i32_1 = arith.constant 0 : i32
    return %c0_i32, %c0_i32_0 : i32, i32
  }
  func.func @transform_11(%arg0: i32) -> (i32, i32) {
    %c0_i32 = arith.constant 0 : i32
    %c0_i32_0 = arith.constant 0 : i32
    return %arg0, %c0_i32 : i32, i32
  }
  func.func @transform_12(%arg0: i32) -> (i32, i32) {
    %c0_i32 = arith.constant 0 : i32
    %c0_i32_0 = arith.constant 0 : i32
    return %arg0, %c0_i32 : i32, i32
  }
}

module attributes {stable_mosaic.version = 14 : i64} {
  func.func @_node_body(%arg0: i32, %arg1: memref<400x128xf32, #tpu.memory_space<vmem>>, %arg2: memref<400x128xf32, #tpu.memory_space<vmem>>, %arg3: memref<400x128xf32, #tpu.memory_space<vmem>>, %arg4: memref<400x4xf32, #tpu.memory_space<vmem>>, %arg5: memref<400x4xf32, #tpu.memory_space<vmem>>, %arg6: memref<400x4xf32, #tpu.memory_space<vmem>>, %arg7: memref<128x128xf32, #tpu.memory_space<vmem>>, %arg8: memref<128x128xf32, #tpu.memory_space<vmem>>, %arg9: memref<1x128xf32, #tpu.memory_space<vmem>>, %arg10: memref<128x128xf32, #tpu.memory_space<vmem>>, %arg11: memref<1x128xf32, #tpu.memory_space<vmem>>, %arg12: memref<400x128xf32, #tpu.memory_space<vmem>>, %arg13: memref<400x4xf32, #tpu.memory_space<vmem>>) attributes {dimension_semantics = [#tpu.dimension_semantics<arbitrary>], iteration_bounds = array<i64: 25>, scalar_prefetch = 0 : i64, scratch_operands = 0 : i64, tpu.core_type = #tpu.core_type<tc>, window_params = [{transform_indices = @transform_0, window_bounds = array<i64: 400, 128>}, {transform_indices = @transform_1, window_bounds = array<i64: 400, 128>}, {transform_indices = @transform_2, window_bounds = array<i64: 400, 128>}, {transform_indices = @transform_3, window_bounds = array<i64: 400, 4>}, {transform_indices = @transform_4, window_bounds = array<i64: 400, 4>}, {transform_indices = @transform_5, window_bounds = array<i64: 400, 4>}, {pipeline_mode = #tpu.pipeline_mode<synchronous>, transform_indices = @transform_6, window_bounds = array<i64: 128, 128>}, {pipeline_mode = #tpu.pipeline_mode<synchronous>, transform_indices = @transform_7, window_bounds = array<i64: 128, 128>}, {pipeline_mode = #tpu.pipeline_mode<synchronous>, transform_indices = @transform_8, window_bounds = array<i64: 1, 128>}, {pipeline_mode = #tpu.pipeline_mode<synchronous>, transform_indices = @transform_9, window_bounds = array<i64: 128, 128>}, {pipeline_mode = #tpu.pipeline_mode<synchronous>, transform_indices = @transform_10, window_bounds = array<i64: 1, 128>}, {transform_indices = @transform_11, window_bounds = array<i64: 400, 128>}, {transform_indices = @transform_12, window_bounds = array<i64: 400, 4>}]} {
    %get3A = arith.constant 0 : index
    %get3A_0 = arith.constant 0 : index
    %get3A_1 = vector.load %arg1[%get3A, %get3A_0] : memref<400x128xf32, #tpu.memory_space<vmem>>, vector<400x128xf32>
    %get3A_2 = arith.constant 0 : index
    %get3A_3 = arith.constant 0 : index
    %get3A_4 = vector.load %arg2[%get3A_2, %get3A_3] : memref<400x128xf32, #tpu.memory_space<vmem>>, vector<400x128xf32>
    %get3A_5 = arith.constant 0 : index
    %get3A_6 = arith.constant 0 : index
    %get3A_7 = vector.load %arg3[%get3A_5, %get3A_6] : memref<400x128xf32, #tpu.memory_space<vmem>>, vector<400x128xf32>
    %add3A = arith.addf %get3A_4, %get3A_7 : vector<400x128xf32>
    %get3A_8 = arith.constant 0 : index
    %get3A_9 = arith.constant 0 : index
    %get3A_10 = vector.load %arg5[%get3A_8, %get3A_9] : memref<400x4xf32, #tpu.memory_space<vmem>>, vector<400x4xf32>
    %get3A_11 = arith.constant 0 : index
    %get3A_12 = arith.constant 0 : index
    %get3A_13 = vector.load %arg6[%get3A_11, %get3A_12] : memref<400x4xf32, #tpu.memory_space<vmem>>, vector<400x4xf32>
    %add3A_14 = arith.addf %get3A_10, %get3A_13 : vector<400x4xf32>
    %slice3A = vector.extract_strided_slice %add3A_14 {offsets = [0, 3], sizes = [400, 1], strides = [1, 1]} : vector<400x4xf32> to vector<400x1xf32>
    %get3A_15 = arith.constant 0 : index
    %get3A_16 = arith.constant 0 : index
    %get3A_17 = vector.load %arg4[%get3A_15, %get3A_16] : memref<400x4xf32, #tpu.memory_space<vmem>>, vector<400x4xf32>
    %add3A_18 = arith.constant 1.000000e+00 : f32
    %add3A_19 = vector.broadcast %add3A_18 : f32 to vector<400x1xf32>
    %add3A_20 = arith.addf %slice3A, %add3A_19 : vector<400x1xf32>
    %div3A = arith.constant 1.000000e+00 : f32
    %div3A_21 = vector.broadcast %div3A : f32 to vector<400x1xf32>
    %div3A_22 = arith.divf %div3A_21, %add3A_20 : vector<400x1xf32>
    %mul3A = vector.broadcast %div3A_22 : vector<400x1xf32> to vector<400x4xf32>
    %mul3A_23 = arith.mulf %add3A_14, %mul3A : vector<400x4xf32>
    %add3A_24 = arith.addf %get3A_17, %mul3A_23 : vector<400x4xf32>
    %swap3A = arith.constant 0 : index
    %swap3A_25 = arith.constant 0 : index
    %swap3A_26 = vector.load %arg13[%swap3A, %swap3A_25] : memref<400x4xf32, #tpu.memory_space<vmem>>, vector<400x4xf32>
    tpu.vector_store %arg13[%swap3A, %swap3A_25], %add3A_24 {strides = array<i32>} : memref<400x4xf32, #tpu.memory_space<vmem>>, vector<400x4xf32>,
    %get3A_27 = arith.constant 0 : index
    %get3A_28 = arith.constant 0 : index
    %get3A_29 = vector.load %arg7[%get3A_27, %get3A_28] : memref<128x128xf32, #tpu.memory_space<vmem>>, vector<128x128xf32>
    %dot_general3A = arith.constant dense<0.000000e+00> : vector<400x128xf32>
    %dot_general3A_30 = tpu.matmul %get3A_1, %get3A_29, %dot_general3A {dimension_numbers = #tpu.dot_dimension_numbers<[1], [0], [0], [1], [0, 0, 1, 1], [], []>, transpose_lhs_hint = false} : vector<400x128xf32>, vector<128x128xf32>, vector<400x128xf32> -> vector<400x128xf32>
    %get3A_31 = arith.constant 0 : index
    %get3A_32 = arith.constant 0 : index
    %get3A_33 = vector.load %arg8[%get3A_31, %get3A_32] : memref<128x128xf32, #tpu.memory_space<vmem>>, vector<128x128xf32>
    %dot_general3A_34 = arith.constant dense<0.000000e+00> : vector<400x128xf32>
    %dot_general3A_35 = tpu.matmul %add3A, %get3A_33, %dot_general3A_34 {dimension_numbers = #tpu.dot_dimension_numbers<[1], [0], [0], [1], [0, 0, 1, 1], [], []>, transpose_lhs_hint = false} : vector<400x128xf32>, vector<128x128xf32>, vector<400x128xf32> -> vector<400x128xf32>
    %add3A_36 = arith.addf %dot_general3A_30, %dot_general3A_35 : vector<400x128xf32>
    %get3A_37 = arith.constant 0 : index
    %get3A_38 = arith.constant 0 : index
    %get3A_39 = vector.load %arg9[%get3A_37, %get3A_38] : memref<1x128xf32, #tpu.memory_space<vmem>>, vector<1x128xf32>
    %add3A_40 = vector.broadcast %get3A_39 : vector<1x128xf32> to vector<400x128xf32>
    %add3A_41 = arith.addf %add3A_36, %add3A_40 : vector<400x128xf32>
    %logistic3A = arith.negf %add3A_41 : vector<400x128xf32>
    %logistic3A_42 = math.exp %logistic3A : vector<400x128xf32>
    %logistic3A_43 = arith.constant 1.000000e+00 : f32
    %logistic3A_44 = vector.broadcast %logistic3A_43 : f32 to vector<400x128xf32>
    %logistic3A_45 = arith.addf %logistic3A_44, %logistic3A_42 : vector<400x128xf32>
    %logistic3A_46 = arith.divf %logistic3A_44, %logistic3A_45 : vector<400x128xf32>
    %mul3A_47 = arith.mulf %add3A_41, %logistic3A_46 : vector<400x128xf32>
    %get3A_48 = arith.constant 0 : index
    %get3A_49 = arith.constant 0 : index
    %get3A_50 = vector.load %arg10[%get3A_48, %get3A_49] : memref<128x128xf32, #tpu.memory_space<vmem>>, vector<128x128xf32>
    %dot_general3A_51 = arith.constant dense<0.000000e+00> : vector<400x128xf32>
    %dot_general3A_52 = tpu.matmul %mul3A_47, %get3A_50, %dot_general3A_51 {dimension_numbers = #tpu.dot_dimension_numbers<[1], [0], [0], [1], [0, 0, 1, 1], [], []>, transpose_lhs_hint = false} : vector<400x128xf32>, vector<128x128xf32>, vector<400x128xf32> -> vector<400x128xf32>
    %add3A_53 = arith.addf %get3A_1, %dot_general3A_52 : vector<400x128xf32>
    %get3A_54 = arith.constant 0 : index
    %get3A_55 = arith.constant 0 : index
    %get3A_56 = vector.load %arg11[%get3A_54, %get3A_55] : memref<1x128xf32, #tpu.memory_space<vmem>>, vector<1x128xf32>
    %add3A_57 = vector.broadcast %get3A_56 : vector<1x128xf32> to vector<400x128xf32>
    %add3A_58 = arith.addf %add3A_53, %add3A_57 : vector<400x128xf32>
    %swap3A_59 = arith.constant 0 : index
    %swap3A_60 = arith.constant 0 : index
    %swap3A_61 = vector.load %arg12[%swap3A_59, %swap3A_60] : memref<400x128xf32, #tpu.memory_space<vmem>>, vector<400x128xf32>
    tpu.vector_store %arg12[%swap3A_59, %swap3A_60], %add3A_58 {strides = array<i32>} : memref<400x128xf32, #tpu.memory_space<vmem>>, vector<400x128xf32>,
    return
  }
  func.func @transform_0(%arg0: i32) -> (i32, i32) {
    %c0_i32 = arith.constant 0 : i32
    %c0_i32_0 = arith.constant 0 : i32
    return %arg0, %c0_i32 : i32, i32
  }
  func.func @transform_1(%arg0: i32) -> (i32, i32) {
    %c0_i32 = arith.constant 0 : i32
    %c0_i32_0 = arith.constant 0 : i32
    return %arg0, %c0_i32 : i32, i32
  }
  func.func @transform_2(%arg0: i32) -> (i32, i32) {
    %c0_i32 = arith.constant 0 : i32
    %c0_i32_0 = arith.constant 0 : i32
    return %arg0, %c0_i32 : i32, i32
  }
  func.func @transform_3(%arg0: i32) -> (i32, i32) {
    %c0_i32 = arith.constant 0 : i32
    %c0_i32_0 = arith.constant 0 : i32
    return %arg0, %c0_i32 : i32, i32
  }
  func.func @transform_4(%arg0: i32) -> (i32, i32) {
    %c0_i32 = arith.constant 0 : i32
    %c0_i32_0 = arith.constant 0 : i32
    return %arg0, %c0_i32 : i32, i32
  }
  func.func @transform_5(%arg0: i32) -> (i32, i32) {
    %c0_i32 = arith.constant 0 : i32
    %c0_i32_0 = arith.constant 0 : i32
    return %arg0, %c0_i32 : i32, i32
  }
  func.func @transform_6(%arg0: i32) -> (i32, i32) {
    %c0_i32 = arith.constant 0 : i32
    %c0_i32_0 = arith.constant 0 : i32
    %c0_i32_1 = arith.constant 0 : i32
    return %c0_i32, %c0_i32_0 : i32, i32
  }
  func.func @transform_7(%arg0: i32) -> (i32, i32) {
    %c0_i32 = arith.constant 0 : i32
    %c0_i32_0 = arith.constant 0 : i32
    %c0_i32_1 = arith.constant 0 : i32
    return %c0_i32, %c0_i32_0 : i32, i32
  }
  func.func @transform_8(%arg0: i32) -> (i32, i32) {
    %c0_i32 = arith.constant 0 : i32
    %c0_i32_0 = arith.constant 0 : i32
    %c0_i32_1 = arith.constant 0 : i32
    return %c0_i32, %c0_i32_0 : i32, i32
  }
  func.func @transform_9(%arg0: i32) -> (i32, i32) {
    %c0_i32 = arith.constant 0 : i32
    %c0_i32_0 = arith.constant 0 : i32
    %c0_i32_1 = arith.constant 0 : i32
    return %c0_i32, %c0_i32_0 : i32, i32
  }
  func.func @transform_10(%arg0: i32) -> (i32, i32) {
    %c0_i32 = arith.constant 0 : i32
    %c0_i32_0 = arith.constant 0 : i32
    %c0_i32_1 = arith.constant 0 : i32
    return %c0_i32, %c0_i32_0 : i32, i32
  }
  func.func @transform_11(%arg0: i32) -> (i32, i32) {
    %c0_i32 = arith.constant 0 : i32
    %c0_i32_0 = arith.constant 0 : i32
    return %arg0, %c0_i32 : i32, i32
  }
  func.func @transform_12(%arg0: i32) -> (i32, i32) {
    %c0_i32 = arith.constant 0 : i32
    %c0_i32_0 = arith.constant 0 : i32
    return %arg0, %c0_i32 : i32, i32
  }
}

</mosaic_0001>

<sc_bundles>
// kernel: kernel.18.cloned.1.call-start
scs
__scs_entry_jumppad:
0x0: {  	(pc) =	sbr.rel $0x88, $3  }
0x1: {  	(tag) =	ssettag $0x0;
	lr =	simm.s32 $0x1  }
0x2: {  	[smem:$0x3F90] =	sst lr;
	_ =	strace $0xD0000000  }
0x3: {  	_ = 	snop  }
0x4: {  	_ = 	snop  }
0x5: {  	_ = 	snop  }
0x6: {  	_ = 	snop  }
0x7: {  	_ = 	snop  }
__scs_overlays_trampoline_lowered:
0x8: {  	[smem:$0x3F9F] =	sst s0  }
0x9: {  	[smem:$0x3FA0] =	sst s1  }
0xa: {  	[smem:$0x3FA1] =	sst s2  }
0xb: {  	[smem:$0x3FA2] =	sst s3  }
0xc: {  	[smem:$0x3FA3] =	sst s4  }
0xd: {  	[smem:$0x3FA4] =	sst s5  }
0xe: {  	[smem:$0x3FA5] =	sst s6  }
0xf: {  	[smem:$0x3FA6] =	sst s7  }
0x10: {  	[smem:$0x3FA7] =	sst s8  }
0x11: {  	[smem:$0x3FA8] =	sst s9;
	s0 =	simm.s32 @!p0 $0x0  }
0x12: {  	s1 =	sld [smem:$0x3F8E];
	s0 =	simm.s32 @p0 $0x1  }
0x13: {  	[smem:$0x3FA9] =	sst s0;
	s0 =	simm.s32 @!p1 $0x0  }
0x14: {  	s2 =	sld [smem:$0x3F8D];
	s0 =	simm.s32 @p1 $0x1  }
0x15: {  	[smem:$0x3FAA] =	sst s0;
	s0 =	simm.s32 @!p2 $0x0  }
0x16: {  	s3 =	sld [smem:$0x3FDB];
	s0 =	simm.s32 @p2 $0x1  }
0x17: {  	s4 =	simm.s32 $0x1BF5;
	[smem:$0x3FAC] =	sst s0  }
0x18: {  	s0 =	sld [smem:$0x3F8F];
	_ =	swait.ge [sflag:s4], $0x0  }
0x19: {  	s7 =	sld [smem:$0x3F90]  }
0x1a: {  	s8 =	sadd.s32 $0xFFFFE003, lr  }
0x1b: {  	s9 =	sadd.s32 $0xFFFFFEF7, lr;
	s5 =	simm.s32 $0xFFFFFFFF;
	p2 =	slt.u32 s8, $0xFFFFF086  }
0x1c: {  	p1 =	slt.u32 s9, $0xF7A;
	s5 =	simm.s32 @!p2 $0x0  }
0x1d: {  	s5 =	simm.s32 @p1 $0x1;
	p0 =	seq.s32 s7, s2  }
0x1e: {  	s7 =	smul.u32 @!p0 $0xF7A, s2;
	p2 =	seq.s32 @!p0 s5, $0x0  }
0x1f: {  	s9 =	smul.u32 $0xF7A, s1;
	s8 =	simm.s32 @!p0 $0x1BF5;
	p2 =	por !p2, p0  }
0x20: {  	[sflag:s8] =	ssyncset.s32 @!p0 $0xFFFFF086;
	s6 =	sadd.s32 @!p0 s3, s7;
	s7 =	simm.s32 @!p0 $0x108  }
0x21: {  	s3 =	sadd.s32 s3, s9;
	s6 =	sadd.s32 @!p0 $0x88, s6;
	s7 =	simm.s32 @p2 $0x1082  }
0x22: {  	[simem:s7], [sflag:s8] =	dma.local @!p0 [hbm:s6], $0xF7A  }
0x23: {  	s9 =	sor.u32 $0xD0000000, s2;
	s6 =	simm.s32 $0x108;
	_ =	swait.ge @!p0 [sflag:s8], $0x0  }
0x24: {  	s3 =	sadd.s32 $0x88, s3;
	s6 =	simm.s32 @!p1 $0x1082;
	[sflag:s4] =	ssyncset.s32 $0xFFFFF086  }
0x25: {  	[simem:s6], [sflag:s4] =	dma.local [hbm:s3], $0xF7A  }
0x26: {  	[smem:$0x3F90] =	sst s1;
	(tag) =	ssettag s2;
	_ =	strace s9  }
0x27: {  	s1 =	sld [smem:$0x3FA0]  }
0x28: {  	s2 =	sld [smem:$0x3FA1]  }
0x29: {  	s4 =	sld [smem:$0x3FA3]  }
0x2a: {  	p0 =	seq.s32 s5, $0x0;
	s5 =	sld [smem:$0x3FA4]  }
0x2b: {  	s6 =	sld [smem:$0x3FA5]  }
0x2c: {  	s7 =	sld [smem:$0x3FA6]  }
0x2d: {  	s3 =	simm.s32 $0x108;
	s8 =	sld [smem:$0x3FA7]  }
0x2e: {  	s3 =	simm.s32 @!p0 $0x1082;
	s9 =	sld [smem:$0x3FA8]  }
0x2f: {  	lr =	sadd.s32 s0, s3;
	s0 =	sld [smem:$0x3F9F]  }
0x30: {  	s3 =	sld [smem:$0x3FA2]  }
0x31: {  	[smem:$0x3FAB] =	sst s10  }
0x32: {  	s10 =	sld [smem:$0x3FA9];
	_ =	sdelay $0x3  }
0x33: {  	p0 =	seq.s32 s10, $0x1;
	s10 =	sld [smem:$0x3FAB];
	_ =	sdelay $0x3  }
0x34: {  	[smem:$0x3FAB] =	sst s10  }
0x35: {  	s10 =	sld [smem:$0x3FAA];
	_ =	sdelay $0x3  }
0x36: {  	p1 =	seq.s32 s10, $0x1;
	s10 =	sld [smem:$0x3FAB];
	_ =	sdelay $0x3  }
0x37: {  	[smem:$0x3FAB] =	sst s10  }
0x38: {  	s10 =	sld [smem:$0x3FAC]  }
0x39: {  	_ = 	snop;
	(pc) =	sbr.ind lr, $3  }
0x3a: {  	_ = 	snop  }
0x3b: {  	_ = 	snop  }
0x3c: {  	p2 =	seq.s32 s10, $0x1;
	s10 =	sld [smem:$0x3FAB]  }
0x3d: {  	_ =	shalt  }
0x3e: {  	_ =	shalt  }
0x3f: {  	_ =	shalt  }
0x40: {  	_ =	shalt  }
0x41: {  	_ =	shalt  }
0x42: {  	_ =	shalt  }
0x43: {  	_ =	shalt  }
0x44: {  	_ =	shalt  }
0x45: {  	_ =	shalt  }
0x46: {  	_ =	shalt  }
0x47: {  	_ =	shalt  }
0x48: {  	_ =	shalt  }
0x49: {  	_ =	shalt  }
0x4a: {  	_ =	shalt  }
0x4b: {  	_ =	shalt  }
0x4c: {  	_ =	shalt  }
0x4d: {  	_ =	shalt  }
0x4e: {  	_ =	shalt  }
0x4f: {  	_ =	shalt  }
0x50: {  	_ =	shalt  }
0x51: {  	_ =	shalt  }
0x52: {  	_ =	shalt  }
0x53: {  	_ =	shalt  }
0x54: {  	_ =	shalt  }
0x55: {  	_ =	shalt  }
0x56: {  	_ =	shalt  }
0x57: {  	_ =	shalt  }
0x58: {  	_ =	shalt  }
0x59: {  	_ =	shalt  }
0x5a: {  	_ =	shalt  }
0x5b: {  	_ =	shalt  }
0x5c: {  	_ =	shalt  }
0x5d: {  	_ =	shalt  }
0x5e: {  	_ =	shalt  }
0x5f: {  	_ =	shalt  }
0x60: {  	_ =	shalt  }
0x61: {  	_ =	shalt  }
0x62: {  	_ =	shalt  }
0x63: {  	_ =	shalt  }
0x64: {  	_ =	shalt  }
0x65: {  	_ =	shalt  }
0x66: {  	_ =	shalt  }
0x67: {  	_ =	shalt  }
0x68: {  	_ =	shalt  }
0x69: {  	_ =	shalt  }
0x6a: {  	_ =	shalt  }
0x6b: {  	_ =	shalt  }
0x6c: {  	_ =	shalt  }
0x6d: {  	_ =	shalt  }
0x6e: {  	_ =	shalt  }
0x6f: {  	_ =	shalt  }
0x70: {  	_ =	shalt  }
0x71: {  	_ =	shalt  }
0x72: {  	_ =	shalt  }
0x73: {  	_ =	shalt  }
0x74: {  	_ =	shalt  }
0x75: {  	_ =	shalt  }
0x76: {  	_ =	shalt  }
0x77: {  	_ =	shalt  }
0x78: {  	_ =	shalt  }
0x79: {  	_ =	shalt  }
0x7a: {  	_ =	shalt  }
0x7b: {  	_ =	shalt  }
0x7c: {  	_ =	shalt  }
0x7d: {  	_ =	shalt  }
0x7e: {  	_ =	shalt  }
0x7f: {  	_ =	shalt  }
0x80: {  	_ =	shalt  }
0x81: {  	_ =	shalt  }
0x82: {  	_ =	shalt  }
0x83: {  	_ =	shalt  }
0x84: {  	_ =	shalt  }
0x85: {  	_ =	shalt  }
0x86: {  	_ =	shalt  }
0x87: {  	_ =	shalt  }
.Lfunc_end0:
.L_simem_size_0:
called_computation_lowered:
.L_overlay_start_0:
0x88: {  	s2 =	sld [smem:$0x3FD9]  }
0x89: {  	s3 =	sld [smem:$0x3FFE];
	_ =	sdelay $0x1  }
0x8a: {  	s1 =	srdreg.scid  }
0x8b: {  	s0 =	sand.u32 $0x1, s1  }
0x8c: {  	s16 =	sshll.u32 s0, $0xA;
	s2 =	sadd.s32 s3, s2  }
0x8d: {  	s2 =	sadd.s32 s2, s16  }
0x8e: {  	[smem:$0x3FB7] =	sst s2  }
0x8f: {  	_ = 	snop  }
0x90: {  	(tm) =	ssettm $0x1  }
0x91: {  	s17 =	sld [smem:$0x3FFB];
	_ =	sdelay $0x3  }
0x92: {  	_ =	strace s17  }
0x93: {  	s2 =	sld [smem:$0x3FFC];
	_ =	sdelay $0x3  }
0x94: {  	_ =	strace s2  }
0x95: {  	s2 =	sld [smem:$0x3FFD];
	_ =	sdelay $0x3  }
0x96: {  	_ =	strace s2  }
0x97: {  	_ =	strace $0x8FFFFFFF  }
0x98: {  	s18 =	sld [smem:$0x3FDB];
	_ =	sdelay $0x1  }
0x99: {  	s19 =	simm.s32 $_scs_section_size  }
0x9a: {  	s4 =	simm.s32 $_size__tile_overlayer_lowered;
	s5 =	simm.s32 $_tile_overlayer_lowered  }
0x9b: {  	s22 =	simm.s32 $0x1BFF;
	s21 =	sshll.u32 s5, $0x1;
	s2 =	sadd.s32 s19, s18  }
0x9c: {  	s6 =	simm.s32 $0x0;
	s20 =	sshll.u32 s4, $0x1;
	s4 =	sadd.s32 s21, s2  }
0x9d: {  	[timem:s6], [sflag:s22] =	dma.local [hbm:s4], s20  }
0x9e: {  	_ =	swait.ge [sflag:s22], s20  }
0x9f: {  	s3 =	ssub.s32 $0x0, s20;
	[sflag:s22] =	ssyncset.done $0x0  }
0xa0: {  	[sflag:s22] =	ssyncadd.s32 s3;
	_ =	sdelay $0x1  }
0xa1: {  	s23 =	simm.s32 $0x1B8B  }
0xa2: {  	_ =	swait.ge [sflag:s23], $0x1  }
0xa3: {  	[sflag:s23] =	ssyncset.done $0x0  }
0xa4: {  	s25 =	simm.s32 $0x1B8E;
	s24 =	sld [smem:$0x3FFE];
	[sflag:s23] =	ssyncadd.s32 $0xFFFFFFFF  }
0xa5: {  	s26 =	simm.s32 $execute0_lowered;
	[smem:$0x3FD2] =	sst s25  }
0xa6: {  	s4 =	sshll.u32 s26, $0x1;
	_ =	strace $0x80000046;
	[dreg:$0x1] =	wrdreg $0xFFFFFFFF  }
0xa7: {  	s28 =	simm.s32 $_size_execute0_lowered;
	s2 =	sadd.s32 s2, s4;
	[dreg:$0x0] =	wrdreg $0x0  }
0xa8: {  	s4 =	sshll.u32 s28, $0x1;
	[dreg:$0x2] =	wrdreg s2  }
0xa9: {  	[dreg:$0x3] =	wrdreg s4  }
0xaa: {  	[dreg:$0x4] =	wrdreg $0xC0  }
0xab: {  	_ =	task [dreg:s6], $0x5FFFF  }
0xac: {  	[dreg:$0x1] =	wrdreg $0xFFFFFFFF  }
0xad: {  	[dreg:$0x0] =	wrdreg $0x60  }
0xae: {  	[dreg:$0x2] =	wrdreg s24  }
0xaf: {  	[dreg:$0x3] =	wrdreg $0x9  }
0xb0: {  	_ =	task.clear_ibuf [dreg:s6], $0x4FFFF;
	_ =	strace $0x90000046  }
0xb1: {  	s29 =	simm.s32 $0x9;
	_ =	strace $0x80000048  }
0xb2: {  	_ =	swait.ge [sflag:s29], $0x1  }
0xb3: {  	[sflag:s29] =	ssyncadd.s32 $0xFFFFFFFF  }
0xb4: {  	_ =	strace $0x90000048  }
0xb5: {  	_ =	sfence  }
0xb6: {  	s30 =	sld [smem:$0x0];
	_ =	sdelay $0x2  }
0xb7: {  	s31 =	sshll.u32 s1, $0xD;
	s1 =	sshrl.u32 s1, $0x2  }
0xb8: {  	s3 =	sand.u32 $0x4000, s31;
	s1 =	sadd.s32 s1, s30  }
0xb9: {  	s0 =	sor.u32 s3, s0;
	s1 =	sshll.u32 s1, $0x11  }
0xba: {  	s0 =	sor.u32 s1, s0  }
0xbb: {  	s0 =	sadd.s32 $0x8F2B, s0  }
0xbc: {  	[sflag:s0] =	ssyncadd.remote.s32 $0x1  }
0xbd: {  	_ =	sfence.sel $0xFFFF  }
0xbe: {  	[dreg:$0x0] =	wrdreg $0xFFFFFFFF;
	(pc) =	sbr.abs _section_cstart, $3  }
0xbf: {  	[dreg:$0x1] =	wrdreg $0xFFFFFFFF  }
0xc0: {  	_ =	task.clear_ibuf [dreg:s6], $0x2FFFF;
	_ =	strace $0x9FFFFFFF  }
0xc1: {  	(tm) =	ssettm $0x7FFFFFFF  }
tec
execute0_lowered:
.L_overlay_start_1:
0x0: {  	(tag) =	ssettag $0x1  }
0x1: {  	s8 =	rddreg [dreg:$0x0];
	s2 =	simm.s32 $0x0  }
0x2: {  	s1 =	stileid.u32;
	s5 =	srdreg.scid;
	s16 =	simm.s32 $0x2  }
0x3: {  	s17 =	simm.s32 $0x2780;
	s18 =	simm.s32 $0x4F00;
	s19 =	simm.s32 $0x7700  }
0x4: {  	s20 =	simm.s32 $0x7680;
	s21 =	simm.s32 $0x1;
	s22 =	simm.s32 $0x50  }
0x5: {  	s23 =	simm.s32 $0x7780;
	s24 =	simm.s32 $0x9F80;
	s25 =	simm.s32 $0xA000  }
0x6: {  	s26 =	simm.s32 $0xA080;
	s28 =	simm.s32 $0xA100;
	s29 =	simm.s32 $0x0  }
0x7: {  	[smem:$0x7FF] =	sst s2;
	s3 =	sadd.s32 $0x4FC00, s8;
	s9 =	smul.u32 $0xA00, s1  }
0x8: {  	s4 =	sadd.s32 $0x76E00, s8;
	s10 =	smul.u32 $0x14, s1;
	s11 =	sand.u32 $0x1, s5  }
0x9: {  	s5 =	sadd.s32 $0x28400, s8;
	s6 =	sadd.s32 $0x27E00, s8;
	s7 =	sadd.s32 $0x27800, s8  }
0xa: {  	_ =	strace $0x80000047;
	s12 =	smul.u32 $0x500, s11;
	s13 =	ssub.s32 $0x2, s11  }
0xb: {  	s11 =	smul.u32 $0xA, s11;
	s9 =	sadd.s32 s9, s8;
	s31 =	sshrl.u32 s13, $0x1  }
0xc: {  	s8 =	sadd.s32 s10, s8;
	s10 =	ssub.s32 s13, s31;
	s9 =	sadd.s32 s12, s9  }
0xd: {  	s15 =	sadd.s32 s11, s8;
	s8 =	smax.u32 s10, $0x1;
	s9 =	sadd.s32 $0xC5800, s9  }
0xe: {  	s10 =	sadd.s32 $0x1DA00, s15;
	s11 =	sadd.s32 $0x13C00, s15;
	s12 =	sadd.s32 $0x9E000, s15  }
0xf: {  	s13 =	sadd.s32 $0xA7E00, s15;
	s14 =	sadd.s32 $0xB1C00, s15;
	s15 =	sadd.s32 $0xBBA00, s15  }
.LBB2_1:
0x10: {  	[tilespmem:s2], [sflag:$0x2] =	stream.linear.gather [hbm4b:s5+s2], $0x2780, $0x38;
	[tilespmem:$0xA180] =	vst v63  }
0x11: {  	_ =	swait.ge [sflag:s16], $0x2780  }
0x12: {  	[sflag:s16] =	ssyncset.done $0x0  }
0x13: {  	[sflag:s16] =	ssyncadd.s32 $0xFFFFD880  }
0x14: {  	[tilespmem:s17], [sflag:$0x2] =	stream.linear.gather [hbm4b:s6+s2], $0x2780, $0x38;
	[tilespmem:$0xA180] =	vst v63  }
0x15: {  	_ =	swait.ge [sflag:s16], $0x2780  }
0x16: {  	[sflag:s16] =	ssyncset.done $0x0  }
0x17: {  	[sflag:s16] =	ssyncadd.s32 $0xFFFFD880  }
0x18: {  	[tilespmem:s18], [sflag:$0x2] =	stream.linear.gather [hbm4b:s7+s2], $0x2780, $0x38;
	[tilespmem:$0xA180] =	vst v63  }
0x19: {  	_ =	swait.ge [sflag:s16], $0x2780  }
0x1a: {  	[sflag:s16] =	ssyncset.done $0x0  }
0x1b: {  	s30 =	smov.u32 s9;
	s31 =	simm.s32 $0x0;
	[sflag:s16] =	ssyncadd.s32 $0xFFFFD880  }
.LBB2_2:
0x1c: {  	s0 =	sadd.s32 s31, s10  }
0x1d: {  	[tilespmem:s19], [sflag:$0x1] =	stream.linear.gather [hbm4b:s0+s2], $0x50, $0x38;
	[tilespmem:$0xA180] =	vst v63  }
0x1e: {  	s0 =	sadd.s32 s31, s11  }
0x1f: {  	[tilespmem:s20], [sflag:$0x1] =	stream.linear.gather [hbm4b:s0+s2], $0x50, $0x38;
	[tilespmem:$0xA180] =	vst v63  }
0x20: {  	_ =	swait.ge [sflag:s21], $0x50  }
0x21: {  	[sflag:s21] =	ssyncset.done $0x0  }
0x22: {  	[sflag:s21] =	ssyncadd.s32 $0xFFFFFFB0  }
0x23: {  	_ =	swait.ge [sflag:s21], $0x50  }
0x24: {  	[sflag:s21] =	ssyncset.done $0x0  }
0x25: {  	[sflag:s21] =	ssyncadd.s32 $0xFFFFFFB0  }
0x26: {  	[tilespmem:s23], [sflag:$0x1] =	stream.indirect.gather [hbm4b:s3+s22], $0x80, s19, s22, $0xb8;
	[tilespmem:$0xA180] =	vst v63  }
0x27: {  	v0 =	vld [tilespmem:$0x7700]  }
0x28: {  	v1 =	vld [tilespmem:$0x7680];
	_ =	sdelay $0x6  }
0x29: {  	v2 =	vld.idx.msk [tilespmem:v0+s2+$0x0], $0xffff  }
0x2a: {  	v3 =	vld.idx.msk [tilespmem:v1+s2+$0x0], $0xffff  }
0x2b: {  	v4 =	vld.idx.msk [tilespmem:v0+s17+$0x0], $0xffff  }
0x2c: {  	v5 =	vld.idx.msk [tilespmem:v1+s17+$0x0], $0xffff  }
0x2d: {  	v0 =	vld.idx.msk [tilespmem:v0+s18+$0x0], $0xffff  }
0x2e: {  	v1 =	vld.idx.msk [tilespmem:v1+s18+$0x0], $0xffff;
	_ =	sdelay $0x2  }
0x2f: {  	v2 =	vsub.f32 v2, v3;
	v27 =	vsub.f32 v4, v5  }
0x30: {  	v28 =	vld [tilespmem:$0x7710]  }
0x31: {  	v6 =	vld [tilespmem:$0x7690];
	v0 =	vsub.f32 v0, v1;
	v29 =	vmul.f32 v2, v2;
	v5 =	vmul.f32 v27, v27;
	_ =	sdelay $0x1  }
0x32: {  	v30 =	vmul.f32 v0, v0;
	v1 =	vadd.f32 v5, v29  }
0x33: {  	[tilespmem:$0x9F80] =	vst v2  }
0x34: {  	[tilespmem:$0xA000] =	vst v27;
	v1 =	vadd.f32 v30, v1  }
0x35: {  	[tilespmem:$0xA080] =	vst v0  }
0x36: {  	[tilespmem:$0xA100] =	vst v1  }
0x37: {  	v0 =	vld.idx.msk [tilespmem:v28+s2+$0x0], $0xffff  }
0x38: {  	v1 =	vld.idx.msk [tilespmem:v6+s2+$0x0], $0xffff  }
0x39: {  	v2 =	vld.idx.msk [tilespmem:v28+s17+$0x0], $0xffff  }
0x3a: {  	v3 =	vld.idx.msk [tilespmem:v6+s17+$0x0], $0xffff  }
0x3b: {  	v4 =	vld.idx.msk [tilespmem:v28+s18+$0x0], $0xffff  }
0x3c: {  	v31 =	vld.idx.msk [tilespmem:v6+s18+$0x0], $0xffff;
	_ =	sdelay $0x2  }
0x3d: {  	v0 =	vsub.f32 v0, v1;
	v32 =	vsub.f32 v2, v3  }
0x3e: {  	v33 =	vld [tilespmem:$0x7720]  }
0x3f: {  	v37 =	vld [tilespmem:$0x76A0];
	v34 =	vsub.f32 v4, v31;
	v35 =	vmul.f32 v0, v0;
	v36 =	vmul.f32 v32, v32;
	_ =	sdelay $0x1  }
0x40: {  	v38 =	vmul.f32 v34, v34;
	v4 =	vadd.f32 v36, v35  }
0x41: {  	[tilespmem:$0x9F90] =	vst v0  }
0x42: {  	[tilespmem:$0xA010] =	vst v32;
	v39 =	vadd.f32 v38, v4  }
0x43: {  	[tilespmem:$0xA090] =	vst v34  }
0x44: {  	[tilespmem:$0xA110] =	vst v39  }
0x45: {  	v0 =	vld.idx.msk [tilespmem:v33+s2+$0x0], $0xffff  }
0x46: {  	v1 =	vld.idx.msk [tilespmem:v37+s2+$0x0], $0xffff  }
0x47: {  	v3 =	vld.idx.msk [tilespmem:v33+s17+$0x0], $0xffff  }
0x48: {  	v40 =	vld.idx.msk [tilespmem:v37+s17+$0x0], $0xffff  }
0x49: {  	v2 =	vld.idx.msk [tilespmem:v33+s18+$0x0], $0xffff  }
0x4a: {  	v41 =	vld.idx.msk [tilespmem:v37+s18+$0x0], $0xffff;
	_ =	sdelay $0x2  }
0x4b: {  	v0 =	vsub.f32 v0, v1;
	v42 =	vsub.f32 v3, v40  }
0x4c: {  	v43 =	vld [tilespmem:$0x7730]  }
0x4d: {  	v46 =	vld [tilespmem:$0x76B0];
	v2 =	vsub.f32 v2, v41;
	v44 =	vmul.f32 v0, v0;
	v45 =	vmul.f32 v42, v42;
	_ =	sdelay $0x1  }
0x4e: {  	v47 =	vmul.f32 v2, v2;
	v4 =	vadd.f32 v45, v44  }
0x4f: {  	[tilespmem:$0x9FA0] =	vst v0  }
0x50: {  	[tilespmem:$0xA020] =	vst v42;
	v48 =	vadd.f32 v47, v4  }
0x51: {  	[tilespmem:$0xA0A0] =	vst v2  }
0x52: {  	[tilespmem:$0xA120] =	vst v48  }
0x53: {  	v0 =	vld.idx.msk [tilespmem:v43+s2+$0x0], $0xffff  }
0x54: {  	v1 =	vld.idx.msk [tilespmem:v46+s2+$0x0], $0xffff  }
0x55: {  	v2 =	vld.idx.msk [tilespmem:v43+s17+$0x0], $0xffff  }
0x56: {  	v49 =	vld.idx.msk [tilespmem:v46+s17+$0x0], $0xffff  }
0x57: {  	v3 =	vld.idx.msk [tilespmem:v43+s18+$0x0], $0xffff  }
0x58: {  	v50 =	vld.idx.msk [tilespmem:v46+s18+$0x0], $0xffff;
	_ =	sdelay $0x2  }
0x59: {  	v0 =	vsub.f32 v0, v1;
	v51 =	vsub.f32 v2, v49  }
0x5a: {  	v52 =	vld [tilespmem:$0x7740]  }
0x5b: {  	v55 =	vld [tilespmem:$0x76C0];
	v3 =	vsub.f32 v3, v50;
	v53 =	vmul.f32 v0, v0;
	v54 =	vmul.f32 v51, v51;
	_ =	sdelay $0x1  }
0x5c: {  	v56 =	vmul.f32 v3, v3;
	v4 =	vadd.f32 v54, v53  }
0x5d: {  	[tilespmem:$0x9FB0] =	vst v0  }
0x5e: {  	[tilespmem:$0xA030] =	vst v51;
	v57 =	vadd.f32 v56, v4  }
0x5f: {  	[tilespmem:$0xA0B0] =	vst v3  }
0x60: {  	[tilespmem:$0xA130] =	vst v57  }
0x61: {  	v0 =	vld.idx.msk [tilespmem:v52+s2+$0x0], $0xffff  }
0x62: {  	v1 =	vld.idx.msk [tilespmem:v55+s2+$0x0], $0xffff  }
0x63: {  	v3 =	vld.idx.msk [tilespmem:v52+s17+$0x0], $0xffff  }
0x64: {  	v58 =	vld.idx.msk [tilespmem:v55+s17+$0x0], $0xffff  }
0x65: {  	v2 =	vld.idx.msk [tilespmem:v52+s18+$0x0], $0xffff  }
0x66: {  	v59 =	vld.idx.msk [tilespmem:v55+s18+$0x0], $0xffff;
	_ =	sdelay $0x2  }
0x67: {  	v0 =	vsub.f32 v0, v1;
	v60 =	vsub.f32 v3, v58;
	_ =	sdelay $0x1  }
0x68: {  	v2 =	vsub.f32 v2, v59;
	v61 =	vmul.f32 v0, v0;
	v4 =	vmul.f32 v60, v60;
	_ =	sdelay $0x1  }
0x69: {  	v62 =	vmul.f32 v2, v2;
	v3 =	vadd.f32 v4, v61  }
0x6a: {  	[tilespmem:$0x9FC0] =	vst v0  }
0x6b: {  	[tilespmem:$0xA040] =	vst v60;
	v63 =	vadd.f32 v62, v3  }
0x6c: {  	[tilespmem:$0xA0C0] =	vst v2  }
0x6d: {  	[tilespmem:$0xA140] =	vst v63  }
0x6e: {  	_ =	swait.ge [sflag:s21], $0x2800  }
0x6f: {  	[sflag:s21] =	ssyncset.done $0x0  }
0x70: {  	[sflag:s21] =	ssyncadd.s32 $0xFFFFD800  }
0x71: {  	[tilespmem:s23], [sflag:$0x1] =	stream.indirect.gather.add.f32 [hbm:s4], $0x80, s20, s22, $0xb8;
	[tilespmem:$0xA180] =	vst v63  }
0x72: {  	_ =	swait.ge [sflag:s21], $0x2800  }
0x73: {  	[sflag:s21] =	ssyncset.done $0x0  }
0x74: {  	[sflag:s21] =	ssyncadd.s32 $0xFFFFD800  }
0x75: {  	[hbm4b:s30+s2] =	stream.linear.scatter [tilespmem:s23], [sflag:$0x1], $0x2800, $0x38;
	[tilespmem:$0xA180] =	vst v63  }
0x76: {  	s0 =	sadd.s32 s31, s12  }
0x77: {  	[hbm4b:s0+s2] =	stream.linear.scatter [tilespmem:s24], [sflag:$0x1], $0x50, $0x38;
	[tilespmem:$0xA180] =	vst v63  }
0x78: {  	s0 =	sadd.s32 s31, s13  }
0x79: {  	[hbm4b:s0+s2] =	stream.linear.scatter [tilespmem:s25], [sflag:$0x1], $0x50, $0x38;
	[tilespmem:$0xA180] =	vst v63  }
0x7a: {  	s0 =	sadd.s32 s31, s14  }
0x7b: {  	[hbm4b:s0+s2] =	stream.linear.scatter [tilespmem:s26], [sflag:$0x1], $0x50, $0x38;
	[tilespmem:$0xA180] =	vst v63  }
0x7c: {  	s0 =	sadd.s32 s31, s15  }
0x7d: {  	[hbm4b:s0+s2] =	stream.linear.scatter [tilespmem:s28], [sflag:$0x1], $0x50, $0x38;
	[tilespmem:$0xA180] =	vst v63  }
0x7e: {  	_ =	swait.ge [sflag:s21], $0x2800  }
0x7f: {  	[sflag:s21] =	ssyncset.done $0x0  }
0x80: {  	[sflag:s21] =	ssyncadd.s32 $0xFFFFD800  }
0x81: {  	_ =	swait.ge [sflag:s21], $0x50  }
0x82: {  	[sflag:s21] =	ssyncset.done $0x0  }
0x83: {  	[sflag:s21] =	ssyncadd.s32 $0xFFFFFFB0  }
0x84: {  	_ =	swait.ge [sflag:s21], $0x50  }
0x85: {  	[sflag:s21] =	ssyncset.done $0x0  }
0x86: {  	[sflag:s21] =	ssyncadd.s32 $0xFFFFFFB0  }
0x87: {  	p0 =	sne.s32 s31, $0x9B00;
	_ =	swait.ge [sflag:s21], $0x50  }
.Ltmp0:
0x88: {  	[sflag:s21] =	ssyncset.done $0x0;
	(pc) =	sbr.rel @p0 .LBB2_2-.Ltmp0, $4  }
0x89: {  	[sflag:s21] =	ssyncadd.s32 $0xFFFFFFB0  }
0x8a: {  	_ =	swait.ge [sflag:s21], $0x50  }
0x8b: {  	[sflag:s21] =	ssyncset.done $0x0  }
0x8c: {  	s30 =	sadd.s32 $0xA000, s30;
	s31 =	sadd.s32 $0x140, s31;
	[sflag:s21] =	ssyncadd.s32 $0xFFFFFFB0  }
0x8d: {  	s29 =	sadd.s32 $0x1, s29  }
0x8e: {  	p0 =	sne.s32 s29, s8  }
.Ltmp1:
0x8f: {  	_ = 	snop;
	(pc) =	sbr.rel @p0 .LBB2_1-.Ltmp1, $1  }
0x90: {  	_ =	sdelay $0x3  }
0x91: {  	_ =	sfence.sel $0x180000  }
0x92: {  	[bflag:$0x0] =	sbarrier.arrive $0xFFFF  }
0x93: {  	_ =	strace $0x90000047  }
0x94: {  	[bflag:$0x2] =	sbarrier.arrive $0xFFFF  }
0x95: {  	p0 =	sne.s32 s1, $0x0;
	s0 =	rddreg [dreg:$0x1]  }
0x96: {  	s0 =	sadd.s32 @!p0 $0x100000, s0  }
0x97: {  	[sflag:s0] =	ssyncadd.tile.s32 @!p0 $0x1;
	_ =	shalt  }
.Lfunc_end2:
_tile_overlayer_lowered:
.L_overlay_start_2:
0x98: {  	(tag) =	ssettag $0x2  }
0x99: {  	s0 =	rddreg [dreg:$0x0];
	s2 =	stileid.u32  }
0x9a: {  	s1 =	rddreg [dreg:$0x1];
	p0 =	sne.s32 s2, $0x0  }
0x9b: {  	s3 =	rddreg [dreg:$0x2];
	[bflag:$0x3] =	sbarrier.arrive $0xFFFF;
	s2 =	simm.s32 @!p0 $0x1C02  }
0x9c: {  	[timem:s3], [sflag:s2] =	dma.local @!p0 [hbm:s0], s1  }
0x9d: {  	s0 =	simm.s32 @!p0 $0x2  }
0x9e: {  	_ =	swait.ge @!p0 [sflag:s0], s1  }
0x9f: {  	s1 =	ssub.s32 @!p0 $0x0, s1;
	[sflag:s0] =	ssyncset.done @!p0 $0x0  }
0xa0: {  	[sflag:s0] =	ssyncadd.s32 @!p0 s1  }
0xa1: {  	[bflag:$0x3] =	sbarrier.arrive $0xFFFF  }
0xa2: {  	_ =	shalt  }

// kernel: kernel.21.cloned.1.call-start
scs
__scs_entry_jumppad:
0x0: {  	(pc) =	sbr.rel $0x88, $3  }
0x1: {  	(tag) =	ssettag $0x0;
	lr =	simm.s32 $0x1  }
0x2: {  	[smem:$0x3F90] =	sst lr;
	_ =	strace $0xD0000000  }
0x3: {  	_ = 	snop  }
0x4: {  	_ = 	snop  }
0x5: {  	_ = 	snop  }
0x6: {  	_ = 	snop  }
0x7: {  	_ = 	snop  }
__scs_overlays_trampoline_lowered:
0x8: {  	[smem:$0x3F9F] =	sst s0  }
0x9: {  	[smem:$0x3FA0] =	sst s1  }
0xa: {  	[smem:$0x3FA1] =	sst s2  }
0xb: {  	[smem:$0x3FA2] =	sst s3  }
0xc: {  	[smem:$0x3FA3] =	sst s4  }
0xd: {  	[smem:$0x3FA4] =	sst s5  }
0xe: {  	[smem:$0x3FA5] =	sst s6  }
0xf: {  	[smem:$0x3FA6] =	sst s7  }
0x10: {  	[smem:$0x3FA7] =	sst s8  }
0x11: {  	[smem:$0x3FA8] =	sst s9;
	s0 =	simm.s32 @!p0 $0x0  }
0x12: {  	s1 =	sld [smem:$0x3F8E];
	s0 =	simm.s32 @p0 $0x1  }
0x13: {  	[smem:$0x3FA9] =	sst s0;
	s0 =	simm.s32 @!p1 $0x0  }
0x14: {  	s2 =	sld [smem:$0x3F8D];
	s0 =	simm.s32 @p1 $0x1  }
0x15: {  	[smem:$0x3FAA] =	sst s0;
	s0 =	simm.s32 @!p2 $0x0  }
0x16: {  	s3 =	sld [smem:$0x3FDB];
	s0 =	simm.s32 @p2 $0x1  }
0x17: {  	s4 =	simm.s32 $0x1BF5;
	[smem:$0x3FAC] =	sst s0  }
0x18: {  	s0 =	sld [smem:$0x3F8F];
	_ =	swait.ge [sflag:s4], $0x0  }
0x19: {  	s7 =	sld [smem:$0x3F90]  }
0x1a: {  	s8 =	sadd.s32 $0xFFFFE003, lr  }
0x1b: {  	s9 =	sadd.s32 $0xFFFFFEF7, lr;
	s5 =	simm.s32 $0xFFFFFFFF;
	p2 =	slt.u32 s8, $0xFFFFF086  }
0x1c: {  	p1 =	slt.u32 s9, $0xF7A;
	s5 =	simm.s32 @!p2 $0x0  }
0x1d: {  	s5 =	simm.s32 @p1 $0x1;
	p0 =	seq.s32 s7, s2  }
0x1e: {  	s7 =	smul.u32 @!p0 $0xF7A, s2;
	p2 =	seq.s32 @!p0 s5, $0x0  }
0x1f: {  	s9 =	smul.u32 $0xF7A, s1;
	s8 =	simm.s32 @!p0 $0x1BF5;
	p2 =	por !p2, p0  }
0x20: {  	[sflag:s8] =	ssyncset.s32 @!p0 $0xFFFFF086;
	s6 =	sadd.s32 @!p0 s3, s7;
	s7 =	simm.s32 @!p0 $0x108  }
0x21: {  	s3 =	sadd.s32 s3, s9;
	s6 =	sadd.s32 @!p0 $0x88, s6;
	s7 =	simm.s32 @p2 $0x1082  }
0x22: {  	[simem:s7], [sflag:s8] =	dma.local @!p0 [hbm:s6], $0xF7A  }
0x23: {  	s9 =	sor.u32 $0xD0000000, s2;
	s6 =	simm.s32 $0x108;
	_ =	swait.ge @!p0 [sflag:s8], $0x0  }
0x24: {  	s3 =	sadd.s32 $0x88, s3;
	s6 =	simm.s32 @!p1 $0x1082;
	[sflag:s4] =	ssyncset.s32 $0xFFFFF086  }
0x25: {  	[simem:s6], [sflag:s4] =	dma.local [hbm:s3], $0xF7A  }
0x26: {  	[smem:$0x3F90] =	sst s1;
	(tag) =	ssettag s2;
	_ =	strace s9  }
0x27: {  	s1 =	sld [smem:$0x3FA0]  }
0x28: {  	s2 =	sld [smem:$0x3FA1]  }
0x29: {  	s4 =	sld [smem:$0x3FA3]  }
0x2a: {  	p0 =	seq.s32 s5, $0x0;
	s5 =	sld [smem:$0x3FA4]  }
0x2b: {  	s6 =	sld [smem:$0x3FA5]  }
0x2c: {  	s7 =	sld [smem:$0x3FA6]  }
0x2d: {  	s3 =	simm.s32 $0x108;
	s8 =	sld [smem:$0x3FA7]  }
0x2e: {  	s3 =	simm.s32 @!p0 $0x1082;
	s9 =	sld [smem:$0x3FA8]  }
0x2f: {  	lr =	sadd.s32 s0, s3;
	s0 =	sld [smem:$0x3F9F]  }
0x30: {  	s3 =	sld [smem:$0x3FA2]  }
0x31: {  	[smem:$0x3FAB] =	sst s10  }
0x32: {  	s10 =	sld [smem:$0x3FA9];
	_ =	sdelay $0x3  }
0x33: {  	p0 =	seq.s32 s10, $0x1;
	s10 =	sld [smem:$0x3FAB];
	_ =	sdelay $0x3  }
0x34: {  	[smem:$0x3FAB] =	sst s10  }
0x35: {  	s10 =	sld [smem:$0x3FAA];
	_ =	sdelay $0x3  }
0x36: {  	p1 =	seq.s32 s10, $0x1;
	s10 =	sld [smem:$0x3FAB];
	_ =	sdelay $0x3  }
0x37: {  	[smem:$0x3FAB] =	sst s10  }
0x38: {  	s10 =	sld [smem:$0x3FAC]  }
0x39: {  	_ = 	snop;
	(pc) =	sbr.ind lr, $3  }
0x3a: {  	_ = 	snop  }
0x3b: {  	_ = 	snop  }
0x3c: {  	p2 =	seq.s32 s10, $0x1;
	s10 =	sld [smem:$0x3FAB]  }
0x3d: {  	_ =	shalt  }
0x3e: {  	_ =	shalt  }
0x3f: {  	_ =	shalt  }
0x40: {  	_ =	shalt  }
0x41: {  	_ =	shalt  }
0x42: {  	_ =	shalt  }
0x43: {  	_ =	shalt  }
0x44: {  	_ =	shalt  }
0x45: {  	_ =	shalt  }
0x46: {  	_ =	shalt  }
0x47: {  	_ =	shalt  }
0x48: {  	_ =	shalt  }
0x49: {  	_ =	shalt  }
0x4a: {  	_ =	shalt  }
0x4b: {  	_ =	shalt  }
0x4c: {  	_ =	shalt  }
0x4d: {  	_ =	shalt  }
0x4e: {  	_ =	shalt  }
0x4f: {  	_ =	shalt  }
0x50: {  	_ =	shalt  }
0x51: {  	_ =	shalt  }
0x52: {  	_ =	shalt  }
0x53: {  	_ =	shalt  }
0x54: {  	_ =	shalt  }
0x55: {  	_ =	shalt  }
0x56: {  	_ =	shalt  }
0x57: {  	_ =	shalt  }
0x58: {  	_ =	shalt  }
0x59: {  	_ =	shalt  }
0x5a: {  	_ =	shalt  }
0x5b: {  	_ =	shalt  }
0x5c: {  	_ =	shalt  }
0x5d: {  	_ =	shalt  }
0x5e: {  	_ =	shalt  }
0x5f: {  	_ =	shalt  }
0x60: {  	_ =	shalt  }
0x61: {  	_ =	shalt  }
0x62: {  	_ =	shalt  }
0x63: {  	_ =	shalt  }
0x64: {  	_ =	shalt  }
0x65: {  	_ =	shalt  }
0x66: {  	_ =	shalt  }
0x67: {  	_ =	shalt  }
0x68: {  	_ =	shalt  }
0x69: {  	_ =	shalt  }
0x6a: {  	_ =	shalt  }
0x6b: {  	_ =	shalt  }
0x6c: {  	_ =	shalt  }
0x6d: {  	_ =	shalt  }
0x6e: {  	_ =	shalt  }
0x6f: {  	_ =	shalt  }
0x70: {  	_ =	shalt  }
0x71: {  	_ =	shalt  }
0x72: {  	_ =	shalt  }
0x73: {  	_ =	shalt  }
0x74: {  	_ =	shalt  }
0x75: {  	_ =	shalt  }
0x76: {  	_ =	shalt  }
0x77: {  	_ =	shalt  }
0x78: {  	_ =	shalt  }
0x79: {  	_ =	shalt  }
0x7a: {  	_ =	shalt  }
0x7b: {  	_ =	shalt  }
0x7c: {  	_ =	shalt  }
0x7d: {  	_ =	shalt  }
0x7e: {  	_ =	shalt  }
0x7f: {  	_ =	shalt  }
0x80: {  	_ =	shalt  }
0x81: {  	_ =	shalt  }
0x82: {  	_ =	shalt  }
0x83: {  	_ =	shalt  }
0x84: {  	_ =	shalt  }
0x85: {  	_ =	shalt  }
0x86: {  	_ =	shalt  }
0x87: {  	_ =	shalt  }
.Lfunc_end0:
.L_simem_size_0:
called_computation.1_lowered:
.L_overlay_start_0:
0x88: {  	s2 =	sld [smem:$0x3FD9]  }
0x89: {  	s3 =	sld [smem:$0x3FFE];
	_ =	sdelay $0x1  }
0x8a: {  	s1 =	srdreg.scid  }
0x8b: {  	s0 =	sand.u32 $0x1, s1  }
0x8c: {  	s16 =	sshll.u32 s0, $0xA;
	s2 =	sadd.s32 s3, s2  }
0x8d: {  	s2 =	sadd.s32 s2, s16  }
0x8e: {  	[smem:$0x3FB7] =	sst s2  }
0x8f: {  	_ = 	snop  }
0x90: {  	(tm) =	ssettm $0x1  }
0x91: {  	s17 =	sld [smem:$0x3FFB];
	_ =	sdelay $0x3  }
0x92: {  	_ =	strace s17  }
0x93: {  	s2 =	sld [smem:$0x3FFC];
	_ =	sdelay $0x3  }
0x94: {  	_ =	strace s2  }
0x95: {  	s2 =	sld [smem:$0x3FFD];
	_ =	sdelay $0x3  }
0x96: {  	_ =	strace s2  }
0x97: {  	_ =	strace $0x8FFFFFFF  }
0x98: {  	s18 =	sld [smem:$0x3FDB];
	_ =	sdelay $0x1  }
0x99: {  	s19 =	simm.s32 $_scs_section_size  }
0x9a: {  	s4 =	simm.s32 $_size__tile_overlayer_lowered;
	s5 =	simm.s32 $_tile_overlayer_lowered  }
0x9b: {  	s22 =	simm.s32 $0x1BFF;
	s21 =	sshll.u32 s5, $0x1;
	s2 =	sadd.s32 s19, s18  }
0x9c: {  	s6 =	simm.s32 $0x0;
	s20 =	sshll.u32 s4, $0x1;
	s4 =	sadd.s32 s21, s2  }
0x9d: {  	[timem:s6], [sflag:s22] =	dma.local [hbm:s4], s20  }
0x9e: {  	_ =	swait.ge [sflag:s22], s20  }
0x9f: {  	s3 =	ssub.s32 $0x0, s20;
	[sflag:s22] =	ssyncset.done $0x0  }
0xa0: {  	[sflag:s22] =	ssyncadd.s32 s3;
	_ =	sdelay $0x1  }
0xa1: {  	s23 =	simm.s32 $0x1B8B  }
0xa2: {  	_ =	swait.ge [sflag:s23], $0x1  }
0xa3: {  	[sflag:s23] =	ssyncset.done $0x0  }
0xa4: {  	s25 =	simm.s32 $0x1B8E;
	s24 =	sld [smem:$0x3FFE];
	[sflag:s23] =	ssyncadd.s32 $0xFFFFFFFF  }
0xa5: {  	s26 =	simm.s32 $execute0_lowered;
	[smem:$0x3FD2] =	sst s25  }
0xa6: {  	s4 =	sshll.u32 s26, $0x1;
	_ =	strace $0x80000049;
	[dreg:$0x1] =	wrdreg $0xFFFFFFFF  }
0xa7: {  	s28 =	simm.s32 $_size_execute0_lowered;
	s2 =	sadd.s32 s2, s4;
	[dreg:$0x0] =	wrdreg $0x0  }
0xa8: {  	s4 =	sshll.u32 s28, $0x1;
	[dreg:$0x2] =	wrdreg s2  }
0xa9: {  	[dreg:$0x3] =	wrdreg s4  }
0xaa: {  	[dreg:$0x4] =	wrdreg $0xC0  }
0xab: {  	_ =	task [dreg:s6], $0x5FFFF  }
0xac: {  	[dreg:$0x1] =	wrdreg $0xFFFFFFFF  }
0xad: {  	[dreg:$0x0] =	wrdreg $0x60  }
0xae: {  	[dreg:$0x2] =	wrdreg s24  }
0xaf: {  	[dreg:$0x3] =	wrdreg $0x40000  }
0xb0: {  	[dreg:$0x4] =	wrdreg $0x178800  }
0xb1: {  	[dreg:$0x5] =	wrdreg $0x9  }
0xb2: {  	_ =	task.clear_ibuf [dreg:s6], $0x6FFFF;
	_ =	strace $0x90000049  }
0xb3: {  	s29 =	simm.s32 $0x9;
	_ =	strace $0x8000004B  }
0xb4: {  	_ =	swait.ge [sflag:s29], $0x1  }
0xb5: {  	[sflag:s29] =	ssyncadd.s32 $0xFFFFFFFF  }
0xb6: {  	_ =	strace $0x9000004B  }
0xb7: {  	_ =	sfence  }
0xb8: {  	s30 =	sld [smem:$0x0];
	_ =	sdelay $0x2  }
0xb9: {  	s31 =	sshll.u32 s1, $0xD;
	s1 =	sshrl.u32 s1, $0x2  }
0xba: {  	s3 =	sand.u32 $0x4000, s31;
	s1 =	sadd.s32 s1, s30  }
0xbb: {  	s0 =	sor.u32 s3, s0;
	s1 =	sshll.u32 s1, $0x11  }
0xbc: {  	s0 =	sor.u32 s1, s0  }
0xbd: {  	s0 =	sadd.s32 $0x8F2B, s0  }
0xbe: {  	[sflag:s0] =	ssyncadd.remote.s32 $0x1  }
0xbf: {  	_ =	sfence.sel $0xFFFF  }
0xc0: {  	[dreg:$0x0] =	wrdreg $0xFFFFFFFF;
	(pc) =	sbr.abs _section_cstart, $3  }
0xc1: {  	[dreg:$0x1] =	wrdreg $0xFFFFFFFF  }
0xc2: {  	_ =	task.clear_ibuf [dreg:s6], $0x2FFFF;
	_ =	strace $0x9FFFFFFF  }
0xc3: {  	(tm) =	ssettm $0x7FFFFFFF  }
tec
execute0_lowered:
.L_overlay_start_1:
0x0: {  	(tag) =	ssettag $0x1  }
0x1: {  	s0 =	rddreg [dreg:$0x0]  }
0x2: {  	s2 =	rddreg [dreg:$0x1]  }
0x3: {  	s20 =	stileid.u32;
	s3 =	rddreg [dreg:$0x2]  }
0x4: {  	s4 =	simm.s32 $0x0;
	s6 =	srdreg.scid;
	s1 =	smul.u32 $0xA00, s20  }
0x5: {  	s28 =	simm.s32 $0x50;
	s29 =	simm.s32 $0x80;
	s5 =	smul.u32 $0x14, s20  }
0x6: {  	s30 =	simm.s32 $0x100;
	s31 =	simm.s32 $0x180;
	s7 =	smul.u32 $0x2700, s20  }
0x7: {  	[smem:$0x7FF] =	sst s4;
	s8 =	smul.u32 $0x1388, s20;
	s9 =	sand.u32 $0x1, s6  }
0x8: {  	s12 =	smul.u32 $0x4E000, s20;
	s13 =	sadd.s32 $0x98400, s0;
	s17 =	sshll.u32 s20, $0x6  }
0x9: {  	s21 =	sadd.s32 $0x138000, s2;
	p0 =	sne.s32 s20, $0xF;
	s6 =	smul.u32 $0x9C40, s9  }
0xa: {  	_ =	strace $0x8000004A;
	s14 =	ssub.s32 $0x2, s9;
	s18 =	smul.u32 $0x138800, s9  }
0xb: {  	s22 =	smul.u32 $0x27100, s9;
	p2 =	sgt.u32 @p0 s20, $0x7;
	s20 =	simm.s32 $0x2  }
0xc: {  	s21 =	sshrl.u32 @!p0 s21, $0x3;
	s1 =	sadd.s32 s1, s0;
	s5 =	sadd.s32 s5, s0  }
0xd: {  	s10 =	sadd.s32 s7, s0;
	s11 =	sshrl.u32 s8, $0x3;
	s16 =	sshrl.u32 s14, $0x1  }
0xe: {  	s12 =	sshrl.u32 s12, $0x2;
	p1 =	por p2, !p0;
	p2 =	por !p2, !p0  }
0xf: {  	s11 =	sadd.s32 s11, s0;
	s6 =	sadd.s32 s8, s6;
	s14 =	ssub.s32 s14, s16  }
0x10: {  	s19 =	sadd.s32 s12, s2;
	s10 =	sadd.s32 $0x6D600, s10;
	s8 =	sadd.s32 s8, s3  }
0x11: {  	s16 =	smul.u32 $0x500, s9;
	s7 =	sadd.s32 s7, s22;
	s22 =	simm.s32 $0x1  }
0x12: {  	s6 =	sshrl.u32 s6, $0x3;
	[dreg:$0x4] =	wrdreg s10;
	s11 =	sadd.s32 $0x94800, s11  }
0x13: {  	s10 =	sshrl.u32 s18, $0x3;
	s24 =	sadd.s32 s13, s7;
	s19 =	sshrl.u32 s19, $0x3  }
0x14: {  	s15 =	sadd.s32 s6, s0;
	s6 =	sor.u32 $0x1C02, s17;
	[dreg:$0x5] =	wrdreg s11  }
0x15: {  	s23 =	sadd.s32 s13, s10;
	s17 =	smul.u32 $0xA, s9;
	s0 =	sadd.s32 $0x94600, s0  }
0x16: {  	[dreg:$0x7] =	wrdreg s24;
	s25 =	sadd.s32 s16, s1;
	s13 =	smax.u32 s14, $0x1  }
0x17: {  	s24 =	simm.s32 $0x2A00;
	s1 =	simm.s32 $0x2B80;
	[dreg:$0x6] =	wrdreg s0  }
0x18: {  	s11 =	sadd.s32 $0x27000, s23;
	s12 =	sadd.s32 $0x95C00, s15;
	s7 =	sadd.s32 $0x5F9200, s25  }
0x19: {  	s23 =	simm.s32 $0x200;
	s25 =	simm.s32 $0x2A80;
	s26 =	sadd.s32 s17, s5  }
0x1a: {  	s0 =	simm.s32 $0x0;
	s15 =	sadd.s32 $0x1DA00, s26;
	s16 =	sadd.s32 $0x4FC00, s26  }
0x1b: {  	v0 =	vimm.f32 $1.000000000e+00;
	s17 =	sadd.s32 $0x59A00, s26;
	s18 =	sadd.s32 $0x63800, s26;
	s26 =	simm.s32 $0x2B00  }
.LBB2_1:
0x1c: {  	s5 =	rddreg [dreg:$0x4]  }
0x1d: {  	[spmem:s19], [sflag:s6] =	dma.local [hbm:s5], $0x2700  }
0x1e: {  	_ =	swait.ge [sflag:s20], $0x2700  }
0x1f: {  	s14 =	simm.s32 @!p1 $0x2C00;
	[sflag:s20] =	ssyncset.done $0x0  }
0x20: {  	s5 =	simm.s32 @!p1 $0x0;
	s9 =	rddreg [dreg:$0x5];
	[sflag:s20] =	ssyncadd.s32 $0xFFFFD900  }
0x21: {  	[tilespmem:s14], [sflag:$0x2] =	stream.linear.gather @!p1 [hbm4b:s9+s5], $0x1388, $0x38;
	[tilespmem:$0x18248] =	vst v63  }
0x22: {  	s5 =	simm.s32 @!p1 $0x2  }
0x23: {  	_ =	swait.ge @!p1 [sflag:s5], $0x1388  }
0x24: {  	[sflag:s5] =	ssyncset.done @!p1 $0x0  }
0x25: {  	[sflag:s5] =	ssyncadd.s32 @!p1 $0xFFFFEC78  }
0x26: {  	[spmem:s8] =	stream.linear.scatter @!p1 [tilespmem:s14], [sflag:$0x2], $0x1388, $0x38;
	[tilespmem:$0x18248] =	vst v63  }
0x27: {  	_ =	swait.ge @!p1 [sflag:s5], $0x1388  }
0x28: {  	[sflag:s5] =	ssyncset.done @!p1 $0x0  }
0x29: {  	[sflag:s5] =	ssyncadd.s32 @!p1 $0xFFFFEC78;
	s5 =	rddreg [dreg:$0x6]  }
0x2a: {  	[spmem:s21], [sflag:s6] =	dma.local @!p0 [hbm:s5], $0x100  }
0x2b: {  	s5 =	simm.s32 @!p0 $0x2  }
0x2c: {  	_ =	swait.ge @!p0 [sflag:s5], $0x100  }
0x2d: {  	[sflag:s5] =	ssyncset.done @!p0 $0x0  }
0x2e: {  	[sflag:s5] =	ssyncadd.s32 @!p0 $0xFFFFFF00  }
0x2f: {  	[tilespmem:$0x2B80] =	vst v0  }
0x30: {  	[tilespmem:$0x2B90] =	vst v0  }
0x31: {  	[tilespmem:$0x2BA0] =	vst v0  }
0x32: {  	[tilespmem:$0x2BB0] =	vst v0  }
0x33: {  	[tilespmem:$0x2BC0] =	vst v0  }
0x34: {  	s14 =	sadd.s32 $0x0, s15;
	[bflag:$0x0] =	sbarrier.arrive $0xFFFF  }
0x35: {  	[tilespmem:s4], [sflag:$0x1] =	stream.linear.gather [hbm4b:s14+s4], $0x50, $0x38;
	[tilespmem:$0x18248] =	vst v63  }
0x36: {  	_ =	swait.ge [sflag:s22], $0x50  }
0x37: {  	[sflag:s22] =	ssyncset.done $0x0  }
0x38: {  	[sflag:s22] =	ssyncadd.s32 $0xFFFFFFB0  }
0x39: {  	[tilespmem:s23], [sflag:$0x1] =	stream.linear.gather [hbm4b:s7+s4], $0x2800, $0x38;
	[tilespmem:$0x18248] =	vst v63  }
0x3a: {  	s9 =	sadd.s32 $0x0, s16  }
0x3b: {  	[tilespmem:s24], [sflag:$0x1] =	stream.linear.gather [hbm4b:s9+s4], $0x50, $0x38;
	[tilespmem:$0x18248] =	vst v63  }
0x3c: {  	s10 =	sadd.s32 $0x0, s17  }
0x3d: {  	[tilespmem:s25], [sflag:$0x1] =	stream.linear.gather [hbm4b:s10+s4], $0x50, $0x38;
	[tilespmem:$0x18248] =	vst v63  }
0x3e: {  	s14 =	sadd.s32 $0x0, s18  }
0x3f: {  	[tilespmem:s26], [sflag:$0x1] =	stream.linear.gather [hbm4b:s14+s4], $0x50, $0x38;
	[tilespmem:$0x18248] =	vst v63  }
0x40: {  	v1 =	vld [tilespmem:$0x40];
	_ =	sdelay $0x2  }
0x41: {  	v2 =	vld [tilespmem:$0x30]  }
0x42: {  	v3 =	vld [tilespmem:$0x10]  }
0x43: {  	v5 =	vld [tilespmem:$0x0];
	v4 =	vadd.s32 $0x2710, v1  }
0x44: {  	v6 =	vadd.s32 $0x7530, v1;
	[tilespmem:$0xC0] =	vst v4  }
0x45: {  	v1 =	vadd.s32 $0x4E20, v1;
	[tilespmem:$0x1C0] =	vst v6  }
0x46: {  	v60 =	vadd.s32 $0x7530, v2;
	[tilespmem:$0x140] =	vst v1  }
0x47: {  	v61 =	vadd.s32 $0x7530, v3;
	[tilespmem:$0x1B0] =	vst v60  }
0x48: {  	v62 =	vadd.s32 $0x7530, v5;
	[tilespmem:$0x190] =	vst v61  }
0x49: {  	v1 =	vadd.s32 $0x2710, v2;
	[tilespmem:$0x180] =	vst v62  }
0x4a: {  	v63 =	vadd.s32 $0x4E20, v3;
	[tilespmem:$0xB0] =	vst v1;
	v1 =	vld [tilespmem:$0x20]  }
0x4b: {  	v3 =	vadd.s32 $0x2710, v3;
	[tilespmem:$0x110] =	vst v63  }
0x4c: {  	v2 =	vadd.s32 $0x4E20, v2;
	[tilespmem:$0x90] =	vst v3  }
0x4d: {  	v3 =	vadd.s32 $0x2710, v5;
	[tilespmem:$0x130] =	vst v2  }
0x4e: {  	v2 =	vadd.s32 $0x4E20, v5;
	[tilespmem:$0x80] =	vst v3  }
0x4f: {  	[tilespmem:$0x100] =	vst v2;
	v2 =	vadd.s32 $0x7530, v1  }
0x50: {  	[tilespmem:$0x1A0] =	vst v2;
	v2 =	vadd.s32 $0x4E20, v1  }
0x51: {  	v1 =	vadd.s32 $0x2710, v1;
	[tilespmem:$0x120] =	vst v2  }
0x52: {  	[tilespmem:$0xA0] =	vst v1  }
0x53: {  	_ =	swait.ge [sflag:s22], $0x2800  }
0x54: {  	[sflag:s22] =	ssyncset.done $0x0  }
0x55: {  	[sflag:s22] =	ssyncadd.s32 $0xFFFFD800  }
0x56: {  	_ =	swait.ge [sflag:s22], $0x50  }
0x57: {  	[sflag:s22] =	ssyncset.done $0x0  }
0x58: {  	[sflag:s22] =	ssyncadd.s32 $0xFFFFFFB0  }
0x59: {  	_ =	swait.ge [sflag:s22], $0x50  }
0x5a: {  	[sflag:s22] =	ssyncset.done $0x0  }
0x5b: {  	[sflag:s22] =	ssyncadd.s32 $0xFFFFFFB0  }
0x5c: {  	_ =	swait.ge [sflag:s22], $0x50  }
0x5d: {  	[sflag:s22] =	ssyncset.done $0x0  }
0x5e: {  	p4 =	por @p0 $0x0, $0x0;
	p3 =	por @!p1 $0x1, $0x1;
	[sflag:s22] =	ssyncadd.s32 $0xFFFFFFB0  }
0x5f: {  	[spmem:s2] =	stream.indirect.scatter.add.f32 [tilespmem:s23], [sflag:$0x2], $0x80, s4, s28, $0xb8;
	[tilespmem:$0x18248] =	vst v63  }
0x60: {  	p3 =	por @!p2 p4, p4;
	p4 =	por @!p0 $0x0, $0x0;
	_ =	swait.ge [sflag:s20], $0x2800  }
0x61: {  	p3 =	por @!p0 p4, p4;
	[sflag:s20] =	ssyncset.done $0x0  }
0x62: {  	s5 =	simm.s32 $0x140;
	s14 =	smov.u32 s7;
	[sflag:s20] =	ssyncadd.s32 $0xFFFFD800  }
0x63: {  	[spmem:s3] =	stream.indirect.scatter.add.f32 [tilespmem:s24], [sflag:$0x2], $0x1, s4, s28, $0xb8;
	[tilespmem:$0x18248] =	vst v63  }
.LBB2_2:
0x64: {  	p4 =	sne.s32 s5, $0x9B00;
	_ =	swait.ge [sflag:s20], $0x50;
	s14 =	sadd.s32 $0xA000, s14  }
0x65: {  	s9 =	smov.u32 s5;
	s5 =	sadd.s32 $0x140, s5;
	[sflag:s20] =	ssyncset.done $0x0  }
0x66: {  	[sflag:s20] =	ssyncadd.s32 $0xFFFFFFB0  }
0x67: {  	[spmem:s3] =	stream.indirect.scatter.add.f32 [tilespmem:s25], [sflag:$0x2], $0x1, s29, s28, $0xb8;
	[tilespmem:$0x18248] =	vst v63  }
0x68: {  	_ =	swait.ge [sflag:s20], $0x50  }
0x69: {  	[sflag:s20] =	ssyncset.done $0x0  }
0x6a: {  	[sflag:s20] =	ssyncadd.s32 $0xFFFFFFB0  }
0x6b: {  	[spmem:s3] =	stream.indirect.scatter.add.f32 [tilespmem:s26], [sflag:$0x2], $0x1, s30, s28, $0xb8;
	[tilespmem:$0x18248] =	vst v63  }
0x6c: {  	_ =	swait.ge [sflag:s20], $0x50  }
0x6d: {  	[sflag:s20] =	ssyncset.done $0x0  }
0x6e: {  	[sflag:s20] =	ssyncadd.s32 $0xFFFFFFB0  }
0x6f: {  	[spmem:s3] =	stream.indirect.scatter.add.f32 [tilespmem:s1], [sflag:$0x2], $0x1, s31, s28, $0xb8;
	[tilespmem:$0x18248] =	vst v63  }
0x70: {  	_ =	swait.ge [sflag:s20], $0x50  }
0x71: {  	[sflag:s20] =	ssyncset.done $0x0  }
0x72: {  	s10 =	sadd.s32 s9, s15;
	[sflag:s20] =	ssyncadd.s32 $0xFFFFFFB0  }
0x73: {  	[tilespmem:s4], [sflag:$0x1] =	stream.linear.gather [hbm4b:s10+s4], $0x50, $0x38;
	[tilespmem:$0x18248] =	vst v63  }
0x74: {  	_ =	swait.ge [sflag:s22], $0x50  }
0x75: {  	[sflag:s22] =	ssyncset.done $0x0  }
0x76: {  	[sflag:s22] =	ssyncadd.s32 $0xFFFFFFB0  }
0x77: {  	[tilespmem:s23], [sflag:$0x1] =	stream.linear.gather [hbm4b:s14+s4], $0x2800, $0x38;
	[tilespmem:$0x18248] =	vst v63  }
0x78: {  	s10 =	sadd.s32 s9, s16  }
0x79: {  	[tilespmem:s24], [sflag:$0x1] =	stream.linear.gather [hbm4b:s10+s4], $0x50, $0x38;
	[tilespmem:$0x18248] =	vst v63  }
0x7a: {  	s10 =	sadd.s32 s9, s17  }
0x7b: {  	[tilespmem:s25], [sflag:$0x1] =	stream.linear.gather [hbm4b:s10+s4], $0x50, $0x38;
	[tilespmem:$0x18248] =	vst v63  }
0x7c: {  	s9 =	sadd.s32 s9, s18  }
0x7d: {  	[tilespmem:s26], [sflag:$0x1] =	stream.linear.gather [hbm4b:s9+s4], $0x50, $0x38;
	[tilespmem:$0x18248] =	vst v63  }
0x7e: {  	v1 =	vld [tilespmem:$0x40]  }
0x7f: {  	v2 =	vld [tilespmem:$0x30]  }
0x80: {  	v3 =	vld [tilespmem:$0x0]  }
0x81: {  	v4 =	vld [tilespmem:$0x10]  }
0x82: {  	v5 =	vld [tilespmem:$0x20]  }
0x83: {  	v6 =	vadd.s32 $0x2710, v1;
	v7 =	vadd.s32 $0x4E20, v1;
	v1 =	vadd.s32 $0x7530, v1  }
0x84: {  	v8 =	vadd.s32 $0x2710, v2;
	v9 =	vadd.s32 $0x4E20, v2;
	v2 =	vadd.s32 $0x7530, v2;
	[tilespmem:$0xC0] =	vst v6  }
0x85: {  	v6 =	vadd.s32 $0x2710, v3;
	v10 =	vadd.s32 $0x4E20, v3;
	v3 =	vadd.s32 $0x7530, v3;
	[tilespmem:$0x1C0] =	vst v1  }
0x86: {  	v1 =	vadd.s32 $0x2710, v4;
	v11 =	vadd.s32 $0x4E20, v4;
	v4 =	vadd.s32 $0x7530, v4;
	[tilespmem:$0x140] =	vst v7  }
0x87: {  	v7 =	vadd.s32 $0x2710, v5;
	v12 =	vadd.s32 $0x4E20, v5;
	v5 =	vadd.s32 $0x7530, v5;
	[tilespmem:$0x1B0] =	vst v2  }
0x88: {  	[tilespmem:$0xB0] =	vst v8  }
0x89: {  	[tilespmem:$0x190] =	vst v4  }
0x8a: {  	[tilespmem:$0x180] =	vst v3  }
0x8b: {  	[tilespmem:$0x130] =	vst v9  }
0x8c: {  	[tilespmem:$0x110] =	vst v11  }
0x8d: {  	[tilespmem:$0x100] =	vst v10  }
0x8e: {  	[tilespmem:$0x90] =	vst v1  }
0x8f: {  	[tilespmem:$0x1A0] =	vst v5  }
0x90: {  	[tilespmem:$0x80] =	vst v6  }
0x91: {  	[tilespmem:$0x120] =	vst v12  }
0x92: {  	[tilespmem:$0xA0] =	vst v7  }
0x93: {  	_ =	swait.ge [sflag:s22], $0x2800  }
0x94: {  	[sflag:s22] =	ssyncset.done $0x0  }
0x95: {  	[sflag:s22] =	ssyncadd.s32 $0xFFFFD800  }
0x96: {  	_ =	swait.ge [sflag:s22], $0x50  }
0x97: {  	[sflag:s22] =	ssyncset.done $0x0  }
0x98: {  	[sflag:s22] =	ssyncadd.s32 $0xFFFFFFB0  }
0x99: {  	_ =	swait.ge [sflag:s22], $0x50  }
0x9a: {  	[sflag:s22] =	ssyncset.done $0x0  }
0x9b: {  	[sflag:s22] =	ssyncadd.s32 $0xFFFFFFB0  }
0x9c: {  	_ =	swait.ge [sflag:s22], $0x50  }
0x9d: {  	[sflag:s22] =	ssyncset.done $0x0  }
0x9e: {  	[sflag:s22] =	ssyncadd.s32 $0xFFFFFFB0  }
0x9f: {  	[spmem:s2] =	stream.indirect.scatter.add.f32 [tilespmem:s23], [sflag:$0x2], $0x80, s4, s28, $0xb8;
	[tilespmem:$0x18248] =	vst v63  }
.Ltmp0:
0xa0: {  	_ = 	snop;
	(pc) =	sbr.rel @p4 .LBB2_2-.Ltmp0, $4  }
0xa1: {  	_ =	swait.ge [sflag:s20], $0x2800  }
0xa2: {  	[sflag:s20] =	ssyncset.done $0x0  }
0xa3: {  	[sflag:s20] =	ssyncadd.s32 $0xFFFFD800  }
0xa4: {  	[spmem:s3] =	stream.indirect.scatter.add.f32 [tilespmem:s24], [sflag:$0x2], $0x1, s4, s28, $0xb8;
	[tilespmem:$0x18248] =	vst v63  }
0xa5: {  	_ =	swait.ge [sflag:s20], $0x50  }
0xa6: {  	[sflag:s20] =	ssyncset.done $0x0  }
0xa7: {  	[sflag:s20] =	ssyncadd.s32 $0xFFFFFFB0  }
0xa8: {  	[spmem:s3] =	stream.indirect.scatter.add.f32 [tilespmem:s25], [sflag:$0x2], $0x1, s29, s28, $0xb8;
	[tilespmem:$0x18248] =	vst v63  }
0xa9: {  	_ =	swait.ge [sflag:s20], $0x50  }
0xaa: {  	[sflag:s20] =	ssyncset.done $0x0  }
0xab: {  	[sflag:s20] =	ssyncadd.s32 $0xFFFFFFB0  }
0xac: {  	[spmem:s3] =	stream.indirect.scatter.add.f32 [tilespmem:s26], [sflag:$0x2], $0x1, s30, s28, $0xb8;
	[tilespmem:$0x18248] =	vst v63  }
0xad: {  	_ =	swait.ge [sflag:s20], $0x50  }
0xae: {  	[sflag:s20] =	ssyncset.done $0x0  }
0xaf: {  	[sflag:s20] =	ssyncadd.s32 $0xFFFFFFB0  }
0xb0: {  	[spmem:s3] =	stream.indirect.scatter.add.f32 [tilespmem:s1], [sflag:$0x2], $0x1, s31, s28, $0xb8;
	[tilespmem:$0x18248] =	vst v63  }
0xb1: {  	_ =	swait.ge [sflag:s20], $0x50  }
0xb2: {  	[sflag:s20] =	ssyncset.done $0x0  }
0xb3: {  	[sflag:s20] =	ssyncadd.s32 $0xFFFFFFB0  }
0xb4: {  	[bflag:$0x0] =	sbarrier.arrive $0xFFFF  }
0xb5: {  	s5 =	rddreg [dreg:$0x7]  }
0xb6: {  	[hbm:s5], [sflag:s6] =	dma.local [spmem:s19], $0x2700  }
0xb7: {  	_ =	swait.ge [sflag:s20], $0x2700  }
0xb8: {  	[sflag:s20] =	ssyncset.done $0x0  }
0xb9: {  	s5 =	simm.s32 @!p0 $0x2;
	[sflag:s20] =	ssyncadd.s32 $0xFFFFD900  }
0xba: {  	[hbm:s11], [sflag:s6] =	dma.local @!p0 [spmem:s21], $0x100  }
0xbb: {  	_ =	swait.ge @!p0 [sflag:s5], $0x100  }
0xbc: {  	[sflag:s5] =	ssyncset.done @!p0 $0x0  }
0xbd: {  	s9 =	simm.s32 @p3 $0x2;
	[sflag:s5] =	ssyncadd.s32 @!p0 $0xFFFFFF00;
	s5 =	simm.s32 @p3 $0x2C00  }
0xbe: {  	[tilespmem:s5], [sflag:$0x2] =	stream.linear.gather @p3 [spmem:s8], $0x1388, $0x38;
	[tilespmem:$0x18248] =	vst v63  }
0xbf: {  	s0 =	sadd.s32 $0x1, s0;
	_ =	swait.ge @p3 [sflag:s9], $0x1388  }
0xc0: {  	p4 =	sne.s32 s0, s13;
	[sflag:s9] =	ssyncset.done @p3 $0x0  }
.Ltmp1:
0xc1: {  	s10 =	simm.s32 @p3 $0x0;
	[sflag:s9] =	ssyncadd.s32 @p3 $0xFFFFEC78;
	(pc) =	sbr.rel @p4 .LBB2_1-.Ltmp1, $4  }
0xc2: {  	[hbm4b:s12+s10] =	stream.linear.scatter @p3 [tilespmem:s5], [sflag:$0x2], $0x1388, $0x38;
	[tilespmem:$0x18248] =	vst v63  }
0xc3: {  	_ =	swait.ge @p3 [sflag:s9], $0x1388  }
0xc4: {  	[sflag:s9] =	ssyncset.done @p3 $0x0  }
0xc5: {  	[sflag:s9] =	ssyncadd.s32 @p3 $0xFFFFEC78  }
0xc6: {  	_ =	sfence.sel $0x180000  }
0xc7: {  	[bflag:$0x0] =	sbarrier.arrive $0xFFFF  }
0xc8: {  	_ =	strace $0x9000004A  }
0xc9: {  	s0 =	stileid.u32;
	[bflag:$0x2] =	sbarrier.arrive $0xFFFF  }
0xca: {  	p0 =	sne.s32 s0, $0x0;
	s0 =	rddreg [dreg:$0x3]  }
0xcb: {  	s0 =	sadd.s32 @!p0 $0x100000, s0  }
0xcc: {  	[sflag:s0] =	ssyncadd.tile.s32 @!p0 $0x1;
	_ =	shalt  }
.Lfunc_end2:
_tile_overlayer_lowered:
.L_overlay_start_2:
0xcd: {  	(tag) =	ssettag $0x2  }
0xce: {  	s0 =	rddreg [dreg:$0x0];
	s2 =	stileid.u32  }
0xcf: {  	s1 =	rddreg [dreg:$0x1];
	p0 =	sne.s32 s2, $0x0  }
0xd0: {  	s3 =	rddreg [dreg:$0x2];
	[bflag:$0x3] =	sbarrier.arrive $0xFFFF;
	s2 =	simm.s32 @!p0 $0x1C02  }
0xd1: {  	[timem:s3], [sflag:s2] =	dma.local @!p0 [hbm:s0], s1  }
0xd2: {  	s0 =	simm.s32 @!p0 $0x2  }
0xd3: {  	_ =	swait.ge @!p0 [sflag:s0], s1  }
0xd4: {  	s1 =	ssub.s32 @!p0 $0x0, s1;
	[sflag:s0] =	ssyncset.done @!p0 $0x0  }
0xd5: {  	[sflag:s0] =	ssyncadd.s32 @!p0 s1  }
0xd6: {  	[bflag:$0x3] =	sbarrier.arrive $0xFFFF  }
0xd7: {  	_ =	shalt  }

// kernel: kernel.24.cloned.1.call-start
scs
__scs_entry_jumppad:
0x0: {  	(pc) =	sbr.rel $0x88, $3  }
0x1: {  	(tag) =	ssettag $0x0;
	lr =	simm.s32 $0x1  }
0x2: {  	[smem:$0x3F90] =	sst lr;
	_ =	strace $0xD0000000  }
0x3: {  	_ = 	snop  }
0x4: {  	_ = 	snop  }
0x5: {  	_ = 	snop  }
0x6: {  	_ = 	snop  }
0x7: {  	_ = 	snop  }
__scs_overlays_trampoline_lowered:
0x8: {  	[smem:$0x3F9F] =	sst s0  }
0x9: {  	[smem:$0x3FA0] =	sst s1  }
0xa: {  	[smem:$0x3FA1] =	sst s2  }
0xb: {  	[smem:$0x3FA2] =	sst s3  }
0xc: {  	[smem:$0x3FA3] =	sst s4  }
0xd: {  	[smem:$0x3FA4] =	sst s5  }
0xe: {  	[smem:$0x3FA5] =	sst s6  }
0xf: {  	[smem:$0x3FA6] =	sst s7  }
0x10: {  	[smem:$0x3FA7] =	sst s8  }
0x11: {  	[smem:$0x3FA8] =	sst s9;
	s0 =	simm.s32 @!p0 $0x0  }
0x12: {  	s1 =	sld [smem:$0x3F8E];
	s0 =	simm.s32 @p0 $0x1  }
0x13: {  	[smem:$0x3FA9] =	sst s0;
	s0 =	simm.s32 @!p1 $0x0  }
0x14: {  	s2 =	sld [smem:$0x3F8D];
	s0 =	simm.s32 @p1 $0x1  }
0x15: {  	[smem:$0x3FAA] =	sst s0;
	s0 =	simm.s32 @!p2 $0x0  }
0x16: {  	s3 =	sld [smem:$0x3FDB];
	s0 =	simm.s32 @p2 $0x1  }
0x17: {  	s4 =	simm.s32 $0x1BF5;
	[smem:$0x3FAC] =	sst s0  }
0x18: {  	s0 =	sld [smem:$0x3F8F];
	_ =	swait.ge [sflag:s4], $0x0  }
0x19: {  	s7 =	sld [smem:$0x3F90]  }
0x1a: {  	s8 =	sadd.s32 $0xFFFFE003, lr  }
0x1b: {  	s9 =	sadd.s32 $0xFFFFFEF7, lr;
	s5 =	simm.s32 $0xFFFFFFFF;
	p2 =	slt.u32 s8, $0xFFFFF086  }
0x1c: {  	p1 =	slt.u32 s9, $0xF7A;
	s5 =	simm.s32 @!p2 $0x0  }
0x1d: {  	s5 =	simm.s32 @p1 $0x1;
	p0 =	seq.s32 s7, s2  }
0x1e: {  	s7 =	smul.u32 @!p0 $0xF7A, s2;
	p2 =	seq.s32 @!p0 s5, $0x0  }
0x1f: {  	s9 =	smul.u32 $0xF7A, s1;
	s8 =	simm.s32 @!p0 $0x1BF5;
	p2 =	por !p2, p0  }
0x20: {  	[sflag:s8] =	ssyncset.s32 @!p0 $0xFFFFF086;
	s6 =	sadd.s32 @!p0 s3, s7;
	s7 =	simm.s32 @!p0 $0x108  }
0x21: {  	s3 =	sadd.s32 s3, s9;
	s6 =	sadd.s32 @!p0 $0x88, s6;
	s7 =	simm.s32 @p2 $0x1082  }
0x22: {  	[simem:s7], [sflag:s8] =	dma.local @!p0 [hbm:s6], $0xF7A  }
0x23: {  	s9 =	sor.u32 $0xD0000000, s2;
	s6 =	simm.s32 $0x108;
	_ =	swait.ge @!p0 [sflag:s8], $0x0  }
0x24: {  	s3 =	sadd.s32 $0x88, s3;
	s6 =	simm.s32 @!p1 $0x1082;
	[sflag:s4] =	ssyncset.s32 $0xFFFFF086  }
0x25: {  	[simem:s6], [sflag:s4] =	dma.local [hbm:s3], $0xF7A  }
0x26: {  	[smem:$0x3F90] =	sst s1;
	(tag) =	ssettag s2;
	_ =	strace s9  }
0x27: {  	s1 =	sld [smem:$0x3FA0]  }
0x28: {  	s2 =	sld [smem:$0x3FA1]  }
0x29: {  	s4 =	sld [smem:$0x3FA3]  }
0x2a: {  	p0 =	seq.s32 s5, $0x0;
	s5 =	sld [smem:$0x3FA4]  }
0x2b: {  	s6 =	sld [smem:$0x3FA5]  }
0x2c: {  	s7 =	sld [smem:$0x3FA6]  }
0x2d: {  	s3 =	simm.s32 $0x108;
	s8 =	sld [smem:$0x3FA7]  }
0x2e: {  	s3 =	simm.s32 @!p0 $0x1082;
	s9 =	sld [smem:$0x3FA8]  }
0x2f: {  	lr =	sadd.s32 s0, s3;
	s0 =	sld [smem:$0x3F9F]  }
0x30: {  	s3 =	sld [smem:$0x3FA2]  }
0x31: {  	[smem:$0x3FAB] =	sst s10  }
0x32: {  	s10 =	sld [smem:$0x3FA9];
	_ =	sdelay $0x3  }
0x33: {  	p0 =	seq.s32 s10, $0x1;
	s10 =	sld [smem:$0x3FAB];
	_ =	sdelay $0x3  }
0x34: {  	[smem:$0x3FAB] =	sst s10  }
0x35: {  	s10 =	sld [smem:$0x3FAA];
	_ =	sdelay $0x3  }
0x36: {  	p1 =	seq.s32 s10, $0x1;
	s10 =	sld [smem:$0x3FAB];
	_ =	sdelay $0x3  }
0x37: {  	[smem:$0x3FAB] =	sst s10  }
0x38: {  	s10 =	sld [smem:$0x3FAC]  }
0x39: {  	_ = 	snop;
	(pc) =	sbr.ind lr, $3  }
0x3a: {  	_ = 	snop  }
0x3b: {  	_ = 	snop  }
0x3c: {  	p2 =	seq.s32 s10, $0x1;
	s10 =	sld [smem:$0x3FAB]  }
0x3d: {  	_ =	shalt  }
0x3e: {  	_ =	shalt  }
0x3f: {  	_ =	shalt  }
0x40: {  	_ =	shalt  }
0x41: {  	_ =	shalt  }
0x42: {  	_ =	shalt  }
0x43: {  	_ =	shalt  }
0x44: {  	_ =	shalt  }
0x45: {  	_ =	shalt  }
0x46: {  	_ =	shalt  }
0x47: {  	_ =	shalt  }
0x48: {  	_ =	shalt  }
0x49: {  	_ =	shalt  }
0x4a: {  	_ =	shalt  }
0x4b: {  	_ =	shalt  }
0x4c: {  	_ =	shalt  }
0x4d: {  	_ =	shalt  }
0x4e: {  	_ =	shalt  }
0x4f: {  	_ =	shalt  }
0x50: {  	_ =	shalt  }
0x51: {  	_ =	shalt  }
0x52: {  	_ =	shalt  }
0x53: {  	_ =	shalt  }
0x54: {  	_ =	shalt  }
0x55: {  	_ =	shalt  }
0x56: {  	_ =	shalt  }
0x57: {  	_ =	shalt  }
0x58: {  	_ =	shalt  }
0x59: {  	_ =	shalt  }
0x5a: {  	_ =	shalt  }
0x5b: {  	_ =	shalt  }
0x5c: {  	_ =	shalt  }
0x5d: {  	_ =	shalt  }
0x5e: {  	_ =	shalt  }
0x5f: {  	_ =	shalt  }
0x60: {  	_ =	shalt  }
0x61: {  	_ =	shalt  }
0x62: {  	_ =	shalt  }
0x63: {  	_ =	shalt  }
0x64: {  	_ =	shalt  }
0x65: {  	_ =	shalt  }
0x66: {  	_ =	shalt  }
0x67: {  	_ =	shalt  }
0x68: {  	_ =	shalt  }
0x69: {  	_ =	shalt  }
0x6a: {  	_ =	shalt  }
0x6b: {  	_ =	shalt  }
0x6c: {  	_ =	shalt  }
0x6d: {  	_ =	shalt  }
0x6e: {  	_ =	shalt  }
0x6f: {  	_ =	shalt  }
0x70: {  	_ =	shalt  }
0x71: {  	_ =	shalt  }
0x72: {  	_ =	shalt  }
0x73: {  	_ =	shalt  }
0x74: {  	_ =	shalt  }
0x75: {  	_ =	shalt  }
0x76: {  	_ =	shalt  }
0x77: {  	_ =	shalt  }
0x78: {  	_ =	shalt  }
0x79: {  	_ =	shalt  }
0x7a: {  	_ =	shalt  }
0x7b: {  	_ =	shalt  }
0x7c: {  	_ =	shalt  }
0x7d: {  	_ =	shalt  }
0x7e: {  	_ =	shalt  }
0x7f: {  	_ =	shalt  }
0x80: {  	_ =	shalt  }
0x81: {  	_ =	shalt  }
0x82: {  	_ =	shalt  }
0x83: {  	_ =	shalt  }
0x84: {  	_ =	shalt  }
0x85: {  	_ =	shalt  }
0x86: {  	_ =	shalt  }
0x87: {  	_ =	shalt  }
.Lfunc_end0:
.L_simem_size_0:
called_computation.2_lowered:
.L_overlay_start_0:
0x88: {  	s2 =	sld [smem:$0x3FD9]  }
0x89: {  	s3 =	sld [smem:$0x3FFE];
	_ =	sdelay $0x1  }
0x8a: {  	s1 =	srdreg.scid  }
0x8b: {  	s0 =	sand.u32 $0x1, s1  }
0x8c: {  	s16 =	sshll.u32 s0, $0xA;
	s2 =	sadd.s32 s3, s2  }
0x8d: {  	s2 =	sadd.s32 s2, s16  }
0x8e: {  	[smem:$0x3FB7] =	sst s2  }
0x8f: {  	_ = 	snop  }
0x90: {  	(tm) =	ssettm $0x1  }
0x91: {  	s17 =	sld [smem:$0x3FFB];
	_ =	sdelay $0x3  }
0x92: {  	_ =	strace s17  }
0x93: {  	s2 =	sld [smem:$0x3FFC];
	_ =	sdelay $0x3  }
0x94: {  	_ =	strace s2  }
0x95: {  	s2 =	sld [smem:$0x3FFD];
	_ =	sdelay $0x3  }
0x96: {  	_ =	strace s2  }
0x97: {  	_ =	strace $0x8FFFFFFF  }
0x98: {  	s18 =	sld [smem:$0x3FDB];
	_ =	sdelay $0x1  }
0x99: {  	s19 =	simm.s32 $_scs_section_size  }
0x9a: {  	s4 =	simm.s32 $_size__tile_overlayer_lowered;
	s5 =	simm.s32 $_tile_overlayer_lowered  }
0x9b: {  	s22 =	simm.s32 $0x1BFF;
	s21 =	sshll.u32 s5, $0x1;
	s2 =	sadd.s32 s19, s18  }
0x9c: {  	s6 =	simm.s32 $0x0;
	s20 =	sshll.u32 s4, $0x1;
	s4 =	sadd.s32 s21, s2  }
0x9d: {  	[timem:s6], [sflag:s22] =	dma.local [hbm:s4], s20  }
0x9e: {  	_ =	swait.ge [sflag:s22], s20  }
0x9f: {  	s3 =	ssub.s32 $0x0, s20;
	[sflag:s22] =	ssyncset.done $0x0  }
0xa0: {  	[sflag:s22] =	ssyncadd.s32 s3;
	_ =	sdelay $0x1  }
0xa1: {  	s23 =	simm.s32 $0x1B8B  }
0xa2: {  	_ =	swait.ge [sflag:s23], $0x1  }
0xa3: {  	[sflag:s23] =	ssyncset.done $0x0  }
0xa4: {  	s25 =	simm.s32 $0x1B8E;
	s24 =	sld [smem:$0x3FFE];
	[sflag:s23] =	ssyncadd.s32 $0xFFFFFFFF  }
0xa5: {  	s26 =	simm.s32 $execute0_lowered;
	[smem:$0x3FD2] =	sst s25  }
0xa6: {  	s4 =	sshll.u32 s26, $0x1;
	_ =	strace $0x8000004C;
	[dreg:$0x1] =	wrdreg $0xFFFFFFFF  }
0xa7: {  	s28 =	simm.s32 $_size_execute0_lowered;
	s2 =	sadd.s32 s2, s4;
	[dreg:$0x0] =	wrdreg $0x0  }
0xa8: {  	s4 =	sshll.u32 s28, $0x1;
	[dreg:$0x2] =	wrdreg s2  }
0xa9: {  	[dreg:$0x3] =	wrdreg s4  }
0xaa: {  	[dreg:$0x4] =	wrdreg $0xC0  }
0xab: {  	_ =	task [dreg:s6], $0x5FFFF  }
0xac: {  	[dreg:$0x1] =	wrdreg $0xFFFFFFFF  }
0xad: {  	[dreg:$0x0] =	wrdreg $0x60  }
0xae: {  	[dreg:$0x2] =	wrdreg s24  }
0xaf: {  	[dreg:$0x3] =	wrdreg $0x9  }
0xb0: {  	_ =	task.clear_ibuf [dreg:s6], $0x4FFFF;
	_ =	strace $0x9000004C  }
0xb1: {  	s29 =	simm.s32 $0x9;
	_ =	strace $0x8000004E  }
0xb2: {  	_ =	swait.ge [sflag:s29], $0x1  }
0xb3: {  	[sflag:s29] =	ssyncadd.s32 $0xFFFFFFFF  }
0xb4: {  	_ =	strace $0x9000004E  }
0xb5: {  	_ =	sfence  }
0xb6: {  	s30 =	sld [smem:$0x0];
	_ =	sdelay $0x2  }
0xb7: {  	s31 =	sshll.u32 s1, $0xD;
	s1 =	sshrl.u32 s1, $0x2  }
0xb8: {  	s3 =	sand.u32 $0x4000, s31;
	s1 =	sadd.s32 s1, s30  }
0xb9: {  	s0 =	sor.u32 s3, s0;
	s1 =	sshll.u32 s1, $0x11  }
0xba: {  	s0 =	sor.u32 s1, s0  }
0xbb: {  	s0 =	sadd.s32 $0x8F2B, s0  }
0xbc: {  	[sflag:s0] =	ssyncadd.remote.s32 $0x1  }
0xbd: {  	_ =	sfence.sel $0xFFFF  }
0xbe: {  	[dreg:$0x0] =	wrdreg $0xFFFFFFFF;
	(pc) =	sbr.abs _section_cstart, $3  }
0xbf: {  	[dreg:$0x1] =	wrdreg $0xFFFFFFFF  }
0xc0: {  	_ =	task.clear_ibuf [dreg:s6], $0x2FFFF;
	_ =	strace $0x9FFFFFFF  }
0xc1: {  	(tm) =	ssettm $0x7FFFFFFF  }
tec
execute0_lowered:
.L_overlay_start_1:
0x0: {  	(tag) =	ssettag $0x1  }
0x1: {  	s8 =	rddreg [dreg:$0x0];
	s2 =	simm.s32 $0x0  }
0x2: {  	s1 =	stileid.u32;
	s5 =	srdreg.scid;
	s16 =	simm.s32 $0x2  }
0x3: {  	s17 =	simm.s32 $0x2780;
	s18 =	simm.s32 $0x4F00;
	s19 =	simm.s32 $0x7700  }
0x4: {  	s20 =	simm.s32 $0x7680;
	s21 =	simm.s32 $0x1;
	s22 =	simm.s32 $0x50  }
0x5: {  	s23 =	simm.s32 $0x7780;
	s24 =	simm.s32 $0x9F80;
	s25 =	simm.s32 $0xA000  }
0x6: {  	s26 =	simm.s32 $0xA080;
	s28 =	simm.s32 $0xA100;
	s29 =	simm.s32 $0x0  }
0x7: {  	[smem:$0x7FF] =	sst s2;
	s3 =	sadd.s32 $0xBCE00, s8;
	s9 =	smul.u32 $0xA00, s1  }
0x8: {  	s4 =	sadd.s32 $0xE4000, s8;
	s10 =	smul.u32 $0x14, s1;
	s11 =	sand.u32 $0x1, s5  }
0x9: {  	s5 =	sadd.s32 $0x50600, s8;
	s6 =	sadd.s32 $0x50000, s8;
	s7 =	sadd.s32 $0x4FA00, s8  }
0xa: {  	_ =	strace $0x8000004D;
	s12 =	smul.u32 $0x500, s11;
	s13 =	ssub.s32 $0x2, s11  }
0xb: {  	s11 =	smul.u32 $0xA, s11;
	s9 =	sadd.s32 s9, s8;
	s31 =	sshrl.u32 s13, $0x1  }
0xc: {  	s8 =	sadd.s32 s10, s8;
	s10 =	ssub.s32 s13, s31;
	s9 =	sadd.s32 s12, s9  }
0xd: {  	s15 =	sadd.s32 s11, s8;
	s8 =	smax.u32 s10, $0x1;
	s9 =	sadd.s32 $0x5F9200, s9  }
0xe: {  	s10 =	sadd.s32 $0x1DA00, s15;
	s11 =	sadd.s32 $0x13C00, s15;
	s12 =	sadd.s32 $0x50C00, s15  }
0xf: {  	s13 =	sadd.s32 $0x5AA00, s15;
	s14 =	sadd.s32 $0x110000, s15;
	s15 =	sadd.s32 $0x119E00, s15  }
.LBB2_1:
0x10: {  	[tilespmem:s2], [sflag:$0x2] =	stream.linear.gather [hbm4b:s5+s2], $0x2780, $0x38;
	[tilespmem:$0xA180] =	vst v63  }
0x11: {  	_ =	swait.ge [sflag:s16], $0x2780  }
0x12: {  	[sflag:s16] =	ssyncset.done $0x0  }
0x13: {  	[sflag:s16] =	ssyncadd.s32 $0xFFFFD880  }
0x14: {  	[tilespmem:s17], [sflag:$0x2] =	stream.linear.gather [hbm4b:s6+s2], $0x2780, $0x38;
	[tilespmem:$0xA180] =	vst v63  }
0x15: {  	_ =	swait.ge [sflag:s16], $0x2780  }
0x16: {  	[sflag:s16] =	ssyncset.done $0x0  }
0x17: {  	[sflag:s16] =	ssyncadd.s32 $0xFFFFD880  }
0x18: {  	[tilespmem:s18], [sflag:$0x2] =	stream.linear.gather [hbm4b:s7+s2], $0x2780, $0x38;
	[tilespmem:$0xA180] =	vst v63  }
0x19: {  	_ =	swait.ge [sflag:s16], $0x2780  }
0x1a: {  	[sflag:s16] =	ssyncset.done $0x0  }
0x1b: {  	s30 =	smov.u32 s9;
	s31 =	simm.s32 $0x0;
	[sflag:s16] =	ssyncadd.s32 $0xFFFFD880  }
.LBB2_2:
0x1c: {  	s0 =	sadd.s32 s31, s10  }
0x1d: {  	[tilespmem:s19], [sflag:$0x1] =	stream.linear.gather [hbm4b:s0+s2], $0x50, $0x38;
	[tilespmem:$0xA180] =	vst v63  }
0x1e: {  	s0 =	sadd.s32 s31, s11  }
0x1f: {  	[tilespmem:s20], [sflag:$0x1] =	stream.linear.gather [hbm4b:s0+s2], $0x50, $0x38;
	[tilespmem:$0xA180] =	vst v63  }
0x20: {  	_ =	swait.ge [sflag:s21], $0x50  }
0x21: {  	[sflag:s21] =	ssyncset.done $0x0  }
0x22: {  	[sflag:s21] =	ssyncadd.s32 $0xFFFFFFB0  }
0x23: {  	_ =	swait.ge [sflag:s21], $0x50  }
0x24: {  	[sflag:s21] =	ssyncset.done $0x0  }
0x25: {  	[sflag:s21] =	ssyncadd.s32 $0xFFFFFFB0  }
0x26: {  	[tilespmem:s23], [sflag:$0x1] =	stream.indirect.gather [hbm4b:s3+s22], $0x80, s19, s22, $0xb8;
	[tilespmem:$0xA180] =	vst v63  }
0x27: {  	v0 =	vld [tilespmem:$0x7700]  }
0x28: {  	v1 =	vld [tilespmem:$0x7680];
	_ =	sdelay $0x6  }
0x29: {  	v2 =	vld.idx.msk [tilespmem:v0+s2+$0x0], $0xffff  }
0x2a: {  	v3 =	vld.idx.msk [tilespmem:v1+s2+$0x0], $0xffff  }
0x2b: {  	v4 =	vld.idx.msk [tilespmem:v0+s17+$0x0], $0xffff  }
0x2c: {  	v5 =	vld.idx.msk [tilespmem:v1+s17+$0x0], $0xffff  }
0x2d: {  	v0 =	vld.idx.msk [tilespmem:v0+s18+$0x0], $0xffff  }
0x2e: {  	v1 =	vld.idx.msk [tilespmem:v1+s18+$0x0], $0xffff;
	_ =	sdelay $0x2  }
0x2f: {  	v2 =	vsub.f32 v2, v3;
	v27 =	vsub.f32 v4, v5  }
0x30: {  	v28 =	vld [tilespmem:$0x7710]  }
0x31: {  	v6 =	vld [tilespmem:$0x7690];
	v0 =	vsub.f32 v0, v1;
	v29 =	vmul.f32 v2, v2;
	v5 =	vmul.f32 v27, v27;
	_ =	sdelay $0x1  }
0x32: {  	v30 =	vmul.f32 v0, v0;
	v1 =	vadd.f32 v5, v29  }
0x33: {  	[tilespmem:$0x9F80] =	vst v2  }
0x34: {  	[tilespmem:$0xA000] =	vst v27;
	v1 =	vadd.f32 v30, v1  }
0x35: {  	[tilespmem:$0xA080] =	vst v0  }
0x36: {  	[tilespmem:$0xA100] =	vst v1  }
0x37: {  	v0 =	vld.idx.msk [tilespmem:v28+s2+$0x0], $0xffff  }
0x38: {  	v1 =	vld.idx.msk [tilespmem:v6+s2+$0x0], $0xffff  }
0x39: {  	v2 =	vld.idx.msk [tilespmem:v28+s17+$0x0], $0xffff  }
0x3a: {  	v3 =	vld.idx.msk [tilespmem:v6+s17+$0x0], $0xffff  }
0x3b: {  	v4 =	vld.idx.msk [tilespmem:v28+s18+$0x0], $0xffff  }
0x3c: {  	v31 =	vld.idx.msk [tilespmem:v6+s18+$0x0], $0xffff;
	_ =	sdelay $0x2  }
0x3d: {  	v0 =	vsub.f32 v0, v1;
	v32 =	vsub.f32 v2, v3  }
0x3e: {  	v33 =	vld [tilespmem:$0x7720]  }
0x3f: {  	v37 =	vld [tilespmem:$0x76A0];
	v34 =	vsub.f32 v4, v31;
	v35 =	vmul.f32 v0, v0;
	v36 =	vmul.f32 v32, v32;
	_ =	sdelay $0x1  }
0x40: {  	v38 =	vmul.f32 v34, v34;
	v4 =	vadd.f32 v36, v35  }
0x41: {  	[tilespmem:$0x9F90] =	vst v0  }
0x42: {  	[tilespmem:$0xA010] =	vst v32;
	v39 =	vadd.f32 v38, v4  }
0x43: {  	[tilespmem:$0xA090] =	vst v34  }
0x44: {  	[tilespmem:$0xA110] =	vst v39  }
0x45: {  	v0 =	vld.idx.msk [tilespmem:v33+s2+$0x0], $0xffff  }
0x46: {  	v1 =	vld.idx.msk [tilespmem:v37+s2+$0x0], $0xffff  }
0x47: {  	v3 =	vld.idx.msk [tilespmem:v33+s17+$0x0], $0xffff  }
0x48: {  	v40 =	vld.idx.msk [tilespmem:v37+s17+$0x0], $0xffff  }
0x49: {  	v2 =	vld.idx.msk [tilespmem:v33+s18+$0x0], $0xffff  }
0x4a: {  	v41 =	vld.idx.msk [tilespmem:v37+s18+$0x0], $0xffff;
	_ =	sdelay $0x2  }
0x4b: {  	v0 =	vsub.f32 v0, v1;
	v42 =	vsub.f32 v3, v40  }
0x4c: {  	v43 =	vld [tilespmem:$0x7730]  }
0x4d: {  	v46 =	vld [tilespmem:$0x76B0];
	v2 =	vsub.f32 v2, v41;
	v44 =	vmul.f32 v0, v0;
	v45 =	vmul.f32 v42, v42;
	_ =	sdelay $0x1  }
0x4e: {  	v47 =	vmul.f32 v2, v2;
	v4 =	vadd.f32 v45, v44  }
0x4f: {  	[tilespmem:$0x9FA0] =	vst v0  }
0x50: {  	[tilespmem:$0xA020] =	vst v42;
	v48 =	vadd.f32 v47, v4  }
0x51: {  	[tilespmem:$0xA0A0] =	vst v2  }
0x52: {  	[tilespmem:$0xA120] =	vst v48  }
0x53: {  	v0 =	vld.idx.msk [tilespmem:v43+s2+$0x0], $0xffff  }
0x54: {  	v1 =	vld.idx.msk [tilespmem:v46+s2+$0x0], $0xffff  }
0x55: {  	v2 =	vld.idx.msk [tilespmem:v43+s17+$0x0], $0xffff  }
0x56: {  	v49 =	vld.idx.msk [tilespmem:v46+s17+$0x0], $0xffff  }
0x57: {  	v3 =	vld.idx.msk [tilespmem:v43+s18+$0x0], $0xffff  }
0x58: {  	v50 =	vld.idx.msk [tilespmem:v46+s18+$0x0], $0xffff;
	_ =	sdelay $0x2  }
0x59: {  	v0 =	vsub.f32 v0, v1;
	v51 =	vsub.f32 v2, v49  }
0x5a: {  	v52 =	vld [tilespmem:$0x7740]  }
0x5b: {  	v55 =	vld [tilespmem:$0x76C0];
	v3 =	vsub.f32 v3, v50;
	v53 =	vmul.f32 v0, v0;
	v54 =	vmul.f32 v51, v51;
	_ =	sdelay $0x1  }
0x5c: {  	v56 =	vmul.f32 v3, v3;
	v4 =	vadd.f32 v54, v53  }
0x5d: {  	[tilespmem:$0x9FB0] =	vst v0  }
0x5e: {  	[tilespmem:$0xA030] =	vst v51;
	v57 =	vadd.f32 v56, v4  }
0x5f: {  	[tilespmem:$0xA0B0] =	vst v3  }
0x60: {  	[tilespmem:$0xA130] =	vst v57  }
0x61: {  	v0 =	vld.idx.msk [tilespmem:v52+s2+$0x0], $0xffff  }
0x62: {  	v1 =	vld.idx.msk [tilespmem:v55+s2+$0x0], $0xffff  }
0x63: {  	v3 =	vld.idx.msk [tilespmem:v52+s17+$0x0], $0xffff  }
0x64: {  	v58 =	vld.idx.msk [tilespmem:v55+s17+$0x0], $0xffff  }
0x65: {  	v2 =	vld.idx.msk [tilespmem:v52+s18+$0x0], $0xffff  }
0x66: {  	v59 =	vld.idx.msk [tilespmem:v55+s18+$0x0], $0xffff;
	_ =	sdelay $0x2  }
0x67: {  	v0 =	vsub.f32 v0, v1;
	v60 =	vsub.f32 v3, v58;
	_ =	sdelay $0x1  }
0x68: {  	v2 =	vsub.f32 v2, v59;
	v61 =	vmul.f32 v0, v0;
	v4 =	vmul.f32 v60, v60;
	_ =	sdelay $0x1  }
0x69: {  	v62 =	vmul.f32 v2, v2;
	v3 =	vadd.f32 v4, v61  }
0x6a: {  	[tilespmem:$0x9FC0] =	vst v0  }
0x6b: {  	[tilespmem:$0xA040] =	vst v60;
	v63 =	vadd.f32 v62, v3  }
0x6c: {  	[tilespmem:$0xA0C0] =	vst v2  }
0x6d: {  	[tilespmem:$0xA140] =	vst v63  }
0x6e: {  	_ =	swait.ge [sflag:s21], $0x2800  }
0x6f: {  	[sflag:s21] =	ssyncset.done $0x0  }
0x70: {  	[sflag:s21] =	ssyncadd.s32 $0xFFFFD800  }
0x71: {  	[tilespmem:s23], [sflag:$0x1] =	stream.indirect.gather.add.f32 [hbm:s4], $0x80, s20, s22, $0xb8;
	[tilespmem:$0xA180] =	vst v63  }
0x72: {  	_ =	swait.ge [sflag:s21], $0x2800  }
0x73: {  	[sflag:s21] =	ssyncset.done $0x0  }
0x74: {  	[sflag:s21] =	ssyncadd.s32 $0xFFFFD800  }
0x75: {  	[hbm4b:s30+s2] =	stream.linear.scatter [tilespmem:s23], [sflag:$0x1], $0x2800, $0x38;
	[tilespmem:$0xA180] =	vst v63  }
0x76: {  	s0 =	sadd.s32 s31, s12  }
0x77: {  	[hbm4b:s0+s2] =	stream.linear.scatter [tilespmem:s24], [sflag:$0x1], $0x50, $0x38;
	[tilespmem:$0xA180] =	vst v63  }
0x78: {  	s0 =	sadd.s32 s31, s13  }
0x79: {  	[hbm4b:s0+s2] =	stream.linear.scatter [tilespmem:s25], [sflag:$0x1], $0x50, $0x38;
	[tilespmem:$0xA180] =	vst v63  }
0x7a: {  	s0 =	sadd.s32 s31, s14  }
0x7b: {  	[hbm4b:s0+s2] =	stream.linear.scatter [tilespmem:s26], [sflag:$0x1], $0x50, $0x38;
	[tilespmem:$0xA180] =	vst v63  }
0x7c: {  	s0 =	sadd.s32 s31, s15  }
0x7d: {  	[hbm4b:s0+s2] =	stream.linear.scatter [tilespmem:s28], [sflag:$0x1], $0x50, $0x38;
	[tilespmem:$0xA180] =	vst v63  }
0x7e: {  	_ =	swait.ge [sflag:s21], $0x2800  }
0x7f: {  	[sflag:s21] =	ssyncset.done $0x0  }
0x80: {  	[sflag:s21] =	ssyncadd.s32 $0xFFFFD800  }
0x81: {  	_ =	swait.ge [sflag:s21], $0x50  }
0x82: {  	[sflag:s21] =	ssyncset.done $0x0  }
0x83: {  	[sflag:s21] =	ssyncadd.s32 $0xFFFFFFB0  }
0x84: {  	_ =	swait.ge [sflag:s21], $0x50  }
0x85: {  	[sflag:s21] =	ssyncset.done $0x0  }
0x86: {  	[sflag:s21] =	ssyncadd.s32 $0xFFFFFFB0  }
0x87: {  	p0 =	sne.s32 s31, $0x9B00;
	_ =	swait.ge [sflag:s21], $0x50  }
.Ltmp0:
0x88: {  	[sflag:s21] =	ssyncset.done $0x0;
	(pc) =	sbr.rel @p0 .LBB2_2-.Ltmp0, $4  }
0x89: {  	[sflag:s21] =	ssyncadd.s32 $0xFFFFFFB0  }
0x8a: {  	_ =	swait.ge [sflag:s21], $0x50  }
0x8b: {  	[sflag:s21] =	ssyncset.done $0x0  }
0x8c: {  	s30 =	sadd.s32 $0xA000, s30;
	s31 =	sadd.s32 $0x140, s31;
	[sflag:s21] =	ssyncadd.s32 $0xFFFFFFB0  }
0x8d: {  	s29 =	sadd.s32 $0x1, s29  }
0x8e: {  	p0 =	sne.s32 s29, s8  }
.Ltmp1:
0x8f: {  	_ = 	snop;
	(pc) =	sbr.rel @p0 .LBB2_1-.Ltmp1, $1  }
0x90: {  	_ =	sdelay $0x3  }
0x91: {  	_ =	sfence.sel $0x180000  }
0x92: {  	[bflag:$0x0] =	sbarrier.arrive $0xFFFF  }
0x93: {  	_ =	strace $0x9000004D  }
0x94: {  	[bflag:$0x2] =	sbarrier.arrive $0xFFFF  }
0x95: {  	p0 =	sne.s32 s1, $0x0;
	s0 =	rddreg [dreg:$0x1]  }
0x96: {  	s0 =	sadd.s32 @!p0 $0x100000, s0  }
0x97: {  	[sflag:s0] =	ssyncadd.tile.s32 @!p0 $0x1;
	_ =	shalt  }
.Lfunc_end2:
_tile_overlayer_lowered:
.L_overlay_start_2:
0x98: {  	(tag) =	ssettag $0x2  }
0x99: {  	s0 =	rddreg [dreg:$0x0];
	s2 =	stileid.u32  }
0x9a: {  	s1 =	rddreg [dreg:$0x1];
	p0 =	sne.s32 s2, $0x0  }
0x9b: {  	s3 =	rddreg [dreg:$0x2];
	[bflag:$0x3] =	sbarrier.arrive $0xFFFF;
	s2 =	simm.s32 @!p0 $0x1C02  }
0x9c: {  	[timem:s3], [sflag:s2] =	dma.local @!p0 [hbm:s0], s1  }
0x9d: {  	s0 =	simm.s32 @!p0 $0x2  }
0x9e: {  	_ =	swait.ge @!p0 [sflag:s0], s1  }
0x9f: {  	s1 =	ssub.s32 @!p0 $0x0, s1;
	[sflag:s0] =	ssyncset.done @!p0 $0x0  }
0xa0: {  	[sflag:s0] =	ssyncadd.s32 @!p0 s1  }
0xa1: {  	[bflag:$0x3] =	sbarrier.arrive $0xFFFF  }
0xa2: {  	_ =	shalt  }

// kernel: kernel.27.cloned.1.call-start
scs
__scs_entry_jumppad:
0x0: {  	(pc) =	sbr.rel $0x88, $3  }
0x1: {  	(tag) =	ssettag $0x0;
	lr =	simm.s32 $0x1  }
0x2: {  	[smem:$0x3F90] =	sst lr;
	_ =	strace $0xD0000000  }
0x3: {  	_ = 	snop  }
0x4: {  	_ = 	snop  }
0x5: {  	_ = 	snop  }
0x6: {  	_ = 	snop  }
0x7: {  	_ = 	snop  }
__scs_overlays_trampoline_lowered:
0x8: {  	[smem:$0x3F9F] =	sst s0  }
0x9: {  	[smem:$0x3FA0] =	sst s1  }
0xa: {  	[smem:$0x3FA1] =	sst s2  }
0xb: {  	[smem:$0x3FA2] =	sst s3  }
0xc: {  	[smem:$0x3FA3] =	sst s4  }
0xd: {  	[smem:$0x3FA4] =	sst s5  }
0xe: {  	[smem:$0x3FA5] =	sst s6  }
0xf: {  	[smem:$0x3FA6] =	sst s7  }
0x10: {  	[smem:$0x3FA7] =	sst s8  }
0x11: {  	[smem:$0x3FA8] =	sst s9;
	s0 =	simm.s32 @!p0 $0x0  }
0x12: {  	s1 =	sld [smem:$0x3F8E];
	s0 =	simm.s32 @p0 $0x1  }
0x13: {  	[smem:$0x3FA9] =	sst s0;
	s0 =	simm.s32 @!p1 $0x0  }
0x14: {  	s2 =	sld [smem:$0x3F8D];
	s0 =	simm.s32 @p1 $0x1  }
0x15: {  	[smem:$0x3FAA] =	sst s0;
	s0 =	simm.s32 @!p2 $0x0  }
0x16: {  	s3 =	sld [smem:$0x3FDB];
	s0 =	simm.s32 @p2 $0x1  }
0x17: {  	s4 =	simm.s32 $0x1BF5;
	[smem:$0x3FAC] =	sst s0  }
0x18: {  	s0 =	sld [smem:$0x3F8F];
	_ =	swait.ge [sflag:s4], $0x0  }
0x19: {  	s7 =	sld [smem:$0x3F90]  }
0x1a: {  	s8 =	sadd.s32 $0xFFFFE003, lr  }
0x1b: {  	s9 =	sadd.s32 $0xFFFFFEF7, lr;
	s5 =	simm.s32 $0xFFFFFFFF;
	p2 =	slt.u32 s8, $0xFFFFF086  }
0x1c: {  	p1 =	slt.u32 s9, $0xF7A;
	s5 =	simm.s32 @!p2 $0x0  }
0x1d: {  	s5 =	simm.s32 @p1 $0x1;
	p0 =	seq.s32 s7, s2  }
0x1e: {  	s7 =	smul.u32 @!p0 $0xF7A, s2;
	p2 =	seq.s32 @!p0 s5, $0x0  }
0x1f: {  	s9 =	smul.u32 $0xF7A, s1;
	s8 =	simm.s32 @!p0 $0x1BF5;
	p2 =	por !p2, p0  }
0x20: {  	[sflag:s8] =	ssyncset.s32 @!p0 $0xFFFFF086;
	s6 =	sadd.s32 @!p0 s3, s7;
	s7 =	simm.s32 @!p0 $0x108  }
0x21: {  	s3 =	sadd.s32 s3, s9;
	s6 =	sadd.s32 @!p0 $0x88, s6;
	s7 =	simm.s32 @p2 $0x1082  }
0x22: {  	[simem:s7], [sflag:s8] =	dma.local @!p0 [hbm:s6], $0xF7A  }
0x23: {  	s9 =	sor.u32 $0xD0000000, s2;
	s6 =	simm.s32 $0x108;
	_ =	swait.ge @!p0 [sflag:s8], $0x0  }
0x24: {  	s3 =	sadd.s32 $0x88, s3;
	s6 =	simm.s32 @!p1 $0x1082;
	[sflag:s4] =	ssyncset.s32 $0xFFFFF086  }
0x25: {  	[simem:s6], [sflag:s4] =	dma.local [hbm:s3], $0xF7A  }
0x26: {  	[smem:$0x3F90] =	sst s1;
	(tag) =	ssettag s2;
	_ =	strace s9  }
0x27: {  	s1 =	sld [smem:$0x3FA0]  }
0x28: {  	s2 =	sld [smem:$0x3FA1]  }
0x29: {  	s4 =	sld [smem:$0x3FA3]  }
0x2a: {  	p0 =	seq.s32 s5, $0x0;
	s5 =	sld [smem:$0x3FA4]  }
0x2b: {  	s6 =	sld [smem:$0x3FA5]  }
0x2c: {  	s7 =	sld [smem:$0x3FA6]  }
0x2d: {  	s3 =	simm.s32 $0x108;
	s8 =	sld [smem:$0x3FA7]  }
0x2e: {  	s3 =	simm.s32 @!p0 $0x1082;
	s9 =	sld [smem:$0x3FA8]  }
0x2f: {  	lr =	sadd.s32 s0, s3;
	s0 =	sld [smem:$0x3F9F]  }
0x30: {  	s3 =	sld [smem:$0x3FA2]  }
0x31: {  	[smem:$0x3FAB] =	sst s10  }
0x32: {  	s10 =	sld [smem:$0x3FA9];
	_ =	sdelay $0x3  }
0x33: {  	p0 =	seq.s32 s10, $0x1;
	s10 =	sld [smem:$0x3FAB];
	_ =	sdelay $0x3  }
0x34: {  	[smem:$0x3FAB] =	sst s10  }
0x35: {  	s10 =	sld [smem:$0x3FAA];
	_ =	sdelay $0x3  }
0x36: {  	p1 =	seq.s32 s10, $0x1;
	s10 =	sld [smem:$0x3FAB];
	_ =	sdelay $0x3  }
0x37: {  	[smem:$0x3FAB] =	sst s10  }
0x38: {  	s10 =	sld [smem:$0x3FAC]  }
0x39: {  	_ = 	snop;
	(pc) =	sbr.ind lr, $3  }
0x3a: {  	_ = 	snop  }
0x3b: {  	_ = 	snop  }
0x3c: {  	p2 =	seq.s32 s10, $0x1;
	s10 =	sld [smem:$0x3FAB]  }
0x3d: {  	_ =	shalt  }
0x3e: {  	_ =	shalt  }
0x3f: {  	_ =	shalt  }
0x40: {  	_ =	shalt  }
0x41: {  	_ =	shalt  }
0x42: {  	_ =	shalt  }
0x43: {  	_ =	shalt  }
0x44: {  	_ =	shalt  }
0x45: {  	_ =	shalt  }
0x46: {  	_ =	shalt  }
0x47: {  	_ =	shalt  }
0x48: {  	_ =	shalt  }
0x49: {  	_ =	shalt  }
0x4a: {  	_ =	shalt  }
0x4b: {  	_ =	shalt  }
0x4c: {  	_ =	shalt  }
0x4d: {  	_ =	shalt  }
0x4e: {  	_ =	shalt  }
0x4f: {  	_ =	shalt  }
0x50: {  	_ =	shalt  }
0x51: {  	_ =	shalt  }
0x52: {  	_ =	shalt  }
0x53: {  	_ =	shalt  }
0x54: {  	_ =	shalt  }
0x55: {  	_ =	shalt  }
0x56: {  	_ =	shalt  }
0x57: {  	_ =	shalt  }
0x58: {  	_ =	shalt  }
0x59: {  	_ =	shalt  }
0x5a: {  	_ =	shalt  }
0x5b: {  	_ =	shalt  }
0x5c: {  	_ =	shalt  }
0x5d: {  	_ =	shalt  }
0x5e: {  	_ =	shalt  }
0x5f: {  	_ =	shalt  }
0x60: {  	_ =	shalt  }
0x61: {  	_ =	shalt  }
0x62: {  	_ =	shalt  }
0x63: {  	_ =	shalt  }
0x64: {  	_ =	shalt  }
0x65: {  	_ =	shalt  }
0x66: {  	_ =	shalt  }
0x67: {  	_ =	shalt  }
0x68: {  	_ =	shalt  }
0x69: {  	_ =	shalt  }
0x6a: {  	_ =	shalt  }
0x6b: {  	_ =	shalt  }
0x6c: {  	_ =	shalt  }
0x6d: {  	_ =	shalt  }
0x6e: {  	_ =	shalt  }
0x6f: {  	_ =	shalt  }
0x70: {  	_ =	shalt  }
0x71: {  	_ =	shalt  }
0x72: {  	_ =	shalt  }
0x73: {  	_ =	shalt  }
0x74: {  	_ =	shalt  }
0x75: {  	_ =	shalt  }
0x76: {  	_ =	shalt  }
0x77: {  	_ =	shalt  }
0x78: {  	_ =	shalt  }
0x79: {  	_ =	shalt  }
0x7a: {  	_ =	shalt  }
0x7b: {  	_ =	shalt  }
0x7c: {  	_ =	shalt  }
0x7d: {  	_ =	shalt  }
0x7e: {  	_ =	shalt  }
0x7f: {  	_ =	shalt  }
0x80: {  	_ =	shalt  }
0x81: {  	_ =	shalt  }
0x82: {  	_ =	shalt  }
0x83: {  	_ =	shalt  }
0x84: {  	_ =	shalt  }
0x85: {  	_ =	shalt  }
0x86: {  	_ =	shalt  }
0x87: {  	_ =	shalt  }
.Lfunc_end0:
.L_simem_size_0:
called_computation.3_lowered:
.L_overlay_start_0:
0x88: {  	s2 =	sld [smem:$0x3FD9]  }
0x89: {  	s3 =	sld [smem:$0x3FFE];
	_ =	sdelay $0x1  }
0x8a: {  	s1 =	srdreg.scid  }
0x8b: {  	s0 =	sand.u32 $0x1, s1  }
0x8c: {  	s16 =	sshll.u32 s0, $0xA;
	s2 =	sadd.s32 s3, s2  }
0x8d: {  	s2 =	sadd.s32 s2, s16  }
0x8e: {  	[smem:$0x3FB7] =	sst s2  }
0x8f: {  	_ = 	snop  }
0x90: {  	(tm) =	ssettm $0x1  }
0x91: {  	s17 =	sld [smem:$0x3FFB];
	_ =	sdelay $0x3  }
0x92: {  	_ =	strace s17  }
0x93: {  	s2 =	sld [smem:$0x3FFC];
	_ =	sdelay $0x3  }
0x94: {  	_ =	strace s2  }
0x95: {  	s2 =	sld [smem:$0x3FFD];
	_ =	sdelay $0x3  }
0x96: {  	_ =	strace s2  }
0x97: {  	_ =	strace $0x8FFFFFFF  }
0x98: {  	s18 =	sld [smem:$0x3FDB];
	_ =	sdelay $0x1  }
0x99: {  	s19 =	simm.s32 $_scs_section_size  }
0x9a: {  	s4 =	simm.s32 $_size__tile_overlayer_lowered;
	s5 =	simm.s32 $_tile_overlayer_lowered  }
0x9b: {  	s22 =	simm.s32 $0x1BFF;
	s21 =	sshll.u32 s5, $0x1;
	s2 =	sadd.s32 s19, s18  }
0x9c: {  	s6 =	simm.s32 $0x0;
	s20 =	sshll.u32 s4, $0x1;
	s4 =	sadd.s32 s21, s2  }
0x9d: {  	[timem:s6], [sflag:s22] =	dma.local [hbm:s4], s20  }
0x9e: {  	_ =	swait.ge [sflag:s22], s20  }
0x9f: {  	s3 =	ssub.s32 $0x0, s20;
	[sflag:s22] =	ssyncset.done $0x0  }
0xa0: {  	[sflag:s22] =	ssyncadd.s32 s3;
	_ =	sdelay $0x1  }
0xa1: {  	s23 =	simm.s32 $0x1B8B  }
0xa2: {  	_ =	swait.ge [sflag:s23], $0x1  }
0xa3: {  	[sflag:s23] =	ssyncset.done $0x0  }
0xa4: {  	s25 =	simm.s32 $0x1B8E;
	s24 =	sld [smem:$0x3FFE];
	[sflag:s23] =	ssyncadd.s32 $0xFFFFFFFF  }
0xa5: {  	s26 =	simm.s32 $execute0_lowered;
	[smem:$0x3FD2] =	sst s25  }
0xa6: {  	s4 =	sshll.u32 s26, $0x1;
	_ =	strace $0x8000004F;
	[dreg:$0x1] =	wrdreg $0xFFFFFFFF  }
0xa7: {  	s28 =	simm.s32 $_size_execute0_lowered;
	s2 =	sadd.s32 s2, s4;
	[dreg:$0x0] =	wrdreg $0x0  }
0xa8: {  	s4 =	sshll.u32 s28, $0x1;
	[dreg:$0x2] =	wrdreg s2  }
0xa9: {  	[dreg:$0x3] =	wrdreg s4  }
0xaa: {  	[dreg:$0x4] =	wrdreg $0xC0  }
0xab: {  	_ =	task [dreg:s6], $0x5FFFF  }
0xac: {  	[dreg:$0x1] =	wrdreg $0xFFFFFFFF  }
0xad: {  	[dreg:$0x0] =	wrdreg $0x60  }
0xae: {  	[dreg:$0x2] =	wrdreg s24  }
0xaf: {  	[dreg:$0x3] =	wrdreg $0x40000  }
0xb0: {  	[dreg:$0x4] =	wrdreg $0x178800  }
0xb1: {  	[dreg:$0x5] =	wrdreg $0x9  }
0xb2: {  	_ =	task.clear_ibuf [dreg:s6], $0x6FFFF;
	_ =	strace $0x9000004F  }
0xb3: {  	s29 =	simm.s32 $0x9;
	_ =	strace $0x80000051  }
0xb4: {  	_ =	swait.ge [sflag:s29], $0x1  }
0xb5: {  	[sflag:s29] =	ssyncadd.s32 $0xFFFFFFFF  }
0xb6: {  	_ =	strace $0x90000051  }
0xb7: {  	_ =	sfence  }
0xb8: {  	s30 =	sld [smem:$0x0];
	_ =	sdelay $0x2  }
0xb9: {  	s31 =	sshll.u32 s1, $0xD;
	s1 =	sshrl.u32 s1, $0x2  }
0xba: {  	s3 =	sand.u32 $0x4000, s31;
	s1 =	sadd.s32 s1, s30  }
0xbb: {  	s0 =	sor.u32 s3, s0;
	s1 =	sshll.u32 s1, $0x11  }
0xbc: {  	s0 =	sor.u32 s1, s0  }
0xbd: {  	s0 =	sadd.s32 $0x8F2B, s0  }
0xbe: {  	[sflag:s0] =	ssyncadd.remote.s32 $0x1  }
0xbf: {  	_ =	sfence.sel $0xFFFF  }
0xc0: {  	[dreg:$0x0] =	wrdreg $0xFFFFFFFF;
	(pc) =	sbr.abs _section_cstart, $3  }
0xc1: {  	[dreg:$0x1] =	wrdreg $0xFFFFFFFF  }
0xc2: {  	_ =	task.clear_ibuf [dreg:s6], $0x2FFFF;
	_ =	strace $0x9FFFFFFF  }
0xc3: {  	(tm) =	ssettm $0x7FFFFFFF  }
tec
execute0_lowered:
.L_overlay_start_1:
0x0: {  	(tag) =	ssettag $0x1  }
0x1: {  	s0 =	rddreg [dreg:$0x0]  }
0x2: {  	s2 =	rddreg [dreg:$0x1]  }
0x3: {  	s20 =	stileid.u32;
	s3 =	rddreg [dreg:$0x2]  }
0x4: {  	s4 =	simm.s32 $0x0;
	s6 =	srdreg.scid;
	s1 =	smul.u32 $0xA00, s20  }
0x5: {  	s28 =	simm.s32 $0x50;
	s29 =	simm.s32 $0x80;
	s5 =	smul.u32 $0x14, s20  }
0x6: {  	s30 =	simm.s32 $0x100;
	s31 =	simm.s32 $0x180;
	s7 =	smul.u32 $0x2700, s20  }
0x7: {  	[smem:$0x7FF] =	sst s4;
	s8 =	smul.u32 $0x1388, s20;
	s9 =	sand.u32 $0x1, s6  }
0x8: {  	s12 =	smul.u32 $0x4E000, s20;
	s13 =	sadd.s32 $0x110000, s0;
	s17 =	sshll.u32 s20, $0x6  }
0x9: {  	s21 =	sadd.s32 $0x138000, s2;
	p0 =	sne.s32 s20, $0xF;
	s6 =	smul.u32 $0x9C40, s9  }
0xa: {  	_ =	strace $0x80000050;
	s14 =	ssub.s32 $0x2, s9;
	s18 =	smul.u32 $0x138800, s9  }
0xb: {  	s22 =	smul.u32 $0x27100, s9;
	p2 =	sgt.u32 @p0 s20, $0x7;
	s20 =	simm.s32 $0x2  }
0xc: {  	s21 =	sshrl.u32 @!p0 s21, $0x3;
	s1 =	sadd.s32 s1, s0;
	s5 =	sadd.s32 s5, s0  }
0xd: {  	s10 =	sadd.s32 s7, s0;
	s11 =	sshrl.u32 s8, $0x3;
	s16 =	sshrl.u32 s14, $0x1  }
0xe: {  	s12 =	sshrl.u32 s12, $0x2;
	p1 =	por p2, !p0;
	p2 =	por !p2, !p0  }
0xf: {  	s11 =	sadd.s32 s11, s0;
	s6 =	sadd.s32 s8, s6;
	s14 =	ssub.s32 s14, s16  }
0x10: {  	s19 =	sadd.s32 s12, s2;
	s10 =	sadd.s32 $0x6D600, s10;
	s8 =	sadd.s32 s8, s3  }
0x11: {  	s16 =	smul.u32 $0x500, s9;
	s7 =	sadd.s32 s7, s22;
	s22 =	simm.s32 $0x1  }
0x12: {  	s6 =	sshrl.u32 s6, $0x3;
	[dreg:$0x4] =	wrdreg s10;
	s11 =	sadd.s32 $0x94800, s11  }
0x13: {  	s10 =	sshrl.u32 s18, $0x3;
	s24 =	sadd.s32 s13, s7;
	s19 =	sshrl.u32 s19, $0x3  }
0x14: {  	s15 =	sadd.s32 s6, s0;
	s6 =	sor.u32 $0x1C02, s17;
	[dreg:$0x5] =	wrdreg s11  }
0x15: {  	s23 =	sadd.s32 s13, s10;
	s17 =	smul.u32 $0xA, s9;
	s0 =	sadd.s32 $0x94600, s0  }
0x16: {  	[dreg:$0x7] =	wrdreg s24;
	s25 =	sadd.s32 s16, s1;
	s13 =	smax.u32 s14, $0x1  }
0x17: {  	s24 =	simm.s32 $0x2A00;
	s1 =	simm.s32 $0x2B80;
	[dreg:$0x6] =	wrdreg s0  }
0x18: {  	s11 =	sadd.s32 $0x27000, s23;
	s12 =	sadd.s32 $0xBCE00, s15;
	s7 =	sadd.s32 $0xADB200, s25  }
0x19: {  	s23 =	simm.s32 $0x200;
	s25 =	simm.s32 $0x2A80;
	s26 =	sadd.s32 s17, s5  }
0x1a: {  	s0 =	simm.s32 $0x0;
	s15 =	sadd.s32 $0x1DA00, s26;
	s16 =	sadd.s32 $0x4FA00, s26  }
0x1b: {  	v0 =	vimm.f32 $1.000000000e+00;
	s17 =	sadd.s32 $0x59800, s26;
	s18 =	sadd.s32 $0x63600, s26;
	s26 =	simm.s32 $0x2B00  }
.LBB2_1:
0x1c: {  	s5 =	rddreg [dreg:$0x4]  }
0x1d: {  	[spmem:s19], [sflag:s6] =	dma.local [hbm:s5], $0x2700  }
0x1e: {  	_ =	swait.ge [sflag:s20], $0x2700  }
0x1f: {  	s14 =	simm.s32 @!p1 $0x2C00;
	[sflag:s20] =	ssyncset.done $0x0  }
0x20: {  	s5 =	simm.s32 @!p1 $0x0;
	s9 =	rddreg [dreg:$0x5];
	[sflag:s20] =	ssyncadd.s32 $0xFFFFD900  }
0x21: {  	[tilespmem:s14], [sflag:$0x2] =	stream.linear.gather @!p1 [hbm4b:s9+s5], $0x1388, $0x38;
	[tilespmem:$0x18248] =	vst v63  }
0x22: {  	s5 =	simm.s32 @!p1 $0x2  }
0x23: {  	_ =	swait.ge @!p1 [sflag:s5], $0x1388  }
0x24: {  	[sflag:s5] =	ssyncset.done @!p1 $0x0  }
0x25: {  	[sflag:s5] =	ssyncadd.s32 @!p1 $0xFFFFEC78  }
0x26: {  	[spmem:s8] =	stream.linear.scatter @!p1 [tilespmem:s14], [sflag:$0x2], $0x1388, $0x38;
	[tilespmem:$0x18248] =	vst v63  }
0x27: {  	_ =	swait.ge @!p1 [sflag:s5], $0x1388  }
0x28: {  	[sflag:s5] =	ssyncset.done @!p1 $0x0  }
0x29: {  	[sflag:s5] =	ssyncadd.s32 @!p1 $0xFFFFEC78;
	s5 =	rddreg [dreg:$0x6]  }
0x2a: {  	[spmem:s21], [sflag:s6] =	dma.local @!p0 [hbm:s5], $0x100  }
0x2b: {  	s5 =	simm.s32 @!p0 $0x2  }
0x2c: {  	_ =	swait.ge @!p0 [sflag:s5], $0x100  }
0x2d: {  	[sflag:s5] =	ssyncset.done @!p0 $0x0  }
0x2e: {  	[sflag:s5] =	ssyncadd.s32 @!p0 $0xFFFFFF00  }
0x2f: {  	[tilespmem:$0x2B80] =	vst v0  }
0x30: {  	[tilespmem:$0x2B90] =	vst v0  }
0x31: {  	[tilespmem:$0x2BA0] =	vst v0  }
0x32: {  	[tilespmem:$0x2BB0] =	vst v0  }
0x33: {  	[tilespmem:$0x2BC0] =	vst v0  }
0x34: {  	s14 =	sadd.s32 $0x0, s15;
	[bflag:$0x0] =	sbarrier.arrive $0xFFFF  }
0x35: {  	[tilespmem:s4], [sflag:$0x1] =	stream.linear.gather [hbm4b:s14+s4], $0x50, $0x38;
	[tilespmem:$0x18248] =	vst v63  }
0x36: {  	_ =	swait.ge [sflag:s22], $0x50  }
0x37: {  	[sflag:s22] =	ssyncset.done $0x0  }
0x38: {  	[sflag:s22] =	ssyncadd.s32 $0xFFFFFFB0  }
0x39: {  	[tilespmem:s23], [sflag:$0x1] =	stream.linear.gather [hbm4b:s7+s4], $0x2800, $0x38;
	[tilespmem:$0x18248] =	vst v63  }
0x3a: {  	s9 =	sadd.s32 $0x0, s16  }
0x3b: {  	[tilespmem:s24], [sflag:$0x1] =	stream.linear.gather [hbm4b:s9+s4], $0x50, $0x38;
	[tilespmem:$0x18248] =	vst v63  }
0x3c: {  	s10 =	sadd.s32 $0x0, s17  }
0x3d: {  	[tilespmem:s25], [sflag:$0x1] =	stream.linear.gather [hbm4b:s10+s4], $0x50, $0x38;
	[tilespmem:$0x18248] =	vst v63  }
0x3e: {  	s14 =	sadd.s32 $0x0, s18  }
0x3f: {  	[tilespmem:s26], [sflag:$0x1] =	stream.linear.gather [hbm4b:s14+s4], $0x50, $0x38;
	[tilespmem:$0x18248] =	vst v63  }
0x40: {  	v1 =	vld [tilespmem:$0x40];
	_ =	sdelay $0x2  }
0x41: {  	v2 =	vld [tilespmem:$0x30]  }
0x42: {  	v3 =	vld [tilespmem:$0x10]  }
0x43: {  	v5 =	vld [tilespmem:$0x0];
	v4 =	vadd.s32 $0x2710, v1  }
0x44: {  	v6 =	vadd.s32 $0x7530, v1;
	[tilespmem:$0xC0] =	vst v4  }
0x45: {  	v1 =	vadd.s32 $0x4E20, v1;
	[tilespmem:$0x1C0] =	vst v6  }
0x46: {  	v60 =	vadd.s32 $0x7530, v2;
	[tilespmem:$0x140] =	vst v1  }
0x47: {  	v61 =	vadd.s32 $0x7530, v3;
	[tilespmem:$0x1B0] =	vst v60  }
0x48: {  	v62 =	vadd.s32 $0x7530, v5;
	[tilespmem:$0x190] =	vst v61  }
0x49: {  	v1 =	vadd.s32 $0x2710, v2;
	[tilespmem:$0x180] =	vst v62  }
0x4a: {  	v63 =	vadd.s32 $0x4E20, v3;
	[tilespmem:$0xB0] =	vst v1;
	v1 =	vld [tilespmem:$0x20]  }
0x4b: {  	v3 =	vadd.s32 $0x2710, v3;
	[tilespmem:$0x110] =	vst v63  }
0x4c: {  	v2 =	vadd.s32 $0x4E20, v2;
	[tilespmem:$0x90] =	vst v3  }
0x4d: {  	v3 =	vadd.s32 $0x2710, v5;
	[tilespmem:$0x130] =	vst v2  }
0x4e: {  	v2 =	vadd.s32 $0x4E20, v5;
	[tilespmem:$0x80] =	vst v3  }
0x4f: {  	[tilespmem:$0x100] =	vst v2;
	v2 =	vadd.s32 $0x7530, v1  }
0x50: {  	[tilespmem:$0x1A0] =	vst v2;
	v2 =	vadd.s32 $0x4E20, v1  }
0x51: {  	v1 =	vadd.s32 $0x2710, v1;
	[tilespmem:$0x120] =	vst v2  }
0x52: {  	[tilespmem:$0xA0] =	vst v1  }
0x53: {  	_ =	swait.ge [sflag:s22], $0x2800  }
0x54: {  	[sflag:s22] =	ssyncset.done $0x0  }
0x55: {  	[sflag:s22] =	ssyncadd.s32 $0xFFFFD800  }
0x56: {  	_ =	swait.ge [sflag:s22], $0x50  }
0x57: {  	[sflag:s22] =	ssyncset.done $0x0  }
0x58: {  	[sflag:s22] =	ssyncadd.s32 $0xFFFFFFB0  }
0x59: {  	_ =	swait.ge [sflag:s22], $0x50  }
0x5a: {  	[sflag:s22] =	ssyncset.done $0x0  }
0x5b: {  	[sflag:s22] =	ssyncadd.s32 $0xFFFFFFB0  }
0x5c: {  	_ =	swait.ge [sflag:s22], $0x50  }
0x5d: {  	[sflag:s22] =	ssyncset.done $0x0  }
0x5e: {  	p4 =	por @p0 $0x0, $0x0;
	p3 =	por @!p1 $0x1, $0x1;
	[sflag:s22] =	ssyncadd.s32 $0xFFFFFFB0  }
0x5f: {  	[spmem:s2] =	stream.indirect.scatter.add.f32 [tilespmem:s23], [sflag:$0x2], $0x80, s4, s28, $0xb8;
	[tilespmem:$0x18248] =	vst v63  }
0x60: {  	p3 =	por @!p2 p4, p4;
	p4 =	por @!p0 $0x0, $0x0;
	_ =	swait.ge [sflag:s20], $0x2800  }
0x61: {  	p3 =	por @!p0 p4, p4;
	[sflag:s20] =	ssyncset.done $0x0  }
0x62: {  	s5 =	simm.s32 $0x140;
	s14 =	smov.u32 s7;
	[sflag:s20] =	ssyncadd.s32 $0xFFFFD800  }
0x63: {  	[spmem:s3] =	stream.indirect.scatter.add.f32 [tilespmem:s24], [sflag:$0x2], $0x1, s4, s28, $0xb8;
	[tilespmem:$0x18248] =	vst v63  }
.LBB2_2:
0x64: {  	p4 =	sne.s32 s5, $0x9B00;
	_ =	swait.ge [sflag:s20], $0x50;
	s14 =	sadd.s32 $0xA000, s14  }
0x65: {  	s9 =	smov.u32 s5;
	s5 =	sadd.s32 $0x140, s5;
	[sflag:s20] =	ssyncset.done $0x0  }
0x66: {  	[sflag:s20] =	ssyncadd.s32 $0xFFFFFFB0  }
0x67: {  	[spmem:s3] =	stream.indirect.scatter.add.f32 [tilespmem:s25], [sflag:$0x2], $0x1, s29, s28, $0xb8;
	[tilespmem:$0x18248] =	vst v63  }
0x68: {  	_ =	swait.ge [sflag:s20], $0x50  }
0x69: {  	[sflag:s20] =	ssyncset.done $0x0  }
0x6a: {  	[sflag:s20] =	ssyncadd.s32 $0xFFFFFFB0  }
0x6b: {  	[spmem:s3] =	stream.indirect.scatter.add.f32 [tilespmem:s26], [sflag:$0x2], $0x1, s30, s28, $0xb8;
	[tilespmem:$0x18248] =	vst v63  }
0x6c: {  	_ =	swait.ge [sflag:s20], $0x50  }
0x6d: {  	[sflag:s20] =	ssyncset.done $0x0  }
0x6e: {  	[sflag:s20] =	ssyncadd.s32 $0xFFFFFFB0  }
0x6f: {  	[spmem:s3] =	stream.indirect.scatter.add.f32 [tilespmem:s1], [sflag:$0x2], $0x1, s31, s28, $0xb8;
	[tilespmem:$0x18248] =	vst v63  }
0x70: {  	_ =	swait.ge [sflag:s20], $0x50  }
0x71: {  	[sflag:s20] =	ssyncset.done $0x0  }
0x72: {  	s10 =	sadd.s32 s9, s15;
	[sflag:s20] =	ssyncadd.s32 $0xFFFFFFB0  }
0x73: {  	[tilespmem:s4], [sflag:$0x1] =	stream.linear.gather [hbm4b:s10+s4], $0x50, $0x38;
	[tilespmem:$0x18248] =	vst v63  }
0x74: {  	_ =	swait.ge [sflag:s22], $0x50  }
0x75: {  	[sflag:s22] =	ssyncset.done $0x0  }
0x76: {  	[sflag:s22] =	ssyncadd.s32 $0xFFFFFFB0  }
0x77: {  	[tilespmem:s23], [sflag:$0x1] =	stream.linear.gather [hbm4b:s14+s4], $0x2800, $0x38;
	[tilespmem:$0x18248] =	vst v63  }
0x78: {  	s10 =	sadd.s32 s9, s16  }
0x79: {  	[tilespmem:s24], [sflag:$0x1] =	stream.linear.gather [hbm4b:s10+s4], $0x50, $0x38;
	[tilespmem:$0x18248] =	vst v63  }
0x7a: {  	s10 =	sadd.s32 s9, s17  }
0x7b: {  	[tilespmem:s25], [sflag:$0x1] =	stream.linear.gather [hbm4b:s10+s4], $0x50, $0x38;
	[tilespmem:$0x18248] =	vst v63  }
0x7c: {  	s9 =	sadd.s32 s9, s18  }
0x7d: {  	[tilespmem:s26], [sflag:$0x1] =	stream.linear.gather [hbm4b:s9+s4], $0x50, $0x38;
	[tilespmem:$0x18248] =	vst v63  }
0x7e: {  	v1 =	vld [tilespmem:$0x40]  }
0x7f: {  	v2 =	vld [tilespmem:$0x30]  }
0x80: {  	v3 =	vld [tilespmem:$0x0]  }
0x81: {  	v4 =	vld [tilespmem:$0x10]  }
0x82: {  	v5 =	vld [tilespmem:$0x20]  }
0x83: {  	v6 =	vadd.s32 $0x2710, v1;
	v7 =	vadd.s32 $0x4E20, v1;
	v1 =	vadd.s32 $0x7530, v1  }
0x84: {  	v8 =	vadd.s32 $0x2710, v2;
	v9 =	vadd.s32 $0x4E20, v2;
	v2 =	vadd.s32 $0x7530, v2;
	[tilespmem:$0xC0] =	vst v6  }
0x85: {  	v6 =	vadd.s32 $0x2710, v3;
	v10 =	vadd.s32 $0x4E20, v3;
	v3 =	vadd.s32 $0x7530, v3;
	[tilespmem:$0x1C0] =	vst v1  }
0x86: {  	v1 =	vadd.s32 $0x2710, v4;
	v11 =	vadd.s32 $0x4E20, v4;
	v4 =	vadd.s32 $0x7530, v4;
	[tilespmem:$0x140] =	vst v7  }
0x87: {  	v7 =	vadd.s32 $0x2710, v5;
	v12 =	vadd.s32 $0x4E20, v5;
	v5 =	vadd.s32 $0x7530, v5;
	[tilespmem:$0x1B0] =	vst v2  }
0x88: {  	[tilespmem:$0xB0] =	vst v8  }
0x89: {  	[tilespmem:$0x190] =	vst v4  }
0x8a: {  	[tilespmem:$0x180] =	vst v3  }
0x8b: {  	[tilespmem:$0x130] =	vst v9  }
0x8c: {  	[tilespmem:$0x110] =	vst v11  }
0x8d: {  	[tilespmem:$0x100] =	vst v10  }
0x8e: {  	[tilespmem:$0x90] =	vst v1  }
0x8f: {  	[tilespmem:$0x1A0] =	vst v5  }
0x90: {  	[tilespmem:$0x80] =	vst v6  }
0x91: {  	[tilespmem:$0x120] =	vst v12  }
0x92: {  	[tilespmem:$0xA0] =	vst v7  }
0x93: {  	_ =	swait.ge [sflag:s22], $0x2800  }
0x94: {  	[sflag:s22] =	ssyncset.done $0x0  }
0x95: {  	[sflag:s22] =	ssyncadd.s32 $0xFFFFD800  }
0x96: {  	_ =	swait.ge [sflag:s22], $0x50  }
0x97: {  	[sflag:s22] =	ssyncset.done $0x0  }
0x98: {  	[sflag:s22] =	ssyncadd.s32 $0xFFFFFFB0  }
0x99: {  	_ =	swait.ge [sflag:s22], $0x50  }
0x9a: {  	[sflag:s22] =	ssyncset.done $0x0  }
0x9b: {  	[sflag:s22] =	ssyncadd.s32 $0xFFFFFFB0  }
0x9c: {  	_ =	swait.ge [sflag:s22], $0x50  }
0x9d: {  	[sflag:s22] =	ssyncset.done $0x0  }
0x9e: {  	[sflag:s22] =	ssyncadd.s32 $0xFFFFFFB0  }
0x9f: {  	[spmem:s2] =	stream.indirect.scatter.add.f32 [tilespmem:s23], [sflag:$0x2], $0x80, s4, s28, $0xb8;
	[tilespmem:$0x18248] =	vst v63  }
.Ltmp0:
0xa0: {  	_ = 	snop;
	(pc) =	sbr.rel @p4 .LBB2_2-.Ltmp0, $4  }
0xa1: {  	_ =	swait.ge [sflag:s20], $0x2800  }
0xa2: {  	[sflag:s20] =	ssyncset.done $0x0  }
0xa3: {  	[sflag:s20] =	ssyncadd.s32 $0xFFFFD800  }
0xa4: {  	[spmem:s3] =	stream.indirect.scatter.add.f32 [tilespmem:s24], [sflag:$0x2], $0x1, s4, s28, $0xb8;
	[tilespmem:$0x18248] =	vst v63  }
0xa5: {  	_ =	swait.ge [sflag:s20], $0x50  }
0xa6: {  	[sflag:s20] =	ssyncset.done $0x0  }
0xa7: {  	[sflag:s20] =	ssyncadd.s32 $0xFFFFFFB0  }
0xa8: {  	[spmem:s3] =	stream.indirect.scatter.add.f32 [tilespmem:s25], [sflag:$0x2], $0x1, s29, s28, $0xb8;
	[tilespmem:$0x18248] =	vst v63  }
0xa9: {  	_ =	swait.ge [sflag:s20], $0x50  }
0xaa: {  	[sflag:s20] =	ssyncset.done $0x0  }
0xab: {  	[sflag:s20] =	ssyncadd.s32 $0xFFFFFFB0  }
0xac: {  	[spmem:s3] =	stream.indirect.scatter.add.f32 [tilespmem:s26], [sflag:$0x2], $0x1, s30, s28, $0xb8;
	[tilespmem:$0x18248] =	vst v63  }
0xad: {  	_ =	swait.ge [sflag:s20], $0x50  }
0xae: {  	[sflag:s20] =	ssyncset.done $0x0  }
0xaf: {  	[sflag:s20] =	ssyncadd.s32 $0xFFFFFFB0  }
0xb0: {  	[spmem:s3] =	stream.indirect.scatter.add.f32 [tilespmem:s1], [sflag:$0x2], $0x1, s31, s28, $0xb8;
	[tilespmem:$0x18248] =	vst v63  }
0xb1: {  	_ =	swait.ge [sflag:s20], $0x50  }
0xb2: {  	[sflag:s20] =	ssyncset.done $0x0  }
0xb3: {  	[sflag:s20] =	ssyncadd.s32 $0xFFFFFFB0  }
0xb4: {  	[bflag:$0x0] =	sbarrier.arrive $0xFFFF  }
0xb5: {  	s5 =	rddreg [dreg:$0x7]  }
0xb6: {  	[hbm:s5], [sflag:s6] =	dma.local [spmem:s19], $0x2700  }
0xb7: {  	_ =	swait.ge [sflag:s20], $0x2700  }
0xb8: {  	[sflag:s20] =	ssyncset.done $0x0  }
0xb9: {  	s5 =	simm.s32 @!p0 $0x2;
	[sflag:s20] =	ssyncadd.s32 $0xFFFFD900  }
0xba: {  	[hbm:s11], [sflag:s6] =	dma.local @!p0 [spmem:s21], $0x100  }
0xbb: {  	_ =	swait.ge @!p0 [sflag:s5], $0x100  }
0xbc: {  	[sflag:s5] =	ssyncset.done @!p0 $0x0  }
0xbd: {  	s9 =	simm.s32 @p3 $0x2;
	[sflag:s5] =	ssyncadd.s32 @!p0 $0xFFFFFF00;
	s5 =	simm.s32 @p3 $0x2C00  }
0xbe: {  	[tilespmem:s5], [sflag:$0x2] =	stream.linear.gather @p3 [spmem:s8], $0x1388, $0x38;
	[tilespmem:$0x18248] =	vst v63  }
0xbf: {  	s0 =	sadd.s32 $0x1, s0;
	_ =	swait.ge @p3 [sflag:s9], $0x1388  }
0xc0: {  	p4 =	sne.s32 s0, s13;
	[sflag:s9] =	ssyncset.done @p3 $0x0  }
.Ltmp1:
0xc1: {  	s10 =	simm.s32 @p3 $0x0;
	[sflag:s9] =	ssyncadd.s32 @p3 $0xFFFFEC78;
	(pc) =	sbr.rel @p4 .LBB2_1-.Ltmp1, $4  }
0xc2: {  	[hbm4b:s12+s10] =	stream.linear.scatter @p3 [tilespmem:s5], [sflag:$0x2], $0x1388, $0x38;
	[tilespmem:$0x18248] =	vst v63  }
0xc3: {  	_ =	swait.ge @p3 [sflag:s9], $0x1388  }
0xc4: {  	[sflag:s9] =	ssyncset.done @p3 $0x0  }
0xc5: {  	[sflag:s9] =	ssyncadd.s32 @p3 $0xFFFFEC78  }
0xc6: {  	_ =	sfence.sel $0x180000  }
0xc7: {  	[bflag:$0x0] =	sbarrier.arrive $0xFFFF  }
0xc8: {  	_ =	strace $0x90000050  }
0xc9: {  	s0 =	stileid.u32;
	[bflag:$0x2] =	sbarrier.arrive $0xFFFF  }
0xca: {  	p0 =	sne.s32 s0, $0x0;
	s0 =	rddreg [dreg:$0x3]  }
0xcb: {  	s0 =	sadd.s32 @!p0 $0x100000, s0  }
0xcc: {  	[sflag:s0] =	ssyncadd.tile.s32 @!p0 $0x1;
	_ =	shalt  }
.Lfunc_end2:
_tile_overlayer_lowered:
.L_overlay_start_2:
0xcd: {  	(tag) =	ssettag $0x2  }
0xce: {  	s0 =	rddreg [dreg:$0x0];
	s2 =	stileid.u32  }
0xcf: {  	s1 =	rddreg [dreg:$0x1];
	p0 =	sne.s32 s2, $0x0  }
0xd0: {  	s3 =	rddreg [dreg:$0x2];
	[bflag:$0x3] =	sbarrier.arrive $0xFFFF;
	s2 =	simm.s32 @!p0 $0x1C02  }
0xd1: {  	[timem:s3], [sflag:s2] =	dma.local @!p0 [hbm:s0], s1  }
0xd2: {  	s0 =	simm.s32 @!p0 $0x2  }
0xd3: {  	_ =	swait.ge @!p0 [sflag:s0], s1  }
0xd4: {  	s1 =	ssub.s32 @!p0 $0x0, s1;
	[sflag:s0] =	ssyncset.done @!p0 $0x0  }
0xd5: {  	[sflag:s0] =	ssyncadd.s32 @!p0 s1  }
0xd6: {  	[bflag:$0x3] =	sbarrier.arrive $0xFFFF  }
0xd7: {  	_ =	shalt  }

// kernel: kernel.30.cloned.1.call-start
scs
__scs_entry_jumppad:
0x0: {  	(pc) =	sbr.rel $0x88, $3  }
0x1: {  	(tag) =	ssettag $0x0;
	lr =	simm.s32 $0x1  }
0x2: {  	[smem:$0x3F90] =	sst lr;
	_ =	strace $0xD0000000  }
0x3: {  	_ = 	snop  }
0x4: {  	_ = 	snop  }
0x5: {  	_ = 	snop  }
0x6: {  	_ = 	snop  }
0x7: {  	_ = 	snop  }
__scs_overlays_trampoline_lowered:
0x8: {  	[smem:$0x3F9F] =	sst s0  }
0x9: {  	[smem:$0x3FA0] =	sst s1  }
0xa: {  	[smem:$0x3FA1] =	sst s2  }
0xb: {  	[smem:$0x3FA2] =	sst s3  }
0xc: {  	[smem:$0x3FA3] =	sst s4  }
0xd: {  	[smem:$0x3FA4] =	sst s5  }
0xe: {  	[smem:$0x3FA5] =	sst s6  }
0xf: {  	[smem:$0x3FA6] =	sst s7  }
0x10: {  	[smem:$0x3FA7] =	sst s8  }
0x11: {  	[smem:$0x3FA8] =	sst s9;
	s0 =	simm.s32 @!p0 $0x0  }
0x12: {  	s1 =	sld [smem:$0x3F8E];
	s0 =	simm.s32 @p0 $0x1  }
0x13: {  	[smem:$0x3FA9] =	sst s0;
	s0 =	simm.s32 @!p1 $0x0  }
0x14: {  	s2 =	sld [smem:$0x3F8D];
	s0 =	simm.s32 @p1 $0x1  }
0x15: {  	[smem:$0x3FAA] =	sst s0;
	s0 =	simm.s32 @!p2 $0x0  }
0x16: {  	s3 =	sld [smem:$0x3FDB];
	s0 =	simm.s32 @p2 $0x1  }
0x17: {  	s4 =	simm.s32 $0x1BF5;
	[smem:$0x3FAC] =	sst s0  }
0x18: {  	s0 =	sld [smem:$0x3F8F];
	_ =	swait.ge [sflag:s4], $0x0  }
0x19: {  	s7 =	sld [smem:$0x3F90]  }
0x1a: {  	s8 =	sadd.s32 $0xFFFFE003, lr  }
0x1b: {  	s9 =	sadd.s32 $0xFFFFFEF7, lr;
	s5 =	simm.s32 $0xFFFFFFFF;
	p2 =	slt.u32 s8, $0xFFFFF086  }
0x1c: {  	p1 =	slt.u32 s9, $0xF7A;
	s5 =	simm.s32 @!p2 $0x0  }
0x1d: {  	s5 =	simm.s32 @p1 $0x1;
	p0 =	seq.s32 s7, s2  }
0x1e: {  	s7 =	smul.u32 @!p0 $0xF7A, s2;
	p2 =	seq.s32 @!p0 s5, $0x0  }
0x1f: {  	s9 =	smul.u32 $0xF7A, s1;
	s8 =	simm.s32 @!p0 $0x1BF5;
	p2 =	por !p2, p0  }
0x20: {  	[sflag:s8] =	ssyncset.s32 @!p0 $0xFFFFF086;
	s6 =	sadd.s32 @!p0 s3, s7;
	s7 =	simm.s32 @!p0 $0x108  }
0x21: {  	s3 =	sadd.s32 s3, s9;
	s6 =	sadd.s32 @!p0 $0x88, s6;
	s7 =	simm.s32 @p2 $0x1082  }
0x22: {  	[simem:s7], [sflag:s8] =	dma.local @!p0 [hbm:s6], $0xF7A  }
0x23: {  	s9 =	sor.u32 $0xD0000000, s2;
	s6 =	simm.s32 $0x108;
	_ =	swait.ge @!p0 [sflag:s8], $0x0  }
0x24: {  	s3 =	sadd.s32 $0x88, s3;
	s6 =	simm.s32 @!p1 $0x1082;
	[sflag:s4] =	ssyncset.s32 $0xFFFFF086  }
0x25: {  	[simem:s6], [sflag:s4] =	dma.local [hbm:s3], $0xF7A  }
0x26: {  	[smem:$0x3F90] =	sst s1;
	(tag) =	ssettag s2;
	_ =	strace s9  }
0x27: {  	s1 =	sld [smem:$0x3FA0]  }
0x28: {  	s2 =	sld [smem:$0x3FA1]  }
0x29: {  	s4 =	sld [smem:$0x3FA3]  }
0x2a: {  	p0 =	seq.s32 s5, $0x0;
	s5 =	sld [smem:$0x3FA4]  }
0x2b: {  	s6 =	sld [smem:$0x3FA5]  }
0x2c: {  	s7 =	sld [smem:$0x3FA6]  }
0x2d: {  	s3 =	simm.s32 $0x108;
	s8 =	sld [smem:$0x3FA7]  }
0x2e: {  	s3 =	simm.s32 @!p0 $0x1082;
	s9 =	sld [smem:$0x3FA8]  }
0x2f: {  	lr =	sadd.s32 s0, s3;
	s0 =	sld [smem:$0x3F9F]  }
0x30: {  	s3 =	sld [smem:$0x3FA2]  }
0x31: {  	[smem:$0x3FAB] =	sst s10  }
0x32: {  	s10 =	sld [smem:$0x3FA9];
	_ =	sdelay $0x3  }
0x33: {  	p0 =	seq.s32 s10, $0x1;
	s10 =	sld [smem:$0x3FAB];
	_ =	sdelay $0x3  }
0x34: {  	[smem:$0x3FAB] =	sst s10  }
0x35: {  	s10 =	sld [smem:$0x3FAA];
	_ =	sdelay $0x3  }
0x36: {  	p1 =	seq.s32 s10, $0x1;
	s10 =	sld [smem:$0x3FAB];
	_ =	sdelay $0x3  }
0x37: {  	[smem:$0x3FAB] =	sst s10  }
0x38: {  	s10 =	sld [smem:$0x3FAC]  }
0x39: {  	_ = 	snop;
	(pc) =	sbr.ind lr, $3  }
0x3a: {  	_ = 	snop  }
0x3b: {  	_ = 	snop  }
0x3c: {  	p2 =	seq.s32 s10, $0x1;
	s10 =	sld [smem:$0x3FAB]  }
0x3d: {  	_ =	shalt  }
0x3e: {  	_ =	shalt  }
0x3f: {  	_ =	shalt  }
0x40: {  	_ =	shalt  }
0x41: {  	_ =	shalt  }
0x42: {  	_ =	shalt  }
0x43: {  	_ =	shalt  }
0x44: {  	_ =	shalt  }
0x45: {  	_ =	shalt  }
0x46: {  	_ =	shalt  }
0x47: {  	_ =	shalt  }
0x48: {  	_ =	shalt  }
0x49: {  	_ =	shalt  }
0x4a: {  	_ =	shalt  }
0x4b: {  	_ =	shalt  }
0x4c: {  	_ =	shalt  }
0x4d: {  	_ =	shalt  }
0x4e: {  	_ =	shalt  }
0x4f: {  	_ =	shalt  }
0x50: {  	_ =	shalt  }
0x51: {  	_ =	shalt  }
0x52: {  	_ =	shalt  }
0x53: {  	_ =	shalt  }
0x54: {  	_ =	shalt  }
0x55: {  	_ =	shalt  }
0x56: {  	_ =	shalt  }
0x57: {  	_ =	shalt  }
0x58: {  	_ =	shalt  }
0x59: {  	_ =	shalt  }
0x5a: {  	_ =	shalt  }
0x5b: {  	_ =	shalt  }
0x5c: {  	_ =	shalt  }
0x5d: {  	_ =	shalt  }
0x5e: {  	_ =	shalt  }
0x5f: {  	_ =	shalt  }
0x60: {  	_ =	shalt  }
0x61: {  	_ =	shalt  }
0x62: {  	_ =	shalt  }
0x63: {  	_ =	shalt  }
0x64: {  	_ =	shalt  }
0x65: {  	_ =	shalt  }
0x66: {  	_ =	shalt  }
0x67: {  	_ =	shalt  }
0x68: {  	_ =	shalt  }
0x69: {  	_ =	shalt  }
0x6a: {  	_ =	shalt  }
0x6b: {  	_ =	shalt  }
0x6c: {  	_ =	shalt  }
0x6d: {  	_ =	shalt  }
0x6e: {  	_ =	shalt  }
0x6f: {  	_ =	shalt  }
0x70: {  	_ =	shalt  }
0x71: {  	_ =	shalt  }
0x72: {  	_ =	shalt  }
0x73: {  	_ =	shalt  }
0x74: {  	_ =	shalt  }
0x75: {  	_ =	shalt  }
0x76: {  	_ =	shalt  }
0x77: {  	_ =	shalt  }
0x78: {  	_ =	shalt  }
0x79: {  	_ =	shalt  }
0x7a: {  	_ =	shalt  }
0x7b: {  	_ =	shalt  }
0x7c: {  	_ =	shalt  }
0x7d: {  	_ =	shalt  }
0x7e: {  	_ =	shalt  }
0x7f: {  	_ =	shalt  }
0x80: {  	_ =	shalt  }
0x81: {  	_ =	shalt  }
0x82: {  	_ =	shalt  }
0x83: {  	_ =	shalt  }
0x84: {  	_ =	shalt  }
0x85: {  	_ =	shalt  }
0x86: {  	_ =	shalt  }
0x87: {  	_ =	shalt  }
.Lfunc_end0:
.L_simem_size_0:
called_computation.4_lowered:
.L_overlay_start_0:
0x88: {  	s2 =	sld [smem:$0x3FD9]  }
0x89: {  	s3 =	sld [smem:$0x3FFE];
	_ =	sdelay $0x1  }
0x8a: {  	s1 =	srdreg.scid  }
0x8b: {  	s0 =	sand.u32 $0x1, s1  }
0x8c: {  	s16 =	sshll.u32 s0, $0xA;
	s2 =	sadd.s32 s3, s2  }
0x8d: {  	s2 =	sadd.s32 s2, s16  }
0x8e: {  	[smem:$0x3FB7] =	sst s2  }
0x8f: {  	_ = 	snop  }
0x90: {  	(tm) =	ssettm $0x1  }
0x91: {  	s17 =	sld [smem:$0x3FFB];
	_ =	sdelay $0x3  }
0x92: {  	_ =	strace s17  }
0x93: {  	s2 =	sld [smem:$0x3FFC];
	_ =	sdelay $0x3  }
0x94: {  	_ =	strace s2  }
0x95: {  	s2 =	sld [smem:$0x3FFD];
	_ =	sdelay $0x3  }
0x96: {  	_ =	strace s2  }
0x97: {  	_ =	strace $0x8FFFFFFF  }
0x98: {  	s18 =	sld [smem:$0x3FDB];
	_ =	sdelay $0x1  }
0x99: {  	s19 =	simm.s32 $_scs_section_size  }
0x9a: {  	s4 =	simm.s32 $_size__tile_overlayer_lowered;
	s5 =	simm.s32 $_tile_overlayer_lowered  }
0x9b: {  	s22 =	simm.s32 $0x1BFF;
	s21 =	sshll.u32 s5, $0x1;
	s2 =	sadd.s32 s19, s18  }
0x9c: {  	s6 =	simm.s32 $0x0;
	s20 =	sshll.u32 s4, $0x1;
	s4 =	sadd.s32 s21, s2  }
0x9d: {  	[timem:s6], [sflag:s22] =	dma.local [hbm:s4], s20  }
0x9e: {  	_ =	swait.ge [sflag:s22], s20  }
0x9f: {  	s3 =	ssub.s32 $0x0, s20;
	[sflag:s22] =	ssyncset.done $0x0  }
0xa0: {  	[sflag:s22] =	ssyncadd.s32 s3;
	_ =	sdelay $0x1  }
0xa1: {  	s23 =	simm.s32 $0x1B8B  }
0xa2: {  	_ =	swait.ge [sflag:s23], $0x1  }
0xa3: {  	[sflag:s23] =	ssyncset.done $0x0  }
0xa4: {  	s25 =	simm.s32 $0x1B8E;
	s24 =	sld [smem:$0x3FFE];
	[sflag:s23] =	ssyncadd.s32 $0xFFFFFFFF  }
0xa5: {  	s26 =	simm.s32 $execute0_lowered;
	[smem:$0x3FD2] =	sst s25  }
0xa6: {  	s4 =	sshll.u32 s26, $0x1;
	_ =	strace $0x80000052;
	[dreg:$0x1] =	wrdreg $0xFFFFFFFF  }
0xa7: {  	s28 =	simm.s32 $_size_execute0_lowered;
	s2 =	sadd.s32 s2, s4;
	[dreg:$0x0] =	wrdreg $0x0  }
0xa8: {  	s4 =	sshll.u32 s28, $0x1;
	[dreg:$0x2] =	wrdreg s2  }
0xa9: {  	[dreg:$0x3] =	wrdreg s4  }
0xaa: {  	[dreg:$0x4] =	wrdreg $0xC0  }
0xab: {  	_ =	task [dreg:s6], $0x5FFFF  }
0xac: {  	[dreg:$0x1] =	wrdreg $0xFFFFFFFF  }
0xad: {  	[dreg:$0x0] =	wrdreg $0x60  }
0xae: {  	[dreg:$0x2] =	wrdreg s24  }
0xaf: {  	[dreg:$0x3] =	wrdreg $0x9  }
0xb0: {  	_ =	task.clear_ibuf [dreg:s6], $0x4FFFF;
	_ =	strace $0x90000052  }
0xb1: {  	s29 =	simm.s32 $0x9;
	_ =	strace $0x80000054  }
0xb2: {  	_ =	swait.ge [sflag:s29], $0x1  }
0xb3: {  	[sflag:s29] =	ssyncadd.s32 $0xFFFFFFFF  }
0xb4: {  	_ =	strace $0x90000054  }
0xb5: {  	_ =	sfence  }
0xb6: {  	s30 =	sld [smem:$0x0];
	_ =	sdelay $0x2  }
0xb7: {  	s31 =	sshll.u32 s1, $0xD;
	s1 =	sshrl.u32 s1, $0x2  }
0xb8: {  	s3 =	sand.u32 $0x4000, s31;
	s1 =	sadd.s32 s1, s30  }
0xb9: {  	s0 =	sor.u32 s3, s0;
	s1 =	sshll.u32 s1, $0x11  }
0xba: {  	s0 =	sor.u32 s1, s0  }
0xbb: {  	s0 =	sadd.s32 $0x8F2B, s0  }
0xbc: {  	[sflag:s0] =	ssyncadd.remote.s32 $0x1  }
0xbd: {  	_ =	sfence.sel $0xFFFF  }
0xbe: {  	[dreg:$0x0] =	wrdreg $0xFFFFFFFF;
	(pc) =	sbr.abs _section_cstart, $3  }
0xbf: {  	[dreg:$0x1] =	wrdreg $0xFFFFFFFF  }
0xc0: {  	_ =	task.clear_ibuf [dreg:s6], $0x2FFFF;
	_ =	strace $0x9FFFFFFF  }
0xc1: {  	(tm) =	ssettm $0x7FFFFFFF  }
tec
execute0_lowered:
.L_overlay_start_1:
0x0: {  	(tag) =	ssettag $0x1  }
0x1: {  	s8 =	rddreg [dreg:$0x0];
	s2 =	simm.s32 $0x0  }
0x2: {  	s1 =	stileid.u32;
	s5 =	srdreg.scid;
	s16 =	simm.s32 $0x2  }
0x3: {  	s17 =	simm.s32 $0x2780;
	s18 =	simm.s32 $0x4F00;
	s19 =	simm.s32 $0x7700  }
0x4: {  	s20 =	simm.s32 $0x7680;
	s21 =	simm.s32 $0x1;
	s22 =	simm.s32 $0x50  }
0x5: {  	s23 =	simm.s32 $0x7780;
	s24 =	simm.s32 $0x9F80;
	s25 =	simm.s32 $0xA000  }
0x6: {  	s26 =	simm.s32 $0xA080;
	s28 =	simm.s32 $0xA100;
	s29 =	simm.s32 $0x0  }
0x7: {  	[smem:$0x7FF] =	sst s2;
	s3 =	sadd.s32 $0xBCE00, s8;
	s9 =	smul.u32 $0xA00, s1  }
0x8: {  	s4 =	sadd.s32 $0xE4000, s8;
	s10 =	smul.u32 $0x14, s1;
	s11 =	sand.u32 $0x1, s5  }
0x9: {  	s5 =	sadd.s32 $0x5F7200, s8;
	s6 =	sadd.s32 $0x12A00, s8;
	s7 =	sadd.s32 $0x12400, s8  }
0xa: {  	_ =	strace $0x80000053;
	s12 =	smul.u32 $0x500, s11;
	s13 =	ssub.s32 $0x2, s11  }
0xb: {  	s11 =	smul.u32 $0xA, s11;
	s9 =	sadd.s32 s9, s8;
	s31 =	sshrl.u32 s13, $0x1  }
0xc: {  	s8 =	sadd.s32 s10, s8;
	s10 =	ssub.s32 s13, s31;
	s9 =	sadd.s32 s12, s9  }
0xd: {  	s15 =	sadd.s32 s11, s8;
	s8 =	smax.u32 s10, $0x1;
	s9 =	sadd.s32 $0x5F9200, s9  }
0xe: {  	s10 =	sadd.s32 $0x1DA00, s15;
	s11 =	sadd.s32 $0x13C00, s15;
	s12 =	sadd.s32 $0x4F200, s15  }
0xf: {  	s13 =	sadd.s32 $0x59000, s15;
	s14 =	sadd.s32 $0x62E00, s15;
	s15 =	sadd.s32 $0x110000, s15  }
.LBB2_1:
0x10: {  	[tilespmem:s2], [sflag:$0x2] =	stream.linear.gather [hbm4b:s5+s2], $0x2780, $0x38;
	[tilespmem:$0xA180] =	vst v63  }
0x11: {  	_ =	swait.ge [sflag:s16], $0x2780  }
0x12: {  	[sflag:s16] =	ssyncset.done $0x0  }
0x13: {  	[sflag:s16] =	ssyncadd.s32 $0xFFFFD880  }
0x14: {  	[tilespmem:s17], [sflag:$0x2] =	stream.linear.gather [hbm4b:s6+s2], $0x2780, $0x38;
	[tilespmem:$0xA180] =	vst v63  }
0x15: {  	_ =	swait.ge [sflag:s16], $0x2780  }
0x16: {  	[sflag:s16] =	ssyncset.done $0x0  }
0x17: {  	[sflag:s16] =	ssyncadd.s32 $0xFFFFD880  }
0x18: {  	[tilespmem:s18], [sflag:$0x2] =	stream.linear.gather [hbm4b:s7+s2], $0x2780, $0x38;
	[tilespmem:$0xA180] =	vst v63  }
0x19: {  	_ =	swait.ge [sflag:s16], $0x2780  }
0x1a: {  	[sflag:s16] =	ssyncset.done $0x0  }
0x1b: {  	s30 =	smov.u32 s9;
	s31 =	simm.s32 $0x0;
	[sflag:s16] =	ssyncadd.s32 $0xFFFFD880  }
.LBB2_2:
0x1c: {  	s0 =	sadd.s32 s31, s10  }
0x1d: {  	[tilespmem:s19], [sflag:$0x1] =	stream.linear.gather [hbm4b:s0+s2], $0x50, $0x38;
	[tilespmem:$0xA180] =	vst v63  }
0x1e: {  	s0 =	sadd.s32 s31, s11  }
0x1f: {  	[tilespmem:s20], [sflag:$0x1] =	stream.linear.gather [hbm4b:s0+s2], $0x50, $0x38;
	[tilespmem:$0xA180] =	vst v63  }
0x20: {  	_ =	swait.ge [sflag:s21], $0x50  }
0x21: {  	[sflag:s21] =	ssyncset.done $0x0  }
0x22: {  	[sflag:s21] =	ssyncadd.s32 $0xFFFFFFB0  }
0x23: {  	_ =	swait.ge [sflag:s21], $0x50  }
0x24: {  	[sflag:s21] =	ssyncset.done $0x0  }
0x25: {  	[sflag:s21] =	ssyncadd.s32 $0xFFFFFFB0  }
0x26: {  	[tilespmem:s23], [sflag:$0x1] =	stream.indirect.gather [hbm4b:s3+s22], $0x80, s19, s22, $0xb8;
	[tilespmem:$0xA180] =	vst v63  }
0x27: {  	v0 =	vld [tilespmem:$0x7700]  }
0x28: {  	v1 =	vld [tilespmem:$0x7680];
	_ =	sdelay $0x6  }
0x29: {  	v2 =	vld.idx.msk [tilespmem:v0+s2+$0x0], $0xffff  }
0x2a: {  	v3 =	vld.idx.msk [tilespmem:v1+s2+$0x0], $0xffff  }
0x2b: {  	v4 =	vld.idx.msk [tilespmem:v0+s17+$0x0], $0xffff  }
0x2c: {  	v5 =	vld.idx.msk [tilespmem:v1+s17+$0x0], $0xffff  }
0x2d: {  	v0 =	vld.idx.msk [tilespmem:v0+s18+$0x0], $0xffff  }
0x2e: {  	v1 =	vld.idx.msk [tilespmem:v1+s18+$0x0], $0xffff;
	_ =	sdelay $0x2  }
0x2f: {  	v2 =	vsub.f32 v2, v3;
	v27 =	vsub.f32 v4, v5  }
0x30: {  	v28 =	vld [tilespmem:$0x7710]  }
0x31: {  	v6 =	vld [tilespmem:$0x7690];
	v0 =	vsub.f32 v0, v1;
	v29 =	vmul.f32 v2, v2;
	v5 =	vmul.f32 v27, v27;
	_ =	sdelay $0x1  }
0x32: {  	v30 =	vmul.f32 v0, v0;
	v1 =	vadd.f32 v5, v29  }
0x33: {  	[tilespmem:$0x9F80] =	vst v2  }
0x34: {  	[tilespmem:$0xA000] =	vst v27;
	v1 =	vadd.f32 v30, v1  }
0x35: {  	[tilespmem:$0xA080] =	vst v0  }
0x36: {  	[tilespmem:$0xA100] =	vst v1  }
0x37: {  	v0 =	vld.idx.msk [tilespmem:v28+s2+$0x0], $0xffff  }
0x38: {  	v1 =	vld.idx.msk [tilespmem:v6+s2+$0x0], $0xffff  }
0x39: {  	v2 =	vld.idx.msk [tilespmem:v28+s17+$0x0], $0xffff  }
0x3a: {  	v3 =	vld.idx.msk [tilespmem:v6+s17+$0x0], $0xffff  }
0x3b: {  	v4 =	vld.idx.msk [tilespmem:v28+s18+$0x0], $0xffff  }
0x3c: {  	v31 =	vld.idx.msk [tilespmem:v6+s18+$0x0], $0xffff;
	_ =	sdelay $0x2  }
0x3d: {  	v0 =	vsub.f32 v0, v1;
	v32 =	vsub.f32 v2, v3  }
0x3e: {  	v33 =	vld [tilespmem:$0x7720]  }
0x3f: {  	v37 =	vld [tilespmem:$0x76A0];
	v34 =	vsub.f32 v4, v31;
	v35 =	vmul.f32 v0, v0;
	v36 =	vmul.f32 v32, v32;
	_ =	sdelay $0x1  }
0x40: {  	v38 =	vmul.f32 v34, v34;
	v4 =	vadd.f32 v36, v35  }
0x41: {  	[tilespmem:$0x9F90] =	vst v0  }
0x42: {  	[tilespmem:$0xA010] =	vst v32;
	v39 =	vadd.f32 v38, v4  }
0x43: {  	[tilespmem:$0xA090] =	vst v34  }
0x44: {  	[tilespmem:$0xA110] =	vst v39  }
0x45: {  	v0 =	vld.idx.msk [tilespmem:v33+s2+$0x0], $0xffff  }
0x46: {  	v1 =	vld.idx.msk [tilespmem:v37+s2+$0x0], $0xffff  }
0x47: {  	v3 =	vld.idx.msk [tilespmem:v33+s17+$0x0], $0xffff  }
0x48: {  	v40 =	vld.idx.msk [tilespmem:v37+s17+$0x0], $0xffff  }
0x49: {  	v2 =	vld.idx.msk [tilespmem:v33+s18+$0x0], $0xffff  }
0x4a: {  	v41 =	vld.idx.msk [tilespmem:v37+s18+$0x0], $0xffff;
	_ =	sdelay $0x2  }
0x4b: {  	v0 =	vsub.f32 v0, v1;
	v42 =	vsub.f32 v3, v40  }
0x4c: {  	v43 =	vld [tilespmem:$0x7730]  }
0x4d: {  	v46 =	vld [tilespmem:$0x76B0];
	v2 =	vsub.f32 v2, v41;
	v44 =	vmul.f32 v0, v0;
	v45 =	vmul.f32 v42, v42;
	_ =	sdelay $0x1  }
0x4e: {  	v47 =	vmul.f32 v2, v2;
	v4 =	vadd.f32 v45, v44  }
0x4f: {  	[tilespmem:$0x9FA0] =	vst v0  }
0x50: {  	[tilespmem:$0xA020] =	vst v42;
	v48 =	vadd.f32 v47, v4  }
0x51: {  	[tilespmem:$0xA0A0] =	vst v2  }
0x52: {  	[tilespmem:$0xA120] =	vst v48  }
0x53: {  	v0 =	vld.idx.msk [tilespmem:v43+s2+$0x0], $0xffff  }
0x54: {  	v1 =	vld.idx.msk [tilespmem:v46+s2+$0x0], $0xffff  }
0x55: {  	v2 =	vld.idx.msk [tilespmem:v43+s17+$0x0], $0xffff  }
0x56: {  	v49 =	vld.idx.msk [tilespmem:v46+s17+$0x0], $0xffff  }
0x57: {  	v3 =	vld.idx.msk [tilespmem:v43+s18+$0x0], $0xffff  }
0x58: {  	v50 =	vld.idx.msk [tilespmem:v46+s18+$0x0], $0xffff;
	_ =	sdelay $0x2  }
0x59: {  	v0 =	vsub.f32 v0, v1;
	v51 =	vsub.f32 v2, v49  }
0x5a: {  	v52 =	vld [tilespmem:$0x7740]  }
0x5b: {  	v55 =	vld [tilespmem:$0x76C0];
	v3 =	vsub.f32 v3, v50;
	v53 =	vmul.f32 v0, v0;
	v54 =	vmul.f32 v51, v51;
	_ =	sdelay $0x1  }
0x5c: {  	v56 =	vmul.f32 v3, v3;
	v4 =	vadd.f32 v54, v53  }
0x5d: {  	[tilespmem:$0x9FB0] =	vst v0  }
0x5e: {  	[tilespmem:$0xA030] =	vst v51;
	v57 =	vadd.f32 v56, v4  }
0x5f: {  	[tilespmem:$0xA0B0] =	vst v3  }
0x60: {  	[tilespmem:$0xA130] =	vst v57  }
0x61: {  	v0 =	vld.idx.msk [tilespmem:v52+s2+$0x0], $0xffff  }
0x62: {  	v1 =	vld.idx.msk [tilespmem:v55+s2+$0x0], $0xffff  }
0x63: {  	v3 =	vld.idx.msk [tilespmem:v52+s17+$0x0], $0xffff  }
0x64: {  	v58 =	vld.idx.msk [tilespmem:v55+s17+$0x0], $0xffff  }
0x65: {  	v2 =	vld.idx.msk [tilespmem:v52+s18+$0x0], $0xffff  }
0x66: {  	v59 =	vld.idx.msk [tilespmem:v55+s18+$0x0], $0xffff;
	_ =	sdelay $0x2  }
0x67: {  	v0 =	vsub.f32 v0, v1;
	v60 =	vsub.f32 v3, v58;
	_ =	sdelay $0x1  }
0x68: {  	v2 =	vsub.f32 v2, v59;
	v61 =	vmul.f32 v0, v0;
	v4 =	vmul.f32 v60, v60;
	_ =	sdelay $0x1  }
0x69: {  	v62 =	vmul.f32 v2, v2;
	v3 =	vadd.f32 v4, v61  }
0x6a: {  	[tilespmem:$0x9FC0] =	vst v0  }
0x6b: {  	[tilespmem:$0xA040] =	vst v60;
	v63 =	vadd.f32 v62, v3  }
0x6c: {  	[tilespmem:$0xA0C0] =	vst v2  }
0x6d: {  	[tilespmem:$0xA140] =	vst v63  }
0x6e: {  	_ =	swait.ge [sflag:s21], $0x2800  }
0x6f: {  	[sflag:s21] =	ssyncset.done $0x0  }
0x70: {  	[sflag:s21] =	ssyncadd.s32 $0xFFFFD800  }
0x71: {  	[tilespmem:s23], [sflag:$0x1] =	stream.indirect.gather.add.f32 [hbm:s4], $0x80, s20, s22, $0xb8;
	[tilespmem:$0xA180] =	vst v63  }
0x72: {  	_ =	swait.ge [sflag:s21], $0x2800  }
0x73: {  	[sflag:s21] =	ssyncset.done $0x0  }
0x74: {  	[sflag:s21] =	ssyncadd.s32 $0xFFFFD800  }
0x75: {  	[hbm4b:s30+s2] =	stream.linear.scatter [tilespmem:s23], [sflag:$0x1], $0x2800, $0x38;
	[tilespmem:$0xA180] =	vst v63  }
0x76: {  	s0 =	sadd.s32 s31, s12  }
0x77: {  	[hbm4b:s0+s2] =	stream.linear.scatter [tilespmem:s24], [sflag:$0x1], $0x50, $0x38;
	[tilespmem:$0xA180] =	vst v63  }
0x78: {  	s0 =	sadd.s32 s31, s13  }
0x79: {  	[hbm4b:s0+s2] =	stream.linear.scatter [tilespmem:s25], [sflag:$0x1], $0x50, $0x38;
	[tilespmem:$0xA180] =	vst v63  }
0x7a: {  	s0 =	sadd.s32 s31, s14  }
0x7b: {  	[hbm4b:s0+s2] =	stream.linear.scatter [tilespmem:s26], [sflag:$0x1], $0x50, $0x38;
	[tilespmem:$0xA180] =	vst v63  }
0x7c: {  	s0 =	sadd.s32 s31, s15  }
0x7d: {  	[hbm4b:s0+s2] =	stream.linear.scatter [tilespmem:s28], [sflag:$0x1], $0x50, $0x38;
	[tilespmem:$0xA180] =	vst v63  }
0x7e: {  	_ =	swait.ge [sflag:s21], $0x2800  }
0x7f: {  	[sflag:s21] =	ssyncset.done $0x0  }
0x80: {  	[sflag:s21] =	ssyncadd.s32 $0xFFFFD800  }
0x81: {  	_ =	swait.ge [sflag:s21], $0x50  }
0x82: {  	[sflag:s21] =	ssyncset.done $0x0  }
0x83: {  	[sflag:s21] =	ssyncadd.s32 $0xFFFFFFB0  }
0x84: {  	_ =	swait.ge [sflag:s21], $0x50  }
0x85: {  	[sflag:s21] =	ssyncset.done $0x0  }
0x86: {  	[sflag:s21] =	ssyncadd.s32 $0xFFFFFFB0  }
0x87: {  	p0 =	sne.s32 s31, $0x9B00;
	_ =	swait.ge [sflag:s21], $0x50  }
.Ltmp0:
0x88: {  	[sflag:s21] =	ssyncset.done $0x0;
	(pc) =	sbr.rel @p0 .LBB2_2-.Ltmp0, $4  }
0x89: {  	[sflag:s21] =	ssyncadd.s32 $0xFFFFFFB0  }
0x8a: {  	_ =	swait.ge [sflag:s21], $0x50  }
0x8b: {  	[sflag:s21] =	ssyncset.done $0x0  }
0x8c: {  	s30 =	sadd.s32 $0xA000, s30;
	s31 =	sadd.s32 $0x140, s31;
	[sflag:s21] =	ssyncadd.s32 $0xFFFFFFB0  }
0x8d: {  	s29 =	sadd.s32 $0x1, s29  }
0x8e: {  	p0 =	sne.s32 s29, s8  }
.Ltmp1:
0x8f: {  	_ = 	snop;
	(pc) =	sbr.rel @p0 .LBB2_1-.Ltmp1, $1  }
0x90: {  	_ =	sdelay $0x3  }
0x91: {  	_ =	sfence.sel $0x180000  }
0x92: {  	[bflag:$0x0] =	sbarrier.arrive $0xFFFF  }
0x93: {  	_ =	strace $0x90000053  }
0x94: {  	[bflag:$0x2] =	sbarrier.arrive $0xFFFF  }
0x95: {  	p0 =	sne.s32 s1, $0x0;
	s0 =	rddreg [dreg:$0x1]  }
0x96: {  	s0 =	sadd.s32 @!p0 $0x100000, s0  }
0x97: {  	[sflag:s0] =	ssyncadd.tile.s32 @!p0 $0x1;
	_ =	shalt  }
.Lfunc_end2:
_tile_overlayer_lowered:
.L_overlay_start_2:
0x98: {  	(tag) =	ssettag $0x2  }
0x99: {  	s0 =	rddreg [dreg:$0x0];
	s2 =	stileid.u32  }
0x9a: {  	s1 =	rddreg [dreg:$0x1];
	p0 =	sne.s32 s2, $0x0  }
0x9b: {  	s3 =	rddreg [dreg:$0x2];
	[bflag:$0x3] =	sbarrier.arrive $0xFFFF;
	s2 =	simm.s32 @!p0 $0x1C02  }
0x9c: {  	[timem:s3], [sflag:s2] =	dma.local @!p0 [hbm:s0], s1  }
0x9d: {  	s0 =	simm.s32 @!p0 $0x2  }
0x9e: {  	_ =	swait.ge @!p0 [sflag:s0], s1  }
0x9f: {  	s1 =	ssub.s32 @!p0 $0x0, s1;
	[sflag:s0] =	ssyncset.done @!p0 $0x0  }
0xa0: {  	[sflag:s0] =	ssyncadd.s32 @!p0 s1  }
0xa1: {  	[bflag:$0x3] =	sbarrier.arrive $0xFFFF  }
0xa2: {  	_ =	shalt  }

// kernel: kernel.33.cloned.1.call-start
scs
__scs_entry_jumppad:
0x0: {  	(pc) =	sbr.rel $0x88, $3  }
0x1: {  	(tag) =	ssettag $0x0;
	lr =	simm.s32 $0x1  }
0x2: {  	[smem:$0x3F90] =	sst lr;
	_ =	strace $0xD0000000  }
0x3: {  	_ = 	snop  }
0x4: {  	_ = 	snop  }
0x5: {  	_ = 	snop  }
0x6: {  	_ = 	snop  }
0x7: {  	_ = 	snop  }
__scs_overlays_trampoline_lowered:
0x8: {  	[smem:$0x3F9F] =	sst s0  }
0x9: {  	[smem:$0x3FA0] =	sst s1  }
0xa: {  	[smem:$0x3FA1] =	sst s2  }
0xb: {  	[smem:$0x3FA2] =	sst s3  }
0xc: {  	[smem:$0x3FA3] =	sst s4  }
0xd: {  	[smem:$0x3FA4] =	sst s5  }
0xe: {  	[smem:$0x3FA5] =	sst s6  }
0xf: {  	[smem:$0x3FA6] =	sst s7  }
0x10: {  	[smem:$0x3FA7] =	sst s8  }
0x11: {  	[smem:$0x3FA8] =	sst s9;
	s0 =	simm.s32 @!p0 $0x0  }
0x12: {  	s1 =	sld [smem:$0x3F8E];
	s0 =	simm.s32 @p0 $0x1  }
0x13: {  	[smem:$0x3FA9] =	sst s0;
	s0 =	simm.s32 @!p1 $0x0  }
0x14: {  	s2 =	sld [smem:$0x3F8D];
	s0 =	simm.s32 @p1 $0x1  }
0x15: {  	[smem:$0x3FAA] =	sst s0;
	s0 =	simm.s32 @!p2 $0x0  }
0x16: {  	s3 =	sld [smem:$0x3FDB];
	s0 =	simm.s32 @p2 $0x1  }
0x17: {  	s4 =	simm.s32 $0x1BF5;
	[smem:$0x3FAC] =	sst s0  }
0x18: {  	s0 =	sld [smem:$0x3F8F];
	_ =	swait.ge [sflag:s4], $0x0  }
0x19: {  	s7 =	sld [smem:$0x3F90]  }
0x1a: {  	s8 =	sadd.s32 $0xFFFFE003, lr  }
0x1b: {  	s9 =	sadd.s32 $0xFFFFFEF7, lr;
	s5 =	simm.s32 $0xFFFFFFFF;
	p2 =	slt.u32 s8, $0xFFFFF086  }
0x1c: {  	p1 =	slt.u32 s9, $0xF7A;
	s5 =	simm.s32 @!p2 $0x0  }
0x1d: {  	s5 =	simm.s32 @p1 $0x1;
	p0 =	seq.s32 s7, s2  }
0x1e: {  	s7 =	smul.u32 @!p0 $0xF7A, s2;
	p2 =	seq.s32 @!p0 s5, $0x0  }
0x1f: {  	s9 =	smul.u32 $0xF7A, s1;
	s8 =	simm.s32 @!p0 $0x1BF5;
	p2 =	por !p2, p0  }
0x20: {  	[sflag:s8] =	ssyncset.s32 @!p0 $0xFFFFF086;
	s6 =	sadd.s32 @!p0 s3, s7;
	s7 =	simm.s32 @!p0 $0x108  }
0x21: {  	s3 =	sadd.s32 s3, s9;
	s6 =	sadd.s32 @!p0 $0x88, s6;
	s7 =	simm.s32 @p2 $0x1082  }
0x22: {  	[simem:s7], [sflag:s8] =	dma.local @!p0 [hbm:s6], $0xF7A  }
0x23: {  	s9 =	sor.u32 $0xD0000000, s2;
	s6 =	simm.s32 $0x108;
	_ =	swait.ge @!p0 [sflag:s8], $0x0  }
0x24: {  	s3 =	sadd.s32 $0x88, s3;
	s6 =	simm.s32 @!p1 $0x1082;
	[sflag:s4] =	ssyncset.s32 $0xFFFFF086  }
0x25: {  	[simem:s6], [sflag:s4] =	dma.local [hbm:s3], $0xF7A  }
0x26: {  	[smem:$0x3F90] =	sst s1;
	(tag) =	ssettag s2;
	_ =	strace s9  }
0x27: {  	s1 =	sld [smem:$0x3FA0]  }
0x28: {  	s2 =	sld [smem:$0x3FA1]  }
0x29: {  	s4 =	sld [smem:$0x3FA3]  }
0x2a: {  	p0 =	seq.s32 s5, $0x0;
	s5 =	sld [smem:$0x3FA4]  }
0x2b: {  	s6 =	sld [smem:$0x3FA5]  }
0x2c: {  	s7 =	sld [smem:$0x3FA6]  }
0x2d: {  	s3 =	simm.s32 $0x108;
	s8 =	sld [smem:$0x3FA7]  }
0x2e: {  	s3 =	simm.s32 @!p0 $0x1082;
	s9 =	sld [smem:$0x3FA8]  }
0x2f: {  	lr =	sadd.s32 s0, s3;
	s0 =	sld [smem:$0x3F9F]  }
0x30: {  	s3 =	sld [smem:$0x3FA2]  }
0x31: {  	[smem:$0x3FAB] =	sst s10  }
0x32: {  	s10 =	sld [smem:$0x3FA9];
	_ =	sdelay $0x3  }
0x33: {  	p0 =	seq.s32 s10, $0x1;
	s10 =	sld [smem:$0x3FAB];
	_ =	sdelay $0x3  }
0x34: {  	[smem:$0x3FAB] =	sst s10  }
0x35: {  	s10 =	sld [smem:$0x3FAA];
	_ =	sdelay $0x3  }
0x36: {  	p1 =	seq.s32 s10, $0x1;
	s10 =	sld [smem:$0x3FAB];
	_ =	sdelay $0x3  }
0x37: {  	[smem:$0x3FAB] =	sst s10  }
0x38: {  	s10 =	sld [smem:$0x3FAC]  }
0x39: {  	_ = 	snop;
	(pc) =	sbr.ind lr, $3  }
0x3a: {  	_ = 	snop  }
0x3b: {  	_ = 	snop  }
0x3c: {  	p2 =	seq.s32 s10, $0x1;
	s10 =	sld [smem:$0x3FAB]  }
0x3d: {  	_ =	shalt  }
0x3e: {  	_ =	shalt  }
0x3f: {  	_ =	shalt  }
0x40: {  	_ =	shalt  }
0x41: {  	_ =	shalt  }
0x42: {  	_ =	shalt  }
0x43: {  	_ =	shalt  }
0x44: {  	_ =	shalt  }
0x45: {  	_ =	shalt  }
0x46: {  	_ =	shalt  }
0x47: {  	_ =	shalt  }
0x48: {  	_ =	shalt  }
0x49: {  	_ =	shalt  }
0x4a: {  	_ =	shalt  }
0x4b: {  	_ =	shalt  }
0x4c: {  	_ =	shalt  }
0x4d: {  	_ =	shalt  }
0x4e: {  	_ =	shalt  }
0x4f: {  	_ =	shalt  }
0x50: {  	_ =	shalt  }
0x51: {  	_ =	shalt  }
0x52: {  	_ =	shalt  }
0x53: {  	_ =	shalt  }
0x54: {  	_ =	shalt  }
0x55: {  	_ =	shalt  }
0x56: {  	_ =	shalt  }
0x57: {  	_ =	shalt  }
0x58: {  	_ =	shalt  }
0x59: {  	_ =	shalt  }
0x5a: {  	_ =	shalt  }
0x5b: {  	_ =	shalt  }
0x5c: {  	_ =	shalt  }
0x5d: {  	_ =	shalt  }
0x5e: {  	_ =	shalt  }
0x5f: {  	_ =	shalt  }
0x60: {  	_ =	shalt  }
0x61: {  	_ =	shalt  }
0x62: {  	_ =	shalt  }
0x63: {  	_ =	shalt  }
0x64: {  	_ =	shalt  }
0x65: {  	_ =	shalt  }
0x66: {  	_ =	shalt  }
0x67: {  	_ =	shalt  }
0x68: {  	_ =	shalt  }
0x69: {  	_ =	shalt  }
0x6a: {  	_ =	shalt  }
0x6b: {  	_ =	shalt  }
0x6c: {  	_ =	shalt  }
0x6d: {  	_ =	shalt  }
0x6e: {  	_ =	shalt  }
0x6f: {  	_ =	shalt  }
0x70: {  	_ =	shalt  }
0x71: {  	_ =	shalt  }
0x72: {  	_ =	shalt  }
0x73: {  	_ =	shalt  }
0x74: {  	_ =	shalt  }
0x75: {  	_ =	shalt  }
0x76: {  	_ =	shalt  }
0x77: {  	_ =	shalt  }
0x78: {  	_ =	shalt  }
0x79: {  	_ =	shalt  }
0x7a: {  	_ =	shalt  }
0x7b: {  	_ =	shalt  }
0x7c: {  	_ =	shalt  }
0x7d: {  	_ =	shalt  }
0x7e: {  	_ =	shalt  }
0x7f: {  	_ =	shalt  }
0x80: {  	_ =	shalt  }
0x81: {  	_ =	shalt  }
0x82: {  	_ =	shalt  }
0x83: {  	_ =	shalt  }
0x84: {  	_ =	shalt  }
0x85: {  	_ =	shalt  }
0x86: {  	_ =	shalt  }
0x87: {  	_ =	shalt  }
.Lfunc_end0:
.L_simem_size_0:
called_computation.5_lowered:
.L_overlay_start_0:
0x88: {  	s2 =	sld [smem:$0x3FD9]  }
0x89: {  	s3 =	sld [smem:$0x3FFE];
	_ =	sdelay $0x1  }
0x8a: {  	s1 =	srdreg.scid  }
0x8b: {  	s0 =	sand.u32 $0x1, s1  }
0x8c: {  	s16 =	sshll.u32 s0, $0xA;
	s2 =	sadd.s32 s3, s2  }
0x8d: {  	s2 =	sadd.s32 s2, s16  }
0x8e: {  	[smem:$0x3FB7] =	sst s2  }
0x8f: {  	_ = 	snop  }
0x90: {  	(tm) =	ssettm $0x1  }
0x91: {  	s17 =	sld [smem:$0x3FFB];
	_ =	sdelay $0x3  }
0x92: {  	_ =	strace s17  }
0x93: {  	s2 =	sld [smem:$0x3FFC];
	_ =	sdelay $0x3  }
0x94: {  	_ =	strace s2  }
0x95: {  	s2 =	sld [smem:$0x3FFD];
	_ =	sdelay $0x3  }
0x96: {  	_ =	strace s2  }
0x97: {  	_ =	strace $0x8FFFFFFF  }
0x98: {  	s18 =	sld [smem:$0x3FDB];
	_ =	sdelay $0x1  }
0x99: {  	s19 =	simm.s32 $_scs_section_size  }
0x9a: {  	s4 =	simm.s32 $_size__tile_overlayer_lowered;
	s5 =	simm.s32 $_tile_overlayer_lowered  }
0x9b: {  	s22 =	simm.s32 $0x1BFF;
	s21 =	sshll.u32 s5, $0x1;
	s2 =	sadd.s32 s19, s18  }
0x9c: {  	s6 =	simm.s32 $0x0;
	s20 =	sshll.u32 s4, $0x1;
	s4 =	sadd.s32 s21, s2  }
0x9d: {  	[timem:s6], [sflag:s22] =	dma.local [hbm:s4], s20  }
0x9e: {  	_ =	swait.ge [sflag:s22], s20  }
0x9f: {  	s3 =	ssub.s32 $0x0, s20;
	[sflag:s22] =	ssyncset.done $0x0  }
0xa0: {  	[sflag:s22] =	ssyncadd.s32 s3;
	_ =	sdelay $0x1  }
0xa1: {  	s23 =	simm.s32 $0x1B8B  }
0xa2: {  	_ =	swait.ge [sflag:s23], $0x1  }
0xa3: {  	[sflag:s23] =	ssyncset.done $0x0  }
0xa4: {  	s25 =	simm.s32 $0x1B8E;
	s24 =	sld [smem:$0x3FFE];
	[sflag:s23] =	ssyncadd.s32 $0xFFFFFFFF  }
0xa5: {  	s26 =	simm.s32 $execute0_lowered;
	[smem:$0x3FD2] =	sst s25  }
0xa6: {  	s4 =	sshll.u32 s26, $0x1;
	_ =	strace $0x80000055;
	[dreg:$0x1] =	wrdreg $0xFFFFFFFF  }
0xa7: {  	s28 =	simm.s32 $_size_execute0_lowered;
	s2 =	sadd.s32 s2, s4;
	[dreg:$0x0] =	wrdreg $0x0  }
0xa8: {  	s4 =	sshll.u32 s28, $0x1;
	[dreg:$0x2] =	wrdreg s2  }
0xa9: {  	[dreg:$0x3] =	wrdreg s4  }
0xaa: {  	[dreg:$0x4] =	wrdreg $0xC0  }
0xab: {  	_ =	task [dreg:s6], $0x5FFFF  }
0xac: {  	[dreg:$0x1] =	wrdreg $0xFFFFFFFF  }
0xad: {  	[dreg:$0x0] =	wrdreg $0x60  }
0xae: {  	[dreg:$0x2] =	wrdreg s24  }
0xaf: {  	[dreg:$0x3] =	wrdreg $0x40000  }
0xb0: {  	[dreg:$0x4] =	wrdreg $0x178800  }
0xb1: {  	[dreg:$0x5] =	wrdreg $0x9  }
0xb2: {  	_ =	task.clear_ibuf [dreg:s6], $0x6FFFF;
	_ =	strace $0x90000055  }
0xb3: {  	s29 =	simm.s32 $0x9;
	_ =	strace $0x80000057  }
0xb4: {  	_ =	swait.ge [sflag:s29], $0x1  }
0xb5: {  	[sflag:s29] =	ssyncadd.s32 $0xFFFFFFFF  }
0xb6: {  	_ =	strace $0x90000057  }
0xb7: {  	_ =	sfence  }
0xb8: {  	s30 =	sld [smem:$0x0];
	_ =	sdelay $0x2  }
0xb9: {  	s31 =	sshll.u32 s1, $0xD;
	s1 =	sshrl.u32 s1, $0x2  }
0xba: {  	s3 =	sand.u32 $0x4000, s31;
	s1 =	sadd.s32 s1, s30  }
0xbb: {  	s0 =	sor.u32 s3, s0;
	s1 =	sshll.u32 s1, $0x11  }
0xbc: {  	s0 =	sor.u32 s1, s0  }
0xbd: {  	s0 =	sadd.s32 $0x8F2B, s0  }
0xbe: {  	[sflag:s0] =	ssyncadd.remote.s32 $0x1  }
0xbf: {  	_ =	sfence.sel $0xFFFF  }
0xc0: {  	[dreg:$0x0] =	wrdreg $0xFFFFFFFF;
	(pc) =	sbr.abs _section_cstart, $3  }
0xc1: {  	[dreg:$0x1] =	wrdreg $0xFFFFFFFF  }
0xc2: {  	_ =	task.clear_ibuf [dreg:s6], $0x2FFFF;
	_ =	strace $0x9FFFFFFF  }
0xc3: {  	(tm) =	ssettm $0x7FFFFFFF  }
tec
execute0_lowered:
.L_overlay_start_1:
0x0: {  	(tag) =	ssettag $0x1  }
0x1: {  	s0 =	rddreg [dreg:$0x0]  }
0x2: {  	s2 =	rddreg [dreg:$0x1]  }
0x3: {  	s20 =	stileid.u32;
	s3 =	rddreg [dreg:$0x2]  }
0x4: {  	s4 =	simm.s32 $0x0;
	s6 =	srdreg.scid;
	s1 =	smul.u32 $0xA00, s20  }
0x5: {  	s28 =	simm.s32 $0x50;
	s29 =	simm.s32 $0x80;
	s5 =	smul.u32 $0x14, s20  }
0x6: {  	s30 =	simm.s32 $0x100;
	s31 =	simm.s32 $0x180;
	s7 =	smul.u32 $0x2700, s20  }
0x7: {  	[smem:$0x7FF] =	sst s4;
	s8 =	smul.u32 $0x1388, s20;
	s9 =	sand.u32 $0x1, s6  }
0x8: {  	s12 =	smul.u32 $0x4E000, s20;
	s13 =	sadd.s32 $0xBCE00, s0;
	s17 =	sshll.u32 s20, $0x6  }
0x9: {  	s21 =	sadd.s32 $0x138000, s2;
	p0 =	sne.s32 s20, $0xF;
	s6 =	smul.u32 $0x9C40, s9  }
0xa: {  	_ =	strace $0x80000056;
	s14 =	ssub.s32 $0x2, s9;
	s18 =	smul.u32 $0x138800, s9  }
0xb: {  	s22 =	smul.u32 $0x27100, s9;
	p2 =	sgt.u32 @p0 s20, $0x7;
	s20 =	simm.s32 $0x2  }
0xc: {  	s21 =	sshrl.u32 @!p0 s21, $0x3;
	s1 =	sadd.s32 s1, s0;
	s5 =	sadd.s32 s5, s0  }
0xd: {  	s10 =	sadd.s32 s7, s0;
	s11 =	sshrl.u32 s8, $0x3;
	s16 =	sshrl.u32 s14, $0x1  }
0xe: {  	s12 =	sshrl.u32 s12, $0x2;
	p1 =	por p2, !p0;
	p2 =	por !p2, !p0  }
0xf: {  	s11 =	sadd.s32 s11, s0;
	s6 =	sadd.s32 s8, s6;
	s14 =	ssub.s32 s14, s16  }
0x10: {  	s19 =	sadd.s32 s12, s2;
	s10 =	sadd.s32 $0x6D600, s10;
	s8 =	sadd.s32 s8, s3  }
0x11: {  	s16 =	smul.u32 $0x500, s9;
	s7 =	sadd.s32 s7, s22;
	s22 =	simm.s32 $0x1  }
0x12: {  	s6 =	sshrl.u32 s6, $0x3;
	[dreg:$0x4] =	wrdreg s10;
	s11 =	sadd.s32 $0x94800, s11  }
0x13: {  	s10 =	sshrl.u32 s18, $0x3;
	s24 =	sadd.s32 s13, s7;
	s19 =	sshrl.u32 s19, $0x3  }
0x14: {  	s15 =	sadd.s32 s6, s0;
	s6 =	sor.u32 $0x1C02, s17;
	[dreg:$0x5] =	wrdreg s11  }
0x15: {  	s23 =	sadd.s32 s13, s10;
	s17 =	smul.u32 $0xA, s9;
	s0 =	sadd.s32 $0x94600, s0  }
0x16: {  	[dreg:$0x7] =	wrdreg s24;
	s25 =	sadd.s32 s16, s1;
	s13 =	smax.u32 s14, $0x1  }
0x17: {  	s24 =	simm.s32 $0x2A00;
	s1 =	simm.s32 $0x2B80;
	[dreg:$0x6] =	wrdreg s0  }
0x18: {  	s11 =	sadd.s32 $0x27000, s23;
	s12 =	sadd.s32 $0x62E00, s15;
	s7 =	sadd.s32 $0x110000, s25  }
0x19: {  	s23 =	simm.s32 $0x200;
	s25 =	simm.s32 $0x2A80;
	s26 =	sadd.s32 s17, s5  }
0x1a: {  	s0 =	simm.s32 $0x0;
	s15 =	sadd.s32 $0x1DA00, s26;
	s16 =	sadd.s32 $0x12400, s26  }
0x1b: {  	v0 =	vimm.f32 $1.000000000e+00;
	s17 =	sadd.s32 $0x4F200, s26;
	s18 =	sadd.s32 $0x59000, s26;
	s26 =	simm.s32 $0x2B00  }
.LBB2_1:
0x1c: {  	s5 =	rddreg [dreg:$0x4]  }
0x1d: {  	[spmem:s19], [sflag:s6] =	dma.local [hbm:s5], $0x2700  }
0x1e: {  	_ =	swait.ge [sflag:s20], $0x2700  }
0x1f: {  	s14 =	simm.s32 @!p1 $0x2C00;
	[sflag:s20] =	ssyncset.done $0x0  }
0x20: {  	s5 =	simm.s32 @!p1 $0x0;
	s9 =	rddreg [dreg:$0x5];
	[sflag:s20] =	ssyncadd.s32 $0xFFFFD900  }
0x21: {  	[tilespmem:s14], [sflag:$0x2] =	stream.linear.gather @!p1 [hbm4b:s9+s5], $0x1388, $0x38;
	[tilespmem:$0x18248] =	vst v63  }
0x22: {  	s5 =	simm.s32 @!p1 $0x2  }
0x23: {  	_ =	swait.ge @!p1 [sflag:s5], $0x1388  }
0x24: {  	[sflag:s5] =	ssyncset.done @!p1 $0x0  }
0x25: {  	[sflag:s5] =	ssyncadd.s32 @!p1 $0xFFFFEC78  }
0x26: {  	[spmem:s8] =	stream.linear.scatter @!p1 [tilespmem:s14], [sflag:$0x2], $0x1388, $0x38;
	[tilespmem:$0x18248] =	vst v63  }
0x27: {  	_ =	swait.ge @!p1 [sflag:s5], $0x1388  }
0x28: {  	[sflag:s5] =	ssyncset.done @!p1 $0x0  }
0x29: {  	[sflag:s5] =	ssyncadd.s32 @!p1 $0xFFFFEC78;
	s5 =	rddreg [dreg:$0x6]  }
0x2a: {  	[spmem:s21], [sflag:s6] =	dma.local @!p0 [hbm:s5], $0x100  }
0x2b: {  	s5 =	simm.s32 @!p0 $0x2  }
0x2c: {  	_ =	swait.ge @!p0 [sflag:s5], $0x100  }
0x2d: {  	[sflag:s5] =	ssyncset.done @!p0 $0x0  }
0x2e: {  	[sflag:s5] =	ssyncadd.s32 @!p0 $0xFFFFFF00  }
0x2f: {  	[tilespmem:$0x2B80] =	vst v0  }
0x30: {  	[tilespmem:$0x2B90] =	vst v0  }
0x31: {  	[tilespmem:$0x2BA0] =	vst v0  }
0x32: {  	[tilespmem:$0x2BB0] =	vst v0  }
0x33: {  	[tilespmem:$0x2BC0] =	vst v0  }
0x34: {  	s14 =	sadd.s32 $0x0, s15;
	[bflag:$0x0] =	sbarrier.arrive $0xFFFF  }
0x35: {  	[tilespmem:s4], [sflag:$0x1] =	stream.linear.gather [hbm4b:s14+s4], $0x50, $0x38;
	[tilespmem:$0x18248] =	vst v63  }
0x36: {  	_ =	swait.ge [sflag:s22], $0x50  }
0x37: {  	[sflag:s22] =	ssyncset.done $0x0  }
0x38: {  	[sflag:s22] =	ssyncadd.s32 $0xFFFFFFB0  }
0x39: {  	[tilespmem:s23], [sflag:$0x1] =	stream.linear.gather [hbm4b:s7+s4], $0x2800, $0x38;
	[tilespmem:$0x18248] =	vst v63  }
0x3a: {  	s9 =	sadd.s32 $0x0, s16  }
0x3b: {  	[tilespmem:s24], [sflag:$0x1] =	stream.linear.gather [hbm4b:s9+s4], $0x50, $0x38;
	[tilespmem:$0x18248] =	vst v63  }
0x3c: {  	s10 =	sadd.s32 $0x0, s17  }
0x3d: {  	[tilespmem:s25], [sflag:$0x1] =	stream.linear.gather [hbm4b:s10+s4], $0x50, $0x38;
	[tilespmem:$0x18248] =	vst v63  }
0x3e: {  	s14 =	sadd.s32 $0x0, s18  }
0x3f: {  	[tilespmem:s26], [sflag:$0x1] =	stream.linear.gather [hbm4b:s14+s4], $0x50, $0x38;
	[tilespmem:$0x18248] =	vst v63  }
0x40: {  	v1 =	vld [tilespmem:$0x40];
	_ =	sdelay $0x2  }
0x41: {  	v2 =	vld [tilespmem:$0x30]  }
0x42: {  	v3 =	vld [tilespmem:$0x10]  }
0x43: {  	v5 =	vld [tilespmem:$0x0];
	v4 =	vadd.s32 $0x2710, v1  }
0x44: {  	v6 =	vadd.s32 $0x7530, v1;
	[tilespmem:$0xC0] =	vst v4  }
0x45: {  	v1 =	vadd.s32 $0x4E20, v1;
	[tilespmem:$0x1C0] =	vst v6  }
0x46: {  	v60 =	vadd.s32 $0x7530, v2;
	[tilespmem:$0x140] =	vst v1  }
0x47: {  	v61 =	vadd.s32 $0x7530, v3;
	[tilespmem:$0x1B0] =	vst v60  }
0x48: {  	v62 =	vadd.s32 $0x7530, v5;
	[tilespmem:$0x190] =	vst v61  }
0x49: {  	v1 =	vadd.s32 $0x2710, v2;
	[tilespmem:$0x180] =	vst v62  }
0x4a: {  	v63 =	vadd.s32 $0x4E20, v3;
	[tilespmem:$0xB0] =	vst v1;
	v1 =	vld [tilespmem:$0x20]  }
0x4b: {  	v3 =	vadd.s32 $0x2710, v3;
	[tilespmem:$0x110] =	vst v63  }
0x4c: {  	v2 =	vadd.s32 $0x4E20, v2;
	[tilespmem:$0x90] =	vst v3  }
0x4d: {  	v3 =	vadd.s32 $0x2710, v5;
	[tilespmem:$0x130] =	vst v2  }
0x4e: {  	v2 =	vadd.s32 $0x4E20, v5;
	[tilespmem:$0x80] =	vst v3  }
0x4f: {  	[tilespmem:$0x100] =	vst v2;
	v2 =	vadd.s32 $0x7530, v1  }
0x50: {  	[tilespmem:$0x1A0] =	vst v2;
	v2 =	vadd.s32 $0x4E20, v1  }
0x51: {  	v1 =	vadd.s32 $0x2710, v1;
	[tilespmem:$0x120] =	vst v2  }
0x52: {  	[tilespmem:$0xA0] =	vst v1  }
0x53: {  	_ =	swait.ge [sflag:s22], $0x2800  }
0x54: {  	[sflag:s22] =	ssyncset.done $0x0  }
0x55: {  	[sflag:s22] =	ssyncadd.s32 $0xFFFFD800  }
0x56: {  	_ =	swait.ge [sflag:s22], $0x50  }
0x57: {  	[sflag:s22] =	ssyncset.done $0x0  }
0x58: {  	[sflag:s22] =	ssyncadd.s32 $0xFFFFFFB0  }
0x59: {  	_ =	swait.ge [sflag:s22], $0x50  }
0x5a: {  	[sflag:s22] =	ssyncset.done $0x0  }
0x5b: {  	[sflag:s22] =	ssyncadd.s32 $0xFFFFFFB0  }
0x5c: {  	_ =	swait.ge [sflag:s22], $0x50  }
0x5d: {  	[sflag:s22] =	ssyncset.done $0x0  }
0x5e: {  	p4 =	por @p0 $0x0, $0x0;
	p3 =	por @!p1 $0x1, $0x1;
	[sflag:s22] =	ssyncadd.s32 $0xFFFFFFB0  }
0x5f: {  	[spmem:s2] =	stream.indirect.scatter.add.f32 [tilespmem:s23], [sflag:$0x2], $0x80, s4, s28, $0xb8;
	[tilespmem:$0x18248] =	vst v63  }
0x60: {  	p3 =	por @!p2 p4, p4;
	p4 =	por @!p0 $0x0, $0x0;
	_ =	swait.ge [sflag:s20], $0x2800  }
0x61: {  	p3 =	por @!p0 p4, p4;
	[sflag:s20] =	ssyncset.done $0x0  }
0x62: {  	s5 =	simm.s32 $0x140;
	s14 =	smov.u32 s7;
	[sflag:s20] =	ssyncadd.s32 $0xFFFFD800  }
0x63: {  	[spmem:s3] =	stream.indirect.scatter.add.f32 [tilespmem:s24], [sflag:$0x2], $0x1, s4, s28, $0xb8;
	[tilespmem:$0x18248] =	vst v63  }
.LBB2_2:
0x64: {  	p4 =	sne.s32 s5, $0x9B00;
	_ =	swait.ge [sflag:s20], $0x50;
	s14 =	sadd.s32 $0xA000, s14  }
0x65: {  	s9 =	smov.u32 s5;
	s5 =	sadd.s32 $0x140, s5;
	[sflag:s20] =	ssyncset.done $0x0  }
0x66: {  	[sflag:s20] =	ssyncadd.s32 $0xFFFFFFB0  }
0x67: {  	[spmem:s3] =	stream.indirect.scatter.add.f32 [tilespmem:s25], [sflag:$0x2], $0x1, s29, s28, $0xb8;
	[tilespmem:$0x18248] =	vst v63  }
0x68: {  	_ =	swait.ge [sflag:s20], $0x50  }
0x69: {  	[sflag:s20] =	ssyncset.done $0x0  }
0x6a: {  	[sflag:s20] =	ssyncadd.s32 $0xFFFFFFB0  }
0x6b: {  	[spmem:s3] =	stream.indirect.scatter.add.f32 [tilespmem:s26], [sflag:$0x2], $0x1, s30, s28, $0xb8;
	[tilespmem:$0x18248] =	vst v63  }
0x6c: {  	_ =	swait.ge [sflag:s20], $0x50  }
0x6d: {  	[sflag:s20] =	ssyncset.done $0x0  }
0x6e: {  	[sflag:s20] =	ssyncadd.s32 $0xFFFFFFB0  }
0x6f: {  	[spmem:s3] =	stream.indirect.scatter.add.f32 [tilespmem:s1], [sflag:$0x2], $0x1, s31, s28, $0xb8;
	[tilespmem:$0x18248] =	vst v63  }
0x70: {  	_ =	swait.ge [sflag:s20], $0x50  }
0x71: {  	[sflag:s20] =	ssyncset.done $0x0  }
0x72: {  	s10 =	sadd.s32 s9, s15;
	[sflag:s20] =	ssyncadd.s32 $0xFFFFFFB0  }
0x73: {  	[tilespmem:s4], [sflag:$0x1] =	stream.linear.gather [hbm4b:s10+s4], $0x50, $0x38;
	[tilespmem:$0x18248] =	vst v63  }
0x74: {  	_ =	swait.ge [sflag:s22], $0x50  }
0x75: {  	[sflag:s22] =	ssyncset.done $0x0  }
0x76: {  	[sflag:s22] =	ssyncadd.s32 $0xFFFFFFB0  }
0x77: {  	[tilespmem:s23], [sflag:$0x1] =	stream.linear.gather [hbm4b:s14+s4], $0x2800, $0x38;
	[tilespmem:$0x18248] =	vst v63  }
0x78: {  	s10 =	sadd.s32 s9, s16  }
0x79: {  	[tilespmem:s24], [sflag:$0x1] =	stream.linear.gather [hbm4b:s10+s4], $0x50, $0x38;
	[tilespmem:$0x18248] =	vst v63  }
0x7a: {  	s10 =	sadd.s32 s9, s17  }
0x7b: {  	[tilespmem:s25], [sflag:$0x1] =	stream.linear.gather [hbm4b:s10+s4], $0x50, $0x38;
	[tilespmem:$0x18248] =	vst v63  }
0x7c: {  	s9 =	sadd.s32 s9, s18  }
0x7d: {  	[tilespmem:s26], [sflag:$0x1] =	stream.linear.gather [hbm4b:s9+s4], $0x50, $0x38;
	[tilespmem:$0x18248] =	vst v63  }
0x7e: {  	v1 =	vld [tilespmem:$0x40]  }
0x7f: {  	v2 =	vld [tilespmem:$0x30]  }
0x80: {  	v3 =	vld [tilespmem:$0x0]  }
0x81: {  	v4 =	vld [tilespmem:$0x10]  }
0x82: {  	v5 =	vld [tilespmem:$0x20]  }
0x83: {  	v6 =	vadd.s32 $0x2710, v1;
	v7 =	vadd.s32 $0x4E20, v1;
	v1 =	vadd.s32 $0x7530, v1  }
0x84: {  	v8 =	vadd.s32 $0x2710, v2;
	v9 =	vadd.s32 $0x4E20, v2;
	v2 =	vadd.s32 $0x7530, v2;
	[tilespmem:$0xC0] =	vst v6  }
0x85: {  	v6 =	vadd.s32 $0x2710, v3;
	v10 =	vadd.s32 $0x4E20, v3;
	v3 =	vadd.s32 $0x7530, v3;
	[tilespmem:$0x1C0] =	vst v1  }
0x86: {  	v1 =	vadd.s32 $0x2710, v4;
	v11 =	vadd.s32 $0x4E20, v4;
	v4 =	vadd.s32 $0x7530, v4;
	[tilespmem:$0x140] =	vst v7  }
0x87: {  	v7 =	vadd.s32 $0x2710, v5;
	v12 =	vadd.s32 $0x4E20, v5;
	v5 =	vadd.s32 $0x7530, v5;
	[tilespmem:$0x1B0] =	vst v2  }
0x88: {  	[tilespmem:$0xB0] =	vst v8  }
0x89: {  	[tilespmem:$0x190] =	vst v4  }
0x8a: {  	[tilespmem:$0x180] =	vst v3  }
0x8b: {  	[tilespmem:$0x130] =	vst v9  }
0x8c: {  	[tilespmem:$0x110] =	vst v11  }
0x8d: {  	[tilespmem:$0x100] =	vst v10  }
0x8e: {  	[tilespmem:$0x90] =	vst v1  }
0x8f: {  	[tilespmem:$0x1A0] =	vst v5  }
0x90: {  	[tilespmem:$0x80] =	vst v6  }
0x91: {  	[tilespmem:$0x120] =	vst v12  }
0x92: {  	[tilespmem:$0xA0] =	vst v7  }
0x93: {  	_ =	swait.ge [sflag:s22], $0x2800  }
0x94: {  	[sflag:s22] =	ssyncset.done $0x0  }
0x95: {  	[sflag:s22] =	ssyncadd.s32 $0xFFFFD800  }
0x96: {  	_ =	swait.ge [sflag:s22], $0x50  }
0x97: {  	[sflag:s22] =	ssyncset.done $0x0  }
0x98: {  	[sflag:s22] =	ssyncadd.s32 $0xFFFFFFB0  }
0x99: {  	_ =	swait.ge [sflag:s22], $0x50  }
0x9a: {  	[sflag:s22] =	ssyncset.done $0x0  }
0x9b: {  	[sflag:s22] =	ssyncadd.s32 $0xFFFFFFB0  }
0x9c: {  	_ =	swait.ge [sflag:s22], $0x50  }
0x9d: {  	[sflag:s22] =	ssyncset.done $0x0  }
0x9e: {  	[sflag:s22] =	ssyncadd.s32 $0xFFFFFFB0  }
0x9f: {  	[spmem:s2] =	stream.indirect.scatter.add.f32 [tilespmem:s23], [sflag:$0x2], $0x80, s4, s28, $0xb8;
	[tilespmem:$0x18248] =	vst v63  }
.Ltmp0:
0xa0: {  	_ = 	snop;
	(pc) =	sbr.rel @p4 .LBB2_2-.Ltmp0, $4  }
0xa1: {  	_ =	swait.ge [sflag:s20], $0x2800  }
0xa2: {  	[sflag:s20] =	ssyncset.done $0x0  }
0xa3: {  	[sflag:s20] =	ssyncadd.s32 $0xFFFFD800  }
0xa4: {  	[spmem:s3] =	stream.indirect.scatter.add.f32 [tilespmem:s24], [sflag:$0x2], $0x1, s4, s28, $0xb8;
	[tilespmem:$0x18248] =	vst v63  }
0xa5: {  	_ =	swait.ge [sflag:s20], $0x50  }
0xa6: {  	[sflag:s20] =	ssyncset.done $0x0  }
0xa7: {  	[sflag:s20] =	ssyncadd.s32 $0xFFFFFFB0  }
0xa8: {  	[spmem:s3] =	stream.indirect.scatter.add.f32 [tilespmem:s25], [sflag:$0x2], $0x1, s29, s28, $0xb8;
	[tilespmem:$0x18248] =	vst v63  }
0xa9: {  	_ =	swait.ge [sflag:s20], $0x50  }
0xaa: {  	[sflag:s20] =	ssyncset.done $0x0  }
0xab: {  	[sflag:s20] =	ssyncadd.s32 $0xFFFFFFB0  }
0xac: {  	[spmem:s3] =	stream.indirect.scatter.add.f32 [tilespmem:s26], [sflag:$0x2], $0x1, s30, s28, $0xb8;
	[tilespmem:$0x18248] =	vst v63  }
0xad: {  	_ =	swait.ge [sflag:s20], $0x50  }
0xae: {  	[sflag:s20] =	ssyncset.done $0x0  }
0xaf: {  	[sflag:s20] =	ssyncadd.s32 $0xFFFFFFB0  }
0xb0: {  	[spmem:s3] =	stream.indirect.scatter.add.f32 [tilespmem:s1], [sflag:$0x2], $0x1, s31, s28, $0xb8;
	[tilespmem:$0x18248] =	vst v63  }
0xb1: {  	_ =	swait.ge [sflag:s20], $0x50  }
0xb2: {  	[sflag:s20] =	ssyncset.done $0x0  }
0xb3: {  	[sflag:s20] =	ssyncadd.s32 $0xFFFFFFB0  }
0xb4: {  	[bflag:$0x0] =	sbarrier.arrive $0xFFFF  }
0xb5: {  	s5 =	rddreg [dreg:$0x7]  }
0xb6: {  	[hbm:s5], [sflag:s6] =	dma.local [spmem:s19], $0x2700  }
0xb7: {  	_ =	swait.ge [sflag:s20], $0x2700  }
0xb8: {  	[sflag:s20] =	ssyncset.done $0x0  }
0xb9: {  	s5 =	simm.s32 @!p0 $0x2;
	[sflag:s20] =	ssyncadd.s32 $0xFFFFD900  }
0xba: {  	[hbm:s11], [sflag:s6] =	dma.local @!p0 [spmem:s21], $0x100  }
0xbb: {  	_ =	swait.ge @!p0 [sflag:s5], $0x100  }
0xbc: {  	[sflag:s5] =	ssyncset.done @!p0 $0x0  }
0xbd: {  	s9 =	simm.s32 @p3 $0x2;
	[sflag:s5] =	ssyncadd.s32 @!p0 $0xFFFFFF00;
	s5 =	simm.s32 @p3 $0x2C00  }
0xbe: {  	[tilespmem:s5], [sflag:$0x2] =	stream.linear.gather @p3 [spmem:s8], $0x1388, $0x38;
	[tilespmem:$0x18248] =	vst v63  }
0xbf: {  	s0 =	sadd.s32 $0x1, s0;
	_ =	swait.ge @p3 [sflag:s9], $0x1388  }
0xc0: {  	p4 =	sne.s32 s0, s13;
	[sflag:s9] =	ssyncset.done @p3 $0x0  }
.Ltmp1:
0xc1: {  	s10 =	simm.s32 @p3 $0x0;
	[sflag:s9] =	ssyncadd.s32 @p3 $0xFFFFEC78;
	(pc) =	sbr.rel @p4 .LBB2_1-.Ltmp1, $4  }
0xc2: {  	[hbm4b:s12+s10] =	stream.linear.scatter @p3 [tilespmem:s5], [sflag:$0x2], $0x1388, $0x38;
	[tilespmem:$0x18248] =	vst v63  }
0xc3: {  	_ =	swait.ge @p3 [sflag:s9], $0x1388  }
0xc4: {  	[sflag:s9] =	ssyncset.done @p3 $0x0  }
0xc5: {  	[sflag:s9] =	ssyncadd.s32 @p3 $0xFFFFEC78  }
0xc6: {  	_ =	sfence.sel $0x180000  }
0xc7: {  	[bflag:$0x0] =	sbarrier.arrive $0xFFFF  }
0xc8: {  	_ =	strace $0x90000056  }
0xc9: {  	s0 =	stileid.u32;
	[bflag:$0x2] =	sbarrier.arrive $0xFFFF  }
0xca: {  	p0 =	sne.s32 s0, $0x0;
	s0 =	rddreg [dreg:$0x3]  }
0xcb: {  	s0 =	sadd.s32 @!p0 $0x100000, s0  }
0xcc: {  	[sflag:s0] =	ssyncadd.tile.s32 @!p0 $0x1;
	_ =	shalt  }
.Lfunc_end2:
_tile_overlayer_lowered:
.L_overlay_start_2:
0xcd: {  	(tag) =	ssettag $0x2  }
0xce: {  	s0 =	rddreg [dreg:$0x0];
	s2 =	stileid.u32  }
0xcf: {  	s1 =	rddreg [dreg:$0x1];
	p0 =	sne.s32 s2, $0x0  }
0xd0: {  	s3 =	rddreg [dreg:$0x2];
	[bflag:$0x3] =	sbarrier.arrive $0xFFFF;
	s2 =	simm.s32 @!p0 $0x1C02  }
0xd1: {  	[timem:s3], [sflag:s2] =	dma.local @!p0 [hbm:s0], s1  }
0xd2: {  	s0 =	simm.s32 @!p0 $0x2  }
0xd3: {  	_ =	swait.ge @!p0 [sflag:s0], s1  }
0xd4: {  	s1 =	ssub.s32 @!p0 $0x0, s1;
	[sflag:s0] =	ssyncset.done @!p0 $0x0  }
0xd5: {  	[sflag:s0] =	ssyncadd.s32 @!p0 s1  }
0xd6: {  	[bflag:$0x3] =	sbarrier.arrive $0xFFFF  }
0xd7: {  	_ =	shalt  }

</sc_bundles>
